<compile_context>
chip_gen: v7x
topology: tpu7x:2x2x1
jax: 0.10.2.dev20260603
libtpu: 0.0.44.dev20260713+nightly
codegen_flags: <defaults>
</compile_context>

<pallas_src>
import functools

import jax
import jax.numpy as jnp
from jax import lax
from jax.experimental import pallas as pl
from jax.experimental.pallas import tpu as pltpu
from jax.experimental.pallas import tpu_sc as plsc

N = 10000
E = 320000
B = 200
NB = 50
DM = 128
NS_SEM = 16

NC = 2
NSC = 16
NW = NC * NSC
EPW = E // NW
CK = 80
NCHUNK = EPW // CK
STR = 624
TAIL = N - NSC * STR
NP = 10240
DSTR = NP // NSC

BLK = 1000
GRID = N // BLK
GB = BLK // NB



H = 2
NBUF = 2 * H
NG = NCHUNK // H
NPAIR = NG // 2
NTAIL = NCHUNK - NG * H


def _sc_body(with_deg, *refs):
    it = iter(refs)
    z_hbm, src_hbm, dst_hbm, znd_hbm = next(it), next(it), next(it), next(it)
    if with_deg:
        zn_hbm, ones_hbm = next(it), next(it)
    part_hbm = next(it)
    if with_deg:
        degp_hbm = next(it)
    sidx = [next(it) for _ in range(NBUF)]
    didx = [next(it) for _ in range(NBUF)]
    rows = [next(it) for _ in range(NBUF)]
    if with_deg:
        onesv = next(it)
    acc = next(it)
    if with_deg:
        dacc = next(it)
    isem = next(it)
    gsem = next(it)
    ssem = next(it)
    if with_deg:
        dsem = next(it)

    c = lax.axis_index("c")
    s = lax.axis_index("s")
    w = s * NC + c
    pltpu.sync_copy(znd_hbm.at[pl.ds(s * STR, STR)], acc.at[pl.ds(s * STR, STR)])

    @pl.when(s == NSC - 1)
    def _():
        pltpu.sync_copy(znd_hbm.at[pl.ds(NSC * STR, TAIL)],
                        acc.at[pl.ds(NSC * STR, TAIL)])
    if with_deg:
        pltpu.sync_copy(zn_hbm.at[pl.ds(s * DSTR, DSTR)], dacc.at[pl.ds(s * DSTR, DSTR)])
        pltpu.sync_copy(ones_hbm, onesv)
    plsc.subcore_barrier()

    def idx_start(g, base_buf):
        for k in range(H):
            base = w * EPW + (g * H + k) * CK
            pltpu.async_copy(src_hbm.at[pl.ds(base, CK)],
                             sidx[base_buf + k], isem)
            pltpu.async_copy(dst_hbm.at[pl.ds(base, CK)],
                             didx[base_buf + k], isem)

    def idx_wait(base_buf):
        for k in range(H):
            pltpu.make_async_copy(src_hbm.at[pl.ds(0, CK)],
                                  sidx[base_buf + k], isem).wait()
            pltpu.make_async_copy(dst_hbm.at[pl.ds(0, CK)],
                                  didx[base_buf + k], isem).wait()

    def gathers_start(base_buf):
        for k in range(H):
            pltpu.async_copy(z_hbm.at[sidx[base_buf + k]],
                             rows[base_buf + k], gsem)

    def gathers_drain(base_buf):
        for k in range(H):
            pltpu.make_async_copy(z_hbm.at[sidx[base_buf + k]],
                                  rows[base_buf + k], gsem).wait()

    def scatters_start(base_buf):
        for k in range(H):
            pltpu.async_copy(rows[base_buf + k],
                             acc.at[didx[base_buf + k]], ssem, add=True)
            if with_deg:
                pltpu.async_copy(onesv, dacc.at[didx[base_buf + k]],
                                 dsem, add=True)

    def scatters_drain(base_buf):
        for k in range(H):
            pltpu.make_async_copy(rows[base_buf + k],
                                  acc.at[didx[base_buf + k]], ssem).wait()
            if with_deg:
                pltpu.make_async_copy(onesv, dacc.at[didx[base_buf + k]],
                                      dsem).wait()

    idx_start(0, 0)
    idx_wait(0)
    gathers_start(0)

    def pair(jp, carry):
        gA = 2 * jp
        idx_start(gA + 1, H)
        gathers_drain(0)
        scatters_start(0)
        idx_wait(H)
        gathers_start(H)
        scatters_drain(0)

        @pl.when(jp < NPAIR - 1)
        def _():
            idx_start(gA + 2, 0)
        gathers_drain(H)
        scatters_start(H)

        @pl.when(jp < NPAIR - 1)
        def _():
            idx_wait(0)
            gathers_start(0)
        scatters_drain(H)
        return carry

    lax.fori_loop(0, NPAIR, pair, 0)
    for t in range(NTAIL):
        base = w * EPW + (NG * H + t) * CK
        pltpu.sync_copy(src_hbm.at[pl.ds(base, CK)], sidx[0])
        pltpu.sync_copy(dst_hbm.at[pl.ds(base, CK)], didx[0])
        pltpu.async_copy(z_hbm.at[sidx[0]], rows[0], gsem).wait()
        pltpu.sync_copy(rows[0], acc.at[didx[0]], add=True)
        if with_deg:
            pltpu.sync_copy(onesv, dacc.at[didx[0]], add=True)
    plsc.subcore_barrier()
    pltpu.sync_copy(acc.at[pl.ds(s * STR, STR)], part_hbm.at[c, pl.ds(s * STR, STR)])

    @pl.when(s == NSC - 1)
    def _():
        pltpu.sync_copy(acc.at[pl.ds(NSC * STR, TAIL)],
                        part_hbm.at[c, pl.ds(NSC * STR, TAIL)])
    if with_deg:
        pltpu.sync_copy(dacc.at[pl.ds(s * DSTR, DSTR)], degp_hbm.at[c, pl.ds(s * DSTR, DSTR)])


def _sc_mesh():
    return plsc.VectorSubcoreMesh(core_axis_name="c", subcore_axis_name="s")


def _sc_pass_deg(z, src, dst, znd, zn, ones_k):
    scratch = (
        [pltpu.VMEM((CK,), jnp.int32)] * (2 * NBUF)
        + [pltpu.VMEM((CK, DM), jnp.float32)] * NBUF
        + [pltpu.VMEM((CK,), jnp.float32),
           pltpu.VMEM_SHARED((N, DM), jnp.float32),
           pltpu.VMEM_SHARED((NP,), jnp.float32)]
        + [pltpu.SemaphoreType.DMA] * 4
    )
    f = pl.kernel(
        functools.partial(_sc_body, True),
        out_type=(jax.ShapeDtypeStruct((NC, N, DM), jnp.float32),
                  jax.ShapeDtypeStruct((NC, NP), jnp.float32)),
        mesh=_sc_mesh(),
        scratch_types=scratch,
    )
    return f(z, src, dst, znd, zn, ones_k)


def _sc_pass(z, src, dst, znd):
    scratch = (
        [pltpu.VMEM((CK,), jnp.int32)] * (2 * NBUF)
        + [pltpu.VMEM((CK, DM), jnp.float32)] * NBUF
        + [pltpu.VMEM_SHARED((N, DM), jnp.float32)]
        + [pltpu.SemaphoreType.DMA] * 3
    )
    f = pl.kernel(
        functools.partial(_sc_body, False),
        out_type=jax.ShapeDtypeStruct((NC, N, DM), jnp.float32),
        mesh=_sc_mesh(),
        scratch_types=scratch,
    )
    return f(z, src, dst, znd)



def _pool(h):
    return jnp.max(h.reshape(GB, NB, DM), axis=1)[None]


def _k0_body(geo_ref, sem_ref, a_ref, ts_ref, p_ref, c_ref, wb_ref,
             h_ref, z_ref, g_ref):
    onehot = (sem_ref[...] == lax.broadcasted_iota(
        jnp.int32, (BLK, NS_SEM), 1)).astype(jnp.float32)
    h = (geo_ref[...] @ a_ref[...] + onehot @ ts_ref[...]
         + p_ref[...] + c_ref[...])
    h = jnp.maximum(h, 0.0)
    h_ref[...] = h
    z_ref[...] = h @ wb_ref[...]
    g_ref[...] = _pool(h)


def _gspec():
    return pl.BlockSpec((1, GB, DM), lambda i: (i, 0, 0))


def _gshape():
    return jax.ShapeDtypeStruct((GRID, GB, DM), jnp.float32)


def _tc_input_layer(geo_p, sem2, a_p, ts_p, p_tile, cvec, wb1):
    full = lambda shp: pl.BlockSpec(shp, lambda i: (0, 0))
    return pl.pallas_call(
        _k0_body,
        grid=(GRID,),
        in_specs=[
            pl.BlockSpec((BLK, 8), lambda i: (i, 0)),
            pl.BlockSpec((BLK, 1), lambda i: (i, 0)),
            full((8, DM)),
            full((NS_SEM, DM)),
            full((BLK, DM)),
            full((1, DM)),
            full((DM, DM)),
        ],
        out_specs=[
            pl.BlockSpec((BLK, DM), lambda i: (i, 0)),
            pl.BlockSpec((BLK, DM), lambda i: (i, 0)),
            _gspec(),
        ],
        out_shape=[
            jax.ShapeDtypeStruct((N, DM), jnp.float32),
            jax.ShapeDtypeStruct((N, DM), jnp.float32),
            _gshape(),
        ],
    )(geo_p, sem2, a_p, ts_p, p_tile, cvec, wb1)


def _combine(h_ref, p0_ref, p1_ref, d0_ref, d1_ref, wt_ref, b_ref):
    dsum = d0_ref[...] + d1_ref[...]
    ssum = p0_ref[...] + p1_ref[...]
    inv = 1.0 / jnp.maximum(dsum, 1.0)
    pre = h_ref[...] @ wt_ref[...] + ssum * inv + b_ref[...]
    return jnp.maximum(jnp.where(dsum > 0.0, pre, 0.0), 0.0)


def _klayer_body(h_ref, p0_ref, p1_ref, d0_ref, d1_ref,
                 wt_ref, b_ref, wb_ref, hout_ref, zout_ref, g_ref):
    hnew = _combine(h_ref, p0_ref, p1_ref, d0_ref, d1_ref, wt_ref, b_ref)
    hout_ref[...] = hnew
    zout_ref[...] = hnew @ wb_ref[...]
    g_ref[...] = _pool(hnew)


def _tc_layer(h, p0, p1, d0, d1, wt, b, wb):
    full2 = lambda shp: pl.BlockSpec(shp, lambda i: (0, 0))
    nblk = lambda: pl.BlockSpec((BLK, DM), lambda i: (i, 0))
    return pl.pallas_call(
        _klayer_body,
        grid=(GRID,),
        in_specs=[
            nblk(), nblk(), nblk(),
            pl.BlockSpec((BLK, 1), lambda i: (i, 0)),
            pl.BlockSpec((BLK, 1), lambda i: (i, 0)),
            full2((DM, DM)),
            full2((1, DM)),
            full2((DM, DM)),
        ],
        out_specs=[nblk(), nblk(), _gspec()],
        out_shape=[
            jax.ShapeDtypeStruct((N, DM), jnp.float32),
            jax.ShapeDtypeStruct((N, DM), jnp.float32),
            _gshape(),
        ],
    )(h, p0, p1, d0, d1, wt, b, wb)


def _k3_body(h_ref, p0_ref, p1_ref, d0_ref, d1_ref, wt_ref, b_ref,
             g0_ref, g1_ref, g2_ref, w0_ref, w1_ref, w2_ref, w3_ref,
             bagg_ref, wmu_ref, bmu_ref, wvar_ref, bvar_ref,
             mu_ref, lv_ref):
    h3 = _combine(h_ref, p0_ref, p1_ref, d0_ref, d1_ref, wt_ref, b_ref)
    g3 = _pool(h3)[0]
    latent = (g0_ref[0] @ w0_ref[...] + g1_ref[0] @ w1_ref[...]
              + g2_ref[0] @ w2_ref[...] + g3 @ w3_ref[...] + bagg_ref[...])
    mu_ref[...] = (latent @ wmu_ref[...] + bmu_ref[...])[None]
    lv_ref[...] = (latent @ wvar_ref[...] + bvar_ref[...])[None]


def _tc_final_layer(h, p0, p1, d0, d1, wt, b, g0, g1, g2,
                    w0, w1, w2, w3, bagg2, Wmu, bmu2, Wvar, bvar2):
    full2 = lambda shp: pl.BlockSpec(shp, lambda i: (0, 0))
    nblk = lambda: pl.BlockSpec((BLK, DM), lambda i: (i, 0))
    mu, lv = pl.pallas_call(
        _k3_body,
        grid=(GRID,),
        in_specs=[
            nblk(), nblk(), nblk(),
            pl.BlockSpec((BLK, 1), lambda i: (i, 0)),
            pl.BlockSpec((BLK, 1), lambda i: (i, 0)),
            full2((DM, DM)),
            full2((1, DM)),
            _gspec(), _gspec(), _gspec(),
            full2((DM, DM)), full2((DM, DM)), full2((DM, DM)), full2((DM, DM)),
            full2((1, DM)),
            full2((DM, DM)), full2((1, DM)),
            full2((DM, DM)), full2((1, DM)),
        ],
        out_specs=[_gspec(), _gspec()],
        out_shape=[_gshape(), _gshape()],
    )(h, p0, p1, d0, d1, wt, b, g0, g1, g2,
      w0, w1, w2, w3, bagg2, Wmu, bmu2, Wvar, bvar2)
    return mu.reshape(B, DM), lv.reshape(B, DM)



def kernel(geometry, semantic, edge_index, batch, ptr, Wg, bg, emb, Wlot,
           blot, W1, b1, W2, b2, W3, b3, Wagg, bagg, Wmu, bmu, Wvar, bvar):
    f32 = jnp.float32
    a_p = jnp.pad(Wg @ Wlot[:DM], ((0, 3), (0, 0)))
    ts_p = jnp.pad(emb @ Wlot[DM:2 * DM], ((0, 5), (0, 0)))
    p_tile = jnp.tile(Wlot[2 * DM:], (GB, 1))
    cvec = (bg @ Wlot[:DM] + blot)[None, :]
    geo_p = jnp.pad(geometry, ((0, 0), (0, 3)))
    sem2 = semantic.reshape(N, 1)
    src = edge_index[0]
    dst = edge_index[1]
    znd = jnp.zeros((N, DM), f32)
    zn = jnp.zeros((NP,), f32)
    ones_k = jnp.ones((CK,), f32)

    h0, z1, g0 = _tc_input_layer(geo_p, sem2, a_p, ts_p, p_tile, cvec, W1[DM:])

    part1, degp = _sc_pass_deg(z1, src, dst, znd, zn, ones_k)
    d0 = degp[0, :N].reshape(N, 1)
    d1 = degp[1, :N].reshape(N, 1)

    h1, z2, g1 = _tc_layer(h0, part1[0], part1[1], d0, d1,
                           W1[:DM], b1[None, :], W2[DM:])
    part2 = _sc_pass(z2, src, dst, znd)
    h2, z3, g2 = _tc_layer(h1, part2[0], part2[1], d0, d1,
                           W2[:DM], b2[None, :], W3[DM:])
    part3 = _sc_pass(z3, src, dst, znd)
    mu, lv = _tc_final_layer(h2, part3[0], part3[1], d0, d1,
                             W3[:DM], b3[None, :], g0, g1, g2,
                             Wagg[:DM], Wagg[DM:2 * DM], Wagg[2 * DM:3 * DM],
                             Wagg[3 * DM:], bagg[None, :], Wmu, bmu[None, :],
                             Wvar, bvar[None, :])
    return (mu, lv)

# --- scband reference (transcript-rebuilt; emitter-appended) ---
"""Pipeline reference for scband-encoder-16028817948752 (READ-ONLY COPY).

The authoritative reference and input builder live on the scoring server;
editing this copy changes nothing except your own understanding.
"""

import jax, jax.numpy as jnp
import numpy as np

N = 10000
E = 320000
B = 200
NB = 50
DM = 128
NS = 11


def _lin_params(k, fin, fout):
    kw, kb = jax.random.split(k)
    lim = 1.0 / np.sqrt(fin)
    W = jax.random.uniform(kw, (fin, fout), minval=-lim, maxval=lim, dtype=jnp.float32)
    b = jax.random.uniform(kb, (fout,), minval=-lim, maxval=lim, dtype=jnp.float32)
    return W, b


def setup_inputs(seed: int = 0) -> dict:
    key = jax.random.key(seed)
    ks = jax.random.split(key, 16)
    inp = {}
    inp['geometry'] = jax.random.normal(ks[0], (N, 5), dtype=jnp.float32)
    inp['semantic'] = jax.random.randint(ks[1], (N,), 0, NS, dtype=jnp.int32)
    inp['edge_index'] = jax.random.randint(ks[2], (2, E), 0, N, dtype=jnp.int32)
    # PyG batched graphs: node i belongs to graph i // NB (exactly NB nodes per graph,
    # required by the eye(n_building).repeat(batch_size, 1) positional encoding)
    inp['batch'] = jnp.arange(N, dtype=jnp.int32) // NB
    inp['ptr'] = jnp.arange(B + 1, dtype=jnp.int32) * NB
    # learned parameters
    inp['Wg'], inp['bg'] = _lin_params(ks[3], 5, DM)
    inp['emb'] = jax.random.normal(ks[4], (NS, DM), dtype=jnp.float32)
    inp['Wlot'], inp['blot'] = _lin_params(ks[5], DM + DM + NB, DM)
    inp['W1'], inp['b1'] = _lin_params(ks[6], 2 * DM, DM)
    inp['W2'], inp['b2'] = _lin_params(ks[7], 2 * DM, DM)
    inp['W3'], inp['b3'] = _lin_params(ks[8], 2 * DM, DM)
    inp['Wagg'], inp['bagg'] = _lin_params(ks[9], 4 * DM, DM)
    inp['Wmu'], inp['bmu'] = _lin_params(ks[10], DM, DM)
    inp['Wvar'], inp['bvar'] = _lin_params(ks[11], DM, DM)
    return inp


def _msgpass(x, src, dst, W, b, n_nodes):
    # PyG MessagePassing: x_i = x[dst] (central/target), x_j = x[src] (neighbor)
    msg = jnp.concatenate([x[dst], x[src]], axis=1) @ W + b
    summed = jax.ops.segment_sum(msg, dst, num_segments=n_nodes)
    cnt = jax.ops.segment_sum(jnp.ones((src.shape[0],), dtype=x.dtype), dst, num_segments=n_nodes)
    return summed / jnp.maximum(cnt, 1.0)[:, None]


def reference(geometry, semantic, edge_index, batch, ptr, Wg, bg, emb, Wlot, blot,
              W1, b1, W2, b2, W3, b3, Wagg, bagg, Wmu, bmu, Wvar, bvar):
    batch_size = ptr.shape[0] - 1
    n = geometry.shape[0]
    enc_geometry = geometry @ Wg + bg
    enc_semantic = jnp.take(emb, semantic, axis=0)
    x_position = jnp.tile(jnp.eye(NB, dtype=jnp.float32), (batch_size, 1))
    h = jnp.concatenate([enc_geometry, enc_semantic, x_position], axis=1)
    h = jax.nn.relu(h @ Wlot + blot)
    g0 = jax.ops.segment_max(h, batch, num_segments=batch_size)
    src, dst = edge_index[0], edge_index[1]
    h = jax.nn.relu(_msgpass(h, src, dst, W1, b1, n))
    g1 = jax.ops.segment_max(h, batch, num_segments=batch_size)
    h = jax.nn.relu(_msgpass(h, src, dst, W2, b2, n))
    g2 = jax.ops.segment_max(h, batch, num_segments=batch_size)
    h = jax.nn.relu(_msgpass(h, src, dst, W3, b3, n))
    g3 = jax.ops.segment_max(h, batch, num_segments=batch_size)
    g_embed = jnp.concatenate([g0, g1, g2, g3], axis=1)
    latent = g_embed @ Wagg + bagg
    mu = latent @ Wmu + bmu
    log_var = latent @ Wvar + bvar
    return (mu, log_var)

if __name__ == "__main__":
    import jax
    _d = setup_inputs()
    print(jax.jit(kernel)(*tuple(_d.values())))

</pallas_src>

<mosaic_0001>
#map = affine_map<(d0, d1) -> (0, 0)>
#map1 = affine_map<(d0, d1) -> (0)>
#map2 = affine_map<(d0, d1) -> (0, 0, 0)>
module attributes {stable_mosaic.version = 14 : i64} {
  func.func @_sc_body(%arg0: i32, %arg1: i32, %arg2: memref<10000x128xf32, #tpu.memory_space<hbm>>, %arg3: memref<320000xi32, #tpu.memory_space<hbm>>, %arg4: memref<320000xi32, #tpu.memory_space<hbm>>, %arg5: memref<10000x128xf32, #tpu.memory_space<hbm>>, %arg6: memref<10240xf32, #tpu.memory_space<hbm>>, %arg7: memref<80xf32, #tpu.memory_space<hbm>>, %arg8: memref<2x10000x128xf32, #tpu.memory_space<hbm>>, %arg9: memref<2x10240xf32, #tpu.memory_space<hbm>>, %arg10: memref<80xi32, #tpu.memory_space<vmem>>, %arg11: memref<80xi32, #tpu.memory_space<vmem>>, %arg12: memref<80xi32, #tpu.memory_space<vmem>>, %arg13: memref<80xi32, #tpu.memory_space<vmem>>, %arg14: memref<80xi32, #tpu.memory_space<vmem>>, %arg15: memref<80xi32, #tpu.memory_space<vmem>>, %arg16: memref<80xi32, #tpu.memory_space<vmem>>, %arg17: memref<80xi32, #tpu.memory_space<vmem>>, %arg18: memref<80x128xf32, #tpu.memory_space<vmem>>, %arg19: memref<80x128xf32, #tpu.memory_space<vmem>>, %arg20: memref<80x128xf32, #tpu.memory_space<vmem>>, %arg21: memref<80x128xf32, #tpu.memory_space<vmem>>, %arg22: memref<80xf32, #tpu.memory_space<vmem>>, %arg23: memref<10000x128xf32, #tpu.memory_space<vmem_shared>>, %arg24: memref<10240xf32, #tpu.memory_space<vmem_shared>>, %arg25: memref<!tpu.dma_semaphore, #tpu.memory_space<semaphore_mem>>, %arg26: memref<!tpu.dma_semaphore, #tpu.memory_space<semaphore_mem>>, %arg27: memref<!tpu.dma_semaphore, #tpu.memory_space<semaphore_mem>>, %arg28: memref<!tpu.dma_semaphore, #tpu.memory_space<semaphore_mem>>) attributes {dimension_semantics = [#tpu.dimension_semantics<core_parallel>, #tpu.dimension_semantics<subcore_parallel>], iteration_bounds = array<i64: 2, 16>, scalar_prefetch = 0 : i64, scratch_operands = 19 : i64, tpu.core_type = #tpu.core_type<sc_vector_subcore>, window_params = [{transform_indices = #map}, {transform_indices = #map1}, {transform_indices = #map1}, {transform_indices = #map}, {transform_indices = #map1}, {transform_indices = #map1}, {transform_indices = #map2}, {transform_indices = #map}]} {
    %mul3A = arith.constant 2 : i32
    %mul3A_0 = arith.muli %arg1, %mul3A : i32
    %add3A = arith.addi %mul3A_0, %arg0 : i32
    %mul3A_1 = arith.constant 624 : i32
    %mul3A_2 = arith.muli %arg1, %mul3A_1 : i32
    %mul3A_3 = arith.constant 624 : i32
    %mul3A_4 = arith.muli %arg1, %mul3A_3 : i32
    "tpu.region"() ({
      %run_scoped3A = tpu.sem_alloc : memref<!tpu.dma_semaphore, #tpu.memory_space<semaphore_mem>>
      %dma_start3A_76 = arith.constant 0 : i32
      %dma_start3A_77 = tpu.memref_slice %arg23[%mul3A_4, %dma_start3A_76] : memref<10000x128xf32, #tpu.memory_space<vmem_shared>> -> memref<624x128xf32, #tpu.memory_space<vmem_shared>>
      %dma_start3A_78 = arith.constant 0 : i32
      %dma_start3A_79 = tpu.memref_slice %arg5[%mul3A_2, %dma_start3A_78] : memref<10000x128xf32, #tpu.memory_space<hbm>> -> memref<624x128xf32, #tpu.memory_space<hbm>>
      tpu.enqueue_dma source(%dma_start3A_79 : memref<624x128xf32, #tpu.memory_space<hbm>>) target(%dma_start3A_77 : memref<624x128xf32, #tpu.memory_space<vmem_shared>>) target_semaphore(%run_scoped3A : memref<!tpu.dma_semaphore, #tpu.memory_space<semaphore_mem>>)
      %dma_wait3A_80 = arith.constant 0 : i32
      %dma_wait3A_81 = tpu.memref_slice %arg23[%mul3A_4, %dma_wait3A_80] : memref<10000x128xf32, #tpu.memory_space<vmem_shared>> -> memref<624x128xf32, #tpu.memory_space<vmem_shared>>
      %dma_wait3A_82 = arith.constant 0 : i32
      %dma_wait3A_83 = tpu.memref_slice %arg5[%mul3A_2, %dma_wait3A_82] : memref<10000x128xf32, #tpu.memory_space<hbm>> -> memref<624x128xf32, #tpu.memory_space<hbm>>
      tpu.wait_dma2 semaphore(%run_scoped3A : memref<!tpu.dma_semaphore, #tpu.memory_space<semaphore_mem>>) src(%dma_wait3A_83 : memref<624x128xf32, #tpu.memory_space<hbm>>) dst(%dma_wait3A_81 : memref<624x128xf32, #tpu.memory_space<vmem_shared>>)
      tpu.yield
    }) : () -> ()
    %eq3A = arith.constant 15 : i32
    %eq3A_5 = arith.cmpi eq, %arg1, %eq3A : i32
    %convert_element_type3A = arith.extui %eq3A_5 : i1 to i32
    %cond3A = arith.constant 0 : i32
    %cond3A_6 = arith.cmpi ne, %convert_element_type3A, %cond3A : i32
    scf.if %cond3A_6 {
      "tpu.region"() ({
        %run_scoped3A = tpu.sem_alloc : memref<!tpu.dma_semaphore, #tpu.memory_space<semaphore_mem>>
        %dma_start3A_76 = arith.constant 9984 : i32
        %dma_start3A_77 = arith.constant 0 : i32
        %dma_start3A_78 = tpu.memref_slice %arg23[%dma_start3A_76, %dma_start3A_77] : memref<10000x128xf32, #tpu.memory_space<vmem_shared>> -> memref<16x128xf32, #tpu.memory_space<vmem_shared>>
        %dma_start3A_79 = arith.constant 9984 : i32
        %dma_start3A_80 = arith.constant 0 : i32
        %dma_start3A_81 = tpu.memref_slice %arg5[%dma_start3A_79, %dma_start3A_80] : memref<10000x128xf32, #tpu.memory_space<hbm>> -> memref<16x128xf32, #tpu.memory_space<hbm>>
        tpu.enqueue_dma source(%dma_start3A_81 : memref<16x128xf32, #tpu.memory_space<hbm>>) target(%dma_start3A_78 : memref<16x128xf32, #tpu.memory_space<vmem_shared>>) target_semaphore(%run_scoped3A : memref<!tpu.dma_semaphore, #tpu.memory_space<semaphore_mem>>)
        %dma_wait3A_82 = arith.constant 9984 : i32
        %dma_wait3A_83 = arith.constant 0 : i32
        %dma_wait3A_84 = tpu.memref_slice %arg23[%dma_wait3A_82, %dma_wait3A_83] : memref<10000x128xf32, #tpu.memory_space<vmem_shared>> -> memref<16x128xf32, #tpu.memory_space<vmem_shared>>
        %dma_wait3A_85 = arith.constant 9984 : i32
        %dma_wait3A_86 = arith.constant 0 : i32
        %dma_wait3A_87 = tpu.memref_slice %arg5[%dma_wait3A_85, %dma_wait3A_86] : memref<10000x128xf32, #tpu.memory_space<hbm>> -> memref<16x128xf32, #tpu.memory_space<hbm>>
        tpu.wait_dma2 semaphore(%run_scoped3A : memref<!tpu.dma_semaphore, #tpu.memory_space<semaphore_mem>>) src(%dma_wait3A_87 : memref<16x128xf32, #tpu.memory_space<hbm>>) dst(%dma_wait3A_84 : memref<16x128xf32, #tpu.memory_space<vmem_shared>>)
        tpu.yield
      }) : () -> ()
    } else {
    }
    %mul3A_7 = arith.constant 640 : i32
    %mul3A_8 = arith.muli %arg1, %mul3A_7 : i32
    %mul3A_9 = arith.constant 640 : i32
    %mul3A_10 = arith.muli %arg1, %mul3A_9 : i32
    "tpu.region"() ({
      %run_scoped3A = tpu.sem_alloc : memref<!tpu.dma_semaphore, #tpu.memory_space<semaphore_mem>>
      %dma_start3A_76 = tpu.memref_slice %arg24[%mul3A_10] : memref<10240xf32, #tpu.memory_space<vmem_shared>> -> memref<640xf32, #tpu.memory_space<vmem_shared>>
      %dma_start3A_77 = tpu.memref_slice %arg6[%mul3A_8] : memref<10240xf32, #tpu.memory_space<hbm>> -> memref<640xf32, #tpu.memory_space<hbm>>
      tpu.enqueue_dma source(%dma_start3A_77 : memref<640xf32, #tpu.memory_space<hbm>>) target(%dma_start3A_76 : memref<640xf32, #tpu.memory_space<vmem_shared>>) target_semaphore(%run_scoped3A : memref<!tpu.dma_semaphore, #tpu.memory_space<semaphore_mem>>)
      %dma_wait3A_78 = tpu.memref_slice %arg24[%mul3A_10] : memref<10240xf32, #tpu.memory_space<vmem_shared>> -> memref<640xf32, #tpu.memory_space<vmem_shared>>
      %dma_wait3A_79 = tpu.memref_slice %arg6[%mul3A_8] : memref<10240xf32, #tpu.memory_space<hbm>> -> memref<640xf32, #tpu.memory_space<hbm>>
      tpu.wait_dma2 semaphore(%run_scoped3A : memref<!tpu.dma_semaphore, #tpu.memory_space<semaphore_mem>>) src(%dma_wait3A_79 : memref<640xf32, #tpu.memory_space<hbm>>) dst(%dma_wait3A_78 : memref<640xf32, #tpu.memory_space<vmem_shared>>)
      tpu.yield
    }) : () -> ()
    "tpu.region"() ({
      %run_scoped3A = tpu.sem_alloc : memref<!tpu.dma_semaphore, #tpu.memory_space<semaphore_mem>>
      tpu.enqueue_dma source(%arg7 : memref<80xf32, #tpu.memory_space<hbm>>) target(%arg22 : memref<80xf32, #tpu.memory_space<vmem>>) target_semaphore(%run_scoped3A : memref<!tpu.dma_semaphore, #tpu.memory_space<semaphore_mem>>)
      tpu.wait_dma2 semaphore(%run_scoped3A : memref<!tpu.dma_semaphore, #tpu.memory_space<semaphore_mem>>) src(%arg7 : memref<80xf32, #tpu.memory_space<hbm>>) dst(%arg22 : memref<80xf32, #tpu.memory_space<vmem>>)
      tpu.yield
    }) : () -> ()
    %barrier3A = arith.constant 0 : index
    tpu.barrier barrier_id(%barrier3A)
    %mul3A_11 = arith.constant 10000 : i32
    %mul3A_12 = arith.muli %add3A, %mul3A_11 : i32
    %add3A_13 = arith.constant 0 : i32
    %add3A_14 = arith.addi %mul3A_12, %add3A_13 : i32
    %dma_start3A = tpu.memref_slice %arg3[%add3A_14] : memref<320000xi32, #tpu.memory_space<hbm>> -> memref<80xi32, #tpu.memory_space<hbm>>
    %dma_start3A_15 = tpu.memref_slice %arg3[%add3A_14] : memref<320000xi32, #tpu.memory_space<hbm>> -> memref<80xi32, #tpu.memory_space<hbm>>
    tpu.enqueue_dma source(%dma_start3A_15 : memref<80xi32, #tpu.memory_space<hbm>>) target(%arg10 : memref<80xi32, #tpu.memory_space<vmem>>) target_semaphore(%arg25 : memref<!tpu.dma_semaphore, #tpu.memory_space<semaphore_mem>>)
    %dma_start3A_16 = tpu.memref_slice %arg4[%add3A_14] : memref<320000xi32, #tpu.memory_space<hbm>> -> memref<80xi32, #tpu.memory_space<hbm>>
    %dma_start3A_17 = tpu.memref_slice %arg4[%add3A_14] : memref<320000xi32, #tpu.memory_space<hbm>> -> memref<80xi32, #tpu.memory_space<hbm>>
    tpu.enqueue_dma source(%dma_start3A_17 : memref<80xi32, #tpu.memory_space<hbm>>) target(%arg14 : memref<80xi32, #tpu.memory_space<vmem>>) target_semaphore(%arg25 : memref<!tpu.dma_semaphore, #tpu.memory_space<semaphore_mem>>)
    %mul3A_18 = arith.constant 10000 : i32
    %mul3A_19 = arith.muli %add3A, %mul3A_18 : i32
    %add3A_20 = arith.constant 80 : i32
    %add3A_21 = arith.addi %mul3A_19, %add3A_20 : i32
    %dma_start3A_22 = tpu.memref_slice %arg3[%add3A_21] : memref<320000xi32, #tpu.memory_space<hbm>> -> memref<80xi32, #tpu.memory_space<hbm>>
    %dma_start3A_23 = tpu.memref_slice %arg3[%add3A_21] : memref<320000xi32, #tpu.memory_space<hbm>> -> memref<80xi32, #tpu.memory_space<hbm>>
    tpu.enqueue_dma source(%dma_start3A_23 : memref<80xi32, #tpu.memory_space<hbm>>) target(%arg11 : memref<80xi32, #tpu.memory_space<vmem>>) target_semaphore(%arg25 : memref<!tpu.dma_semaphore, #tpu.memory_space<semaphore_mem>>)
    %dma_start3A_24 = tpu.memref_slice %arg4[%add3A_21] : memref<320000xi32, #tpu.memory_space<hbm>> -> memref<80xi32, #tpu.memory_space<hbm>>
    %dma_start3A_25 = tpu.memref_slice %arg4[%add3A_21] : memref<320000xi32, #tpu.memory_space<hbm>> -> memref<80xi32, #tpu.memory_space<hbm>>
    tpu.enqueue_dma source(%dma_start3A_25 : memref<80xi32, #tpu.memory_space<hbm>>) target(%arg15 : memref<80xi32, #tpu.memory_space<vmem>>) target_semaphore(%arg25 : memref<!tpu.dma_semaphore, #tpu.memory_space<semaphore_mem>>)
    %dma_wait3A = arith.constant 0 : i32
    %dma_wait3A_26 = tpu.memref_slice %arg3[%dma_wait3A] : memref<320000xi32, #tpu.memory_space<hbm>> -> memref<80xi32, #tpu.memory_space<hbm>>
    %dma_wait3A_27 = arith.constant 0 : i32
    %dma_wait3A_28 = tpu.memref_slice %arg3[%dma_wait3A_27] : memref<320000xi32, #tpu.memory_space<hbm>> -> memref<80xi32, #tpu.memory_space<hbm>>
    tpu.wait_dma2 semaphore(%arg25 : memref<!tpu.dma_semaphore, #tpu.memory_space<semaphore_mem>>) src(%dma_wait3A_28 : memref<80xi32, #tpu.memory_space<hbm>>) dst(%arg10 : memref<80xi32, #tpu.memory_space<vmem>>)
    %dma_wait3A_29 = arith.constant 0 : i32
    %dma_wait3A_30 = tpu.memref_slice %arg4[%dma_wait3A_29] : memref<320000xi32, #tpu.memory_space<hbm>> -> memref<80xi32, #tpu.memory_space<hbm>>
    %dma_wait3A_31 = arith.constant 0 : i32
    %dma_wait3A_32 = tpu.memref_slice %arg4[%dma_wait3A_31] : memref<320000xi32, #tpu.memory_space<hbm>> -> memref<80xi32, #tpu.memory_space<hbm>>
    tpu.wait_dma2 semaphore(%arg25 : memref<!tpu.dma_semaphore, #tpu.memory_space<semaphore_mem>>) src(%dma_wait3A_32 : memref<80xi32, #tpu.memory_space<hbm>>) dst(%arg14 : memref<80xi32, #tpu.memory_space<vmem>>)
    %dma_wait3A_33 = arith.constant 0 : i32
    %dma_wait3A_34 = tpu.memref_slice %arg3[%dma_wait3A_33] : memref<320000xi32, #tpu.memory_space<hbm>> -> memref<80xi32, #tpu.memory_space<hbm>>
    %dma_wait3A_35 = arith.constant 0 : i32
    %dma_wait3A_36 = tpu.memref_slice %arg3[%dma_wait3A_35] : memref<320000xi32, #tpu.memory_space<hbm>> -> memref<80xi32, #tpu.memory_space<hbm>>
    tpu.wait_dma2 semaphore(%arg25 : memref<!tpu.dma_semaphore, #tpu.memory_space<semaphore_mem>>) src(%dma_wait3A_36 : memref<80xi32, #tpu.memory_space<hbm>>) dst(%arg11 : memref<80xi32, #tpu.memory_space<vmem>>)
    %dma_wait3A_37 = arith.constant 0 : i32
    %dma_wait3A_38 = tpu.memref_slice %arg4[%dma_wait3A_37] : memref<320000xi32, #tpu.memory_space<hbm>> -> memref<80xi32, #tpu.memory_space<hbm>>
    %dma_wait3A_39 = arith.constant 0 : i32
    %dma_wait3A_40 = tpu.memref_slice %arg4[%dma_wait3A_39] : memref<320000xi32, #tpu.memory_space<hbm>> -> memref<80xi32, #tpu.memory_space<hbm>>
    tpu.wait_dma2 semaphore(%arg25 : memref<!tpu.dma_semaphore, #tpu.memory_space<semaphore_mem>>) src(%dma_wait3A_40 : memref<80xi32, #tpu.memory_space<hbm>>) dst(%arg15 : memref<80xi32, #tpu.memory_space<vmem>>)
    %dma_start3A_41 = arith.constant 0 : i32
    %dma_start3A_42 = arith.constant 0 : i32
    %dma_start3A_43 = tpu.memref_slice %arg2[%dma_start3A_41, %dma_start3A_42] : memref<10000x128xf32, #tpu.memory_space<hbm>> -> memref<10000x128xf32, #tpu.memory_space<hbm>>
    tpu.enqueue_indirect_dma source(%dma_start3A_43 : memref<10000x128xf32, #tpu.memory_space<hbm>>) target(%arg18 : memref<80x128xf32, #tpu.memory_space<vmem>>) offsets(%arg10 : memref<80xi32, #tpu.memory_space<vmem>>) semaphore(%arg26 : memref<!tpu.dma_semaphore, #tpu.memory_space<semaphore_mem>>)
    %dma_start3A_44 = arith.constant 0 : i32
    %dma_start3A_45 = arith.constant 0 : i32
    %dma_start3A_46 = tpu.memref_slice %arg2[%dma_start3A_44, %dma_start3A_45] : memref<10000x128xf32, #tpu.memory_space<hbm>> -> memref<10000x128xf32, #tpu.memory_space<hbm>>
    tpu.enqueue_indirect_dma source(%dma_start3A_46 : memref<10000x128xf32, #tpu.memory_space<hbm>>) target(%arg19 : memref<80x128xf32, #tpu.memory_space<vmem>>) offsets(%arg11 : memref<80xi32, #tpu.memory_space<vmem>>) semaphore(%arg26 : memref<!tpu.dma_semaphore, #tpu.memory_space<semaphore_mem>>)
    %scan3A = arith.constant 0 : i32
    %scan3A_47 = arith.constant 0 : i32
    %scan3A_48 = arith.constant 31 : i32
    %scan3A_49 = arith.addi %scan3A_47, %scan3A_48 : i32
    %scan3A_50 = arith.constant 1 : i32
    scf.for %scan3A_76 = %scan3A_47 to %scan3A_49 step %scan3A_50  : i32 {
      %mul3A_77 = arith.constant 2 : i32
      %mul3A_78 = arith.muli %mul3A_77, %scan3A_76 : i32
      %add3A_79 = arith.constant 1 : i32
      %add3A_80 = arith.addi %mul3A_78, %add3A_79 : i32
      %mul3A_81 = arith.constant 10000 : i32
      %mul3A_82 = arith.muli %add3A, %mul3A_81 : i32
      %mul3A_83 = arith.constant 2 : i32
      %mul3A_84 = arith.muli %add3A_80, %mul3A_83 : i32
      %add3A_85 = arith.constant 0 : i32
      %add3A_86 = arith.addi %mul3A_84, %add3A_85 : i32
      %mul3A_87 = arith.constant 80 : i32
      %mul3A_88 = arith.muli %add3A_86, %mul3A_87 : i32
      %add3A_89 = arith.addi %mul3A_82, %mul3A_88 : i32
      %dma_start3A_90 = tpu.memref_slice %arg3[%add3A_89] : memref<320000xi32, #tpu.memory_space<hbm>> -> memref<80xi32, #tpu.memory_space<hbm>>
      %dma_start3A_91 = tpu.memref_slice %arg3[%add3A_89] : memref<320000xi32, #tpu.memory_space<hbm>> -> memref<80xi32, #tpu.memory_space<hbm>>
      tpu.enqueue_dma source(%dma_start3A_91 : memref<80xi32, #tpu.memory_space<hbm>>) target(%arg12 : memref<80xi32, #tpu.memory_space<vmem>>) target_semaphore(%arg25 : memref<!tpu.dma_semaphore, #tpu.memory_space<semaphore_mem>>)
      %dma_start3A_92 = tpu.memref_slice %arg4[%add3A_89] : memref<320000xi32, #tpu.memory_space<hbm>> -> memref<80xi32, #tpu.memory_space<hbm>>
      %dma_start3A_93 = tpu.memref_slice %arg4[%add3A_89] : memref<320000xi32, #tpu.memory_space<hbm>> -> memref<80xi32, #tpu.memory_space<hbm>>
      tpu.enqueue_dma source(%dma_start3A_93 : memref<80xi32, #tpu.memory_space<hbm>>) target(%arg16 : memref<80xi32, #tpu.memory_space<vmem>>) target_semaphore(%arg25 : memref<!tpu.dma_semaphore, #tpu.memory_space<semaphore_mem>>)
      %mul3A_94 = arith.constant 10000 : i32
      %mul3A_95 = arith.muli %add3A, %mul3A_94 : i32
      %mul3A_96 = arith.constant 2 : i32
      %mul3A_97 = arith.muli %add3A_80, %mul3A_96 : i32
      %add3A_98 = arith.constant 1 : i32
      %add3A_99 = arith.addi %mul3A_97, %add3A_98 : i32
      %mul3A_100 = arith.constant 80 : i32
      %mul3A_101 = arith.muli %add3A_99, %mul3A_100 : i32
      %add3A_102 = arith.addi %mul3A_95, %mul3A_101 : i32
      %dma_start3A_103 = tpu.memref_slice %arg3[%add3A_102] : memref<320000xi32, #tpu.memory_space<hbm>> -> memref<80xi32, #tpu.memory_space<hbm>>
      %dma_start3A_104 = tpu.memref_slice %arg3[%add3A_102] : memref<320000xi32, #tpu.memory_space<hbm>> -> memref<80xi32, #tpu.memory_space<hbm>>
      tpu.enqueue_dma source(%dma_start3A_104 : memref<80xi32, #tpu.memory_space<hbm>>) target(%arg13 : memref<80xi32, #tpu.memory_space<vmem>>) target_semaphore(%arg25 : memref<!tpu.dma_semaphore, #tpu.memory_space<semaphore_mem>>)
      %dma_start3A_105 = tpu.memref_slice %arg4[%add3A_102] : memref<320000xi32, #tpu.memory_space<hbm>> -> memref<80xi32, #tpu.memory_space<hbm>>
      %dma_start3A_106 = tpu.memref_slice %arg4[%add3A_102] : memref<320000xi32, #tpu.memory_space<hbm>> -> memref<80xi32, #tpu.memory_space<hbm>>
      tpu.enqueue_dma source(%dma_start3A_106 : memref<80xi32, #tpu.memory_space<hbm>>) target(%arg17 : memref<80xi32, #tpu.memory_space<vmem>>) target_semaphore(%arg25 : memref<!tpu.dma_semaphore, #tpu.memory_space<semaphore_mem>>)
      %dma_wait3A_107 = arith.constant 0 : i32
      %dma_wait3A_108 = arith.constant 0 : i32
      %dma_wait3A_109 = tpu.memref_slice %arg2[%dma_wait3A_107, %dma_wait3A_108] : memref<10000x128xf32, #tpu.memory_space<hbm>> -> memref<10000x128xf32, #tpu.memory_space<hbm>>
      tpu.wait_indirect_dma semaphore(%arg26 : memref<!tpu.dma_semaphore, #tpu.memory_space<semaphore_mem>>) src(%dma_wait3A_109 : memref<10000x128xf32, #tpu.memory_space<hbm>>) dst(%arg18 : memref<80x128xf32, #tpu.memory_space<vmem>>)
      %dma_wait3A_110 = arith.constant 0 : i32
      %dma_wait3A_111 = arith.constant 0 : i32
      %dma_wait3A_112 = tpu.memref_slice %arg2[%dma_wait3A_110, %dma_wait3A_111] : memref<10000x128xf32, #tpu.memory_space<hbm>> -> memref<10000x128xf32, #tpu.memory_space<hbm>>
      tpu.wait_indirect_dma semaphore(%arg26 : memref<!tpu.dma_semaphore, #tpu.memory_space<semaphore_mem>>) src(%dma_wait3A_112 : memref<10000x128xf32, #tpu.memory_space<hbm>>) dst(%arg19 : memref<80x128xf32, #tpu.memory_space<vmem>>)
      %dma_start3A_113 = arith.constant 0 : i32
      %dma_start3A_114 = arith.constant 0 : i32
      %dma_start3A_115 = tpu.memref_slice %arg23[%dma_start3A_113, %dma_start3A_114] : memref<10000x128xf32, #tpu.memory_space<vmem_shared>> -> memref<10000x128xf32, #tpu.memory_space<vmem_shared>>
      tpu.enqueue_indirect_dma source(%arg18 : memref<80x128xf32, #tpu.memory_space<vmem>>) target(%dma_start3A_115 : memref<10000x128xf32, #tpu.memory_space<vmem_shared>>) offsets(%arg14 : memref<80xi32, #tpu.memory_space<vmem>>) semaphore(%arg27 : memref<!tpu.dma_semaphore, #tpu.memory_space<semaphore_mem>>) {add = true}
      %dma_start3A_116 = arith.constant 0 : i32
      %dma_start3A_117 = tpu.memref_slice %arg24[%dma_start3A_116] : memref<10240xf32, #tpu.memory_space<vmem_shared>> -> memref<10240xf32, #tpu.memory_space<vmem_shared>>
      tpu.enqueue_indirect_dma source(%arg22 : memref<80xf32, #tpu.memory_space<vmem>>) target(%dma_start3A_117 : memref<10240xf32, #tpu.memory_space<vmem_shared>>) offsets(%arg14 : memref<80xi32, #tpu.memory_space<vmem>>) semaphore(%arg28 : memref<!tpu.dma_semaphore, #tpu.memory_space<semaphore_mem>>) {add = true}
      %dma_start3A_118 = arith.constant 0 : i32
      %dma_start3A_119 = arith.constant 0 : i32
      %dma_start3A_120 = tpu.memref_slice %arg23[%dma_start3A_118, %dma_start3A_119] : memref<10000x128xf32, #tpu.memory_space<vmem_shared>> -> memref<10000x128xf32, #tpu.memory_space<vmem_shared>>
      tpu.enqueue_indirect_dma source(%arg19 : memref<80x128xf32, #tpu.memory_space<vmem>>) target(%dma_start3A_120 : memref<10000x128xf32, #tpu.memory_space<vmem_shared>>) offsets(%arg15 : memref<80xi32, #tpu.memory_space<vmem>>) semaphore(%arg27 : memref<!tpu.dma_semaphore, #tpu.memory_space<semaphore_mem>>) {add = true}
      %dma_start3A_121 = arith.constant 0 : i32
      %dma_start3A_122 = tpu.memref_slice %arg24[%dma_start3A_121] : memref<10240xf32, #tpu.memory_space<vmem_shared>> -> memref<10240xf32, #tpu.memory_space<vmem_shared>>
      tpu.enqueue_indirect_dma source(%arg22 : memref<80xf32, #tpu.memory_space<vmem>>) target(%dma_start3A_122 : memref<10240xf32, #tpu.memory_space<vmem_shared>>) offsets(%arg15 : memref<80xi32, #tpu.memory_space<vmem>>) semaphore(%arg28 : memref<!tpu.dma_semaphore, #tpu.memory_space<semaphore_mem>>) {add = true}
      %dma_wait3A_123 = arith.constant 0 : i32
      %dma_wait3A_124 = tpu.memref_slice %arg3[%dma_wait3A_123] : memref<320000xi32, #tpu.memory_space<hbm>> -> memref<80xi32, #tpu.memory_space<hbm>>
      %dma_wait3A_125 = arith.constant 0 : i32
      %dma_wait3A_126 = tpu.memref_slice %arg3[%dma_wait3A_125] : memref<320000xi32, #tpu.memory_space<hbm>> -> memref<80xi32, #tpu.memory_space<hbm>>
      tpu.wait_dma2 semaphore(%arg25 : memref<!tpu.dma_semaphore, #tpu.memory_space<semaphore_mem>>) src(%dma_wait3A_126 : memref<80xi32, #tpu.memory_space<hbm>>) dst(%arg12 : memref<80xi32, #tpu.memory_space<vmem>>)
      %dma_wait3A_127 = arith.constant 0 : i32
      %dma_wait3A_128 = tpu.memref_slice %arg4[%dma_wait3A_127] : memref<320000xi32, #tpu.memory_space<hbm>> -> memref<80xi32, #tpu.memory_space<hbm>>
      %dma_wait3A_129 = arith.constant 0 : i32
      %dma_wait3A_130 = tpu.memref_slice %arg4[%dma_wait3A_129] : memref<320000xi32, #tpu.memory_space<hbm>> -> memref<80xi32, #tpu.memory_space<hbm>>
      tpu.wait_dma2 semaphore(%arg25 : memref<!tpu.dma_semaphore, #tpu.memory_space<semaphore_mem>>) src(%dma_wait3A_130 : memref<80xi32, #tpu.memory_space<hbm>>) dst(%arg16 : memref<80xi32, #tpu.memory_space<vmem>>)
      %dma_wait3A_131 = arith.constant 0 : i32
      %dma_wait3A_132 = tpu.memref_slice %arg3[%dma_wait3A_131] : memref<320000xi32, #tpu.memory_space<hbm>> -> memref<80xi32, #tpu.memory_space<hbm>>
      %dma_wait3A_133 = arith.constant 0 : i32
      %dma_wait3A_134 = tpu.memref_slice %arg3[%dma_wait3A_133] : memref<320000xi32, #tpu.memory_space<hbm>> -> memref<80xi32, #tpu.memory_space<hbm>>
      tpu.wait_dma2 semaphore(%arg25 : memref<!tpu.dma_semaphore, #tpu.memory_space<semaphore_mem>>) src(%dma_wait3A_134 : memref<80xi32, #tpu.memory_space<hbm>>) dst(%arg13 : memref<80xi32, #tpu.memory_space<vmem>>)
      %dma_wait3A_135 = arith.constant 0 : i32
      %dma_wait3A_136 = tpu.memref_slice %arg4[%dma_wait3A_135] : memref<320000xi32, #tpu.memory_space<hbm>> -> memref<80xi32, #tpu.memory_space<hbm>>
      %dma_wait3A_137 = arith.constant 0 : i32
      %dma_wait3A_138 = tpu.memref_slice %arg4[%dma_wait3A_137] : memref<320000xi32, #tpu.memory_space<hbm>> -> memref<80xi32, #tpu.memory_space<hbm>>
      tpu.wait_dma2 semaphore(%arg25 : memref<!tpu.dma_semaphore, #tpu.memory_space<semaphore_mem>>) src(%dma_wait3A_138 : memref<80xi32, #tpu.memory_space<hbm>>) dst(%arg17 : memref<80xi32, #tpu.memory_space<vmem>>)
      %dma_start3A_139 = arith.constant 0 : i32
      %dma_start3A_140 = arith.constant 0 : i32
      %dma_start3A_141 = tpu.memref_slice %arg2[%dma_start3A_139, %dma_start3A_140] : memref<10000x128xf32, #tpu.memory_space<hbm>> -> memref<10000x128xf32, #tpu.memory_space<hbm>>
      tpu.enqueue_indirect_dma source(%dma_start3A_141 : memref<10000x128xf32, #tpu.memory_space<hbm>>) target(%arg20 : memref<80x128xf32, #tpu.memory_space<vmem>>) offsets(%arg12 : memref<80xi32, #tpu.memory_space<vmem>>) semaphore(%arg26 : memref<!tpu.dma_semaphore, #tpu.memory_space<semaphore_mem>>)
      %dma_start3A_142 = arith.constant 0 : i32
      %dma_start3A_143 = arith.constant 0 : i32
      %dma_start3A_144 = tpu.memref_slice %arg2[%dma_start3A_142, %dma_start3A_143] : memref<10000x128xf32, #tpu.memory_space<hbm>> -> memref<10000x128xf32, #tpu.memory_space<hbm>>
      tpu.enqueue_indirect_dma source(%dma_start3A_144 : memref<10000x128xf32, #tpu.memory_space<hbm>>) target(%arg21 : memref<80x128xf32, #tpu.memory_space<vmem>>) offsets(%arg13 : memref<80xi32, #tpu.memory_space<vmem>>) semaphore(%arg26 : memref<!tpu.dma_semaphore, #tpu.memory_space<semaphore_mem>>)
      %dma_wait3A_145 = arith.constant 0 : i32
      %dma_wait3A_146 = arith.constant 0 : i32
      %dma_wait3A_147 = tpu.memref_slice %arg23[%dma_wait3A_145, %dma_wait3A_146] : memref<10000x128xf32, #tpu.memory_space<vmem_shared>> -> memref<10000x128xf32, #tpu.memory_space<vmem_shared>>
      tpu.wait_indirect_dma semaphore(%arg27 : memref<!tpu.dma_semaphore, #tpu.memory_space<semaphore_mem>>) src(%arg18 : memref<80x128xf32, #tpu.memory_space<vmem>>) dst(%dma_wait3A_147 : memref<10000x128xf32, #tpu.memory_space<vmem_shared>>)
      %dma_wait3A_148 = arith.constant 0 : i32
      %dma_wait3A_149 = tpu.memref_slice %arg24[%dma_wait3A_148] : memref<10240xf32, #tpu.memory_space<vmem_shared>> -> memref<10240xf32, #tpu.memory_space<vmem_shared>>
      tpu.wait_indirect_dma semaphore(%arg28 : memref<!tpu.dma_semaphore, #tpu.memory_space<semaphore_mem>>) src(%arg22 : memref<80xf32, #tpu.memory_space<vmem>>) dst(%dma_wait3A_149 : memref<10240xf32, #tpu.memory_space<vmem_shared>>)
      %dma_wait3A_150 = arith.constant 0 : i32
      %dma_wait3A_151 = arith.constant 0 : i32
      %dma_wait3A_152 = tpu.memref_slice %arg23[%dma_wait3A_150, %dma_wait3A_151] : memref<10000x128xf32, #tpu.memory_space<vmem_shared>> -> memref<10000x128xf32, #tpu.memory_space<vmem_shared>>
      tpu.wait_indirect_dma semaphore(%arg27 : memref<!tpu.dma_semaphore, #tpu.memory_space<semaphore_mem>>) src(%arg19 : memref<80x128xf32, #tpu.memory_space<vmem>>) dst(%dma_wait3A_152 : memref<10000x128xf32, #tpu.memory_space<vmem_shared>>)
      %dma_wait3A_153 = arith.constant 0 : i32
      %dma_wait3A_154 = tpu.memref_slice %arg24[%dma_wait3A_153] : memref<10240xf32, #tpu.memory_space<vmem_shared>> -> memref<10240xf32, #tpu.memory_space<vmem_shared>>
      tpu.wait_indirect_dma semaphore(%arg28 : memref<!tpu.dma_semaphore, #tpu.memory_space<semaphore_mem>>) src(%arg22 : memref<80xf32, #tpu.memory_space<vmem>>) dst(%dma_wait3A_154 : memref<10240xf32, #tpu.memory_space<vmem_shared>>)
      %lt3A = arith.constant 30 : i32
      %lt3A_155 = arith.cmpi slt, %scan3A_76, %lt3A : i32
      %convert_element_type3A_156 = arith.extui %lt3A_155 : i1 to i32
      %cond3A_157 = arith.constant 0 : i32
      %cond3A_158 = arith.cmpi ne, %convert_element_type3A_156, %cond3A_157 : i32
      scf.if %cond3A_158 {
        %add3A_190 = arith.constant 2 : i32
        %add3A_191 = arith.addi %mul3A_78, %add3A_190 : i32
        %mul3A_192 = arith.constant 10000 : i32
        %mul3A_193 = arith.muli %add3A, %mul3A_192 : i32
        %mul3A_194 = arith.constant 2 : i32
        %mul3A_195 = arith.muli %add3A_191, %mul3A_194 : i32
        %add3A_196 = arith.constant 0 : i32
        %add3A_197 = arith.addi %mul3A_195, %add3A_196 : i32
        %mul3A_198 = arith.constant 80 : i32
        %mul3A_199 = arith.muli %add3A_197, %mul3A_198 : i32
        %add3A_200 = arith.addi %mul3A_193, %mul3A_199 : i32
        %dma_start3A_201 = tpu.memref_slice %arg3[%add3A_200] : memref<320000xi32, #tpu.memory_space<hbm>> -> memref<80xi32, #tpu.memory_space<hbm>>
        %dma_start3A_202 = tpu.memref_slice %arg3[%add3A_200] : memref<320000xi32, #tpu.memory_space<hbm>> -> memref<80xi32, #tpu.memory_space<hbm>>
        tpu.enqueue_dma source(%dma_start3A_202 : memref<80xi32, #tpu.memory_space<hbm>>) target(%arg10 : memref<80xi32, #tpu.memory_space<vmem>>) target_semaphore(%arg25 : memref<!tpu.dma_semaphore, #tpu.memory_space<semaphore_mem>>)
        %dma_start3A_203 = tpu.memref_slice %arg4[%add3A_200] : memref<320000xi32, #tpu.memory_space<hbm>> -> memref<80xi32, #tpu.memory_space<hbm>>
        %dma_start3A_204 = tpu.memref_slice %arg4[%add3A_200] : memref<320000xi32, #tpu.memory_space<hbm>> -> memref<80xi32, #tpu.memory_space<hbm>>
        tpu.enqueue_dma source(%dma_start3A_204 : memref<80xi32, #tpu.memory_space<hbm>>) target(%arg14 : memref<80xi32, #tpu.memory_space<vmem>>) target_semaphore(%arg25 : memref<!tpu.dma_semaphore, #tpu.memory_space<semaphore_mem>>)
        %mul3A_205 = arith.constant 10000 : i32
        %mul3A_206 = arith.muli %add3A, %mul3A_205 : i32
        %mul3A_207 = arith.constant 2 : i32
        %mul3A_208 = arith.muli %add3A_191, %mul3A_207 : i32
        %add3A_209 = arith.constant 1 : i32
        %add3A_210 = arith.addi %mul3A_208, %add3A_209 : i32
        %mul3A_211 = arith.constant 80 : i32
        %mul3A_212 = arith.muli %add3A_210, %mul3A_211 : i32
        %add3A_213 = arith.addi %mul3A_206, %mul3A_212 : i32
        %dma_start3A_214 = tpu.memref_slice %arg3[%add3A_213] : memref<320000xi32, #tpu.memory_space<hbm>> -> memref<80xi32, #tpu.memory_space<hbm>>
        %dma_start3A_215 = tpu.memref_slice %arg3[%add3A_213] : memref<320000xi32, #tpu.memory_space<hbm>> -> memref<80xi32, #tpu.memory_space<hbm>>
        tpu.enqueue_dma source(%dma_start3A_215 : memref<80xi32, #tpu.memory_space<hbm>>) target(%arg11 : memref<80xi32, #tpu.memory_space<vmem>>) target_semaphore(%arg25 : memref<!tpu.dma_semaphore, #tpu.memory_space<semaphore_mem>>)
        %dma_start3A_216 = tpu.memref_slice %arg4[%add3A_213] : memref<320000xi32, #tpu.memory_space<hbm>> -> memref<80xi32, #tpu.memory_space<hbm>>
        %dma_start3A_217 = tpu.memref_slice %arg4[%add3A_213] : memref<320000xi32, #tpu.memory_space<hbm>> -> memref<80xi32, #tpu.memory_space<hbm>>
        tpu.enqueue_dma source(%dma_start3A_217 : memref<80xi32, #tpu.memory_space<hbm>>) target(%arg15 : memref<80xi32, #tpu.memory_space<vmem>>) target_semaphore(%arg25 : memref<!tpu.dma_semaphore, #tpu.memory_space<semaphore_mem>>)
      } else {
      }
      %dma_wait3A_159 = arith.constant 0 : i32
      %dma_wait3A_160 = arith.constant 0 : i32
      %dma_wait3A_161 = tpu.memref_slice %arg2[%dma_wait3A_159, %dma_wait3A_160] : memref<10000x128xf32, #tpu.memory_space<hbm>> -> memref<10000x128xf32, #tpu.memory_space<hbm>>
      tpu.wait_indirect_dma semaphore(%arg26 : memref<!tpu.dma_semaphore, #tpu.memory_space<semaphore_mem>>) src(%dma_wait3A_161 : memref<10000x128xf32, #tpu.memory_space<hbm>>) dst(%arg20 : memref<80x128xf32, #tpu.memory_space<vmem>>)
      %dma_wait3A_162 = arith.constant 0 : i32
      %dma_wait3A_163 = arith.constant 0 : i32
      %dma_wait3A_164 = tpu.memref_slice %arg2[%dma_wait3A_162, %dma_wait3A_163] : memref<10000x128xf32, #tpu.memory_space<hbm>> -> memref<10000x128xf32, #tpu.memory_space<hbm>>
      tpu.wait_indirect_dma semaphore(%arg26 : memref<!tpu.dma_semaphore, #tpu.memory_space<semaphore_mem>>) src(%dma_wait3A_164 : memref<10000x128xf32, #tpu.memory_space<hbm>>) dst(%arg21 : memref<80x128xf32, #tpu.memory_space<vmem>>)
      %dma_start3A_165 = arith.constant 0 : i32
      %dma_start3A_166 = arith.constant 0 : i32
      %dma_start3A_167 = tpu.memref_slice %arg23[%dma_start3A_165, %dma_start3A_166] : memref<10000x128xf32, #tpu.memory_space<vmem_shared>> -> memref<10000x128xf32, #tpu.memory_space<vmem_shared>>
      tpu.enqueue_indirect_dma source(%arg20 : memref<80x128xf32, #tpu.memory_space<vmem>>) target(%dma_start3A_167 : memref<10000x128xf32, #tpu.memory_space<vmem_shared>>) offsets(%arg16 : memref<80xi32, #tpu.memory_space<vmem>>) semaphore(%arg27 : memref<!tpu.dma_semaphore, #tpu.memory_space<semaphore_mem>>) {add = true}
      %dma_start3A_168 = arith.constant 0 : i32
      %dma_start3A_169 = tpu.memref_slice %arg24[%dma_start3A_168] : memref<10240xf32, #tpu.memory_space<vmem_shared>> -> memref<10240xf32, #tpu.memory_space<vmem_shared>>
      tpu.enqueue_indirect_dma source(%arg22 : memref<80xf32, #tpu.memory_space<vmem>>) target(%dma_start3A_169 : memref<10240xf32, #tpu.memory_space<vmem_shared>>) offsets(%arg16 : memref<80xi32, #tpu.memory_space<vmem>>) semaphore(%arg28 : memref<!tpu.dma_semaphore, #tpu.memory_space<semaphore_mem>>) {add = true}
      %dma_start3A_170 = arith.constant 0 : i32
      %dma_start3A_171 = arith.constant 0 : i32
      %dma_start3A_172 = tpu.memref_slice %arg23[%dma_start3A_170, %dma_start3A_171] : memref<10000x128xf32, #tpu.memory_space<vmem_shared>> -> memref<10000x128xf32, #tpu.memory_space<vmem_shared>>
      tpu.enqueue_indirect_dma source(%arg21 : memref<80x128xf32, #tpu.memory_space<vmem>>) target(%dma_start3A_172 : memref<10000x128xf32, #tpu.memory_space<vmem_shared>>) offsets(%arg17 : memref<80xi32, #tpu.memory_space<vmem>>) semaphore(%arg27 : memref<!tpu.dma_semaphore, #tpu.memory_space<semaphore_mem>>) {add = true}
      %dma_start3A_173 = arith.constant 0 : i32
      %dma_start3A_174 = tpu.memref_slice %arg24[%dma_start3A_173] : memref<10240xf32, #tpu.memory_space<vmem_shared>> -> memref<10240xf32, #tpu.memory_space<vmem_shared>>
      tpu.enqueue_indirect_dma source(%arg22 : memref<80xf32, #tpu.memory_space<vmem>>) target(%dma_start3A_174 : memref<10240xf32, #tpu.memory_space<vmem_shared>>) offsets(%arg17 : memref<80xi32, #tpu.memory_space<vmem>>) semaphore(%arg28 : memref<!tpu.dma_semaphore, #tpu.memory_space<semaphore_mem>>) {add = true}
      %lt3A_175 = arith.constant 30 : i32
      %lt3A_176 = arith.cmpi slt, %scan3A_76, %lt3A_175 : i32
      %convert_element_type3A_177 = arith.extui %lt3A_176 : i1 to i32
      %cond3A_178 = arith.constant 0 : i32
      %cond3A_179 = arith.cmpi ne, %convert_element_type3A_177, %cond3A_178 : i32
      scf.if %cond3A_179 {
        %dma_wait3A_190 = arith.constant 0 : i32
        %dma_wait3A_191 = tpu.memref_slice %arg3[%dma_wait3A_190] : memref<320000xi32, #tpu.memory_space<hbm>> -> memref<80xi32, #tpu.memory_space<hbm>>
        %dma_wait3A_192 = arith.constant 0 : i32
        %dma_wait3A_193 = tpu.memref_slice %arg3[%dma_wait3A_192] : memref<320000xi32, #tpu.memory_space<hbm>> -> memref<80xi32, #tpu.memory_space<hbm>>
        tpu.wait_dma2 semaphore(%arg25 : memref<!tpu.dma_semaphore, #tpu.memory_space<semaphore_mem>>) src(%dma_wait3A_193 : memref<80xi32, #tpu.memory_space<hbm>>) dst(%arg10 : memref<80xi32, #tpu.memory_space<vmem>>)
        %dma_wait3A_194 = arith.constant 0 : i32
        %dma_wait3A_195 = tpu.memref_slice %arg4[%dma_wait3A_194] : memref<320000xi32, #tpu.memory_space<hbm>> -> memref<80xi32, #tpu.memory_space<hbm>>
        %dma_wait3A_196 = arith.constant 0 : i32
        %dma_wait3A_197 = tpu.memref_slice %arg4[%dma_wait3A_196] : memref<320000xi32, #tpu.memory_space<hbm>> -> memref<80xi32, #tpu.memory_space<hbm>>
        tpu.wait_dma2 semaphore(%arg25 : memref<!tpu.dma_semaphore, #tpu.memory_space<semaphore_mem>>) src(%dma_wait3A_197 : memref<80xi32, #tpu.memory_space<hbm>>) dst(%arg14 : memref<80xi32, #tpu.memory_space<vmem>>)
        %dma_wait3A_198 = arith.constant 0 : i32
        %dma_wait3A_199 = tpu.memref_slice %arg3[%dma_wait3A_198] : memref<320000xi32, #tpu.memory_space<hbm>> -> memref<80xi32, #tpu.memory_space<hbm>>
        %dma_wait3A_200 = arith.constant 0 : i32
        %dma_wait3A_201 = tpu.memref_slice %arg3[%dma_wait3A_200] : memref<320000xi32, #tpu.memory_space<hbm>> -> memref<80xi32, #tpu.memory_space<hbm>>
        tpu.wait_dma2 semaphore(%arg25 : memref<!tpu.dma_semaphore, #tpu.memory_space<semaphore_mem>>) src(%dma_wait3A_201 : memref<80xi32, #tpu.memory_space<hbm>>) dst(%arg11 : memref<80xi32, #tpu.memory_space<vmem>>)
        %dma_wait3A_202 = arith.constant 0 : i32
        %dma_wait3A_203 = tpu.memref_slice %arg4[%dma_wait3A_202] : memref<320000xi32, #tpu.memory_space<hbm>> -> memref<80xi32, #tpu.memory_space<hbm>>
        %dma_wait3A_204 = arith.constant 0 : i32
        %dma_wait3A_205 = tpu.memref_slice %arg4[%dma_wait3A_204] : memref<320000xi32, #tpu.memory_space<hbm>> -> memref<80xi32, #tpu.memory_space<hbm>>
        tpu.wait_dma2 semaphore(%arg25 : memref<!tpu.dma_semaphore, #tpu.memory_space<semaphore_mem>>) src(%dma_wait3A_205 : memref<80xi32, #tpu.memory_space<hbm>>) dst(%arg15 : memref<80xi32, #tpu.memory_space<vmem>>)
        %dma_start3A_206 = arith.constant 0 : i32
        %dma_start3A_207 = arith.constant 0 : i32
        %dma_start3A_208 = tpu.memref_slice %arg2[%dma_start3A_206, %dma_start3A_207] : memref<10000x128xf32, #tpu.memory_space<hbm>> -> memref<10000x128xf32, #tpu.memory_space<hbm>>
        tpu.enqueue_indirect_dma source(%dma_start3A_208 : memref<10000x128xf32, #tpu.memory_space<hbm>>) target(%arg18 : memref<80x128xf32, #tpu.memory_space<vmem>>) offsets(%arg10 : memref<80xi32, #tpu.memory_space<vmem>>) semaphore(%arg26 : memref<!tpu.dma_semaphore, #tpu.memory_space<semaphore_mem>>)
        %dma_start3A_209 = arith.constant 0 : i32
        %dma_start3A_210 = arith.constant 0 : i32
        %dma_start3A_211 = tpu.memref_slice %arg2[%dma_start3A_209, %dma_start3A_210] : memref<10000x128xf32, #tpu.memory_space<hbm>> -> memref<10000x128xf32, #tpu.memory_space<hbm>>
        tpu.enqueue_indirect_dma source(%dma_start3A_211 : memref<10000x128xf32, #tpu.memory_space<hbm>>) target(%arg19 : memref<80x128xf32, #tpu.memory_space<vmem>>) offsets(%arg11 : memref<80xi32, #tpu.memory_space<vmem>>) semaphore(%arg26 : memref<!tpu.dma_semaphore, #tpu.memory_space<semaphore_mem>>)
      } else {
      }
      %dma_wait3A_180 = arith.constant 0 : i32
      %dma_wait3A_181 = arith.constant 0 : i32
      %dma_wait3A_182 = tpu.memref_slice %arg23[%dma_wait3A_180, %dma_wait3A_181] : memref<10000x128xf32, #tpu.memory_space<vmem_shared>> -> memref<10000x128xf32, #tpu.memory_space<vmem_shared>>
      tpu.wait_indirect_dma semaphore(%arg27 : memref<!tpu.dma_semaphore, #tpu.memory_space<semaphore_mem>>) src(%arg20 : memref<80x128xf32, #tpu.memory_space<vmem>>) dst(%dma_wait3A_182 : memref<10000x128xf32, #tpu.memory_space<vmem_shared>>)
      %dma_wait3A_183 = arith.constant 0 : i32
      %dma_wait3A_184 = tpu.memref_slice %arg24[%dma_wait3A_183] : memref<10240xf32, #tpu.memory_space<vmem_shared>> -> memref<10240xf32, #tpu.memory_space<vmem_shared>>
      tpu.wait_indirect_dma semaphore(%arg28 : memref<!tpu.dma_semaphore, #tpu.memory_space<semaphore_mem>>) src(%arg22 : memref<80xf32, #tpu.memory_space<vmem>>) dst(%dma_wait3A_184 : memref<10240xf32, #tpu.memory_space<vmem_shared>>)
      %dma_wait3A_185 = arith.constant 0 : i32
      %dma_wait3A_186 = arith.constant 0 : i32
      %dma_wait3A_187 = tpu.memref_slice %arg23[%dma_wait3A_185, %dma_wait3A_186] : memref<10000x128xf32, #tpu.memory_space<vmem_shared>> -> memref<10000x128xf32, #tpu.memory_space<vmem_shared>>
      tpu.wait_indirect_dma semaphore(%arg27 : memref<!tpu.dma_semaphore, #tpu.memory_space<semaphore_mem>>) src(%arg21 : memref<80x128xf32, #tpu.memory_space<vmem>>) dst(%dma_wait3A_187 : memref<10000x128xf32, #tpu.memory_space<vmem_shared>>)
      %dma_wait3A_188 = arith.constant 0 : i32
      %dma_wait3A_189 = tpu.memref_slice %arg24[%dma_wait3A_188] : memref<10240xf32, #tpu.memory_space<vmem_shared>> -> memref<10240xf32, #tpu.memory_space<vmem_shared>>
      tpu.wait_indirect_dma semaphore(%arg28 : memref<!tpu.dma_semaphore, #tpu.memory_space<semaphore_mem>>) src(%arg22 : memref<80xf32, #tpu.memory_space<vmem>>) dst(%dma_wait3A_189 : memref<10240xf32, #tpu.memory_space<vmem_shared>>)
    }
    %scan3A_51 = arith.constant 31 : i32
    %mul3A_52 = arith.constant 10000 : i32
    %mul3A_53 = arith.muli %add3A, %mul3A_52 : i32
    %add3A_54 = arith.constant 9920 : i32
    %add3A_55 = arith.addi %mul3A_53, %add3A_54 : i32
    "tpu.region"() ({
      %run_scoped3A = tpu.sem_alloc : memref<!tpu.dma_semaphore, #tpu.memory_space<semaphore_mem>>
      %dma_start3A_76 = tpu.memref_slice %arg3[%add3A_55] : memref<320000xi32, #tpu.memory_space<hbm>> -> memref<80xi32, #tpu.memory_space<hbm>>
      %dma_start3A_77 = tpu.memref_slice %arg3[%add3A_55] : memref<320000xi32, #tpu.memory_space<hbm>> -> memref<80xi32, #tpu.memory_space<hbm>>
      tpu.enqueue_dma source(%dma_start3A_77 : memref<80xi32, #tpu.memory_space<hbm>>) target(%arg10 : memref<80xi32, #tpu.memory_space<vmem>>) target_semaphore(%run_scoped3A : memref<!tpu.dma_semaphore, #tpu.memory_space<semaphore_mem>>)
      %dma_wait3A_78 = tpu.memref_slice %arg3[%add3A_55] : memref<320000xi32, #tpu.memory_space<hbm>> -> memref<80xi32, #tpu.memory_space<hbm>>
      %dma_wait3A_79 = tpu.memref_slice %arg3[%add3A_55] : memref<320000xi32, #tpu.memory_space<hbm>> -> memref<80xi32, #tpu.memory_space<hbm>>
      tpu.wait_dma2 semaphore(%run_scoped3A : memref<!tpu.dma_semaphore, #tpu.memory_space<semaphore_mem>>) src(%dma_wait3A_79 : memref<80xi32, #tpu.memory_space<hbm>>) dst(%arg10 : memref<80xi32, #tpu.memory_space<vmem>>)
      tpu.yield
    }) : () -> ()
    "tpu.region"() ({
      %run_scoped3A = tpu.sem_alloc : memref<!tpu.dma_semaphore, #tpu.memory_space<semaphore_mem>>
      %dma_start3A_76 = tpu.memref_slice %arg4[%add3A_55] : memref<320000xi32, #tpu.memory_space<hbm>> -> memref<80xi32, #tpu.memory_space<hbm>>
      %dma_start3A_77 = tpu.memref_slice %arg4[%add3A_55] : memref<320000xi32, #tpu.memory_space<hbm>> -> memref<80xi32, #tpu.memory_space<hbm>>
      tpu.enqueue_dma source(%dma_start3A_77 : memref<80xi32, #tpu.memory_space<hbm>>) target(%arg14 : memref<80xi32, #tpu.memory_space<vmem>>) target_semaphore(%run_scoped3A : memref<!tpu.dma_semaphore, #tpu.memory_space<semaphore_mem>>)
      %dma_wait3A_78 = tpu.memref_slice %arg4[%add3A_55] : memref<320000xi32, #tpu.memory_space<hbm>> -> memref<80xi32, #tpu.memory_space<hbm>>
      %dma_wait3A_79 = tpu.memref_slice %arg4[%add3A_55] : memref<320000xi32, #tpu.memory_space<hbm>> -> memref<80xi32, #tpu.memory_space<hbm>>
      tpu.wait_dma2 semaphore(%run_scoped3A : memref<!tpu.dma_semaphore, #tpu.memory_space<semaphore_mem>>) src(%dma_wait3A_79 : memref<80xi32, #tpu.memory_space<hbm>>) dst(%arg14 : memref<80xi32, #tpu.memory_space<vmem>>)
      tpu.yield
    }) : () -> ()
    %dma_start3A_56 = arith.constant 0 : i32
    %dma_start3A_57 = arith.constant 0 : i32
    %dma_start3A_58 = tpu.memref_slice %arg2[%dma_start3A_56, %dma_start3A_57] : memref<10000x128xf32, #tpu.memory_space<hbm>> -> memref<10000x128xf32, #tpu.memory_space<hbm>>
    tpu.enqueue_indirect_dma source(%dma_start3A_58 : memref<10000x128xf32, #tpu.memory_space<hbm>>) target(%arg18 : memref<80x128xf32, #tpu.memory_space<vmem>>) offsets(%arg10 : memref<80xi32, #tpu.memory_space<vmem>>) semaphore(%arg26 : memref<!tpu.dma_semaphore, #tpu.memory_space<semaphore_mem>>)
    %dma_wait3A_59 = arith.constant 0 : i32
    %dma_wait3A_60 = arith.constant 0 : i32
    %dma_wait3A_61 = tpu.memref_slice %arg2[%dma_wait3A_59, %dma_wait3A_60] : memref<10000x128xf32, #tpu.memory_space<hbm>> -> memref<10000x128xf32, #tpu.memory_space<hbm>>
    tpu.wait_indirect_dma semaphore(%arg26 : memref<!tpu.dma_semaphore, #tpu.memory_space<semaphore_mem>>) src(%dma_wait3A_61 : memref<10000x128xf32, #tpu.memory_space<hbm>>) dst(%arg18 : memref<80x128xf32, #tpu.memory_space<vmem>>)
    "tpu.region"() ({
      %run_scoped3A = tpu.sem_alloc : memref<!tpu.dma_semaphore, #tpu.memory_space<semaphore_mem>>
      %dma_start3A_76 = arith.constant 0 : i32
      %dma_start3A_77 = arith.constant 0 : i32
      %dma_start3A_78 = tpu.memref_slice %arg23[%dma_start3A_76, %dma_start3A_77] : memref<10000x128xf32, #tpu.memory_space<vmem_shared>> -> memref<10000x128xf32, #tpu.memory_space<vmem_shared>>
      tpu.enqueue_indirect_dma source(%arg18 : memref<80x128xf32, #tpu.memory_space<vmem>>) target(%dma_start3A_78 : memref<10000x128xf32, #tpu.memory_space<vmem_shared>>) offsets(%arg14 : memref<80xi32, #tpu.memory_space<vmem>>) semaphore(%run_scoped3A : memref<!tpu.dma_semaphore, #tpu.memory_space<semaphore_mem>>) {add = true}
      %dma_wait3A_79 = arith.constant 0 : i32
      %dma_wait3A_80 = arith.constant 0 : i32
      %dma_wait3A_81 = tpu.memref_slice %arg23[%dma_wait3A_79, %dma_wait3A_80] : memref<10000x128xf32, #tpu.memory_space<vmem_shared>> -> memref<10000x128xf32, #tpu.memory_space<vmem_shared>>
      tpu.wait_indirect_dma semaphore(%run_scoped3A : memref<!tpu.dma_semaphore, #tpu.memory_space<semaphore_mem>>) src(%arg18 : memref<80x128xf32, #tpu.memory_space<vmem>>) dst(%dma_wait3A_81 : memref<10000x128xf32, #tpu.memory_space<vmem_shared>>)
      tpu.yield
    }) : () -> ()
    "tpu.region"() ({
      %run_scoped3A = tpu.sem_alloc : memref<!tpu.dma_semaphore, #tpu.memory_space<semaphore_mem>>
      %dma_start3A_76 = arith.constant 0 : i32
      %dma_start3A_77 = tpu.memref_slice %arg24[%dma_start3A_76] : memref<10240xf32, #tpu.memory_space<vmem_shared>> -> memref<10240xf32, #tpu.memory_space<vmem_shared>>
      tpu.enqueue_indirect_dma source(%arg22 : memref<80xf32, #tpu.memory_space<vmem>>) target(%dma_start3A_77 : memref<10240xf32, #tpu.memory_space<vmem_shared>>) offsets(%arg14 : memref<80xi32, #tpu.memory_space<vmem>>) semaphore(%run_scoped3A : memref<!tpu.dma_semaphore, #tpu.memory_space<semaphore_mem>>) {add = true}
      %dma_wait3A_78 = arith.constant 0 : i32
      %dma_wait3A_79 = tpu.memref_slice %arg24[%dma_wait3A_78] : memref<10240xf32, #tpu.memory_space<vmem_shared>> -> memref<10240xf32, #tpu.memory_space<vmem_shared>>
      tpu.wait_indirect_dma semaphore(%run_scoped3A : memref<!tpu.dma_semaphore, #tpu.memory_space<semaphore_mem>>) src(%arg22 : memref<80xf32, #tpu.memory_space<vmem>>) dst(%dma_wait3A_79 : memref<10240xf32, #tpu.memory_space<vmem_shared>>)
      tpu.yield
    }) : () -> ()
    %barrier3A_62 = arith.constant 0 : index
    tpu.barrier barrier_id(%barrier3A_62)
    %mul3A_63 = arith.constant 624 : i32
    %mul3A_64 = arith.muli %arg1, %mul3A_63 : i32
    %mul3A_65 = arith.constant 624 : i32
    %mul3A_66 = arith.muli %arg1, %mul3A_65 : i32
    "tpu.region"() ({
      %run_scoped3A = tpu.sem_alloc : memref<!tpu.dma_semaphore, #tpu.memory_space<semaphore_mem>>
      %dma_start3A_76 = arith.constant 0 : i32
      %dma_start3A_77 = tpu.memref_slice %arg8[%arg0, %mul3A_66, %dma_start3A_76] : memref<2x10000x128xf32, #tpu.memory_space<hbm>> -> memref<1x624x128xf32, #tpu.memory_space<hbm>>
      %dma_start3A_78 = tpu.memref_squeeze %dma_start3A_77 : memref<1x624x128xf32, #tpu.memory_space<hbm>> -> memref<624x128xf32, #tpu.memory_space<hbm>>
      %dma_start3A_79 = arith.constant 0 : i32
      %dma_start3A_80 = tpu.memref_slice %arg23[%mul3A_64, %dma_start3A_79] : memref<10000x128xf32, #tpu.memory_space<vmem_shared>> -> memref<624x128xf32, #tpu.memory_space<vmem_shared>>
      tpu.enqueue_dma source(%dma_start3A_80 : memref<624x128xf32, #tpu.memory_space<vmem_shared>>) target(%dma_start3A_78 : memref<624x128xf32, #tpu.memory_space<hbm>>) target_semaphore(%run_scoped3A : memref<!tpu.dma_semaphore, #tpu.memory_space<semaphore_mem>>)
      %dma_wait3A_81 = arith.constant 0 : i32
      %dma_wait3A_82 = tpu.memref_slice %arg8[%arg0, %mul3A_66, %dma_wait3A_81] : memref<2x10000x128xf32, #tpu.memory_space<hbm>> -> memref<1x624x128xf32, #tpu.memory_space<hbm>>
      %dma_wait3A_83 = tpu.memref_squeeze %dma_wait3A_82 : memref<1x624x128xf32, #tpu.memory_space<hbm>> -> memref<624x128xf32, #tpu.memory_space<hbm>>
      %dma_wait3A_84 = arith.constant 0 : i32
      %dma_wait3A_85 = tpu.memref_slice %arg23[%mul3A_64, %dma_wait3A_84] : memref<10000x128xf32, #tpu.memory_space<vmem_shared>> -> memref<624x128xf32, #tpu.memory_space<vmem_shared>>
      tpu.wait_dma2 semaphore(%run_scoped3A : memref<!tpu.dma_semaphore, #tpu.memory_space<semaphore_mem>>) src(%dma_wait3A_85 : memref<624x128xf32, #tpu.memory_space<vmem_shared>>) dst(%dma_wait3A_83 : memref<624x128xf32, #tpu.memory_space<hbm>>)
      tpu.yield
    }) : () -> ()
    %eq3A_67 = arith.constant 15 : i32
    %eq3A_68 = arith.cmpi eq, %arg1, %eq3A_67 : i32
    %convert_element_type3A_69 = arith.extui %eq3A_68 : i1 to i32
    %cond3A_70 = arith.constant 0 : i32
    %cond3A_71 = arith.cmpi ne, %convert_element_type3A_69, %cond3A_70 : i32
    scf.if %cond3A_71 {
      "tpu.region"() ({
        %run_scoped3A = tpu.sem_alloc : memref<!tpu.dma_semaphore, #tpu.memory_space<semaphore_mem>>
        %dma_start3A_76 = arith.constant 9984 : i32
        %dma_start3A_77 = arith.constant 0 : i32
        %dma_start3A_78 = tpu.memref_slice %arg8[%arg0, %dma_start3A_76, %dma_start3A_77] : memref<2x10000x128xf32, #tpu.memory_space<hbm>> -> memref<1x16x128xf32, #tpu.memory_space<hbm>>
        %dma_start3A_79 = tpu.memref_squeeze %dma_start3A_78 : memref<1x16x128xf32, #tpu.memory_space<hbm>> -> memref<16x128xf32, #tpu.memory_space<hbm>>
        %dma_start3A_80 = arith.constant 9984 : i32
        %dma_start3A_81 = arith.constant 0 : i32
        %dma_start3A_82 = tpu.memref_slice %arg23[%dma_start3A_80, %dma_start3A_81] : memref<10000x128xf32, #tpu.memory_space<vmem_shared>> -> memref<16x128xf32, #tpu.memory_space<vmem_shared>>
        tpu.enqueue_dma source(%dma_start3A_82 : memref<16x128xf32, #tpu.memory_space<vmem_shared>>) target(%dma_start3A_79 : memref<16x128xf32, #tpu.memory_space<hbm>>) target_semaphore(%run_scoped3A : memref<!tpu.dma_semaphore, #tpu.memory_space<semaphore_mem>>)
        %dma_wait3A_83 = arith.constant 9984 : i32
        %dma_wait3A_84 = arith.constant 0 : i32
        %dma_wait3A_85 = tpu.memref_slice %arg8[%arg0, %dma_wait3A_83, %dma_wait3A_84] : memref<2x10000x128xf32, #tpu.memory_space<hbm>> -> memref<1x16x128xf32, #tpu.memory_space<hbm>>
        %dma_wait3A_86 = tpu.memref_squeeze %dma_wait3A_85 : memref<1x16x128xf32, #tpu.memory_space<hbm>> -> memref<16x128xf32, #tpu.memory_space<hbm>>
        %dma_wait3A_87 = arith.constant 9984 : i32
        %dma_wait3A_88 = arith.constant 0 : i32
        %dma_wait3A_89 = tpu.memref_slice %arg23[%dma_wait3A_87, %dma_wait3A_88] : memref<10000x128xf32, #tpu.memory_space<vmem_shared>> -> memref<16x128xf32, #tpu.memory_space<vmem_shared>>
        tpu.wait_dma2 semaphore(%run_scoped3A : memref<!tpu.dma_semaphore, #tpu.memory_space<semaphore_mem>>) src(%dma_wait3A_89 : memref<16x128xf32, #tpu.memory_space<vmem_shared>>) dst(%dma_wait3A_86 : memref<16x128xf32, #tpu.memory_space<hbm>>)
        tpu.yield
      }) : () -> ()
    } else {
    }
    %mul3A_72 = arith.constant 640 : i32
    %mul3A_73 = arith.muli %arg1, %mul3A_72 : i32
    %mul3A_74 = arith.constant 640 : i32
    %mul3A_75 = arith.muli %arg1, %mul3A_74 : i32
    "tpu.region"() ({
      %run_scoped3A = tpu.sem_alloc : memref<!tpu.dma_semaphore, #tpu.memory_space<semaphore_mem>>
      %dma_start3A_76 = tpu.memref_slice %arg9[%arg0, %mul3A_75] : memref<2x10240xf32, #tpu.memory_space<hbm>> -> memref<1x640xf32, #tpu.memory_space<hbm>>
      %dma_start3A_77 = tpu.memref_squeeze %dma_start3A_76 : memref<1x640xf32, #tpu.memory_space<hbm>> -> memref<640xf32, #tpu.memory_space<hbm>>
      %dma_start3A_78 = tpu.memref_slice %arg24[%mul3A_73] : memref<10240xf32, #tpu.memory_space<vmem_shared>> -> memref<640xf32, #tpu.memory_space<vmem_shared>>
      tpu.enqueue_dma source(%dma_start3A_78 : memref<640xf32, #tpu.memory_space<vmem_shared>>) target(%dma_start3A_77 : memref<640xf32, #tpu.memory_space<hbm>>) target_semaphore(%run_scoped3A : memref<!tpu.dma_semaphore, #tpu.memory_space<semaphore_mem>>)
      %dma_wait3A_79 = tpu.memref_slice %arg9[%arg0, %mul3A_75] : memref<2x10240xf32, #tpu.memory_space<hbm>> -> memref<1x640xf32, #tpu.memory_space<hbm>>
      %dma_wait3A_80 = tpu.memref_squeeze %dma_wait3A_79 : memref<1x640xf32, #tpu.memory_space<hbm>> -> memref<640xf32, #tpu.memory_space<hbm>>
      %dma_wait3A_81 = tpu.memref_slice %arg24[%mul3A_73] : memref<10240xf32, #tpu.memory_space<vmem_shared>> -> memref<640xf32, #tpu.memory_space<vmem_shared>>
      tpu.wait_dma2 semaphore(%run_scoped3A : memref<!tpu.dma_semaphore, #tpu.memory_space<semaphore_mem>>) src(%dma_wait3A_81 : memref<640xf32, #tpu.memory_space<vmem_shared>>) dst(%dma_wait3A_80 : memref<640xf32, #tpu.memory_space<hbm>>)
      tpu.yield
    }) : () -> ()
    return
  }
}

#map = affine_map<(d0, d1) -> (0, 0)>
#map1 = affine_map<(d0, d1) -> (0)>
#map2 = affine_map<(d0, d1) -> (0, 0, 0)>
module attributes {stable_mosaic.version = 14 : i64} {
  func.func @_sc_body(%arg0: i32, %arg1: i32, %arg2: memref<10000x128xf32, #tpu.memory_space<hbm>>, %arg3: memref<320000xi32, #tpu.memory_space<hbm>>, %arg4: memref<320000xi32, #tpu.memory_space<hbm>>, %arg5: memref<10000x128xf32, #tpu.memory_space<hbm>>, %arg6: memref<2x10000x128xf32, #tpu.memory_space<hbm>>, %arg7: memref<80xi32, #tpu.memory_space<vmem>>, %arg8: memref<80xi32, #tpu.memory_space<vmem>>, %arg9: memref<80xi32, #tpu.memory_space<vmem>>, %arg10: memref<80xi32, #tpu.memory_space<vmem>>, %arg11: memref<80xi32, #tpu.memory_space<vmem>>, %arg12: memref<80xi32, #tpu.memory_space<vmem>>, %arg13: memref<80xi32, #tpu.memory_space<vmem>>, %arg14: memref<80xi32, #tpu.memory_space<vmem>>, %arg15: memref<80x128xf32, #tpu.memory_space<vmem>>, %arg16: memref<80x128xf32, #tpu.memory_space<vmem>>, %arg17: memref<80x128xf32, #tpu.memory_space<vmem>>, %arg18: memref<80x128xf32, #tpu.memory_space<vmem>>, %arg19: memref<10000x128xf32, #tpu.memory_space<vmem_shared>>, %arg20: memref<!tpu.dma_semaphore, #tpu.memory_space<semaphore_mem>>, %arg21: memref<!tpu.dma_semaphore, #tpu.memory_space<semaphore_mem>>, %arg22: memref<!tpu.dma_semaphore, #tpu.memory_space<semaphore_mem>>) attributes {dimension_semantics = [#tpu.dimension_semantics<core_parallel>, #tpu.dimension_semantics<subcore_parallel>], iteration_bounds = array<i64: 2, 16>, scalar_prefetch = 0 : i64, scratch_operands = 16 : i64, tpu.core_type = #tpu.core_type<sc_vector_subcore>, window_params = [{transform_indices = #map}, {transform_indices = #map1}, {transform_indices = #map1}, {transform_indices = #map}, {transform_indices = #map2}]} {
    %mul3A = arith.constant 2 : i32
    %mul3A_0 = arith.muli %arg1, %mul3A : i32
    %add3A = arith.addi %mul3A_0, %arg0 : i32
    %mul3A_1 = arith.constant 624 : i32
    %mul3A_2 = arith.muli %arg1, %mul3A_1 : i32
    %mul3A_3 = arith.constant 624 : i32
    %mul3A_4 = arith.muli %arg1, %mul3A_3 : i32
    "tpu.region"() ({
      %run_scoped3A = tpu.sem_alloc : memref<!tpu.dma_semaphore, #tpu.memory_space<semaphore_mem>>
      %dma_start3A_68 = arith.constant 0 : i32
      %dma_start3A_69 = tpu.memref_slice %arg19[%mul3A_4, %dma_start3A_68] : memref<10000x128xf32, #tpu.memory_space<vmem_shared>> -> memref<624x128xf32, #tpu.memory_space<vmem_shared>>
      %dma_start3A_70 = arith.constant 0 : i32
      %dma_start3A_71 = tpu.memref_slice %arg5[%mul3A_2, %dma_start3A_70] : memref<10000x128xf32, #tpu.memory_space<hbm>> -> memref<624x128xf32, #tpu.memory_space<hbm>>
      tpu.enqueue_dma source(%dma_start3A_71 : memref<624x128xf32, #tpu.memory_space<hbm>>) target(%dma_start3A_69 : memref<624x128xf32, #tpu.memory_space<vmem_shared>>) target_semaphore(%run_scoped3A : memref<!tpu.dma_semaphore, #tpu.memory_space<semaphore_mem>>)
      %dma_wait3A_72 = arith.constant 0 : i32
      %dma_wait3A_73 = tpu.memref_slice %arg19[%mul3A_4, %dma_wait3A_72] : memref<10000x128xf32, #tpu.memory_space<vmem_shared>> -> memref<624x128xf32, #tpu.memory_space<vmem_shared>>
      %dma_wait3A_74 = arith.constant 0 : i32
      %dma_wait3A_75 = tpu.memref_slice %arg5[%mul3A_2, %dma_wait3A_74] : memref<10000x128xf32, #tpu.memory_space<hbm>> -> memref<624x128xf32, #tpu.memory_space<hbm>>
      tpu.wait_dma2 semaphore(%run_scoped3A : memref<!tpu.dma_semaphore, #tpu.memory_space<semaphore_mem>>) src(%dma_wait3A_75 : memref<624x128xf32, #tpu.memory_space<hbm>>) dst(%dma_wait3A_73 : memref<624x128xf32, #tpu.memory_space<vmem_shared>>)
      tpu.yield
    }) : () -> ()
    %eq3A = arith.constant 15 : i32
    %eq3A_5 = arith.cmpi eq, %arg1, %eq3A : i32
    %convert_element_type3A = arith.extui %eq3A_5 : i1 to i32
    %cond3A = arith.constant 0 : i32
    %cond3A_6 = arith.cmpi ne, %convert_element_type3A, %cond3A : i32
    scf.if %cond3A_6 {
      "tpu.region"() ({
        %run_scoped3A = tpu.sem_alloc : memref<!tpu.dma_semaphore, #tpu.memory_space<semaphore_mem>>
        %dma_start3A_68 = arith.constant 9984 : i32
        %dma_start3A_69 = arith.constant 0 : i32
        %dma_start3A_70 = tpu.memref_slice %arg19[%dma_start3A_68, %dma_start3A_69] : memref<10000x128xf32, #tpu.memory_space<vmem_shared>> -> memref<16x128xf32, #tpu.memory_space<vmem_shared>>
        %dma_start3A_71 = arith.constant 9984 : i32
        %dma_start3A_72 = arith.constant 0 : i32
        %dma_start3A_73 = tpu.memref_slice %arg5[%dma_start3A_71, %dma_start3A_72] : memref<10000x128xf32, #tpu.memory_space<hbm>> -> memref<16x128xf32, #tpu.memory_space<hbm>>
        tpu.enqueue_dma source(%dma_start3A_73 : memref<16x128xf32, #tpu.memory_space<hbm>>) target(%dma_start3A_70 : memref<16x128xf32, #tpu.memory_space<vmem_shared>>) target_semaphore(%run_scoped3A : memref<!tpu.dma_semaphore, #tpu.memory_space<semaphore_mem>>)
        %dma_wait3A_74 = arith.constant 9984 : i32
        %dma_wait3A_75 = arith.constant 0 : i32
        %dma_wait3A_76 = tpu.memref_slice %arg19[%dma_wait3A_74, %dma_wait3A_75] : memref<10000x128xf32, #tpu.memory_space<vmem_shared>> -> memref<16x128xf32, #tpu.memory_space<vmem_shared>>
        %dma_wait3A_77 = arith.constant 9984 : i32
        %dma_wait3A_78 = arith.constant 0 : i32
        %dma_wait3A_79 = tpu.memref_slice %arg5[%dma_wait3A_77, %dma_wait3A_78] : memref<10000x128xf32, #tpu.memory_space<hbm>> -> memref<16x128xf32, #tpu.memory_space<hbm>>
        tpu.wait_dma2 semaphore(%run_scoped3A : memref<!tpu.dma_semaphore, #tpu.memory_space<semaphore_mem>>) src(%dma_wait3A_79 : memref<16x128xf32, #tpu.memory_space<hbm>>) dst(%dma_wait3A_76 : memref<16x128xf32, #tpu.memory_space<vmem_shared>>)
        tpu.yield
      }) : () -> ()
    } else {
    }
    %barrier3A = arith.constant 0 : index
    tpu.barrier barrier_id(%barrier3A)
    %mul3A_7 = arith.constant 10000 : i32
    %mul3A_8 = arith.muli %add3A, %mul3A_7 : i32
    %add3A_9 = arith.constant 0 : i32
    %add3A_10 = arith.addi %mul3A_8, %add3A_9 : i32
    %dma_start3A = tpu.memref_slice %arg3[%add3A_10] : memref<320000xi32, #tpu.memory_space<hbm>> -> memref<80xi32, #tpu.memory_space<hbm>>
    %dma_start3A_11 = tpu.memref_slice %arg3[%add3A_10] : memref<320000xi32, #tpu.memory_space<hbm>> -> memref<80xi32, #tpu.memory_space<hbm>>
    tpu.enqueue_dma source(%dma_start3A_11 : memref<80xi32, #tpu.memory_space<hbm>>) target(%arg7 : memref<80xi32, #tpu.memory_space<vmem>>) target_semaphore(%arg20 : memref<!tpu.dma_semaphore, #tpu.memory_space<semaphore_mem>>)
    %dma_start3A_12 = tpu.memref_slice %arg4[%add3A_10] : memref<320000xi32, #tpu.memory_space<hbm>> -> memref<80xi32, #tpu.memory_space<hbm>>
    %dma_start3A_13 = tpu.memref_slice %arg4[%add3A_10] : memref<320000xi32, #tpu.memory_space<hbm>> -> memref<80xi32, #tpu.memory_space<hbm>>
    tpu.enqueue_dma source(%dma_start3A_13 : memref<80xi32, #tpu.memory_space<hbm>>) target(%arg11 : memref<80xi32, #tpu.memory_space<vmem>>) target_semaphore(%arg20 : memref<!tpu.dma_semaphore, #tpu.memory_space<semaphore_mem>>)
    %mul3A_14 = arith.constant 10000 : i32
    %mul3A_15 = arith.muli %add3A, %mul3A_14 : i32
    %add3A_16 = arith.constant 80 : i32
    %add3A_17 = arith.addi %mul3A_15, %add3A_16 : i32
    %dma_start3A_18 = tpu.memref_slice %arg3[%add3A_17] : memref<320000xi32, #tpu.memory_space<hbm>> -> memref<80xi32, #tpu.memory_space<hbm>>
    %dma_start3A_19 = tpu.memref_slice %arg3[%add3A_17] : memref<320000xi32, #tpu.memory_space<hbm>> -> memref<80xi32, #tpu.memory_space<hbm>>
    tpu.enqueue_dma source(%dma_start3A_19 : memref<80xi32, #tpu.memory_space<hbm>>) target(%arg8 : memref<80xi32, #tpu.memory_space<vmem>>) target_semaphore(%arg20 : memref<!tpu.dma_semaphore, #tpu.memory_space<semaphore_mem>>)
    %dma_start3A_20 = tpu.memref_slice %arg4[%add3A_17] : memref<320000xi32, #tpu.memory_space<hbm>> -> memref<80xi32, #tpu.memory_space<hbm>>
    %dma_start3A_21 = tpu.memref_slice %arg4[%add3A_17] : memref<320000xi32, #tpu.memory_space<hbm>> -> memref<80xi32, #tpu.memory_space<hbm>>
    tpu.enqueue_dma source(%dma_start3A_21 : memref<80xi32, #tpu.memory_space<hbm>>) target(%arg12 : memref<80xi32, #tpu.memory_space<vmem>>) target_semaphore(%arg20 : memref<!tpu.dma_semaphore, #tpu.memory_space<semaphore_mem>>)
    %dma_wait3A = arith.constant 0 : i32
    %dma_wait3A_22 = tpu.memref_slice %arg3[%dma_wait3A] : memref<320000xi32, #tpu.memory_space<hbm>> -> memref<80xi32, #tpu.memory_space<hbm>>
    %dma_wait3A_23 = arith.constant 0 : i32
    %dma_wait3A_24 = tpu.memref_slice %arg3[%dma_wait3A_23] : memref<320000xi32, #tpu.memory_space<hbm>> -> memref<80xi32, #tpu.memory_space<hbm>>
    tpu.wait_dma2 semaphore(%arg20 : memref<!tpu.dma_semaphore, #tpu.memory_space<semaphore_mem>>) src(%dma_wait3A_24 : memref<80xi32, #tpu.memory_space<hbm>>) dst(%arg7 : memref<80xi32, #tpu.memory_space<vmem>>)
    %dma_wait3A_25 = arith.constant 0 : i32
    %dma_wait3A_26 = tpu.memref_slice %arg4[%dma_wait3A_25] : memref<320000xi32, #tpu.memory_space<hbm>> -> memref<80xi32, #tpu.memory_space<hbm>>
    %dma_wait3A_27 = arith.constant 0 : i32
    %dma_wait3A_28 = tpu.memref_slice %arg4[%dma_wait3A_27] : memref<320000xi32, #tpu.memory_space<hbm>> -> memref<80xi32, #tpu.memory_space<hbm>>
    tpu.wait_dma2 semaphore(%arg20 : memref<!tpu.dma_semaphore, #tpu.memory_space<semaphore_mem>>) src(%dma_wait3A_28 : memref<80xi32, #tpu.memory_space<hbm>>) dst(%arg11 : memref<80xi32, #tpu.memory_space<vmem>>)
    %dma_wait3A_29 = arith.constant 0 : i32
    %dma_wait3A_30 = tpu.memref_slice %arg3[%dma_wait3A_29] : memref<320000xi32, #tpu.memory_space<hbm>> -> memref<80xi32, #tpu.memory_space<hbm>>
    %dma_wait3A_31 = arith.constant 0 : i32
    %dma_wait3A_32 = tpu.memref_slice %arg3[%dma_wait3A_31] : memref<320000xi32, #tpu.memory_space<hbm>> -> memref<80xi32, #tpu.memory_space<hbm>>
    tpu.wait_dma2 semaphore(%arg20 : memref<!tpu.dma_semaphore, #tpu.memory_space<semaphore_mem>>) src(%dma_wait3A_32 : memref<80xi32, #tpu.memory_space<hbm>>) dst(%arg8 : memref<80xi32, #tpu.memory_space<vmem>>)
    %dma_wait3A_33 = arith.constant 0 : i32
    %dma_wait3A_34 = tpu.memref_slice %arg4[%dma_wait3A_33] : memref<320000xi32, #tpu.memory_space<hbm>> -> memref<80xi32, #tpu.memory_space<hbm>>
    %dma_wait3A_35 = arith.constant 0 : i32
    %dma_wait3A_36 = tpu.memref_slice %arg4[%dma_wait3A_35] : memref<320000xi32, #tpu.memory_space<hbm>> -> memref<80xi32, #tpu.memory_space<hbm>>
    tpu.wait_dma2 semaphore(%arg20 : memref<!tpu.dma_semaphore, #tpu.memory_space<semaphore_mem>>) src(%dma_wait3A_36 : memref<80xi32, #tpu.memory_space<hbm>>) dst(%arg12 : memref<80xi32, #tpu.memory_space<vmem>>)
    %dma_start3A_37 = arith.constant 0 : i32
    %dma_start3A_38 = arith.constant 0 : i32
    %dma_start3A_39 = tpu.memref_slice %arg2[%dma_start3A_37, %dma_start3A_38] : memref<10000x128xf32, #tpu.memory_space<hbm>> -> memref<10000x128xf32, #tpu.memory_space<hbm>>
    tpu.enqueue_indirect_dma source(%dma_start3A_39 : memref<10000x128xf32, #tpu.memory_space<hbm>>) target(%arg15 : memref<80x128xf32, #tpu.memory_space<vmem>>) offsets(%arg7 : memref<80xi32, #tpu.memory_space<vmem>>) semaphore(%arg21 : memref<!tpu.dma_semaphore, #tpu.memory_space<semaphore_mem>>)
    %dma_start3A_40 = arith.constant 0 : i32
    %dma_start3A_41 = arith.constant 0 : i32
    %dma_start3A_42 = tpu.memref_slice %arg2[%dma_start3A_40, %dma_start3A_41] : memref<10000x128xf32, #tpu.memory_space<hbm>> -> memref<10000x128xf32, #tpu.memory_space<hbm>>
    tpu.enqueue_indirect_dma source(%dma_start3A_42 : memref<10000x128xf32, #tpu.memory_space<hbm>>) target(%arg16 : memref<80x128xf32, #tpu.memory_space<vmem>>) offsets(%arg8 : memref<80xi32, #tpu.memory_space<vmem>>) semaphore(%arg21 : memref<!tpu.dma_semaphore, #tpu.memory_space<semaphore_mem>>)
    %scan3A = arith.constant 0 : i32
    %scan3A_43 = arith.constant 0 : i32
    %scan3A_44 = arith.constant 31 : i32
    %scan3A_45 = arith.addi %scan3A_43, %scan3A_44 : i32
    %scan3A_46 = arith.constant 1 : i32
    scf.for %scan3A_68 = %scan3A_43 to %scan3A_45 step %scan3A_46  : i32 {
      %mul3A_69 = arith.constant 2 : i32
      %mul3A_70 = arith.muli %mul3A_69, %scan3A_68 : i32
      %add3A_71 = arith.constant 1 : i32
      %add3A_72 = arith.addi %mul3A_70, %add3A_71 : i32
      %mul3A_73 = arith.constant 10000 : i32
      %mul3A_74 = arith.muli %add3A, %mul3A_73 : i32
      %mul3A_75 = arith.constant 2 : i32
      %mul3A_76 = arith.muli %add3A_72, %mul3A_75 : i32
      %add3A_77 = arith.constant 0 : i32
      %add3A_78 = arith.addi %mul3A_76, %add3A_77 : i32
      %mul3A_79 = arith.constant 80 : i32
      %mul3A_80 = arith.muli %add3A_78, %mul3A_79 : i32
      %add3A_81 = arith.addi %mul3A_74, %mul3A_80 : i32
      %dma_start3A_82 = tpu.memref_slice %arg3[%add3A_81] : memref<320000xi32, #tpu.memory_space<hbm>> -> memref<80xi32, #tpu.memory_space<hbm>>
      %dma_start3A_83 = tpu.memref_slice %arg3[%add3A_81] : memref<320000xi32, #tpu.memory_space<hbm>> -> memref<80xi32, #tpu.memory_space<hbm>>
      tpu.enqueue_dma source(%dma_start3A_83 : memref<80xi32, #tpu.memory_space<hbm>>) target(%arg9 : memref<80xi32, #tpu.memory_space<vmem>>) target_semaphore(%arg20 : memref<!tpu.dma_semaphore, #tpu.memory_space<semaphore_mem>>)
      %dma_start3A_84 = tpu.memref_slice %arg4[%add3A_81] : memref<320000xi32, #tpu.memory_space<hbm>> -> memref<80xi32, #tpu.memory_space<hbm>>
      %dma_start3A_85 = tpu.memref_slice %arg4[%add3A_81] : memref<320000xi32, #tpu.memory_space<hbm>> -> memref<80xi32, #tpu.memory_space<hbm>>
      tpu.enqueue_dma source(%dma_start3A_85 : memref<80xi32, #tpu.memory_space<hbm>>) target(%arg13 : memref<80xi32, #tpu.memory_space<vmem>>) target_semaphore(%arg20 : memref<!tpu.dma_semaphore, #tpu.memory_space<semaphore_mem>>)
      %mul3A_86 = arith.constant 10000 : i32
      %mul3A_87 = arith.muli %add3A, %mul3A_86 : i32
      %mul3A_88 = arith.constant 2 : i32
      %mul3A_89 = arith.muli %add3A_72, %mul3A_88 : i32
      %add3A_90 = arith.constant 1 : i32
      %add3A_91 = arith.addi %mul3A_89, %add3A_90 : i32
      %mul3A_92 = arith.constant 80 : i32
      %mul3A_93 = arith.muli %add3A_91, %mul3A_92 : i32
      %add3A_94 = arith.addi %mul3A_87, %mul3A_93 : i32
      %dma_start3A_95 = tpu.memref_slice %arg3[%add3A_94] : memref<320000xi32, #tpu.memory_space<hbm>> -> memref<80xi32, #tpu.memory_space<hbm>>
      %dma_start3A_96 = tpu.memref_slice %arg3[%add3A_94] : memref<320000xi32, #tpu.memory_space<hbm>> -> memref<80xi32, #tpu.memory_space<hbm>>
      tpu.enqueue_dma source(%dma_start3A_96 : memref<80xi32, #tpu.memory_space<hbm>>) target(%arg10 : memref<80xi32, #tpu.memory_space<vmem>>) target_semaphore(%arg20 : memref<!tpu.dma_semaphore, #tpu.memory_space<semaphore_mem>>)
      %dma_start3A_97 = tpu.memref_slice %arg4[%add3A_94] : memref<320000xi32, #tpu.memory_space<hbm>> -> memref<80xi32, #tpu.memory_space<hbm>>
      %dma_start3A_98 = tpu.memref_slice %arg4[%add3A_94] : memref<320000xi32, #tpu.memory_space<hbm>> -> memref<80xi32, #tpu.memory_space<hbm>>
      tpu.enqueue_dma source(%dma_start3A_98 : memref<80xi32, #tpu.memory_space<hbm>>) target(%arg14 : memref<80xi32, #tpu.memory_space<vmem>>) target_semaphore(%arg20 : memref<!tpu.dma_semaphore, #tpu.memory_space<semaphore_mem>>)
      %dma_wait3A_99 = arith.constant 0 : i32
      %dma_wait3A_100 = arith.constant 0 : i32
      %dma_wait3A_101 = tpu.memref_slice %arg2[%dma_wait3A_99, %dma_wait3A_100] : memref<10000x128xf32, #tpu.memory_space<hbm>> -> memref<10000x128xf32, #tpu.memory_space<hbm>>
      tpu.wait_indirect_dma semaphore(%arg21 : memref<!tpu.dma_semaphore, #tpu.memory_space<semaphore_mem>>) src(%dma_wait3A_101 : memref<10000x128xf32, #tpu.memory_space<hbm>>) dst(%arg15 : memref<80x128xf32, #tpu.memory_space<vmem>>)
      %dma_wait3A_102 = arith.constant 0 : i32
      %dma_wait3A_103 = arith.constant 0 : i32
      %dma_wait3A_104 = tpu.memref_slice %arg2[%dma_wait3A_102, %dma_wait3A_103] : memref<10000x128xf32, #tpu.memory_space<hbm>> -> memref<10000x128xf32, #tpu.memory_space<hbm>>
      tpu.wait_indirect_dma semaphore(%arg21 : memref<!tpu.dma_semaphore, #tpu.memory_space<semaphore_mem>>) src(%dma_wait3A_104 : memref<10000x128xf32, #tpu.memory_space<hbm>>) dst(%arg16 : memref<80x128xf32, #tpu.memory_space<vmem>>)
      %dma_start3A_105 = arith.constant 0 : i32
      %dma_start3A_106 = arith.constant 0 : i32
      %dma_start3A_107 = tpu.memref_slice %arg19[%dma_start3A_105, %dma_start3A_106] : memref<10000x128xf32, #tpu.memory_space<vmem_shared>> -> memref<10000x128xf32, #tpu.memory_space<vmem_shared>>
      tpu.enqueue_indirect_dma source(%arg15 : memref<80x128xf32, #tpu.memory_space<vmem>>) target(%dma_start3A_107 : memref<10000x128xf32, #tpu.memory_space<vmem_shared>>) offsets(%arg11 : memref<80xi32, #tpu.memory_space<vmem>>) semaphore(%arg22 : memref<!tpu.dma_semaphore, #tpu.memory_space<semaphore_mem>>) {add = true}
      %dma_start3A_108 = arith.constant 0 : i32
      %dma_start3A_109 = arith.constant 0 : i32
      %dma_start3A_110 = tpu.memref_slice %arg19[%dma_start3A_108, %dma_start3A_109] : memref<10000x128xf32, #tpu.memory_space<vmem_shared>> -> memref<10000x128xf32, #tpu.memory_space<vmem_shared>>
      tpu.enqueue_indirect_dma source(%arg16 : memref<80x128xf32, #tpu.memory_space<vmem>>) target(%dma_start3A_110 : memref<10000x128xf32, #tpu.memory_space<vmem_shared>>) offsets(%arg12 : memref<80xi32, #tpu.memory_space<vmem>>) semaphore(%arg22 : memref<!tpu.dma_semaphore, #tpu.memory_space<semaphore_mem>>) {add = true}
      %dma_wait3A_111 = arith.constant 0 : i32
      %dma_wait3A_112 = tpu.memref_slice %arg3[%dma_wait3A_111] : memref<320000xi32, #tpu.memory_space<hbm>> -> memref<80xi32, #tpu.memory_space<hbm>>
      %dma_wait3A_113 = arith.constant 0 : i32
      %dma_wait3A_114 = tpu.memref_slice %arg3[%dma_wait3A_113] : memref<320000xi32, #tpu.memory_space<hbm>> -> memref<80xi32, #tpu.memory_space<hbm>>
      tpu.wait_dma2 semaphore(%arg20 : memref<!tpu.dma_semaphore, #tpu.memory_space<semaphore_mem>>) src(%dma_wait3A_114 : memref<80xi32, #tpu.memory_space<hbm>>) dst(%arg9 : memref<80xi32, #tpu.memory_space<vmem>>)
      %dma_wait3A_115 = arith.constant 0 : i32
      %dma_wait3A_116 = tpu.memref_slice %arg4[%dma_wait3A_115] : memref<320000xi32, #tpu.memory_space<hbm>> -> memref<80xi32, #tpu.memory_space<hbm>>
      %dma_wait3A_117 = arith.constant 0 : i32
      %dma_wait3A_118 = tpu.memref_slice %arg4[%dma_wait3A_117] : memref<320000xi32, #tpu.memory_space<hbm>> -> memref<80xi32, #tpu.memory_space<hbm>>
      tpu.wait_dma2 semaphore(%arg20 : memref<!tpu.dma_semaphore, #tpu.memory_space<semaphore_mem>>) src(%dma_wait3A_118 : memref<80xi32, #tpu.memory_space<hbm>>) dst(%arg13 : memref<80xi32, #tpu.memory_space<vmem>>)
      %dma_wait3A_119 = arith.constant 0 : i32
      %dma_wait3A_120 = tpu.memref_slice %arg3[%dma_wait3A_119] : memref<320000xi32, #tpu.memory_space<hbm>> -> memref<80xi32, #tpu.memory_space<hbm>>
      %dma_wait3A_121 = arith.constant 0 : i32
      %dma_wait3A_122 = tpu.memref_slice %arg3[%dma_wait3A_121] : memref<320000xi32, #tpu.memory_space<hbm>> -> memref<80xi32, #tpu.memory_space<hbm>>
      tpu.wait_dma2 semaphore(%arg20 : memref<!tpu.dma_semaphore, #tpu.memory_space<semaphore_mem>>) src(%dma_wait3A_122 : memref<80xi32, #tpu.memory_space<hbm>>) dst(%arg10 : memref<80xi32, #tpu.memory_space<vmem>>)
      %dma_wait3A_123 = arith.constant 0 : i32
      %dma_wait3A_124 = tpu.memref_slice %arg4[%dma_wait3A_123] : memref<320000xi32, #tpu.memory_space<hbm>> -> memref<80xi32, #tpu.memory_space<hbm>>
      %dma_wait3A_125 = arith.constant 0 : i32
      %dma_wait3A_126 = tpu.memref_slice %arg4[%dma_wait3A_125] : memref<320000xi32, #tpu.memory_space<hbm>> -> memref<80xi32, #tpu.memory_space<hbm>>
      tpu.wait_dma2 semaphore(%arg20 : memref<!tpu.dma_semaphore, #tpu.memory_space<semaphore_mem>>) src(%dma_wait3A_126 : memref<80xi32, #tpu.memory_space<hbm>>) dst(%arg14 : memref<80xi32, #tpu.memory_space<vmem>>)
      %dma_start3A_127 = arith.constant 0 : i32
      %dma_start3A_128 = arith.constant 0 : i32
      %dma_start3A_129 = tpu.memref_slice %arg2[%dma_start3A_127, %dma_start3A_128] : memref<10000x128xf32, #tpu.memory_space<hbm>> -> memref<10000x128xf32, #tpu.memory_space<hbm>>
      tpu.enqueue_indirect_dma source(%dma_start3A_129 : memref<10000x128xf32, #tpu.memory_space<hbm>>) target(%arg17 : memref<80x128xf32, #tpu.memory_space<vmem>>) offsets(%arg9 : memref<80xi32, #tpu.memory_space<vmem>>) semaphore(%arg21 : memref<!tpu.dma_semaphore, #tpu.memory_space<semaphore_mem>>)
      %dma_start3A_130 = arith.constant 0 : i32
      %dma_start3A_131 = arith.constant 0 : i32
      %dma_start3A_132 = tpu.memref_slice %arg2[%dma_start3A_130, %dma_start3A_131] : memref<10000x128xf32, #tpu.memory_space<hbm>> -> memref<10000x128xf32, #tpu.memory_space<hbm>>
      tpu.enqueue_indirect_dma source(%dma_start3A_132 : memref<10000x128xf32, #tpu.memory_space<hbm>>) target(%arg18 : memref<80x128xf32, #tpu.memory_space<vmem>>) offsets(%arg10 : memref<80xi32, #tpu.memory_space<vmem>>) semaphore(%arg21 : memref<!tpu.dma_semaphore, #tpu.memory_space<semaphore_mem>>)
      %dma_wait3A_133 = arith.constant 0 : i32
      %dma_wait3A_134 = arith.constant 0 : i32
      %dma_wait3A_135 = tpu.memref_slice %arg19[%dma_wait3A_133, %dma_wait3A_134] : memref<10000x128xf32, #tpu.memory_space<vmem_shared>> -> memref<10000x128xf32, #tpu.memory_space<vmem_shared>>
      tpu.wait_indirect_dma semaphore(%arg22 : memref<!tpu.dma_semaphore, #tpu.memory_space<semaphore_mem>>) src(%arg15 : memref<80x128xf32, #tpu.memory_space<vmem>>) dst(%dma_wait3A_135 : memref<10000x128xf32, #tpu.memory_space<vmem_shared>>)
      %dma_wait3A_136 = arith.constant 0 : i32
      %dma_wait3A_137 = arith.constant 0 : i32
      %dma_wait3A_138 = tpu.memref_slice %arg19[%dma_wait3A_136, %dma_wait3A_137] : memref<10000x128xf32, #tpu.memory_space<vmem_shared>> -> memref<10000x128xf32, #tpu.memory_space<vmem_shared>>
      tpu.wait_indirect_dma semaphore(%arg22 : memref<!tpu.dma_semaphore, #tpu.memory_space<semaphore_mem>>) src(%arg16 : memref<80x128xf32, #tpu.memory_space<vmem>>) dst(%dma_wait3A_138 : memref<10000x128xf32, #tpu.memory_space<vmem_shared>>)
      %lt3A = arith.constant 30 : i32
      %lt3A_139 = arith.cmpi slt, %scan3A_68, %lt3A : i32
      %convert_element_type3A_140 = arith.extui %lt3A_139 : i1 to i32
      %cond3A_141 = arith.constant 0 : i32
      %cond3A_142 = arith.cmpi ne, %convert_element_type3A_140, %cond3A_141 : i32
      scf.if %cond3A_142 {
        %add3A_166 = arith.constant 2 : i32
        %add3A_167 = arith.addi %mul3A_70, %add3A_166 : i32
        %mul3A_168 = arith.constant 10000 : i32
        %mul3A_169 = arith.muli %add3A, %mul3A_168 : i32
        %mul3A_170 = arith.constant 2 : i32
        %mul3A_171 = arith.muli %add3A_167, %mul3A_170 : i32
        %add3A_172 = arith.constant 0 : i32
        %add3A_173 = arith.addi %mul3A_171, %add3A_172 : i32
        %mul3A_174 = arith.constant 80 : i32
        %mul3A_175 = arith.muli %add3A_173, %mul3A_174 : i32
        %add3A_176 = arith.addi %mul3A_169, %mul3A_175 : i32
        %dma_start3A_177 = tpu.memref_slice %arg3[%add3A_176] : memref<320000xi32, #tpu.memory_space<hbm>> -> memref<80xi32, #tpu.memory_space<hbm>>
        %dma_start3A_178 = tpu.memref_slice %arg3[%add3A_176] : memref<320000xi32, #tpu.memory_space<hbm>> -> memref<80xi32, #tpu.memory_space<hbm>>
        tpu.enqueue_dma source(%dma_start3A_178 : memref<80xi32, #tpu.memory_space<hbm>>) target(%arg7 : memref<80xi32, #tpu.memory_space<vmem>>) target_semaphore(%arg20 : memref<!tpu.dma_semaphore, #tpu.memory_space<semaphore_mem>>)
        %dma_start3A_179 = tpu.memref_slice %arg4[%add3A_176] : memref<320000xi32, #tpu.memory_space<hbm>> -> memref<80xi32, #tpu.memory_space<hbm>>
        %dma_start3A_180 = tpu.memref_slice %arg4[%add3A_176] : memref<320000xi32, #tpu.memory_space<hbm>> -> memref<80xi32, #tpu.memory_space<hbm>>
        tpu.enqueue_dma source(%dma_start3A_180 : memref<80xi32, #tpu.memory_space<hbm>>) target(%arg11 : memref<80xi32, #tpu.memory_space<vmem>>) target_semaphore(%arg20 : memref<!tpu.dma_semaphore, #tpu.memory_space<semaphore_mem>>)
        %mul3A_181 = arith.constant 10000 : i32
        %mul3A_182 = arith.muli %add3A, %mul3A_181 : i32
        %mul3A_183 = arith.constant 2 : i32
        %mul3A_184 = arith.muli %add3A_167, %mul3A_183 : i32
        %add3A_185 = arith.constant 1 : i32
        %add3A_186 = arith.addi %mul3A_184, %add3A_185 : i32
        %mul3A_187 = arith.constant 80 : i32
        %mul3A_188 = arith.muli %add3A_186, %mul3A_187 : i32
        %add3A_189 = arith.addi %mul3A_182, %mul3A_188 : i32
        %dma_start3A_190 = tpu.memref_slice %arg3[%add3A_189] : memref<320000xi32, #tpu.memory_space<hbm>> -> memref<80xi32, #tpu.memory_space<hbm>>
        %dma_start3A_191 = tpu.memref_slice %arg3[%add3A_189] : memref<320000xi32, #tpu.memory_space<hbm>> -> memref<80xi32, #tpu.memory_space<hbm>>
        tpu.enqueue_dma source(%dma_start3A_191 : memref<80xi32, #tpu.memory_space<hbm>>) target(%arg8 : memref<80xi32, #tpu.memory_space<vmem>>) target_semaphore(%arg20 : memref<!tpu.dma_semaphore, #tpu.memory_space<semaphore_mem>>)
        %dma_start3A_192 = tpu.memref_slice %arg4[%add3A_189] : memref<320000xi32, #tpu.memory_space<hbm>> -> memref<80xi32, #tpu.memory_space<hbm>>
        %dma_start3A_193 = tpu.memref_slice %arg4[%add3A_189] : memref<320000xi32, #tpu.memory_space<hbm>> -> memref<80xi32, #tpu.memory_space<hbm>>
        tpu.enqueue_dma source(%dma_start3A_193 : memref<80xi32, #tpu.memory_space<hbm>>) target(%arg12 : memref<80xi32, #tpu.memory_space<vmem>>) target_semaphore(%arg20 : memref<!tpu.dma_semaphore, #tpu.memory_space<semaphore_mem>>)
      } else {
      }
      %dma_wait3A_143 = arith.constant 0 : i32
      %dma_wait3A_144 = arith.constant 0 : i32
      %dma_wait3A_145 = tpu.memref_slice %arg2[%dma_wait3A_143, %dma_wait3A_144] : memref<10000x128xf32, #tpu.memory_space<hbm>> -> memref<10000x128xf32, #tpu.memory_space<hbm>>
      tpu.wait_indirect_dma semaphore(%arg21 : memref<!tpu.dma_semaphore, #tpu.memory_space<semaphore_mem>>) src(%dma_wait3A_145 : memref<10000x128xf32, #tpu.memory_space<hbm>>) dst(%arg17 : memref<80x128xf32, #tpu.memory_space<vmem>>)
      %dma_wait3A_146 = arith.constant 0 : i32
      %dma_wait3A_147 = arith.constant 0 : i32
      %dma_wait3A_148 = tpu.memref_slice %arg2[%dma_wait3A_146, %dma_wait3A_147] : memref<10000x128xf32, #tpu.memory_space<hbm>> -> memref<10000x128xf32, #tpu.memory_space<hbm>>
      tpu.wait_indirect_dma semaphore(%arg21 : memref<!tpu.dma_semaphore, #tpu.memory_space<semaphore_mem>>) src(%dma_wait3A_148 : memref<10000x128xf32, #tpu.memory_space<hbm>>) dst(%arg18 : memref<80x128xf32, #tpu.memory_space<vmem>>)
      %dma_start3A_149 = arith.constant 0 : i32
      %dma_start3A_150 = arith.constant 0 : i32
      %dma_start3A_151 = tpu.memref_slice %arg19[%dma_start3A_149, %dma_start3A_150] : memref<10000x128xf32, #tpu.memory_space<vmem_shared>> -> memref<10000x128xf32, #tpu.memory_space<vmem_shared>>
      tpu.enqueue_indirect_dma source(%arg17 : memref<80x128xf32, #tpu.memory_space<vmem>>) target(%dma_start3A_151 : memref<10000x128xf32, #tpu.memory_space<vmem_shared>>) offsets(%arg13 : memref<80xi32, #tpu.memory_space<vmem>>) semaphore(%arg22 : memref<!tpu.dma_semaphore, #tpu.memory_space<semaphore_mem>>) {add = true}
      %dma_start3A_152 = arith.constant 0 : i32
      %dma_start3A_153 = arith.constant 0 : i32
      %dma_start3A_154 = tpu.memref_slice %arg19[%dma_start3A_152, %dma_start3A_153] : memref<10000x128xf32, #tpu.memory_space<vmem_shared>> -> memref<10000x128xf32, #tpu.memory_space<vmem_shared>>
      tpu.enqueue_indirect_dma source(%arg18 : memref<80x128xf32, #tpu.memory_space<vmem>>) target(%dma_start3A_154 : memref<10000x128xf32, #tpu.memory_space<vmem_shared>>) offsets(%arg14 : memref<80xi32, #tpu.memory_space<vmem>>) semaphore(%arg22 : memref<!tpu.dma_semaphore, #tpu.memory_space<semaphore_mem>>) {add = true}
      %lt3A_155 = arith.constant 30 : i32
      %lt3A_156 = arith.cmpi slt, %scan3A_68, %lt3A_155 : i32
      %convert_element_type3A_157 = arith.extui %lt3A_156 : i1 to i32
      %cond3A_158 = arith.constant 0 : i32
      %cond3A_159 = arith.cmpi ne, %convert_element_type3A_157, %cond3A_158 : i32
      scf.if %cond3A_159 {
        %dma_wait3A_166 = arith.constant 0 : i32
        %dma_wait3A_167 = tpu.memref_slice %arg3[%dma_wait3A_166] : memref<320000xi32, #tpu.memory_space<hbm>> -> memref<80xi32, #tpu.memory_space<hbm>>
        %dma_wait3A_168 = arith.constant 0 : i32
        %dma_wait3A_169 = tpu.memref_slice %arg3[%dma_wait3A_168] : memref<320000xi32, #tpu.memory_space<hbm>> -> memref<80xi32, #tpu.memory_space<hbm>>
        tpu.wait_dma2 semaphore(%arg20 : memref<!tpu.dma_semaphore, #tpu.memory_space<semaphore_mem>>) src(%dma_wait3A_169 : memref<80xi32, #tpu.memory_space<hbm>>) dst(%arg7 : memref<80xi32, #tpu.memory_space<vmem>>)
        %dma_wait3A_170 = arith.constant 0 : i32
        %dma_wait3A_171 = tpu.memref_slice %arg4[%dma_wait3A_170] : memref<320000xi32, #tpu.memory_space<hbm>> -> memref<80xi32, #tpu.memory_space<hbm>>
        %dma_wait3A_172 = arith.constant 0 : i32
        %dma_wait3A_173 = tpu.memref_slice %arg4[%dma_wait3A_172] : memref<320000xi32, #tpu.memory_space<hbm>> -> memref<80xi32, #tpu.memory_space<hbm>>
        tpu.wait_dma2 semaphore(%arg20 : memref<!tpu.dma_semaphore, #tpu.memory_space<semaphore_mem>>) src(%dma_wait3A_173 : memref<80xi32, #tpu.memory_space<hbm>>) dst(%arg11 : memref<80xi32, #tpu.memory_space<vmem>>)
        %dma_wait3A_174 = arith.constant 0 : i32
        %dma_wait3A_175 = tpu.memref_slice %arg3[%dma_wait3A_174] : memref<320000xi32, #tpu.memory_space<hbm>> -> memref<80xi32, #tpu.memory_space<hbm>>
        %dma_wait3A_176 = arith.constant 0 : i32
        %dma_wait3A_177 = tpu.memref_slice %arg3[%dma_wait3A_176] : memref<320000xi32, #tpu.memory_space<hbm>> -> memref<80xi32, #tpu.memory_space<hbm>>
        tpu.wait_dma2 semaphore(%arg20 : memref<!tpu.dma_semaphore, #tpu.memory_space<semaphore_mem>>) src(%dma_wait3A_177 : memref<80xi32, #tpu.memory_space<hbm>>) dst(%arg8 : memref<80xi32, #tpu.memory_space<vmem>>)
        %dma_wait3A_178 = arith.constant 0 : i32
        %dma_wait3A_179 = tpu.memref_slice %arg4[%dma_wait3A_178] : memref<320000xi32, #tpu.memory_space<hbm>> -> memref<80xi32, #tpu.memory_space<hbm>>
        %dma_wait3A_180 = arith.constant 0 : i32
        %dma_wait3A_181 = tpu.memref_slice %arg4[%dma_wait3A_180] : memref<320000xi32, #tpu.memory_space<hbm>> -> memref<80xi32, #tpu.memory_space<hbm>>
        tpu.wait_dma2 semaphore(%arg20 : memref<!tpu.dma_semaphore, #tpu.memory_space<semaphore_mem>>) src(%dma_wait3A_181 : memref<80xi32, #tpu.memory_space<hbm>>) dst(%arg12 : memref<80xi32, #tpu.memory_space<vmem>>)
        %dma_start3A_182 = arith.constant 0 : i32
        %dma_start3A_183 = arith.constant 0 : i32
        %dma_start3A_184 = tpu.memref_slice %arg2[%dma_start3A_182, %dma_start3A_183] : memref<10000x128xf32, #tpu.memory_space<hbm>> -> memref<10000x128xf32, #tpu.memory_space<hbm>>
        tpu.enqueue_indirect_dma source(%dma_start3A_184 : memref<10000x128xf32, #tpu.memory_space<hbm>>) target(%arg15 : memref<80x128xf32, #tpu.memory_space<vmem>>) offsets(%arg7 : memref<80xi32, #tpu.memory_space<vmem>>) semaphore(%arg21 : memref<!tpu.dma_semaphore, #tpu.memory_space<semaphore_mem>>)
        %dma_start3A_185 = arith.constant 0 : i32
        %dma_start3A_186 = arith.constant 0 : i32
        %dma_start3A_187 = tpu.memref_slice %arg2[%dma_start3A_185, %dma_start3A_186] : memref<10000x128xf32, #tpu.memory_space<hbm>> -> memref<10000x128xf32, #tpu.memory_space<hbm>>
        tpu.enqueue_indirect_dma source(%dma_start3A_187 : memref<10000x128xf32, #tpu.memory_space<hbm>>) target(%arg16 : memref<80x128xf32, #tpu.memory_space<vmem>>) offsets(%arg8 : memref<80xi32, #tpu.memory_space<vmem>>) semaphore(%arg21 : memref<!tpu.dma_semaphore, #tpu.memory_space<semaphore_mem>>)
      } else {
      }
      %dma_wait3A_160 = arith.constant 0 : i32
      %dma_wait3A_161 = arith.constant 0 : i32
      %dma_wait3A_162 = tpu.memref_slice %arg19[%dma_wait3A_160, %dma_wait3A_161] : memref<10000x128xf32, #tpu.memory_space<vmem_shared>> -> memref<10000x128xf32, #tpu.memory_space<vmem_shared>>
      tpu.wait_indirect_dma semaphore(%arg22 : memref<!tpu.dma_semaphore, #tpu.memory_space<semaphore_mem>>) src(%arg17 : memref<80x128xf32, #tpu.memory_space<vmem>>) dst(%dma_wait3A_162 : memref<10000x128xf32, #tpu.memory_space<vmem_shared>>)
      %dma_wait3A_163 = arith.constant 0 : i32
      %dma_wait3A_164 = arith.constant 0 : i32
      %dma_wait3A_165 = tpu.memref_slice %arg19[%dma_wait3A_163, %dma_wait3A_164] : memref<10000x128xf32, #tpu.memory_space<vmem_shared>> -> memref<10000x128xf32, #tpu.memory_space<vmem_shared>>
      tpu.wait_indirect_dma semaphore(%arg22 : memref<!tpu.dma_semaphore, #tpu.memory_space<semaphore_mem>>) src(%arg18 : memref<80x128xf32, #tpu.memory_space<vmem>>) dst(%dma_wait3A_165 : memref<10000x128xf32, #tpu.memory_space<vmem_shared>>)
    }
    %scan3A_47 = arith.constant 31 : i32
    %mul3A_48 = arith.constant 10000 : i32
    %mul3A_49 = arith.muli %add3A, %mul3A_48 : i32
    %add3A_50 = arith.constant 9920 : i32
    %add3A_51 = arith.addi %mul3A_49, %add3A_50 : i32
    "tpu.region"() ({
      %run_scoped3A = tpu.sem_alloc : memref<!tpu.dma_semaphore, #tpu.memory_space<semaphore_mem>>
      %dma_start3A_68 = tpu.memref_slice %arg3[%add3A_51] : memref<320000xi32, #tpu.memory_space<hbm>> -> memref<80xi32, #tpu.memory_space<hbm>>
      %dma_start3A_69 = tpu.memref_slice %arg3[%add3A_51] : memref<320000xi32, #tpu.memory_space<hbm>> -> memref<80xi32, #tpu.memory_space<hbm>>
      tpu.enqueue_dma source(%dma_start3A_69 : memref<80xi32, #tpu.memory_space<hbm>>) target(%arg7 : memref<80xi32, #tpu.memory_space<vmem>>) target_semaphore(%run_scoped3A : memref<!tpu.dma_semaphore, #tpu.memory_space<semaphore_mem>>)
      %dma_wait3A_70 = tpu.memref_slice %arg3[%add3A_51] : memref<320000xi32, #tpu.memory_space<hbm>> -> memref<80xi32, #tpu.memory_space<hbm>>
      %dma_wait3A_71 = tpu.memref_slice %arg3[%add3A_51] : memref<320000xi32, #tpu.memory_space<hbm>> -> memref<80xi32, #tpu.memory_space<hbm>>
      tpu.wait_dma2 semaphore(%run_scoped3A : memref<!tpu.dma_semaphore, #tpu.memory_space<semaphore_mem>>) src(%dma_wait3A_71 : memref<80xi32, #tpu.memory_space<hbm>>) dst(%arg7 : memref<80xi32, #tpu.memory_space<vmem>>)
      tpu.yield
    }) : () -> ()
    "tpu.region"() ({
      %run_scoped3A = tpu.sem_alloc : memref<!tpu.dma_semaphore, #tpu.memory_space<semaphore_mem>>
      %dma_start3A_68 = tpu.memref_slice %arg4[%add3A_51] : memref<320000xi32, #tpu.memory_space<hbm>> -> memref<80xi32, #tpu.memory_space<hbm>>
      %dma_start3A_69 = tpu.memref_slice %arg4[%add3A_51] : memref<320000xi32, #tpu.memory_space<hbm>> -> memref<80xi32, #tpu.memory_space<hbm>>
      tpu.enqueue_dma source(%dma_start3A_69 : memref<80xi32, #tpu.memory_space<hbm>>) target(%arg11 : memref<80xi32, #tpu.memory_space<vmem>>) target_semaphore(%run_scoped3A : memref<!tpu.dma_semaphore, #tpu.memory_space<semaphore_mem>>)
      %dma_wait3A_70 = tpu.memref_slice %arg4[%add3A_51] : memref<320000xi32, #tpu.memory_space<hbm>> -> memref<80xi32, #tpu.memory_space<hbm>>
      %dma_wait3A_71 = tpu.memref_slice %arg4[%add3A_51] : memref<320000xi32, #tpu.memory_space<hbm>> -> memref<80xi32, #tpu.memory_space<hbm>>
      tpu.wait_dma2 semaphore(%run_scoped3A : memref<!tpu.dma_semaphore, #tpu.memory_space<semaphore_mem>>) src(%dma_wait3A_71 : memref<80xi32, #tpu.memory_space<hbm>>) dst(%arg11 : memref<80xi32, #tpu.memory_space<vmem>>)
      tpu.yield
    }) : () -> ()
    %dma_start3A_52 = arith.constant 0 : i32
    %dma_start3A_53 = arith.constant 0 : i32
    %dma_start3A_54 = tpu.memref_slice %arg2[%dma_start3A_52, %dma_start3A_53] : memref<10000x128xf32, #tpu.memory_space<hbm>> -> memref<10000x128xf32, #tpu.memory_space<hbm>>
    tpu.enqueue_indirect_dma source(%dma_start3A_54 : memref<10000x128xf32, #tpu.memory_space<hbm>>) target(%arg15 : memref<80x128xf32, #tpu.memory_space<vmem>>) offsets(%arg7 : memref<80xi32, #tpu.memory_space<vmem>>) semaphore(%arg21 : memref<!tpu.dma_semaphore, #tpu.memory_space<semaphore_mem>>)
    %dma_wait3A_55 = arith.constant 0 : i32
    %dma_wait3A_56 = arith.constant 0 : i32
    %dma_wait3A_57 = tpu.memref_slice %arg2[%dma_wait3A_55, %dma_wait3A_56] : memref<10000x128xf32, #tpu.memory_space<hbm>> -> memref<10000x128xf32, #tpu.memory_space<hbm>>
    tpu.wait_indirect_dma semaphore(%arg21 : memref<!tpu.dma_semaphore, #tpu.memory_space<semaphore_mem>>) src(%dma_wait3A_57 : memref<10000x128xf32, #tpu.memory_space<hbm>>) dst(%arg15 : memref<80x128xf32, #tpu.memory_space<vmem>>)
    "tpu.region"() ({
      %run_scoped3A = tpu.sem_alloc : memref<!tpu.dma_semaphore, #tpu.memory_space<semaphore_mem>>
      %dma_start3A_68 = arith.constant 0 : i32
      %dma_start3A_69 = arith.constant 0 : i32
      %dma_start3A_70 = tpu.memref_slice %arg19[%dma_start3A_68, %dma_start3A_69] : memref<10000x128xf32, #tpu.memory_space<vmem_shared>> -> memref<10000x128xf32, #tpu.memory_space<vmem_shared>>
      tpu.enqueue_indirect_dma source(%arg15 : memref<80x128xf32, #tpu.memory_space<vmem>>) target(%dma_start3A_70 : memref<10000x128xf32, #tpu.memory_space<vmem_shared>>) offsets(%arg11 : memref<80xi32, #tpu.memory_space<vmem>>) semaphore(%run_scoped3A : memref<!tpu.dma_semaphore, #tpu.memory_space<semaphore_mem>>) {add = true}
      %dma_wait3A_71 = arith.constant 0 : i32
      %dma_wait3A_72 = arith.constant 0 : i32
      %dma_wait3A_73 = tpu.memref_slice %arg19[%dma_wait3A_71, %dma_wait3A_72] : memref<10000x128xf32, #tpu.memory_space<vmem_shared>> -> memref<10000x128xf32, #tpu.memory_space<vmem_shared>>
      tpu.wait_indirect_dma semaphore(%run_scoped3A : memref<!tpu.dma_semaphore, #tpu.memory_space<semaphore_mem>>) src(%arg15 : memref<80x128xf32, #tpu.memory_space<vmem>>) dst(%dma_wait3A_73 : memref<10000x128xf32, #tpu.memory_space<vmem_shared>>)
      tpu.yield
    }) : () -> ()
    %barrier3A_58 = arith.constant 0 : index
    tpu.barrier barrier_id(%barrier3A_58)
    %mul3A_59 = arith.constant 624 : i32
    %mul3A_60 = arith.muli %arg1, %mul3A_59 : i32
    %mul3A_61 = arith.constant 624 : i32
    %mul3A_62 = arith.muli %arg1, %mul3A_61 : i32
    "tpu.region"() ({
      %run_scoped3A = tpu.sem_alloc : memref<!tpu.dma_semaphore, #tpu.memory_space<semaphore_mem>>
      %dma_start3A_68 = arith.constant 0 : i32
      %dma_start3A_69 = tpu.memref_slice %arg6[%arg0, %mul3A_62, %dma_start3A_68] : memref<2x10000x128xf32, #tpu.memory_space<hbm>> -> memref<1x624x128xf32, #tpu.memory_space<hbm>>
      %dma_start3A_70 = tpu.memref_squeeze %dma_start3A_69 : memref<1x624x128xf32, #tpu.memory_space<hbm>> -> memref<624x128xf32, #tpu.memory_space<hbm>>
      %dma_start3A_71 = arith.constant 0 : i32
      %dma_start3A_72 = tpu.memref_slice %arg19[%mul3A_60, %dma_start3A_71] : memref<10000x128xf32, #tpu.memory_space<vmem_shared>> -> memref<624x128xf32, #tpu.memory_space<vmem_shared>>
      tpu.enqueue_dma source(%dma_start3A_72 : memref<624x128xf32, #tpu.memory_space<vmem_shared>>) target(%dma_start3A_70 : memref<624x128xf32, #tpu.memory_space<hbm>>) target_semaphore(%run_scoped3A : memref<!tpu.dma_semaphore, #tpu.memory_space<semaphore_mem>>)
      %dma_wait3A_73 = arith.constant 0 : i32
      %dma_wait3A_74 = tpu.memref_slice %arg6[%arg0, %mul3A_62, %dma_wait3A_73] : memref<2x10000x128xf32, #tpu.memory_space<hbm>> -> memref<1x624x128xf32, #tpu.memory_space<hbm>>
      %dma_wait3A_75 = tpu.memref_squeeze %dma_wait3A_74 : memref<1x624x128xf32, #tpu.memory_space<hbm>> -> memref<624x128xf32, #tpu.memory_space<hbm>>
      %dma_wait3A_76 = arith.constant 0 : i32
      %dma_wait3A_77 = tpu.memref_slice %arg19[%mul3A_60, %dma_wait3A_76] : memref<10000x128xf32, #tpu.memory_space<vmem_shared>> -> memref<624x128xf32, #tpu.memory_space<vmem_shared>>
      tpu.wait_dma2 semaphore(%run_scoped3A : memref<!tpu.dma_semaphore, #tpu.memory_space<semaphore_mem>>) src(%dma_wait3A_77 : memref<624x128xf32, #tpu.memory_space<vmem_shared>>) dst(%dma_wait3A_75 : memref<624x128xf32, #tpu.memory_space<hbm>>)
      tpu.yield
    }) : () -> ()
    %eq3A_63 = arith.constant 15 : i32
    %eq3A_64 = arith.cmpi eq, %arg1, %eq3A_63 : i32
    %convert_element_type3A_65 = arith.extui %eq3A_64 : i1 to i32
    %cond3A_66 = arith.constant 0 : i32
    %cond3A_67 = arith.cmpi ne, %convert_element_type3A_65, %cond3A_66 : i32
    scf.if %cond3A_67 {
      "tpu.region"() ({
        %run_scoped3A = tpu.sem_alloc : memref<!tpu.dma_semaphore, #tpu.memory_space<semaphore_mem>>
        %dma_start3A_68 = arith.constant 9984 : i32
        %dma_start3A_69 = arith.constant 0 : i32
        %dma_start3A_70 = tpu.memref_slice %arg6[%arg0, %dma_start3A_68, %dma_start3A_69] : memref<2x10000x128xf32, #tpu.memory_space<hbm>> -> memref<1x16x128xf32, #tpu.memory_space<hbm>>
        %dma_start3A_71 = tpu.memref_squeeze %dma_start3A_70 : memref<1x16x128xf32, #tpu.memory_space<hbm>> -> memref<16x128xf32, #tpu.memory_space<hbm>>
        %dma_start3A_72 = arith.constant 9984 : i32
        %dma_start3A_73 = arith.constant 0 : i32
        %dma_start3A_74 = tpu.memref_slice %arg19[%dma_start3A_72, %dma_start3A_73] : memref<10000x128xf32, #tpu.memory_space<vmem_shared>> -> memref<16x128xf32, #tpu.memory_space<vmem_shared>>
        tpu.enqueue_dma source(%dma_start3A_74 : memref<16x128xf32, #tpu.memory_space<vmem_shared>>) target(%dma_start3A_71 : memref<16x128xf32, #tpu.memory_space<hbm>>) target_semaphore(%run_scoped3A : memref<!tpu.dma_semaphore, #tpu.memory_space<semaphore_mem>>)
        %dma_wait3A_75 = arith.constant 9984 : i32
        %dma_wait3A_76 = arith.constant 0 : i32
        %dma_wait3A_77 = tpu.memref_slice %arg6[%arg0, %dma_wait3A_75, %dma_wait3A_76] : memref<2x10000x128xf32, #tpu.memory_space<hbm>> -> memref<1x16x128xf32, #tpu.memory_space<hbm>>
        %dma_wait3A_78 = tpu.memref_squeeze %dma_wait3A_77 : memref<1x16x128xf32, #tpu.memory_space<hbm>> -> memref<16x128xf32, #tpu.memory_space<hbm>>
        %dma_wait3A_79 = arith.constant 9984 : i32
        %dma_wait3A_80 = arith.constant 0 : i32
        %dma_wait3A_81 = tpu.memref_slice %arg19[%dma_wait3A_79, %dma_wait3A_80] : memref<10000x128xf32, #tpu.memory_space<vmem_shared>> -> memref<16x128xf32, #tpu.memory_space<vmem_shared>>
        tpu.wait_dma2 semaphore(%run_scoped3A : memref<!tpu.dma_semaphore, #tpu.memory_space<semaphore_mem>>) src(%dma_wait3A_81 : memref<16x128xf32, #tpu.memory_space<vmem_shared>>) dst(%dma_wait3A_78 : memref<16x128xf32, #tpu.memory_space<hbm>>)
        tpu.yield
      }) : () -> ()
    } else {
    }
    return
  }
}

#map = affine_map<(d0, d1) -> (0, 0)>
#map1 = affine_map<(d0, d1) -> (0)>
#map2 = affine_map<(d0, d1) -> (0, 0, 0)>
module attributes {stable_mosaic.version = 14 : i64} {
  func.func @_sc_body(%arg0: i32, %arg1: i32, %arg2: memref<10000x128xf32, #tpu.memory_space<hbm>>, %arg3: memref<320000xi32, #tpu.memory_space<hbm>>, %arg4: memref<320000xi32, #tpu.memory_space<hbm>>, %arg5: memref<10000x128xf32, #tpu.memory_space<hbm>>, %arg6: memref<2x10000x128xf32, #tpu.memory_space<hbm>>, %arg7: memref<80xi32, #tpu.memory_space<vmem>>, %arg8: memref<80xi32, #tpu.memory_space<vmem>>, %arg9: memref<80xi32, #tpu.memory_space<vmem>>, %arg10: memref<80xi32, #tpu.memory_space<vmem>>, %arg11: memref<80xi32, #tpu.memory_space<vmem>>, %arg12: memref<80xi32, #tpu.memory_space<vmem>>, %arg13: memref<80xi32, #tpu.memory_space<vmem>>, %arg14: memref<80xi32, #tpu.memory_space<vmem>>, %arg15: memref<80x128xf32, #tpu.memory_space<vmem>>, %arg16: memref<80x128xf32, #tpu.memory_space<vmem>>, %arg17: memref<80x128xf32, #tpu.memory_space<vmem>>, %arg18: memref<80x128xf32, #tpu.memory_space<vmem>>, %arg19: memref<10000x128xf32, #tpu.memory_space<vmem_shared>>, %arg20: memref<!tpu.dma_semaphore, #tpu.memory_space<semaphore_mem>>, %arg21: memref<!tpu.dma_semaphore, #tpu.memory_space<semaphore_mem>>, %arg22: memref<!tpu.dma_semaphore, #tpu.memory_space<semaphore_mem>>) attributes {dimension_semantics = [#tpu.dimension_semantics<core_parallel>, #tpu.dimension_semantics<subcore_parallel>], iteration_bounds = array<i64: 2, 16>, scalar_prefetch = 0 : i64, scratch_operands = 16 : i64, tpu.core_type = #tpu.core_type<sc_vector_subcore>, window_params = [{transform_indices = #map}, {transform_indices = #map1}, {transform_indices = #map1}, {transform_indices = #map}, {transform_indices = #map2}]} {
    %mul3A = arith.constant 2 : i32
    %mul3A_0 = arith.muli %arg1, %mul3A : i32
    %add3A = arith.addi %mul3A_0, %arg0 : i32
    %mul3A_1 = arith.constant 624 : i32
    %mul3A_2 = arith.muli %arg1, %mul3A_1 : i32
    %mul3A_3 = arith.constant 624 : i32
    %mul3A_4 = arith.muli %arg1, %mul3A_3 : i32
    "tpu.region"() ({
      %run_scoped3A = tpu.sem_alloc : memref<!tpu.dma_semaphore, #tpu.memory_space<semaphore_mem>>
      %dma_start3A_68 = arith.constant 0 : i32
      %dma_start3A_69 = tpu.memref_slice %arg19[%mul3A_4, %dma_start3A_68] : memref<10000x128xf32, #tpu.memory_space<vmem_shared>> -> memref<624x128xf32, #tpu.memory_space<vmem_shared>>
      %dma_start3A_70 = arith.constant 0 : i32
      %dma_start3A_71 = tpu.memref_slice %arg5[%mul3A_2, %dma_start3A_70] : memref<10000x128xf32, #tpu.memory_space<hbm>> -> memref<624x128xf32, #tpu.memory_space<hbm>>
      tpu.enqueue_dma source(%dma_start3A_71 : memref<624x128xf32, #tpu.memory_space<hbm>>) target(%dma_start3A_69 : memref<624x128xf32, #tpu.memory_space<vmem_shared>>) target_semaphore(%run_scoped3A : memref<!tpu.dma_semaphore, #tpu.memory_space<semaphore_mem>>)
      %dma_wait3A_72 = arith.constant 0 : i32
      %dma_wait3A_73 = tpu.memref_slice %arg19[%mul3A_4, %dma_wait3A_72] : memref<10000x128xf32, #tpu.memory_space<vmem_shared>> -> memref<624x128xf32, #tpu.memory_space<vmem_shared>>
      %dma_wait3A_74 = arith.constant 0 : i32
      %dma_wait3A_75 = tpu.memref_slice %arg5[%mul3A_2, %dma_wait3A_74] : memref<10000x128xf32, #tpu.memory_space<hbm>> -> memref<624x128xf32, #tpu.memory_space<hbm>>
      tpu.wait_dma2 semaphore(%run_scoped3A : memref<!tpu.dma_semaphore, #tpu.memory_space<semaphore_mem>>) src(%dma_wait3A_75 : memref<624x128xf32, #tpu.memory_space<hbm>>) dst(%dma_wait3A_73 : memref<624x128xf32, #tpu.memory_space<vmem_shared>>)
      tpu.yield
    }) : () -> ()
    %eq3A = arith.constant 15 : i32
    %eq3A_5 = arith.cmpi eq, %arg1, %eq3A : i32
    %convert_element_type3A = arith.extui %eq3A_5 : i1 to i32
    %cond3A = arith.constant 0 : i32
    %cond3A_6 = arith.cmpi ne, %convert_element_type3A, %cond3A : i32
    scf.if %cond3A_6 {
      "tpu.region"() ({
        %run_scoped3A = tpu.sem_alloc : memref<!tpu.dma_semaphore, #tpu.memory_space<semaphore_mem>>
        %dma_start3A_68 = arith.constant 9984 : i32
        %dma_start3A_69 = arith.constant 0 : i32
        %dma_start3A_70 = tpu.memref_slice %arg19[%dma_start3A_68, %dma_start3A_69] : memref<10000x128xf32, #tpu.memory_space<vmem_shared>> -> memref<16x128xf32, #tpu.memory_space<vmem_shared>>
        %dma_start3A_71 = arith.constant 9984 : i32
        %dma_start3A_72 = arith.constant 0 : i32
        %dma_start3A_73 = tpu.memref_slice %arg5[%dma_start3A_71, %dma_start3A_72] : memref<10000x128xf32, #tpu.memory_space<hbm>> -> memref<16x128xf32, #tpu.memory_space<hbm>>
        tpu.enqueue_dma source(%dma_start3A_73 : memref<16x128xf32, #tpu.memory_space<hbm>>) target(%dma_start3A_70 : memref<16x128xf32, #tpu.memory_space<vmem_shared>>) target_semaphore(%run_scoped3A : memref<!tpu.dma_semaphore, #tpu.memory_space<semaphore_mem>>)
        %dma_wait3A_74 = arith.constant 9984 : i32
        %dma_wait3A_75 = arith.constant 0 : i32
        %dma_wait3A_76 = tpu.memref_slice %arg19[%dma_wait3A_74, %dma_wait3A_75] : memref<10000x128xf32, #tpu.memory_space<vmem_shared>> -> memref<16x128xf32, #tpu.memory_space<vmem_shared>>
        %dma_wait3A_77 = arith.constant 9984 : i32
        %dma_wait3A_78 = arith.constant 0 : i32
        %dma_wait3A_79 = tpu.memref_slice %arg5[%dma_wait3A_77, %dma_wait3A_78] : memref<10000x128xf32, #tpu.memory_space<hbm>> -> memref<16x128xf32, #tpu.memory_space<hbm>>
        tpu.wait_dma2 semaphore(%run_scoped3A : memref<!tpu.dma_semaphore, #tpu.memory_space<semaphore_mem>>) src(%dma_wait3A_79 : memref<16x128xf32, #tpu.memory_space<hbm>>) dst(%dma_wait3A_76 : memref<16x128xf32, #tpu.memory_space<vmem_shared>>)
        tpu.yield
      }) : () -> ()
    } else {
    }
    %barrier3A = arith.constant 0 : index
    tpu.barrier barrier_id(%barrier3A)
    %mul3A_7 = arith.constant 10000 : i32
    %mul3A_8 = arith.muli %add3A, %mul3A_7 : i32
    %add3A_9 = arith.constant 0 : i32
    %add3A_10 = arith.addi %mul3A_8, %add3A_9 : i32
    %dma_start3A = tpu.memref_slice %arg3[%add3A_10] : memref<320000xi32, #tpu.memory_space<hbm>> -> memref<80xi32, #tpu.memory_space<hbm>>
    %dma_start3A_11 = tpu.memref_slice %arg3[%add3A_10] : memref<320000xi32, #tpu.memory_space<hbm>> -> memref<80xi32, #tpu.memory_space<hbm>>
    tpu.enqueue_dma source(%dma_start3A_11 : memref<80xi32, #tpu.memory_space<hbm>>) target(%arg7 : memref<80xi32, #tpu.memory_space<vmem>>) target_semaphore(%arg20 : memref<!tpu.dma_semaphore, #tpu.memory_space<semaphore_mem>>)
    %dma_start3A_12 = tpu.memref_slice %arg4[%add3A_10] : memref<320000xi32, #tpu.memory_space<hbm>> -> memref<80xi32, #tpu.memory_space<hbm>>
    %dma_start3A_13 = tpu.memref_slice %arg4[%add3A_10] : memref<320000xi32, #tpu.memory_space<hbm>> -> memref<80xi32, #tpu.memory_space<hbm>>
    tpu.enqueue_dma source(%dma_start3A_13 : memref<80xi32, #tpu.memory_space<hbm>>) target(%arg11 : memref<80xi32, #tpu.memory_space<vmem>>) target_semaphore(%arg20 : memref<!tpu.dma_semaphore, #tpu.memory_space<semaphore_mem>>)
    %mul3A_14 = arith.constant 10000 : i32
    %mul3A_15 = arith.muli %add3A, %mul3A_14 : i32
    %add3A_16 = arith.constant 80 : i32
    %add3A_17 = arith.addi %mul3A_15, %add3A_16 : i32
    %dma_start3A_18 = tpu.memref_slice %arg3[%add3A_17] : memref<320000xi32, #tpu.memory_space<hbm>> -> memref<80xi32, #tpu.memory_space<hbm>>
    %dma_start3A_19 = tpu.memref_slice %arg3[%add3A_17] : memref<320000xi32, #tpu.memory_space<hbm>> -> memref<80xi32, #tpu.memory_space<hbm>>
    tpu.enqueue_dma source(%dma_start3A_19 : memref<80xi32, #tpu.memory_space<hbm>>) target(%arg8 : memref<80xi32, #tpu.memory_space<vmem>>) target_semaphore(%arg20 : memref<!tpu.dma_semaphore, #tpu.memory_space<semaphore_mem>>)
    %dma_start3A_20 = tpu.memref_slice %arg4[%add3A_17] : memref<320000xi32, #tpu.memory_space<hbm>> -> memref<80xi32, #tpu.memory_space<hbm>>
    %dma_start3A_21 = tpu.memref_slice %arg4[%add3A_17] : memref<320000xi32, #tpu.memory_space<hbm>> -> memref<80xi32, #tpu.memory_space<hbm>>
    tpu.enqueue_dma source(%dma_start3A_21 : memref<80xi32, #tpu.memory_space<hbm>>) target(%arg12 : memref<80xi32, #tpu.memory_space<vmem>>) target_semaphore(%arg20 : memref<!tpu.dma_semaphore, #tpu.memory_space<semaphore_mem>>)
    %dma_wait3A = arith.constant 0 : i32
    %dma_wait3A_22 = tpu.memref_slice %arg3[%dma_wait3A] : memref<320000xi32, #tpu.memory_space<hbm>> -> memref<80xi32, #tpu.memory_space<hbm>>
    %dma_wait3A_23 = arith.constant 0 : i32
    %dma_wait3A_24 = tpu.memref_slice %arg3[%dma_wait3A_23] : memref<320000xi32, #tpu.memory_space<hbm>> -> memref<80xi32, #tpu.memory_space<hbm>>
    tpu.wait_dma2 semaphore(%arg20 : memref<!tpu.dma_semaphore, #tpu.memory_space<semaphore_mem>>) src(%dma_wait3A_24 : memref<80xi32, #tpu.memory_space<hbm>>) dst(%arg7 : memref<80xi32, #tpu.memory_space<vmem>>)
    %dma_wait3A_25 = arith.constant 0 : i32
    %dma_wait3A_26 = tpu.memref_slice %arg4[%dma_wait3A_25] : memref<320000xi32, #tpu.memory_space<hbm>> -> memref<80xi32, #tpu.memory_space<hbm>>
    %dma_wait3A_27 = arith.constant 0 : i32
    %dma_wait3A_28 = tpu.memref_slice %arg4[%dma_wait3A_27] : memref<320000xi32, #tpu.memory_space<hbm>> -> memref<80xi32, #tpu.memory_space<hbm>>
    tpu.wait_dma2 semaphore(%arg20 : memref<!tpu.dma_semaphore, #tpu.memory_space<semaphore_mem>>) src(%dma_wait3A_28 : memref<80xi32, #tpu.memory_space<hbm>>) dst(%arg11 : memref<80xi32, #tpu.memory_space<vmem>>)
    %dma_wait3A_29 = arith.constant 0 : i32
    %dma_wait3A_30 = tpu.memref_slice %arg3[%dma_wait3A_29] : memref<320000xi32, #tpu.memory_space<hbm>> -> memref<80xi32, #tpu.memory_space<hbm>>
    %dma_wait3A_31 = arith.constant 0 : i32
    %dma_wait3A_32 = tpu.memref_slice %arg3[%dma_wait3A_31] : memref<320000xi32, #tpu.memory_space<hbm>> -> memref<80xi32, #tpu.memory_space<hbm>>
    tpu.wait_dma2 semaphore(%arg20 : memref<!tpu.dma_semaphore, #tpu.memory_space<semaphore_mem>>) src(%dma_wait3A_32 : memref<80xi32, #tpu.memory_space<hbm>>) dst(%arg8 : memref<80xi32, #tpu.memory_space<vmem>>)
    %dma_wait3A_33 = arith.constant 0 : i32
    %dma_wait3A_34 = tpu.memref_slice %arg4[%dma_wait3A_33] : memref<320000xi32, #tpu.memory_space<hbm>> -> memref<80xi32, #tpu.memory_space<hbm>>
    %dma_wait3A_35 = arith.constant 0 : i32
    %dma_wait3A_36 = tpu.memref_slice %arg4[%dma_wait3A_35] : memref<320000xi32, #tpu.memory_space<hbm>> -> memref<80xi32, #tpu.memory_space<hbm>>
    tpu.wait_dma2 semaphore(%arg20 : memref<!tpu.dma_semaphore, #tpu.memory_space<semaphore_mem>>) src(%dma_wait3A_36 : memref<80xi32, #tpu.memory_space<hbm>>) dst(%arg12 : memref<80xi32, #tpu.memory_space<vmem>>)
    %dma_start3A_37 = arith.constant 0 : i32
    %dma_start3A_38 = arith.constant 0 : i32
    %dma_start3A_39 = tpu.memref_slice %arg2[%dma_start3A_37, %dma_start3A_38] : memref<10000x128xf32, #tpu.memory_space<hbm>> -> memref<10000x128xf32, #tpu.memory_space<hbm>>
    tpu.enqueue_indirect_dma source(%dma_start3A_39 : memref<10000x128xf32, #tpu.memory_space<hbm>>) target(%arg15 : memref<80x128xf32, #tpu.memory_space<vmem>>) offsets(%arg7 : memref<80xi32, #tpu.memory_space<vmem>>) semaphore(%arg21 : memref<!tpu.dma_semaphore, #tpu.memory_space<semaphore_mem>>)
    %dma_start3A_40 = arith.constant 0 : i32
    %dma_start3A_41 = arith.constant 0 : i32
    %dma_start3A_42 = tpu.memref_slice %arg2[%dma_start3A_40, %dma_start3A_41] : memref<10000x128xf32, #tpu.memory_space<hbm>> -> memref<10000x128xf32, #tpu.memory_space<hbm>>
    tpu.enqueue_indirect_dma source(%dma_start3A_42 : memref<10000x128xf32, #tpu.memory_space<hbm>>) target(%arg16 : memref<80x128xf32, #tpu.memory_space<vmem>>) offsets(%arg8 : memref<80xi32, #tpu.memory_space<vmem>>) semaphore(%arg21 : memref<!tpu.dma_semaphore, #tpu.memory_space<semaphore_mem>>)
    %scan3A = arith.constant 0 : i32
    %scan3A_43 = arith.constant 0 : i32
    %scan3A_44 = arith.constant 31 : i32
    %scan3A_45 = arith.addi %scan3A_43, %scan3A_44 : i32
    %scan3A_46 = arith.constant 1 : i32
    scf.for %scan3A_68 = %scan3A_43 to %scan3A_45 step %scan3A_46  : i32 {
      %mul3A_69 = arith.constant 2 : i32
      %mul3A_70 = arith.muli %mul3A_69, %scan3A_68 : i32
      %add3A_71 = arith.constant 1 : i32
      %add3A_72 = arith.addi %mul3A_70, %add3A_71 : i32
      %mul3A_73 = arith.constant 10000 : i32
      %mul3A_74 = arith.muli %add3A, %mul3A_73 : i32
      %mul3A_75 = arith.constant 2 : i32
      %mul3A_76 = arith.muli %add3A_72, %mul3A_75 : i32
      %add3A_77 = arith.constant 0 : i32
      %add3A_78 = arith.addi %mul3A_76, %add3A_77 : i32
      %mul3A_79 = arith.constant 80 : i32
      %mul3A_80 = arith.muli %add3A_78, %mul3A_79 : i32
      %add3A_81 = arith.addi %mul3A_74, %mul3A_80 : i32
      %dma_start3A_82 = tpu.memref_slice %arg3[%add3A_81] : memref<320000xi32, #tpu.memory_space<hbm>> -> memref<80xi32, #tpu.memory_space<hbm>>
      %dma_start3A_83 = tpu.memref_slice %arg3[%add3A_81] : memref<320000xi32, #tpu.memory_space<hbm>> -> memref<80xi32, #tpu.memory_space<hbm>>
      tpu.enqueue_dma source(%dma_start3A_83 : memref<80xi32, #tpu.memory_space<hbm>>) target(%arg9 : memref<80xi32, #tpu.memory_space<vmem>>) target_semaphore(%arg20 : memref<!tpu.dma_semaphore, #tpu.memory_space<semaphore_mem>>)
      %dma_start3A_84 = tpu.memref_slice %arg4[%add3A_81] : memref<320000xi32, #tpu.memory_space<hbm>> -> memref<80xi32, #tpu.memory_space<hbm>>
      %dma_start3A_85 = tpu.memref_slice %arg4[%add3A_81] : memref<320000xi32, #tpu.memory_space<hbm>> -> memref<80xi32, #tpu.memory_space<hbm>>
      tpu.enqueue_dma source(%dma_start3A_85 : memref<80xi32, #tpu.memory_space<hbm>>) target(%arg13 : memref<80xi32, #tpu.memory_space<vmem>>) target_semaphore(%arg20 : memref<!tpu.dma_semaphore, #tpu.memory_space<semaphore_mem>>)
      %mul3A_86 = arith.constant 10000 : i32
      %mul3A_87 = arith.muli %add3A, %mul3A_86 : i32
      %mul3A_88 = arith.constant 2 : i32
      %mul3A_89 = arith.muli %add3A_72, %mul3A_88 : i32
      %add3A_90 = arith.constant 1 : i32
      %add3A_91 = arith.addi %mul3A_89, %add3A_90 : i32
      %mul3A_92 = arith.constant 80 : i32
      %mul3A_93 = arith.muli %add3A_91, %mul3A_92 : i32
      %add3A_94 = arith.addi %mul3A_87, %mul3A_93 : i32
      %dma_start3A_95 = tpu.memref_slice %arg3[%add3A_94] : memref<320000xi32, #tpu.memory_space<hbm>> -> memref<80xi32, #tpu.memory_space<hbm>>
      %dma_start3A_96 = tpu.memref_slice %arg3[%add3A_94] : memref<320000xi32, #tpu.memory_space<hbm>> -> memref<80xi32, #tpu.memory_space<hbm>>
      tpu.enqueue_dma source(%dma_start3A_96 : memref<80xi32, #tpu.memory_space<hbm>>) target(%arg10 : memref<80xi32, #tpu.memory_space<vmem>>) target_semaphore(%arg20 : memref<!tpu.dma_semaphore, #tpu.memory_space<semaphore_mem>>)
      %dma_start3A_97 = tpu.memref_slice %arg4[%add3A_94] : memref<320000xi32, #tpu.memory_space<hbm>> -> memref<80xi32, #tpu.memory_space<hbm>>
      %dma_start3A_98 = tpu.memref_slice %arg4[%add3A_94] : memref<320000xi32, #tpu.memory_space<hbm>> -> memref<80xi32, #tpu.memory_space<hbm>>
      tpu.enqueue_dma source(%dma_start3A_98 : memref<80xi32, #tpu.memory_space<hbm>>) target(%arg14 : memref<80xi32, #tpu.memory_space<vmem>>) target_semaphore(%arg20 : memref<!tpu.dma_semaphore, #tpu.memory_space<semaphore_mem>>)
      %dma_wait3A_99 = arith.constant 0 : i32
      %dma_wait3A_100 = arith.constant 0 : i32
      %dma_wait3A_101 = tpu.memref_slice %arg2[%dma_wait3A_99, %dma_wait3A_100] : memref<10000x128xf32, #tpu.memory_space<hbm>> -> memref<10000x128xf32, #tpu.memory_space<hbm>>
      tpu.wait_indirect_dma semaphore(%arg21 : memref<!tpu.dma_semaphore, #tpu.memory_space<semaphore_mem>>) src(%dma_wait3A_101 : memref<10000x128xf32, #tpu.memory_space<hbm>>) dst(%arg15 : memref<80x128xf32, #tpu.memory_space<vmem>>)
      %dma_wait3A_102 = arith.constant 0 : i32
      %dma_wait3A_103 = arith.constant 0 : i32
      %dma_wait3A_104 = tpu.memref_slice %arg2[%dma_wait3A_102, %dma_wait3A_103] : memref<10000x128xf32, #tpu.memory_space<hbm>> -> memref<10000x128xf32, #tpu.memory_space<hbm>>
      tpu.wait_indirect_dma semaphore(%arg21 : memref<!tpu.dma_semaphore, #tpu.memory_space<semaphore_mem>>) src(%dma_wait3A_104 : memref<10000x128xf32, #tpu.memory_space<hbm>>) dst(%arg16 : memref<80x128xf32, #tpu.memory_space<vmem>>)
      %dma_start3A_105 = arith.constant 0 : i32
      %dma_start3A_106 = arith.constant 0 : i32
      %dma_start3A_107 = tpu.memref_slice %arg19[%dma_start3A_105, %dma_start3A_106] : memref<10000x128xf32, #tpu.memory_space<vmem_shared>> -> memref<10000x128xf32, #tpu.memory_space<vmem_shared>>
      tpu.enqueue_indirect_dma source(%arg15 : memref<80x128xf32, #tpu.memory_space<vmem>>) target(%dma_start3A_107 : memref<10000x128xf32, #tpu.memory_space<vmem_shared>>) offsets(%arg11 : memref<80xi32, #tpu.memory_space<vmem>>) semaphore(%arg22 : memref<!tpu.dma_semaphore, #tpu.memory_space<semaphore_mem>>) {add = true}
      %dma_start3A_108 = arith.constant 0 : i32
      %dma_start3A_109 = arith.constant 0 : i32
      %dma_start3A_110 = tpu.memref_slice %arg19[%dma_start3A_108, %dma_start3A_109] : memref<10000x128xf32, #tpu.memory_space<vmem_shared>> -> memref<10000x128xf32, #tpu.memory_space<vmem_shared>>
      tpu.enqueue_indirect_dma source(%arg16 : memref<80x128xf32, #tpu.memory_space<vmem>>) target(%dma_start3A_110 : memref<10000x128xf32, #tpu.memory_space<vmem_shared>>) offsets(%arg12 : memref<80xi32, #tpu.memory_space<vmem>>) semaphore(%arg22 : memref<!tpu.dma_semaphore, #tpu.memory_space<semaphore_mem>>) {add = true}
      %dma_wait3A_111 = arith.constant 0 : i32
      %dma_wait3A_112 = tpu.memref_slice %arg3[%dma_wait3A_111] : memref<320000xi32, #tpu.memory_space<hbm>> -> memref<80xi32, #tpu.memory_space<hbm>>
      %dma_wait3A_113 = arith.constant 0 : i32
      %dma_wait3A_114 = tpu.memref_slice %arg3[%dma_wait3A_113] : memref<320000xi32, #tpu.memory_space<hbm>> -> memref<80xi32, #tpu.memory_space<hbm>>
      tpu.wait_dma2 semaphore(%arg20 : memref<!tpu.dma_semaphore, #tpu.memory_space<semaphore_mem>>) src(%dma_wait3A_114 : memref<80xi32, #tpu.memory_space<hbm>>) dst(%arg9 : memref<80xi32, #tpu.memory_space<vmem>>)
      %dma_wait3A_115 = arith.constant 0 : i32
      %dma_wait3A_116 = tpu.memref_slice %arg4[%dma_wait3A_115] : memref<320000xi32, #tpu.memory_space<hbm>> -> memref<80xi32, #tpu.memory_space<hbm>>
      %dma_wait3A_117 = arith.constant 0 : i32
      %dma_wait3A_118 = tpu.memref_slice %arg4[%dma_wait3A_117] : memref<320000xi32, #tpu.memory_space<hbm>> -> memref<80xi32, #tpu.memory_space<hbm>>
      tpu.wait_dma2 semaphore(%arg20 : memref<!tpu.dma_semaphore, #tpu.memory_space<semaphore_mem>>) src(%dma_wait3A_118 : memref<80xi32, #tpu.memory_space<hbm>>) dst(%arg13 : memref<80xi32, #tpu.memory_space<vmem>>)
      %dma_wait3A_119 = arith.constant 0 : i32
      %dma_wait3A_120 = tpu.memref_slice %arg3[%dma_wait3A_119] : memref<320000xi32, #tpu.memory_space<hbm>> -> memref<80xi32, #tpu.memory_space<hbm>>
      %dma_wait3A_121 = arith.constant 0 : i32
      %dma_wait3A_122 = tpu.memref_slice %arg3[%dma_wait3A_121] : memref<320000xi32, #tpu.memory_space<hbm>> -> memref<80xi32, #tpu.memory_space<hbm>>
      tpu.wait_dma2 semaphore(%arg20 : memref<!tpu.dma_semaphore, #tpu.memory_space<semaphore_mem>>) src(%dma_wait3A_122 : memref<80xi32, #tpu.memory_space<hbm>>) dst(%arg10 : memref<80xi32, #tpu.memory_space<vmem>>)
      %dma_wait3A_123 = arith.constant 0 : i32
      %dma_wait3A_124 = tpu.memref_slice %arg4[%dma_wait3A_123] : memref<320000xi32, #tpu.memory_space<hbm>> -> memref<80xi32, #tpu.memory_space<hbm>>
      %dma_wait3A_125 = arith.constant 0 : i32
      %dma_wait3A_126 = tpu.memref_slice %arg4[%dma_wait3A_125] : memref<320000xi32, #tpu.memory_space<hbm>> -> memref<80xi32, #tpu.memory_space<hbm>>
      tpu.wait_dma2 semaphore(%arg20 : memref<!tpu.dma_semaphore, #tpu.memory_space<semaphore_mem>>) src(%dma_wait3A_126 : memref<80xi32, #tpu.memory_space<hbm>>) dst(%arg14 : memref<80xi32, #tpu.memory_space<vmem>>)
      %dma_start3A_127 = arith.constant 0 : i32
      %dma_start3A_128 = arith.constant 0 : i32
      %dma_start3A_129 = tpu.memref_slice %arg2[%dma_start3A_127, %dma_start3A_128] : memref<10000x128xf32, #tpu.memory_space<hbm>> -> memref<10000x128xf32, #tpu.memory_space<hbm>>
      tpu.enqueue_indirect_dma source(%dma_start3A_129 : memref<10000x128xf32, #tpu.memory_space<hbm>>) target(%arg17 : memref<80x128xf32, #tpu.memory_space<vmem>>) offsets(%arg9 : memref<80xi32, #tpu.memory_space<vmem>>) semaphore(%arg21 : memref<!tpu.dma_semaphore, #tpu.memory_space<semaphore_mem>>)
      %dma_start3A_130 = arith.constant 0 : i32
      %dma_start3A_131 = arith.constant 0 : i32
      %dma_start3A_132 = tpu.memref_slice %arg2[%dma_start3A_130, %dma_start3A_131] : memref<10000x128xf32, #tpu.memory_space<hbm>> -> memref<10000x128xf32, #tpu.memory_space<hbm>>
      tpu.enqueue_indirect_dma source(%dma_start3A_132 : memref<10000x128xf32, #tpu.memory_space<hbm>>) target(%arg18 : memref<80x128xf32, #tpu.memory_space<vmem>>) offsets(%arg10 : memref<80xi32, #tpu.memory_space<vmem>>) semaphore(%arg21 : memref<!tpu.dma_semaphore, #tpu.memory_space<semaphore_mem>>)
      %dma_wait3A_133 = arith.constant 0 : i32
      %dma_wait3A_134 = arith.constant 0 : i32
      %dma_wait3A_135 = tpu.memref_slice %arg19[%dma_wait3A_133, %dma_wait3A_134] : memref<10000x128xf32, #tpu.memory_space<vmem_shared>> -> memref<10000x128xf32, #tpu.memory_space<vmem_shared>>
      tpu.wait_indirect_dma semaphore(%arg22 : memref<!tpu.dma_semaphore, #tpu.memory_space<semaphore_mem>>) src(%arg15 : memref<80x128xf32, #tpu.memory_space<vmem>>) dst(%dma_wait3A_135 : memref<10000x128xf32, #tpu.memory_space<vmem_shared>>)
      %dma_wait3A_136 = arith.constant 0 : i32
      %dma_wait3A_137 = arith.constant 0 : i32
      %dma_wait3A_138 = tpu.memref_slice %arg19[%dma_wait3A_136, %dma_wait3A_137] : memref<10000x128xf32, #tpu.memory_space<vmem_shared>> -> memref<10000x128xf32, #tpu.memory_space<vmem_shared>>
      tpu.wait_indirect_dma semaphore(%arg22 : memref<!tpu.dma_semaphore, #tpu.memory_space<semaphore_mem>>) src(%arg16 : memref<80x128xf32, #tpu.memory_space<vmem>>) dst(%dma_wait3A_138 : memref<10000x128xf32, #tpu.memory_space<vmem_shared>>)
      %lt3A = arith.constant 30 : i32
      %lt3A_139 = arith.cmpi slt, %scan3A_68, %lt3A : i32
      %convert_element_type3A_140 = arith.extui %lt3A_139 : i1 to i32
      %cond3A_141 = arith.constant 0 : i32
      %cond3A_142 = arith.cmpi ne, %convert_element_type3A_140, %cond3A_141 : i32
      scf.if %cond3A_142 {
        %add3A_166 = arith.constant 2 : i32
        %add3A_167 = arith.addi %mul3A_70, %add3A_166 : i32
        %mul3A_168 = arith.constant 10000 : i32
        %mul3A_169 = arith.muli %add3A, %mul3A_168 : i32
        %mul3A_170 = arith.constant 2 : i32
        %mul3A_171 = arith.muli %add3A_167, %mul3A_170 : i32
        %add3A_172 = arith.constant 0 : i32
        %add3A_173 = arith.addi %mul3A_171, %add3A_172 : i32
        %mul3A_174 = arith.constant 80 : i32
        %mul3A_175 = arith.muli %add3A_173, %mul3A_174 : i32
        %add3A_176 = arith.addi %mul3A_169, %mul3A_175 : i32
        %dma_start3A_177 = tpu.memref_slice %arg3[%add3A_176] : memref<320000xi32, #tpu.memory_space<hbm>> -> memref<80xi32, #tpu.memory_space<hbm>>
        %dma_start3A_178 = tpu.memref_slice %arg3[%add3A_176] : memref<320000xi32, #tpu.memory_space<hbm>> -> memref<80xi32, #tpu.memory_space<hbm>>
        tpu.enqueue_dma source(%dma_start3A_178 : memref<80xi32, #tpu.memory_space<hbm>>) target(%arg7 : memref<80xi32, #tpu.memory_space<vmem>>) target_semaphore(%arg20 : memref<!tpu.dma_semaphore, #tpu.memory_space<semaphore_mem>>)
        %dma_start3A_179 = tpu.memref_slice %arg4[%add3A_176] : memref<320000xi32, #tpu.memory_space<hbm>> -> memref<80xi32, #tpu.memory_space<hbm>>
        %dma_start3A_180 = tpu.memref_slice %arg4[%add3A_176] : memref<320000xi32, #tpu.memory_space<hbm>> -> memref<80xi32, #tpu.memory_space<hbm>>
        tpu.enqueue_dma source(%dma_start3A_180 : memref<80xi32, #tpu.memory_space<hbm>>) target(%arg11 : memref<80xi32, #tpu.memory_space<vmem>>) target_semaphore(%arg20 : memref<!tpu.dma_semaphore, #tpu.memory_space<semaphore_mem>>)
        %mul3A_181 = arith.constant 10000 : i32
        %mul3A_182 = arith.muli %add3A, %mul3A_181 : i32
        %mul3A_183 = arith.constant 2 : i32
        %mul3A_184 = arith.muli %add3A_167, %mul3A_183 : i32
        %add3A_185 = arith.constant 1 : i32
        %add3A_186 = arith.addi %mul3A_184, %add3A_185 : i32
        %mul3A_187 = arith.constant 80 : i32
        %mul3A_188 = arith.muli %add3A_186, %mul3A_187 : i32
        %add3A_189 = arith.addi %mul3A_182, %mul3A_188 : i32
        %dma_start3A_190 = tpu.memref_slice %arg3[%add3A_189] : memref<320000xi32, #tpu.memory_space<hbm>> -> memref<80xi32, #tpu.memory_space<hbm>>
        %dma_start3A_191 = tpu.memref_slice %arg3[%add3A_189] : memref<320000xi32, #tpu.memory_space<hbm>> -> memref<80xi32, #tpu.memory_space<hbm>>
        tpu.enqueue_dma source(%dma_start3A_191 : memref<80xi32, #tpu.memory_space<hbm>>) target(%arg8 : memref<80xi32, #tpu.memory_space<vmem>>) target_semaphore(%arg20 : memref<!tpu.dma_semaphore, #tpu.memory_space<semaphore_mem>>)
        %dma_start3A_192 = tpu.memref_slice %arg4[%add3A_189] : memref<320000xi32, #tpu.memory_space<hbm>> -> memref<80xi32, #tpu.memory_space<hbm>>
        %dma_start3A_193 = tpu.memref_slice %arg4[%add3A_189] : memref<320000xi32, #tpu.memory_space<hbm>> -> memref<80xi32, #tpu.memory_space<hbm>>
        tpu.enqueue_dma source(%dma_start3A_193 : memref<80xi32, #tpu.memory_space<hbm>>) target(%arg12 : memref<80xi32, #tpu.memory_space<vmem>>) target_semaphore(%arg20 : memref<!tpu.dma_semaphore, #tpu.memory_space<semaphore_mem>>)
      } else {
      }
      %dma_wait3A_143 = arith.constant 0 : i32
      %dma_wait3A_144 = arith.constant 0 : i32
      %dma_wait3A_145 = tpu.memref_slice %arg2[%dma_wait3A_143, %dma_wait3A_144] : memref<10000x128xf32, #tpu.memory_space<hbm>> -> memref<10000x128xf32, #tpu.memory_space<hbm>>
      tpu.wait_indirect_dma semaphore(%arg21 : memref<!tpu.dma_semaphore, #tpu.memory_space<semaphore_mem>>) src(%dma_wait3A_145 : memref<10000x128xf32, #tpu.memory_space<hbm>>) dst(%arg17 : memref<80x128xf32, #tpu.memory_space<vmem>>)
      %dma_wait3A_146 = arith.constant 0 : i32
      %dma_wait3A_147 = arith.constant 0 : i32
      %dma_wait3A_148 = tpu.memref_slice %arg2[%dma_wait3A_146, %dma_wait3A_147] : memref<10000x128xf32, #tpu.memory_space<hbm>> -> memref<10000x128xf32, #tpu.memory_space<hbm>>
      tpu.wait_indirect_dma semaphore(%arg21 : memref<!tpu.dma_semaphore, #tpu.memory_space<semaphore_mem>>) src(%dma_wait3A_148 : memref<10000x128xf32, #tpu.memory_space<hbm>>) dst(%arg18 : memref<80x128xf32, #tpu.memory_space<vmem>>)
      %dma_start3A_149 = arith.constant 0 : i32
      %dma_start3A_150 = arith.constant 0 : i32
      %dma_start3A_151 = tpu.memref_slice %arg19[%dma_start3A_149, %dma_start3A_150] : memref<10000x128xf32, #tpu.memory_space<vmem_shared>> -> memref<10000x128xf32, #tpu.memory_space<vmem_shared>>
      tpu.enqueue_indirect_dma source(%arg17 : memref<80x128xf32, #tpu.memory_space<vmem>>) target(%dma_start3A_151 : memref<10000x128xf32, #tpu.memory_space<vmem_shared>>) offsets(%arg13 : memref<80xi32, #tpu.memory_space<vmem>>) semaphore(%arg22 : memref<!tpu.dma_semaphore, #tpu.memory_space<semaphore_mem>>) {add = true}
      %dma_start3A_152 = arith.constant 0 : i32
      %dma_start3A_153 = arith.constant 0 : i32
      %dma_start3A_154 = tpu.memref_slice %arg19[%dma_start3A_152, %dma_start3A_153] : memref<10000x128xf32, #tpu.memory_space<vmem_shared>> -> memref<10000x128xf32, #tpu.memory_space<vmem_shared>>
      tpu.enqueue_indirect_dma source(%arg18 : memref<80x128xf32, #tpu.memory_space<vmem>>) target(%dma_start3A_154 : memref<10000x128xf32, #tpu.memory_space<vmem_shared>>) offsets(%arg14 : memref<80xi32, #tpu.memory_space<vmem>>) semaphore(%arg22 : memref<!tpu.dma_semaphore, #tpu.memory_space<semaphore_mem>>) {add = true}
      %lt3A_155 = arith.constant 30 : i32
      %lt3A_156 = arith.cmpi slt, %scan3A_68, %lt3A_155 : i32
      %convert_element_type3A_157 = arith.extui %lt3A_156 : i1 to i32
      %cond3A_158 = arith.constant 0 : i32
      %cond3A_159 = arith.cmpi ne, %convert_element_type3A_157, %cond3A_158 : i32
      scf.if %cond3A_159 {
        %dma_wait3A_166 = arith.constant 0 : i32
        %dma_wait3A_167 = tpu.memref_slice %arg3[%dma_wait3A_166] : memref<320000xi32, #tpu.memory_space<hbm>> -> memref<80xi32, #tpu.memory_space<hbm>>
        %dma_wait3A_168 = arith.constant 0 : i32
        %dma_wait3A_169 = tpu.memref_slice %arg3[%dma_wait3A_168] : memref<320000xi32, #tpu.memory_space<hbm>> -> memref<80xi32, #tpu.memory_space<hbm>>
        tpu.wait_dma2 semaphore(%arg20 : memref<!tpu.dma_semaphore, #tpu.memory_space<semaphore_mem>>) src(%dma_wait3A_169 : memref<80xi32, #tpu.memory_space<hbm>>) dst(%arg7 : memref<80xi32, #tpu.memory_space<vmem>>)
        %dma_wait3A_170 = arith.constant 0 : i32
        %dma_wait3A_171 = tpu.memref_slice %arg4[%dma_wait3A_170] : memref<320000xi32, #tpu.memory_space<hbm>> -> memref<80xi32, #tpu.memory_space<hbm>>
        %dma_wait3A_172 = arith.constant 0 : i32
        %dma_wait3A_173 = tpu.memref_slice %arg4[%dma_wait3A_172] : memref<320000xi32, #tpu.memory_space<hbm>> -> memref<80xi32, #tpu.memory_space<hbm>>
        tpu.wait_dma2 semaphore(%arg20 : memref<!tpu.dma_semaphore, #tpu.memory_space<semaphore_mem>>) src(%dma_wait3A_173 : memref<80xi32, #tpu.memory_space<hbm>>) dst(%arg11 : memref<80xi32, #tpu.memory_space<vmem>>)
        %dma_wait3A_174 = arith.constant 0 : i32
        %dma_wait3A_175 = tpu.memref_slice %arg3[%dma_wait3A_174] : memref<320000xi32, #tpu.memory_space<hbm>> -> memref<80xi32, #tpu.memory_space<hbm>>
        %dma_wait3A_176 = arith.constant 0 : i32
        %dma_wait3A_177 = tpu.memref_slice %arg3[%dma_wait3A_176] : memref<320000xi32, #tpu.memory_space<hbm>> -> memref<80xi32, #tpu.memory_space<hbm>>
        tpu.wait_dma2 semaphore(%arg20 : memref<!tpu.dma_semaphore, #tpu.memory_space<semaphore_mem>>) src(%dma_wait3A_177 : memref<80xi32, #tpu.memory_space<hbm>>) dst(%arg8 : memref<80xi32, #tpu.memory_space<vmem>>)
        %dma_wait3A_178 = arith.constant 0 : i32
        %dma_wait3A_179 = tpu.memref_slice %arg4[%dma_wait3A_178] : memref<320000xi32, #tpu.memory_space<hbm>> -> memref<80xi32, #tpu.memory_space<hbm>>
        %dma_wait3A_180 = arith.constant 0 : i32
        %dma_wait3A_181 = tpu.memref_slice %arg4[%dma_wait3A_180] : memref<320000xi32, #tpu.memory_space<hbm>> -> memref<80xi32, #tpu.memory_space<hbm>>
        tpu.wait_dma2 semaphore(%arg20 : memref<!tpu.dma_semaphore, #tpu.memory_space<semaphore_mem>>) src(%dma_wait3A_181 : memref<80xi32, #tpu.memory_space<hbm>>) dst(%arg12 : memref<80xi32, #tpu.memory_space<vmem>>)
        %dma_start3A_182 = arith.constant 0 : i32
        %dma_start3A_183 = arith.constant 0 : i32
        %dma_start3A_184 = tpu.memref_slice %arg2[%dma_start3A_182, %dma_start3A_183] : memref<10000x128xf32, #tpu.memory_space<hbm>> -> memref<10000x128xf32, #tpu.memory_space<hbm>>
        tpu.enqueue_indirect_dma source(%dma_start3A_184 : memref<10000x128xf32, #tpu.memory_space<hbm>>) target(%arg15 : memref<80x128xf32, #tpu.memory_space<vmem>>) offsets(%arg7 : memref<80xi32, #tpu.memory_space<vmem>>) semaphore(%arg21 : memref<!tpu.dma_semaphore, #tpu.memory_space<semaphore_mem>>)
        %dma_start3A_185 = arith.constant 0 : i32
        %dma_start3A_186 = arith.constant 0 : i32
        %dma_start3A_187 = tpu.memref_slice %arg2[%dma_start3A_185, %dma_start3A_186] : memref<10000x128xf32, #tpu.memory_space<hbm>> -> memref<10000x128xf32, #tpu.memory_space<hbm>>
        tpu.enqueue_indirect_dma source(%dma_start3A_187 : memref<10000x128xf32, #tpu.memory_space<hbm>>) target(%arg16 : memref<80x128xf32, #tpu.memory_space<vmem>>) offsets(%arg8 : memref<80xi32, #tpu.memory_space<vmem>>) semaphore(%arg21 : memref<!tpu.dma_semaphore, #tpu.memory_space<semaphore_mem>>)
      } else {
      }
      %dma_wait3A_160 = arith.constant 0 : i32
      %dma_wait3A_161 = arith.constant 0 : i32
      %dma_wait3A_162 = tpu.memref_slice %arg19[%dma_wait3A_160, %dma_wait3A_161] : memref<10000x128xf32, #tpu.memory_space<vmem_shared>> -> memref<10000x128xf32, #tpu.memory_space<vmem_shared>>
      tpu.wait_indirect_dma semaphore(%arg22 : memref<!tpu.dma_semaphore, #tpu.memory_space<semaphore_mem>>) src(%arg17 : memref<80x128xf32, #tpu.memory_space<vmem>>) dst(%dma_wait3A_162 : memref<10000x128xf32, #tpu.memory_space<vmem_shared>>)
      %dma_wait3A_163 = arith.constant 0 : i32
      %dma_wait3A_164 = arith.constant 0 : i32
      %dma_wait3A_165 = tpu.memref_slice %arg19[%dma_wait3A_163, %dma_wait3A_164] : memref<10000x128xf32, #tpu.memory_space<vmem_shared>> -> memref<10000x128xf32, #tpu.memory_space<vmem_shared>>
      tpu.wait_indirect_dma semaphore(%arg22 : memref<!tpu.dma_semaphore, #tpu.memory_space<semaphore_mem>>) src(%arg18 : memref<80x128xf32, #tpu.memory_space<vmem>>) dst(%dma_wait3A_165 : memref<10000x128xf32, #tpu.memory_space<vmem_shared>>)
    }
    %scan3A_47 = arith.constant 31 : i32
    %mul3A_48 = arith.constant 10000 : i32
    %mul3A_49 = arith.muli %add3A, %mul3A_48 : i32
    %add3A_50 = arith.constant 9920 : i32
    %add3A_51 = arith.addi %mul3A_49, %add3A_50 : i32
    "tpu.region"() ({
      %run_scoped3A = tpu.sem_alloc : memref<!tpu.dma_semaphore, #tpu.memory_space<semaphore_mem>>
      %dma_start3A_68 = tpu.memref_slice %arg3[%add3A_51] : memref<320000xi32, #tpu.memory_space<hbm>> -> memref<80xi32, #tpu.memory_space<hbm>>
      %dma_start3A_69 = tpu.memref_slice %arg3[%add3A_51] : memref<320000xi32, #tpu.memory_space<hbm>> -> memref<80xi32, #tpu.memory_space<hbm>>
      tpu.enqueue_dma source(%dma_start3A_69 : memref<80xi32, #tpu.memory_space<hbm>>) target(%arg7 : memref<80xi32, #tpu.memory_space<vmem>>) target_semaphore(%run_scoped3A : memref<!tpu.dma_semaphore, #tpu.memory_space<semaphore_mem>>)
      %dma_wait3A_70 = tpu.memref_slice %arg3[%add3A_51] : memref<320000xi32, #tpu.memory_space<hbm>> -> memref<80xi32, #tpu.memory_space<hbm>>
      %dma_wait3A_71 = tpu.memref_slice %arg3[%add3A_51] : memref<320000xi32, #tpu.memory_space<hbm>> -> memref<80xi32, #tpu.memory_space<hbm>>
      tpu.wait_dma2 semaphore(%run_scoped3A : memref<!tpu.dma_semaphore, #tpu.memory_space<semaphore_mem>>) src(%dma_wait3A_71 : memref<80xi32, #tpu.memory_space<hbm>>) dst(%arg7 : memref<80xi32, #tpu.memory_space<vmem>>)
      tpu.yield
    }) : () -> ()
    "tpu.region"() ({
      %run_scoped3A = tpu.sem_alloc : memref<!tpu.dma_semaphore, #tpu.memory_space<semaphore_mem>>
      %dma_start3A_68 = tpu.memref_slice %arg4[%add3A_51] : memref<320000xi32, #tpu.memory_space<hbm>> -> memref<80xi32, #tpu.memory_space<hbm>>
      %dma_start3A_69 = tpu.memref_slice %arg4[%add3A_51] : memref<320000xi32, #tpu.memory_space<hbm>> -> memref<80xi32, #tpu.memory_space<hbm>>
      tpu.enqueue_dma source(%dma_start3A_69 : memref<80xi32, #tpu.memory_space<hbm>>) target(%arg11 : memref<80xi32, #tpu.memory_space<vmem>>) target_semaphore(%run_scoped3A : memref<!tpu.dma_semaphore, #tpu.memory_space<semaphore_mem>>)
      %dma_wait3A_70 = tpu.memref_slice %arg4[%add3A_51] : memref<320000xi32, #tpu.memory_space<hbm>> -> memref<80xi32, #tpu.memory_space<hbm>>
      %dma_wait3A_71 = tpu.memref_slice %arg4[%add3A_51] : memref<320000xi32, #tpu.memory_space<hbm>> -> memref<80xi32, #tpu.memory_space<hbm>>
      tpu.wait_dma2 semaphore(%run_scoped3A : memref<!tpu.dma_semaphore, #tpu.memory_space<semaphore_mem>>) src(%dma_wait3A_71 : memref<80xi32, #tpu.memory_space<hbm>>) dst(%arg11 : memref<80xi32, #tpu.memory_space<vmem>>)
      tpu.yield
    }) : () -> ()
    %dma_start3A_52 = arith.constant 0 : i32
    %dma_start3A_53 = arith.constant 0 : i32
    %dma_start3A_54 = tpu.memref_slice %arg2[%dma_start3A_52, %dma_start3A_53] : memref<10000x128xf32, #tpu.memory_space<hbm>> -> memref<10000x128xf32, #tpu.memory_space<hbm>>
    tpu.enqueue_indirect_dma source(%dma_start3A_54 : memref<10000x128xf32, #tpu.memory_space<hbm>>) target(%arg15 : memref<80x128xf32, #tpu.memory_space<vmem>>) offsets(%arg7 : memref<80xi32, #tpu.memory_space<vmem>>) semaphore(%arg21 : memref<!tpu.dma_semaphore, #tpu.memory_space<semaphore_mem>>)
    %dma_wait3A_55 = arith.constant 0 : i32
    %dma_wait3A_56 = arith.constant 0 : i32
    %dma_wait3A_57 = tpu.memref_slice %arg2[%dma_wait3A_55, %dma_wait3A_56] : memref<10000x128xf32, #tpu.memory_space<hbm>> -> memref<10000x128xf32, #tpu.memory_space<hbm>>
    tpu.wait_indirect_dma semaphore(%arg21 : memref<!tpu.dma_semaphore, #tpu.memory_space<semaphore_mem>>) src(%dma_wait3A_57 : memref<10000x128xf32, #tpu.memory_space<hbm>>) dst(%arg15 : memref<80x128xf32, #tpu.memory_space<vmem>>)
    "tpu.region"() ({
      %run_scoped3A = tpu.sem_alloc : memref<!tpu.dma_semaphore, #tpu.memory_space<semaphore_mem>>
      %dma_start3A_68 = arith.constant 0 : i32
      %dma_start3A_69 = arith.constant 0 : i32
      %dma_start3A_70 = tpu.memref_slice %arg19[%dma_start3A_68, %dma_start3A_69] : memref<10000x128xf32, #tpu.memory_space<vmem_shared>> -> memref<10000x128xf32, #tpu.memory_space<vmem_shared>>
      tpu.enqueue_indirect_dma source(%arg15 : memref<80x128xf32, #tpu.memory_space<vmem>>) target(%dma_start3A_70 : memref<10000x128xf32, #tpu.memory_space<vmem_shared>>) offsets(%arg11 : memref<80xi32, #tpu.memory_space<vmem>>) semaphore(%run_scoped3A : memref<!tpu.dma_semaphore, #tpu.memory_space<semaphore_mem>>) {add = true}
      %dma_wait3A_71 = arith.constant 0 : i32
      %dma_wait3A_72 = arith.constant 0 : i32
      %dma_wait3A_73 = tpu.memref_slice %arg19[%dma_wait3A_71, %dma_wait3A_72] : memref<10000x128xf32, #tpu.memory_space<vmem_shared>> -> memref<10000x128xf32, #tpu.memory_space<vmem_shared>>
      tpu.wait_indirect_dma semaphore(%run_scoped3A : memref<!tpu.dma_semaphore, #tpu.memory_space<semaphore_mem>>) src(%arg15 : memref<80x128xf32, #tpu.memory_space<vmem>>) dst(%dma_wait3A_73 : memref<10000x128xf32, #tpu.memory_space<vmem_shared>>)
      tpu.yield
    }) : () -> ()
    %barrier3A_58 = arith.constant 0 : index
    tpu.barrier barrier_id(%barrier3A_58)
    %mul3A_59 = arith.constant 624 : i32
    %mul3A_60 = arith.muli %arg1, %mul3A_59 : i32
    %mul3A_61 = arith.constant 624 : i32
    %mul3A_62 = arith.muli %arg1, %mul3A_61 : i32
    "tpu.region"() ({
      %run_scoped3A = tpu.sem_alloc : memref<!tpu.dma_semaphore, #tpu.memory_space<semaphore_mem>>
      %dma_start3A_68 = arith.constant 0 : i32
      %dma_start3A_69 = tpu.memref_slice %arg6[%arg0, %mul3A_62, %dma_start3A_68] : memref<2x10000x128xf32, #tpu.memory_space<hbm>> -> memref<1x624x128xf32, #tpu.memory_space<hbm>>
      %dma_start3A_70 = tpu.memref_squeeze %dma_start3A_69 : memref<1x624x128xf32, #tpu.memory_space<hbm>> -> memref<624x128xf32, #tpu.memory_space<hbm>>
      %dma_start3A_71 = arith.constant 0 : i32
      %dma_start3A_72 = tpu.memref_slice %arg19[%mul3A_60, %dma_start3A_71] : memref<10000x128xf32, #tpu.memory_space<vmem_shared>> -> memref<624x128xf32, #tpu.memory_space<vmem_shared>>
      tpu.enqueue_dma source(%dma_start3A_72 : memref<624x128xf32, #tpu.memory_space<vmem_shared>>) target(%dma_start3A_70 : memref<624x128xf32, #tpu.memory_space<hbm>>) target_semaphore(%run_scoped3A : memref<!tpu.dma_semaphore, #tpu.memory_space<semaphore_mem>>)
      %dma_wait3A_73 = arith.constant 0 : i32
      %dma_wait3A_74 = tpu.memref_slice %arg6[%arg0, %mul3A_62, %dma_wait3A_73] : memref<2x10000x128xf32, #tpu.memory_space<hbm>> -> memref<1x624x128xf32, #tpu.memory_space<hbm>>
      %dma_wait3A_75 = tpu.memref_squeeze %dma_wait3A_74 : memref<1x624x128xf32, #tpu.memory_space<hbm>> -> memref<624x128xf32, #tpu.memory_space<hbm>>
      %dma_wait3A_76 = arith.constant 0 : i32
      %dma_wait3A_77 = tpu.memref_slice %arg19[%mul3A_60, %dma_wait3A_76] : memref<10000x128xf32, #tpu.memory_space<vmem_shared>> -> memref<624x128xf32, #tpu.memory_space<vmem_shared>>
      tpu.wait_dma2 semaphore(%run_scoped3A : memref<!tpu.dma_semaphore, #tpu.memory_space<semaphore_mem>>) src(%dma_wait3A_77 : memref<624x128xf32, #tpu.memory_space<vmem_shared>>) dst(%dma_wait3A_75 : memref<624x128xf32, #tpu.memory_space<hbm>>)
      tpu.yield
    }) : () -> ()
    %eq3A_63 = arith.constant 15 : i32
    %eq3A_64 = arith.cmpi eq, %arg1, %eq3A_63 : i32
    %convert_element_type3A_65 = arith.extui %eq3A_64 : i1 to i32
    %cond3A_66 = arith.constant 0 : i32
    %cond3A_67 = arith.cmpi ne, %convert_element_type3A_65, %cond3A_66 : i32
    scf.if %cond3A_67 {
      "tpu.region"() ({
        %run_scoped3A = tpu.sem_alloc : memref<!tpu.dma_semaphore, #tpu.memory_space<semaphore_mem>>
        %dma_start3A_68 = arith.constant 9984 : i32
        %dma_start3A_69 = arith.constant 0 : i32
        %dma_start3A_70 = tpu.memref_slice %arg6[%arg0, %dma_start3A_68, %dma_start3A_69] : memref<2x10000x128xf32, #tpu.memory_space<hbm>> -> memref<1x16x128xf32, #tpu.memory_space<hbm>>
        %dma_start3A_71 = tpu.memref_squeeze %dma_start3A_70 : memref<1x16x128xf32, #tpu.memory_space<hbm>> -> memref<16x128xf32, #tpu.memory_space<hbm>>
        %dma_start3A_72 = arith.constant 9984 : i32
        %dma_start3A_73 = arith.constant 0 : i32
        %dma_start3A_74 = tpu.memref_slice %arg19[%dma_start3A_72, %dma_start3A_73] : memref<10000x128xf32, #tpu.memory_space<vmem_shared>> -> memref<16x128xf32, #tpu.memory_space<vmem_shared>>
        tpu.enqueue_dma source(%dma_start3A_74 : memref<16x128xf32, #tpu.memory_space<vmem_shared>>) target(%dma_start3A_71 : memref<16x128xf32, #tpu.memory_space<hbm>>) target_semaphore(%run_scoped3A : memref<!tpu.dma_semaphore, #tpu.memory_space<semaphore_mem>>)
        %dma_wait3A_75 = arith.constant 9984 : i32
        %dma_wait3A_76 = arith.constant 0 : i32
        %dma_wait3A_77 = tpu.memref_slice %arg6[%arg0, %dma_wait3A_75, %dma_wait3A_76] : memref<2x10000x128xf32, #tpu.memory_space<hbm>> -> memref<1x16x128xf32, #tpu.memory_space<hbm>>
        %dma_wait3A_78 = tpu.memref_squeeze %dma_wait3A_77 : memref<1x16x128xf32, #tpu.memory_space<hbm>> -> memref<16x128xf32, #tpu.memory_space<hbm>>
        %dma_wait3A_79 = arith.constant 9984 : i32
        %dma_wait3A_80 = arith.constant 0 : i32
        %dma_wait3A_81 = tpu.memref_slice %arg19[%dma_wait3A_79, %dma_wait3A_80] : memref<10000x128xf32, #tpu.memory_space<vmem_shared>> -> memref<16x128xf32, #tpu.memory_space<vmem_shared>>
        tpu.wait_dma2 semaphore(%run_scoped3A : memref<!tpu.dma_semaphore, #tpu.memory_space<semaphore_mem>>) src(%dma_wait3A_81 : memref<16x128xf32, #tpu.memory_space<vmem_shared>>) dst(%dma_wait3A_78 : memref<16x128xf32, #tpu.memory_space<hbm>>)
        tpu.yield
      }) : () -> ()
    } else {
    }
    return
  }
}

module attributes {stable_mosaic.version = 14 : i64} {
  func.func @_k0_body(%arg0: i32, %arg1: memref<1000x8xf32, #tpu.memory_space<vmem>>, %arg2: memref<1000x1xi32, #tpu.memory_space<vmem>>, %arg3: memref<8x128xf32, #tpu.memory_space<vmem>>, %arg4: memref<16x128xf32, #tpu.memory_space<vmem>>, %arg5: memref<1000x128xf32, #tpu.memory_space<vmem>>, %arg6: memref<1x128xf32, #tpu.memory_space<vmem>>, %arg7: memref<128x128xf32, #tpu.memory_space<vmem>>, %arg8: memref<1000x128xf32, #tpu.memory_space<vmem>>, %arg9: memref<1000x128xf32, #tpu.memory_space<vmem>>, %arg10: memref<1x20x128xf32, #tpu.memory_space<vmem>>) attributes {dimension_semantics = [#tpu.dimension_semantics<arbitrary>], iteration_bounds = array<i64: 10>, scalar_prefetch = 0 : i64, scratch_operands = 0 : i64, tpu.core_type = #tpu.core_type<tc>, window_params = [{transform_indices = @transform_0, window_bounds = array<i64: 1000, 8>}, {transform_indices = @transform_1, window_bounds = array<i64: 1000, 1>}, {pipeline_mode = #tpu.pipeline_mode<synchronous>, transform_indices = @transform_2, window_bounds = array<i64: 8, 128>}, {pipeline_mode = #tpu.pipeline_mode<synchronous>, transform_indices = @transform_3, window_bounds = array<i64: 16, 128>}, {pipeline_mode = #tpu.pipeline_mode<synchronous>, transform_indices = @transform_4, window_bounds = array<i64: 1000, 128>}, {pipeline_mode = #tpu.pipeline_mode<synchronous>, transform_indices = @transform_5, window_bounds = array<i64: 1, 128>}, {pipeline_mode = #tpu.pipeline_mode<synchronous>, transform_indices = @transform_6, window_bounds = array<i64: 128, 128>}, {transform_indices = @transform_7, window_bounds = array<i64: 1000, 128>}, {transform_indices = @transform_8, window_bounds = array<i64: 1000, 128>}, {transform_indices = @transform_9, window_bounds = array<i64: 1, 20, 128>}]} {
    %get3A = arith.constant 0 : index
    %get3A_0 = arith.constant 0 : index
    %get3A_1 = vector.load %arg2[%get3A, %get3A_0] : memref<1000x1xi32, #tpu.memory_space<vmem>>, vector<1000x1xi32>
    %iota3A = tpu.iota {dimensions = array<i32: 1>} : vector<1000x16xi32>
    %eq3A = vector.broadcast %get3A_1 : vector<1000x1xi32> to vector<1000x16xi32>
    %eq3A_2 = arith.cmpi eq, %eq3A, %iota3A : vector<1000x16xi32>
    %convert_element_type3A = arith.extui %eq3A_2 : vector<1000x16xi1> to vector<1000x16xi32>
    %convert_element_type3A_3 = arith.sitofp %convert_element_type3A : vector<1000x16xi32> to vector<1000x16xf32>
    %get3A_4 = arith.constant 0 : index
    %get3A_5 = arith.constant 0 : index
    %get3A_6 = vector.load %arg1[%get3A_4, %get3A_5] : memref<1000x8xf32, #tpu.memory_space<vmem>>, vector<1000x8xf32>
    %get3A_7 = arith.constant 0 : index
    %get3A_8 = arith.constant 0 : index
    %get3A_9 = vector.load %arg3[%get3A_7, %get3A_8] : memref<8x128xf32, #tpu.memory_space<vmem>>, vector<8x128xf32>
    %dot_general3A = arith.constant dense<0.000000e+00> : vector<1000x128xf32>
    %dot_general3A_10 = tpu.matmul %get3A_6, %get3A_9, %dot_general3A {dimension_numbers = #tpu.dot_dimension_numbers<[1], [0], [0], [1], [0, 0, 1, 1], [], []>, transpose_lhs_hint = false} : vector<1000x8xf32>, vector<8x128xf32>, vector<1000x128xf32> -> vector<1000x128xf32>
    %get3A_11 = arith.constant 0 : index
    %get3A_12 = arith.constant 0 : index
    %get3A_13 = vector.load %arg4[%get3A_11, %get3A_12] : memref<16x128xf32, #tpu.memory_space<vmem>>, vector<16x128xf32>
    %dot_general3A_14 = arith.constant dense<0.000000e+00> : vector<1000x128xf32>
    %dot_general3A_15 = tpu.matmul %convert_element_type3A_3, %get3A_13, %dot_general3A_14 {dimension_numbers = #tpu.dot_dimension_numbers<[1], [0], [0], [1], [0, 0, 1, 1], [], []>, transpose_lhs_hint = false} : vector<1000x16xf32>, vector<16x128xf32>, vector<1000x128xf32> -> vector<1000x128xf32>
    %add3A = arith.addf %dot_general3A_10, %dot_general3A_15 : vector<1000x128xf32>
    %get3A_16 = arith.constant 0 : index
    %get3A_17 = arith.constant 0 : index
    %get3A_18 = vector.load %arg5[%get3A_16, %get3A_17] : memref<1000x128xf32, #tpu.memory_space<vmem>>, vector<1000x128xf32>
    %add3A_19 = arith.addf %add3A, %get3A_18 : vector<1000x128xf32>
    %get3A_20 = arith.constant 0 : index
    %get3A_21 = arith.constant 0 : index
    %get3A_22 = vector.load %arg6[%get3A_20, %get3A_21] : memref<1x128xf32, #tpu.memory_space<vmem>>, vector<1x128xf32>
    %add3A_23 = vector.broadcast %get3A_22 : vector<1x128xf32> to vector<1000x128xf32>
    %add3A_24 = arith.addf %add3A_19, %add3A_23 : vector<1000x128xf32>
    %max3A = arith.constant 0.000000e+00 : f32
    %max3A_25 = vector.broadcast %max3A : f32 to vector<1000x128xf32>
    %max3A_26 = arith.maximumf %add3A_24, %max3A_25 : vector<1000x128xf32>
    %swap3A = arith.constant 0 : index
    %swap3A_27 = arith.constant 0 : index
    %swap3A_28 = vector.load %arg8[%swap3A, %swap3A_27] : memref<1000x128xf32, #tpu.memory_space<vmem>>, vector<1000x128xf32>
    tpu.vector_store %arg8[%swap3A, %swap3A_27], %max3A_26 {strides = array<i32>} : memref<1000x128xf32, #tpu.memory_space<vmem>>, vector<1000x128xf32>,
    %get3A_29 = arith.constant 0 : index
    %get3A_30 = arith.constant 0 : index
    %get3A_31 = vector.load %arg7[%get3A_29, %get3A_30] : memref<128x128xf32, #tpu.memory_space<vmem>>, vector<128x128xf32>
    %dot_general3A_32 = arith.constant dense<0.000000e+00> : vector<1000x128xf32>
    %dot_general3A_33 = tpu.matmul %max3A_26, %get3A_31, %dot_general3A_32 {dimension_numbers = #tpu.dot_dimension_numbers<[1], [0], [0], [1], [0, 0, 1, 1], [], []>, transpose_lhs_hint = false} : vector<1000x128xf32>, vector<128x128xf32>, vector<1000x128xf32> -> vector<1000x128xf32>
    %swap3A_34 = arith.constant 0 : index
    %swap3A_35 = arith.constant 0 : index
    %swap3A_36 = vector.load %arg9[%swap3A_34, %swap3A_35] : memref<1000x128xf32, #tpu.memory_space<vmem>>, vector<1000x128xf32>
    tpu.vector_store %arg9[%swap3A_34, %swap3A_35], %dot_general3A_33 {strides = array<i32>} : memref<1000x128xf32, #tpu.memory_space<vmem>>, vector<1000x128xf32>,
    %reshape3A = vector.shape_cast %max3A_26 : vector<1000x128xf32> to vector<20x50x128xf32>
    %reduce_max3A = arith.constant dense<0xFF800000> : vector<20x128xf32>
    %reduce_max3A_37 = vector.multi_reduction <maximumf>, %reshape3A, %reduce_max3A [1] : vector<20x50x128xf32> to vector<20x128xf32>
    %broadcast_in_dim3A = vector.shape_cast %reduce_max3A_37 : vector<20x128xf32> to vector<1x20x128xf32>
    %swap3A_38 = arith.constant 0 : index
    %swap3A_39 = arith.constant 0 : index
    %swap3A_40 = arith.constant 0 : index
    %swap3A_41 = vector.load %arg10[%swap3A_38, %swap3A_39, %swap3A_40] : memref<1x20x128xf32, #tpu.memory_space<vmem>>, vector<1x20x128xf32>
    tpu.vector_store %arg10[%swap3A_38, %swap3A_39, %swap3A_40], %broadcast_in_dim3A {strides = array<i32>} : memref<1x20x128xf32, #tpu.memory_space<vmem>>, vector<1x20x128xf32>,
    return
  }
  func.func @transform_0(%arg0: i32) -> (i32, i32) {
    %c0_i32 = arith.constant 0 : i32
    %c0_i32_0 = arith.constant 0 : i32
    return %arg0, %c0_i32 : i32, i32
  }
  func.func @transform_1(%arg0: i32) -> (i32, i32) {
    %c0_i32 = arith.constant 0 : i32
    %c0_i32_0 = arith.constant 0 : i32
    return %arg0, %c0_i32 : i32, i32
  }
  func.func @transform_2(%arg0: i32) -> (i32, i32) {
    %c0_i32 = arith.constant 0 : i32
    %c0_i32_0 = arith.constant 0 : i32
    %c0_i32_1 = arith.constant 0 : i32
    return %c0_i32, %c0_i32_0 : i32, i32
  }
  func.func @transform_3(%arg0: i32) -> (i32, i32) {
    %c0_i32 = arith.constant 0 : i32
    %c0_i32_0 = arith.constant 0 : i32
    %c0_i32_1 = arith.constant 0 : i32
    return %c0_i32, %c0_i32_0 : i32, i32
  }
  func.func @transform_4(%arg0: i32) -> (i32, i32) {
    %c0_i32 = arith.constant 0 : i32
    %c0_i32_0 = arith.constant 0 : i32
    %c0_i32_1 = arith.constant 0 : i32
    return %c0_i32, %c0_i32_0 : i32, i32
  }
  func.func @transform_5(%arg0: i32) -> (i32, i32) {
    %c0_i32 = arith.constant 0 : i32
    %c0_i32_0 = arith.constant 0 : i32
    %c0_i32_1 = arith.constant 0 : i32
    return %c0_i32, %c0_i32_0 : i32, i32
  }
  func.func @transform_6(%arg0: i32) -> (i32, i32) {
    %c0_i32 = arith.constant 0 : i32
    %c0_i32_0 = arith.constant 0 : i32
    %c0_i32_1 = arith.constant 0 : i32
    return %c0_i32, %c0_i32_0 : i32, i32
  }
  func.func @transform_7(%arg0: i32) -> (i32, i32) {
    %c0_i32 = arith.constant 0 : i32
    %c0_i32_0 = arith.constant 0 : i32
    return %arg0, %c0_i32 : i32, i32
  }
  func.func @transform_8(%arg0: i32) -> (i32, i32) {
    %c0_i32 = arith.constant 0 : i32
    %c0_i32_0 = arith.constant 0 : i32
    return %arg0, %c0_i32 : i32, i32
  }
  func.func @transform_9(%arg0: i32) -> (i32, i32, i32) {
    %c0_i32 = arith.constant 0 : i32
    %c0_i32_0 = arith.constant 0 : i32
    %c0_i32_1 = arith.constant 0 : i32
    return %arg0, %c0_i32, %c0_i32_0 : i32, i32, i32
  }
}

module attributes {stable_mosaic.version = 14 : i64} {
  func.func @_klayer_body(%arg0: i32, %arg1: memref<1000x128xf32, #tpu.memory_space<vmem>>, %arg2: memref<1000x128xf32, #tpu.memory_space<vmem>>, %arg3: memref<1000x128xf32, #tpu.memory_space<vmem>>, %arg4: memref<1000x1xf32, #tpu.memory_space<vmem>>, %arg5: memref<1000x1xf32, #tpu.memory_space<vmem>>, %arg6: memref<128x128xf32, #tpu.memory_space<vmem>>, %arg7: memref<1x128xf32, #tpu.memory_space<vmem>>, %arg8: memref<128x128xf32, #tpu.memory_space<vmem>>, %arg9: memref<1000x128xf32, #tpu.memory_space<vmem>>, %arg10: memref<1000x128xf32, #tpu.memory_space<vmem>>, %arg11: memref<1x20x128xf32, #tpu.memory_space<vmem>>) attributes {dimension_semantics = [#tpu.dimension_semantics<arbitrary>], iteration_bounds = array<i64: 10>, scalar_prefetch = 0 : i64, scratch_operands = 0 : i64, tpu.core_type = #tpu.core_type<tc>, window_params = [{transform_indices = @transform_0, window_bounds = array<i64: 1000, 128>}, {transform_indices = @transform_1, window_bounds = array<i64: 1000, 128>}, {transform_indices = @transform_2, window_bounds = array<i64: 1000, 128>}, {transform_indices = @transform_3, window_bounds = array<i64: 1000, 1>}, {transform_indices = @transform_4, window_bounds = array<i64: 1000, 1>}, {pipeline_mode = #tpu.pipeline_mode<synchronous>, transform_indices = @transform_5, window_bounds = array<i64: 128, 128>}, {pipeline_mode = #tpu.pipeline_mode<synchronous>, transform_indices = @transform_6, window_bounds = array<i64: 1, 128>}, {pipeline_mode = #tpu.pipeline_mode<synchronous>, transform_indices = @transform_7, window_bounds = array<i64: 128, 128>}, {transform_indices = @transform_8, window_bounds = array<i64: 1000, 128>}, {transform_indices = @transform_9, window_bounds = array<i64: 1000, 128>}, {transform_indices = @transform_10, window_bounds = array<i64: 1, 20, 128>}]} {
    %get3A = arith.constant 0 : index
    %get3A_0 = arith.constant 0 : index
    %get3A_1 = vector.load %arg4[%get3A, %get3A_0] : memref<1000x1xf32, #tpu.memory_space<vmem>>, vector<1000x1xf32>
    %get3A_2 = arith.constant 0 : index
    %get3A_3 = arith.constant 0 : index
    %get3A_4 = vector.load %arg5[%get3A_2, %get3A_3] : memref<1000x1xf32, #tpu.memory_space<vmem>>, vector<1000x1xf32>
    %add3A = arith.addf %get3A_1, %get3A_4 : vector<1000x1xf32>
    %get3A_5 = arith.constant 0 : index
    %get3A_6 = arith.constant 0 : index
    %get3A_7 = vector.load %arg2[%get3A_5, %get3A_6] : memref<1000x128xf32, #tpu.memory_space<vmem>>, vector<1000x128xf32>
    %get3A_8 = arith.constant 0 : index
    %get3A_9 = arith.constant 0 : index
    %get3A_10 = vector.load %arg3[%get3A_8, %get3A_9] : memref<1000x128xf32, #tpu.memory_space<vmem>>, vector<1000x128xf32>
    %add3A_11 = arith.addf %get3A_7, %get3A_10 : vector<1000x128xf32>
    %max3A = arith.constant 1.000000e+00 : f32
    %max3A_12 = vector.broadcast %max3A : f32 to vector<1000x1xf32>
    %max3A_13 = arith.maximumf %add3A, %max3A_12 : vector<1000x1xf32>
    %div3A = arith.constant 1.000000e+00 : f32
    %div3A_14 = vector.broadcast %div3A : f32 to vector<1000x1xf32>
    %div3A_15 = arith.divf %div3A_14, %max3A_13 : vector<1000x1xf32>
    %get3A_16 = arith.constant 0 : index
    %get3A_17 = arith.constant 0 : index
    %get3A_18 = vector.load %arg1[%get3A_16, %get3A_17] : memref<1000x128xf32, #tpu.memory_space<vmem>>, vector<1000x128xf32>
    %get3A_19 = arith.constant 0 : index
    %get3A_20 = arith.constant 0 : index
    %get3A_21 = vector.load %arg6[%get3A_19, %get3A_20] : memref<128x128xf32, #tpu.memory_space<vmem>>, vector<128x128xf32>
    %dot_general3A = arith.constant dense<0.000000e+00> : vector<1000x128xf32>
    %dot_general3A_22 = tpu.matmul %get3A_18, %get3A_21, %dot_general3A {dimension_numbers = #tpu.dot_dimension_numbers<[1], [0], [0], [1], [0, 0, 1, 1], [], []>, transpose_lhs_hint = false} : vector<1000x128xf32>, vector<128x128xf32>, vector<1000x128xf32> -> vector<1000x128xf32>
    %mul3A = vector.broadcast %div3A_15 : vector<1000x1xf32> to vector<1000x128xf32>
    %mul3A_23 = arith.mulf %add3A_11, %mul3A : vector<1000x128xf32>
    %add3A_24 = arith.addf %dot_general3A_22, %mul3A_23 : vector<1000x128xf32>
    %get3A_25 = arith.constant 0 : index
    %get3A_26 = arith.constant 0 : index
    %get3A_27 = vector.load %arg7[%get3A_25, %get3A_26] : memref<1x128xf32, #tpu.memory_space<vmem>>, vector<1x128xf32>
    %add3A_28 = vector.broadcast %get3A_27 : vector<1x128xf32> to vector<1000x128xf32>
    %add3A_29 = arith.addf %add3A_24, %add3A_28 : vector<1000x128xf32>
    %gt3A = arith.constant 0.000000e+00 : f32
    %gt3A_30 = vector.broadcast %gt3A : f32 to vector<1000x1xf32>
    %gt3A_31 = arith.cmpf ogt, %add3A, %gt3A_30 : vector<1000x1xf32>
    %jit3A = arith.constant 0.000000e+00 : f32
    %broadcast_in_dim3A = vector.shape_cast %gt3A_31 : vector<1000x1xi1> to vector<1000x1xi1>
    %broadcast_in_dim3A_32 = vector.broadcast %broadcast_in_dim3A : vector<1000x1xi1> to vector<1000x128xi1>
    %broadcast_in_dim3A_33 = vector.broadcast %jit3A : f32 to vector<1000x128xf32>
    %select_n3A = arith.select %broadcast_in_dim3A_32, %add3A_29, %broadcast_in_dim3A_33 : vector<1000x128xi1>, vector<1000x128xf32>
    %max3A_34 = arith.constant 0.000000e+00 : f32
    %max3A_35 = vector.broadcast %max3A_34 : f32 to vector<1000x128xf32>
    %max3A_36 = arith.maximumf %select_n3A, %max3A_35 : vector<1000x128xf32>
    %swap3A = arith.constant 0 : index
    %swap3A_37 = arith.constant 0 : index
    %swap3A_38 = vector.load %arg9[%swap3A, %swap3A_37] : memref<1000x128xf32, #tpu.memory_space<vmem>>, vector<1000x128xf32>
    tpu.vector_store %arg9[%swap3A, %swap3A_37], %max3A_36 {strides = array<i32>} : memref<1000x128xf32, #tpu.memory_space<vmem>>, vector<1000x128xf32>,
    %get3A_39 = arith.constant 0 : index
    %get3A_40 = arith.constant 0 : index
    %get3A_41 = vector.load %arg8[%get3A_39, %get3A_40] : memref<128x128xf32, #tpu.memory_space<vmem>>, vector<128x128xf32>
    %dot_general3A_42 = arith.constant dense<0.000000e+00> : vector<1000x128xf32>
    %dot_general3A_43 = tpu.matmul %max3A_36, %get3A_41, %dot_general3A_42 {dimension_numbers = #tpu.dot_dimension_numbers<[1], [0], [0], [1], [0, 0, 1, 1], [], []>, transpose_lhs_hint = false} : vector<1000x128xf32>, vector<128x128xf32>, vector<1000x128xf32> -> vector<1000x128xf32>
    %swap3A_44 = arith.constant 0 : index
    %swap3A_45 = arith.constant 0 : index
    %swap3A_46 = vector.load %arg10[%swap3A_44, %swap3A_45] : memref<1000x128xf32, #tpu.memory_space<vmem>>, vector<1000x128xf32>
    tpu.vector_store %arg10[%swap3A_44, %swap3A_45], %dot_general3A_43 {strides = array<i32>} : memref<1000x128xf32, #tpu.memory_space<vmem>>, vector<1000x128xf32>,
    %reshape3A = vector.shape_cast %max3A_36 : vector<1000x128xf32> to vector<20x50x128xf32>
    %reduce_max3A = arith.constant dense<0xFF800000> : vector<20x128xf32>
    %reduce_max3A_47 = vector.multi_reduction <maximumf>, %reshape3A, %reduce_max3A [1] : vector<20x50x128xf32> to vector<20x128xf32>
    %broadcast_in_dim3A_48 = vector.shape_cast %reduce_max3A_47 : vector<20x128xf32> to vector<1x20x128xf32>
    %swap3A_49 = arith.constant 0 : index
    %swap3A_50 = arith.constant 0 : index
    %swap3A_51 = arith.constant 0 : index
    %swap3A_52 = vector.load %arg11[%swap3A_49, %swap3A_50, %swap3A_51] : memref<1x20x128xf32, #tpu.memory_space<vmem>>, vector<1x20x128xf32>
    tpu.vector_store %arg11[%swap3A_49, %swap3A_50, %swap3A_51], %broadcast_in_dim3A_48 {strides = array<i32>} : memref<1x20x128xf32, #tpu.memory_space<vmem>>, vector<1x20x128xf32>,
    return
  }
  func.func @transform_0(%arg0: i32) -> (i32, i32) {
    %c0_i32 = arith.constant 0 : i32
    %c0_i32_0 = arith.constant 0 : i32
    return %arg0, %c0_i32 : i32, i32
  }
  func.func @transform_1(%arg0: i32) -> (i32, i32) {
    %c0_i32 = arith.constant 0 : i32
    %c0_i32_0 = arith.constant 0 : i32
    return %arg0, %c0_i32 : i32, i32
  }
  func.func @transform_2(%arg0: i32) -> (i32, i32) {
    %c0_i32 = arith.constant 0 : i32
    %c0_i32_0 = arith.constant 0 : i32
    return %arg0, %c0_i32 : i32, i32
  }
  func.func @transform_3(%arg0: i32) -> (i32, i32) {
    %c0_i32 = arith.constant 0 : i32
    %c0_i32_0 = arith.constant 0 : i32
    return %arg0, %c0_i32 : i32, i32
  }
  func.func @transform_4(%arg0: i32) -> (i32, i32) {
    %c0_i32 = arith.constant 0 : i32
    %c0_i32_0 = arith.constant 0 : i32
    return %arg0, %c0_i32 : i32, i32
  }
  func.func @transform_5(%arg0: i32) -> (i32, i32) {
    %c0_i32 = arith.constant 0 : i32
    %c0_i32_0 = arith.constant 0 : i32
    %c0_i32_1 = arith.constant 0 : i32
    return %c0_i32, %c0_i32_0 : i32, i32
  }
  func.func @transform_6(%arg0: i32) -> (i32, i32) {
    %c0_i32 = arith.constant 0 : i32
    %c0_i32_0 = arith.constant 0 : i32
    %c0_i32_1 = arith.constant 0 : i32
    return %c0_i32, %c0_i32_0 : i32, i32
  }
  func.func @transform_7(%arg0: i32) -> (i32, i32) {
    %c0_i32 = arith.constant 0 : i32
    %c0_i32_0 = arith.constant 0 : i32
    %c0_i32_1 = arith.constant 0 : i32
    return %c0_i32, %c0_i32_0 : i32, i32
  }
  func.func @transform_8(%arg0: i32) -> (i32, i32) {
    %c0_i32 = arith.constant 0 : i32
    %c0_i32_0 = arith.constant 0 : i32
    return %arg0, %c0_i32 : i32, i32
  }
  func.func @transform_9(%arg0: i32) -> (i32, i32) {
    %c0_i32 = arith.constant 0 : i32
    %c0_i32_0 = arith.constant 0 : i32
    return %arg0, %c0_i32 : i32, i32
  }
  func.func @transform_10(%arg0: i32) -> (i32, i32, i32) {
    %c0_i32 = arith.constant 0 : i32
    %c0_i32_0 = arith.constant 0 : i32
    %c0_i32_1 = arith.constant 0 : i32
    return %arg0, %c0_i32, %c0_i32_0 : i32, i32, i32
  }
}

module attributes {stable_mosaic.version = 14 : i64} {
  func.func @_k3_body(%arg0: i32, %arg1: memref<1000x128xf32, #tpu.memory_space<vmem>>, %arg2: memref<1000x128xf32, #tpu.memory_space<vmem>>, %arg3: memref<1000x128xf32, #tpu.memory_space<vmem>>, %arg4: memref<1000x1xf32, #tpu.memory_space<vmem>>, %arg5: memref<1000x1xf32, #tpu.memory_space<vmem>>, %arg6: memref<128x128xf32, #tpu.memory_space<vmem>>, %arg7: memref<1x128xf32, #tpu.memory_space<vmem>>, %arg8: memref<1x20x128xf32, #tpu.memory_space<vmem>>, %arg9: memref<1x20x128xf32, #tpu.memory_space<vmem>>, %arg10: memref<1x20x128xf32, #tpu.memory_space<vmem>>, %arg11: memref<128x128xf32, #tpu.memory_space<vmem>>, %arg12: memref<128x128xf32, #tpu.memory_space<vmem>>, %arg13: memref<128x128xf32, #tpu.memory_space<vmem>>, %arg14: memref<128x128xf32, #tpu.memory_space<vmem>>, %arg15: memref<1x128xf32, #tpu.memory_space<vmem>>, %arg16: memref<128x128xf32, #tpu.memory_space<vmem>>, %arg17: memref<1x128xf32, #tpu.memory_space<vmem>>, %arg18: memref<128x128xf32, #tpu.memory_space<vmem>>, %arg19: memref<1x128xf32, #tpu.memory_space<vmem>>, %arg20: memref<1x20x128xf32, #tpu.memory_space<vmem>>, %arg21: memref<1x20x128xf32, #tpu.memory_space<vmem>>) attributes {dimension_semantics = [#tpu.dimension_semantics<arbitrary>], iteration_bounds = array<i64: 10>, scalar_prefetch = 0 : i64, scratch_operands = 0 : i64, tpu.core_type = #tpu.core_type<tc>, window_params = [{transform_indices = @transform_0, window_bounds = array<i64: 1000, 128>}, {transform_indices = @transform_1, window_bounds = array<i64: 1000, 128>}, {transform_indices = @transform_2, window_bounds = array<i64: 1000, 128>}, {transform_indices = @transform_3, window_bounds = array<i64: 1000, 1>}, {transform_indices = @transform_4, window_bounds = array<i64: 1000, 1>}, {pipeline_mode = #tpu.pipeline_mode<synchronous>, transform_indices = @transform_5, window_bounds = array<i64: 128, 128>}, {pipeline_mode = #tpu.pipeline_mode<synchronous>, transform_indices = @transform_6, window_bounds = array<i64: 1, 128>}, {transform_indices = @transform_7, window_bounds = array<i64: 1, 20, 128>}, {transform_indices = @transform_8, window_bounds = array<i64: 1, 20, 128>}, {transform_indices = @transform_9, window_bounds = array<i64: 1, 20, 128>}, {pipeline_mode = #tpu.pipeline_mode<synchronous>, transform_indices = @transform_10, window_bounds = array<i64: 128, 128>}, {pipeline_mode = #tpu.pipeline_mode<synchronous>, transform_indices = @transform_11, window_bounds = array<i64: 128, 128>}, {pipeline_mode = #tpu.pipeline_mode<synchronous>, transform_indices = @transform_12, window_bounds = array<i64: 128, 128>}, {pipeline_mode = #tpu.pipeline_mode<synchronous>, transform_indices = @transform_13, window_bounds = array<i64: 128, 128>}, {pipeline_mode = #tpu.pipeline_mode<synchronous>, transform_indices = @transform_14, window_bounds = array<i64: 1, 128>}, {pipeline_mode = #tpu.pipeline_mode<synchronous>, transform_indices = @transform_15, window_bounds = array<i64: 128, 128>}, {pipeline_mode = #tpu.pipeline_mode<synchronous>, transform_indices = @transform_16, window_bounds = array<i64: 1, 128>}, {pipeline_mode = #tpu.pipeline_mode<synchronous>, transform_indices = @transform_17, window_bounds = array<i64: 128, 128>}, {pipeline_mode = #tpu.pipeline_mode<synchronous>, transform_indices = @transform_18, window_bounds = array<i64: 1, 128>}, {transform_indices = @transform_19, window_bounds = array<i64: 1, 20, 128>}, {transform_indices = @transform_20, window_bounds = array<i64: 1, 20, 128>}]} {
    %get3A = arith.constant 0 : index
    %get3A_0 = arith.constant 0 : index
    %get3A_1 = vector.load %arg4[%get3A, %get3A_0] : memref<1000x1xf32, #tpu.memory_space<vmem>>, vector<1000x1xf32>
    %get3A_2 = arith.constant 0 : index
    %get3A_3 = arith.constant 0 : index
    %get3A_4 = vector.load %arg5[%get3A_2, %get3A_3] : memref<1000x1xf32, #tpu.memory_space<vmem>>, vector<1000x1xf32>
    %add3A = arith.addf %get3A_1, %get3A_4 : vector<1000x1xf32>
    %get3A_5 = arith.constant 0 : index
    %get3A_6 = arith.constant 0 : index
    %get3A_7 = vector.load %arg2[%get3A_5, %get3A_6] : memref<1000x128xf32, #tpu.memory_space<vmem>>, vector<1000x128xf32>
    %get3A_8 = arith.constant 0 : index
    %get3A_9 = arith.constant 0 : index
    %get3A_10 = vector.load %arg3[%get3A_8, %get3A_9] : memref<1000x128xf32, #tpu.memory_space<vmem>>, vector<1000x128xf32>
    %add3A_11 = arith.addf %get3A_7, %get3A_10 : vector<1000x128xf32>
    %max3A = arith.constant 1.000000e+00 : f32
    %max3A_12 = vector.broadcast %max3A : f32 to vector<1000x1xf32>
    %max3A_13 = arith.maximumf %add3A, %max3A_12 : vector<1000x1xf32>
    %div3A = arith.constant 1.000000e+00 : f32
    %div3A_14 = vector.broadcast %div3A : f32 to vector<1000x1xf32>
    %div3A_15 = arith.divf %div3A_14, %max3A_13 : vector<1000x1xf32>
    %get3A_16 = arith.constant 0 : index
    %get3A_17 = arith.constant 0 : index
    %get3A_18 = vector.load %arg1[%get3A_16, %get3A_17] : memref<1000x128xf32, #tpu.memory_space<vmem>>, vector<1000x128xf32>
    %get3A_19 = arith.constant 0 : index
    %get3A_20 = arith.constant 0 : index
    %get3A_21 = vector.load %arg6[%get3A_19, %get3A_20] : memref<128x128xf32, #tpu.memory_space<vmem>>, vector<128x128xf32>
    %dot_general3A = arith.constant dense<0.000000e+00> : vector<1000x128xf32>
    %dot_general3A_22 = tpu.matmul %get3A_18, %get3A_21, %dot_general3A {dimension_numbers = #tpu.dot_dimension_numbers<[1], [0], [0], [1], [0, 0, 1, 1], [], []>, transpose_lhs_hint = false} : vector<1000x128xf32>, vector<128x128xf32>, vector<1000x128xf32> -> vector<1000x128xf32>
    %mul3A = vector.broadcast %div3A_15 : vector<1000x1xf32> to vector<1000x128xf32>
    %mul3A_23 = arith.mulf %add3A_11, %mul3A : vector<1000x128xf32>
    %add3A_24 = arith.addf %dot_general3A_22, %mul3A_23 : vector<1000x128xf32>
    %get3A_25 = arith.constant 0 : index
    %get3A_26 = arith.constant 0 : index
    %get3A_27 = vector.load %arg7[%get3A_25, %get3A_26] : memref<1x128xf32, #tpu.memory_space<vmem>>, vector<1x128xf32>
    %add3A_28 = vector.broadcast %get3A_27 : vector<1x128xf32> to vector<1000x128xf32>
    %add3A_29 = arith.addf %add3A_24, %add3A_28 : vector<1000x128xf32>
    %gt3A = arith.constant 0.000000e+00 : f32
    %gt3A_30 = vector.broadcast %gt3A : f32 to vector<1000x1xf32>
    %gt3A_31 = arith.cmpf ogt, %add3A, %gt3A_30 : vector<1000x1xf32>
    %jit3A = arith.constant 0.000000e+00 : f32
    %broadcast_in_dim3A = vector.shape_cast %gt3A_31 : vector<1000x1xi1> to vector<1000x1xi1>
    %broadcast_in_dim3A_32 = vector.broadcast %broadcast_in_dim3A : vector<1000x1xi1> to vector<1000x128xi1>
    %broadcast_in_dim3A_33 = vector.broadcast %jit3A : f32 to vector<1000x128xf32>
    %select_n3A = arith.select %broadcast_in_dim3A_32, %add3A_29, %broadcast_in_dim3A_33 : vector<1000x128xi1>, vector<1000x128xf32>
    %max3A_34 = arith.constant 0.000000e+00 : f32
    %max3A_35 = vector.broadcast %max3A_34 : f32 to vector<1000x128xf32>
    %max3A_36 = arith.maximumf %select_n3A, %max3A_35 : vector<1000x128xf32>
    %reshape3A = vector.shape_cast %max3A_36 : vector<1000x128xf32> to vector<20x50x128xf32>
    %reduce_max3A = arith.constant dense<0xFF800000> : vector<20x128xf32>
    %reduce_max3A_37 = vector.multi_reduction <maximumf>, %reshape3A, %reduce_max3A [1] : vector<20x50x128xf32> to vector<20x128xf32>
    %broadcast_in_dim3A_38 = vector.shape_cast %reduce_max3A_37 : vector<20x128xf32> to vector<1x20x128xf32>
    %squeeze3A = vector.shape_cast %broadcast_in_dim3A_38 : vector<1x20x128xf32> to vector<20x128xf32>
    %get3A_39 = arith.constant 0 : index
    %get3A_40 = arith.constant 0 : index
    %get3A_41 = arith.constant 0 : index
    %get3A_42 = vector.load %arg8[%get3A_39, %get3A_40, %get3A_41] : memref<1x20x128xf32, #tpu.memory_space<vmem>>, vector<1x20x128xf32>
    %get3A_43 = vector.shape_cast %get3A_42 : vector<1x20x128xf32> to vector<20x128xf32>
    %get3A_44 = arith.constant 0 : index
    %get3A_45 = arith.constant 0 : index
    %get3A_46 = vector.load %arg11[%get3A_44, %get3A_45] : memref<128x128xf32, #tpu.memory_space<vmem>>, vector<128x128xf32>
    %dot_general3A_47 = arith.constant dense<0.000000e+00> : vector<20x128xf32>
    %dot_general3A_48 = tpu.matmul %get3A_43, %get3A_46, %dot_general3A_47 {dimension_numbers = #tpu.dot_dimension_numbers<[1], [0], [0], [1], [0, 0, 1, 1], [], []>, transpose_lhs_hint = false} : vector<20x128xf32>, vector<128x128xf32>, vector<20x128xf32> -> vector<20x128xf32>
    %get3A_49 = arith.constant 0 : index
    %get3A_50 = arith.constant 0 : index
    %get3A_51 = arith.constant 0 : index
    %get3A_52 = vector.load %arg9[%get3A_49, %get3A_50, %get3A_51] : memref<1x20x128xf32, #tpu.memory_space<vmem>>, vector<1x20x128xf32>
    %get3A_53 = vector.shape_cast %get3A_52 : vector<1x20x128xf32> to vector<20x128xf32>
    %get3A_54 = arith.constant 0 : index
    %get3A_55 = arith.constant 0 : index
    %get3A_56 = vector.load %arg12[%get3A_54, %get3A_55] : memref<128x128xf32, #tpu.memory_space<vmem>>, vector<128x128xf32>
    %dot_general3A_57 = arith.constant dense<0.000000e+00> : vector<20x128xf32>
    %dot_general3A_58 = tpu.matmul %get3A_53, %get3A_56, %dot_general3A_57 {dimension_numbers = #tpu.dot_dimension_numbers<[1], [0], [0], [1], [0, 0, 1, 1], [], []>, transpose_lhs_hint = false} : vector<20x128xf32>, vector<128x128xf32>, vector<20x128xf32> -> vector<20x128xf32>
    %add3A_59 = arith.addf %dot_general3A_48, %dot_general3A_58 : vector<20x128xf32>
    %get3A_60 = arith.constant 0 : index
    %get3A_61 = arith.constant 0 : index
    %get3A_62 = arith.constant 0 : index
    %get3A_63 = vector.load %arg10[%get3A_60, %get3A_61, %get3A_62] : memref<1x20x128xf32, #tpu.memory_space<vmem>>, vector<1x20x128xf32>
    %get3A_64 = vector.shape_cast %get3A_63 : vector<1x20x128xf32> to vector<20x128xf32>
    %get3A_65 = arith.constant 0 : index
    %get3A_66 = arith.constant 0 : index
    %get3A_67 = vector.load %arg13[%get3A_65, %get3A_66] : memref<128x128xf32, #tpu.memory_space<vmem>>, vector<128x128xf32>
    %dot_general3A_68 = arith.constant dense<0.000000e+00> : vector<20x128xf32>
    %dot_general3A_69 = tpu.matmul %get3A_64, %get3A_67, %dot_general3A_68 {dimension_numbers = #tpu.dot_dimension_numbers<[1], [0], [0], [1], [0, 0, 1, 1], [], []>, transpose_lhs_hint = false} : vector<20x128xf32>, vector<128x128xf32>, vector<20x128xf32> -> vector<20x128xf32>
    %add3A_70 = arith.addf %add3A_59, %dot_general3A_69 : vector<20x128xf32>
    %get3A_71 = arith.constant 0 : index
    %get3A_72 = arith.constant 0 : index
    %get3A_73 = vector.load %arg14[%get3A_71, %get3A_72] : memref<128x128xf32, #tpu.memory_space<vmem>>, vector<128x128xf32>
    %dot_general3A_74 = arith.constant dense<0.000000e+00> : vector<20x128xf32>
    %dot_general3A_75 = tpu.matmul %squeeze3A, %get3A_73, %dot_general3A_74 {dimension_numbers = #tpu.dot_dimension_numbers<[1], [0], [0], [1], [0, 0, 1, 1], [], []>, transpose_lhs_hint = false} : vector<20x128xf32>, vector<128x128xf32>, vector<20x128xf32> -> vector<20x128xf32>
    %add3A_76 = arith.addf %add3A_70, %dot_general3A_75 : vector<20x128xf32>
    %get3A_77 = arith.constant 0 : index
    %get3A_78 = arith.constant 0 : index
    %get3A_79 = vector.load %arg15[%get3A_77, %get3A_78] : memref<1x128xf32, #tpu.memory_space<vmem>>, vector<1x128xf32>
    %add3A_80 = vector.broadcast %get3A_79 : vector<1x128xf32> to vector<20x128xf32>
    %add3A_81 = arith.addf %add3A_76, %add3A_80 : vector<20x128xf32>
    %get3A_82 = arith.constant 0 : index
    %get3A_83 = arith.constant 0 : index
    %get3A_84 = vector.load %arg16[%get3A_82, %get3A_83] : memref<128x128xf32, #tpu.memory_space<vmem>>, vector<128x128xf32>
    %dot_general3A_85 = arith.constant dense<0.000000e+00> : vector<20x128xf32>
    %dot_general3A_86 = tpu.matmul %add3A_81, %get3A_84, %dot_general3A_85 {dimension_numbers = #tpu.dot_dimension_numbers<[1], [0], [0], [1], [0, 0, 1, 1], [], []>, transpose_lhs_hint = false} : vector<20x128xf32>, vector<128x128xf32>, vector<20x128xf32> -> vector<20x128xf32>
    %get3A_87 = arith.constant 0 : index
    %get3A_88 = arith.constant 0 : index
    %get3A_89 = vector.load %arg17[%get3A_87, %get3A_88] : memref<1x128xf32, #tpu.memory_space<vmem>>, vector<1x128xf32>
    %add3A_90 = vector.broadcast %get3A_89 : vector<1x128xf32> to vector<20x128xf32>
    %add3A_91 = arith.addf %dot_general3A_86, %add3A_90 : vector<20x128xf32>
    %broadcast_in_dim3A_92 = vector.shape_cast %add3A_91 : vector<20x128xf32> to vector<1x20x128xf32>
    %swap3A = arith.constant 0 : index
    %swap3A_93 = arith.constant 0 : index
    %swap3A_94 = arith.constant 0 : index
    %swap3A_95 = vector.load %arg20[%swap3A, %swap3A_93, %swap3A_94] : memref<1x20x128xf32, #tpu.memory_space<vmem>>, vector<1x20x128xf32>
    tpu.vector_store %arg20[%swap3A, %swap3A_93, %swap3A_94], %broadcast_in_dim3A_92 {strides = array<i32>} : memref<1x20x128xf32, #tpu.memory_space<vmem>>, vector<1x20x128xf32>,
    %get3A_96 = arith.constant 0 : index
    %get3A_97 = arith.constant 0 : index
    %get3A_98 = vector.load %arg18[%get3A_96, %get3A_97] : memref<128x128xf32, #tpu.memory_space<vmem>>, vector<128x128xf32>
    %dot_general3A_99 = arith.constant dense<0.000000e+00> : vector<20x128xf32>
    %dot_general3A_100 = tpu.matmul %add3A_81, %get3A_98, %dot_general3A_99 {dimension_numbers = #tpu.dot_dimension_numbers<[1], [0], [0], [1], [0, 0, 1, 1], [], []>, transpose_lhs_hint = false} : vector<20x128xf32>, vector<128x128xf32>, vector<20x128xf32> -> vector<20x128xf32>
    %get3A_101 = arith.constant 0 : index
    %get3A_102 = arith.constant 0 : index
    %get3A_103 = vector.load %arg19[%get3A_101, %get3A_102] : memref<1x128xf32, #tpu.memory_space<vmem>>, vector<1x128xf32>
    %add3A_104 = vector.broadcast %get3A_103 : vector<1x128xf32> to vector<20x128xf32>
    %add3A_105 = arith.addf %dot_general3A_100, %add3A_104 : vector<20x128xf32>
    %broadcast_in_dim3A_106 = vector.shape_cast %add3A_105 : vector<20x128xf32> to vector<1x20x128xf32>
    %swap3A_107 = arith.constant 0 : index
    %swap3A_108 = arith.constant 0 : index
    %swap3A_109 = arith.constant 0 : index
    %swap3A_110 = vector.load %arg21[%swap3A_107, %swap3A_108, %swap3A_109] : memref<1x20x128xf32, #tpu.memory_space<vmem>>, vector<1x20x128xf32>
    tpu.vector_store %arg21[%swap3A_107, %swap3A_108, %swap3A_109], %broadcast_in_dim3A_106 {strides = array<i32>} : memref<1x20x128xf32, #tpu.memory_space<vmem>>, vector<1x20x128xf32>,
    return
  }
  func.func @transform_0(%arg0: i32) -> (i32, i32) {
    %c0_i32 = arith.constant 0 : i32
    %c0_i32_0 = arith.constant 0 : i32
    return %arg0, %c0_i32 : i32, i32
  }
  func.func @transform_1(%arg0: i32) -> (i32, i32) {
    %c0_i32 = arith.constant 0 : i32
    %c0_i32_0 = arith.constant 0 : i32
    return %arg0, %c0_i32 : i32, i32
  }
  func.func @transform_2(%arg0: i32) -> (i32, i32) {
    %c0_i32 = arith.constant 0 : i32
    %c0_i32_0 = arith.constant 0 : i32
    return %arg0, %c0_i32 : i32, i32
  }
  func.func @transform_3(%arg0: i32) -> (i32, i32) {
    %c0_i32 = arith.constant 0 : i32
    %c0_i32_0 = arith.constant 0 : i32
    return %arg0, %c0_i32 : i32, i32
  }
  func.func @transform_4(%arg0: i32) -> (i32, i32) {
    %c0_i32 = arith.constant 0 : i32
    %c0_i32_0 = arith.constant 0 : i32
    return %arg0, %c0_i32 : i32, i32
  }
  func.func @transform_5(%arg0: i32) -> (i32, i32) {
    %c0_i32 = arith.constant 0 : i32
    %c0_i32_0 = arith.constant 0 : i32
    %c0_i32_1 = arith.constant 0 : i32
    return %c0_i32, %c0_i32_0 : i32, i32
  }
  func.func @transform_6(%arg0: i32) -> (i32, i32) {
    %c0_i32 = arith.constant 0 : i32
    %c0_i32_0 = arith.constant 0 : i32
    %c0_i32_1 = arith.constant 0 : i32
    return %c0_i32, %c0_i32_0 : i32, i32
  }
  func.func @transform_7(%arg0: i32) -> (i32, i32, i32) {
    %c0_i32 = arith.constant 0 : i32
    %c0_i32_0 = arith.constant 0 : i32
    %c0_i32_1 = arith.constant 0 : i32
    return %arg0, %c0_i32, %c0_i32_0 : i32, i32, i32
  }
  func.func @transform_8(%arg0: i32) -> (i32, i32, i32) {
    %c0_i32 = arith.constant 0 : i32
    %c0_i32_0 = arith.constant 0 : i32
    %c0_i32_1 = arith.constant 0 : i32
    return %arg0, %c0_i32, %c0_i32_0 : i32, i32, i32
  }
  func.func @transform_9(%arg0: i32) -> (i32, i32, i32) {
    %c0_i32 = arith.constant 0 : i32
    %c0_i32_0 = arith.constant 0 : i32
    %c0_i32_1 = arith.constant 0 : i32
    return %arg0, %c0_i32, %c0_i32_0 : i32, i32, i32
  }
  func.func @transform_10(%arg0: i32) -> (i32, i32) {
    %c0_i32 = arith.constant 0 : i32
    %c0_i32_0 = arith.constant 0 : i32
    %c0_i32_1 = arith.constant 0 : i32
    return %c0_i32, %c0_i32_0 : i32, i32
  }
  func.func @transform_11(%arg0: i32) -> (i32, i32) {
    %c0_i32 = arith.constant 0 : i32
    %c0_i32_0 = arith.constant 0 : i32
    %c0_i32_1 = arith.constant 0 : i32
    return %c0_i32, %c0_i32_0 : i32, i32
  }
  func.func @transform_12(%arg0: i32) -> (i32, i32) {
    %c0_i32 = arith.constant 0 : i32
    %c0_i32_0 = arith.constant 0 : i32
    %c0_i32_1 = arith.constant 0 : i32
    return %c0_i32, %c0_i32_0 : i32, i32
  }
  func.func @transform_13(%arg0: i32) -> (i32, i32) {
    %c0_i32 = arith.constant 0 : i32
    %c0_i32_0 = arith.constant 0 : i32
    %c0_i32_1 = arith.constant 0 : i32
    return %c0_i32, %c0_i32_0 : i32, i32
  }
  func.func @transform_14(%arg0: i32) -> (i32, i32) {
    %c0_i32 = arith.constant 0 : i32
    %c0_i32_0 = arith.constant 0 : i32
    %c0_i32_1 = arith.constant 0 : i32
    return %c0_i32, %c0_i32_0 : i32, i32
  }
  func.func @transform_15(%arg0: i32) -> (i32, i32) {
    %c0_i32 = arith.constant 0 : i32
    %c0_i32_0 = arith.constant 0 : i32
    %c0_i32_1 = arith.constant 0 : i32
    return %c0_i32, %c0_i32_0 : i32, i32
  }
  func.func @transform_16(%arg0: i32) -> (i32, i32) {
    %c0_i32 = arith.constant 0 : i32
    %c0_i32_0 = arith.constant 0 : i32
    %c0_i32_1 = arith.constant 0 : i32
    return %c0_i32, %c0_i32_0 : i32, i32
  }
  func.func @transform_17(%arg0: i32) -> (i32, i32) {
    %c0_i32 = arith.constant 0 : i32
    %c0_i32_0 = arith.constant 0 : i32
    %c0_i32_1 = arith.constant 0 : i32
    return %c0_i32, %c0_i32_0 : i32, i32
  }
  func.func @transform_18(%arg0: i32) -> (i32, i32) {
    %c0_i32 = arith.constant 0 : i32
    %c0_i32_0 = arith.constant 0 : i32
    %c0_i32_1 = arith.constant 0 : i32
    return %c0_i32, %c0_i32_0 : i32, i32
  }
  func.func @transform_19(%arg0: i32) -> (i32, i32, i32) {
    %c0_i32 = arith.constant 0 : i32
    %c0_i32_0 = arith.constant 0 : i32
    %c0_i32_1 = arith.constant 0 : i32
    return %arg0, %c0_i32, %c0_i32_0 : i32, i32, i32
  }
  func.func @transform_20(%arg0: i32) -> (i32, i32, i32) {
    %c0_i32 = arith.constant 0 : i32
    %c0_i32_0 = arith.constant 0 : i32
    %c0_i32_1 = arith.constant 0 : i32
    return %arg0, %c0_i32, %c0_i32_0 : i32, i32, i32
  }
}

</mosaic_0001>

<sc_bundles>
// kernel: kernel.12.cloned.1.call-start
scs
__scs_entry_jumppad:
0x0: {  	(pc) =	sbr.rel $0x88, $3  }
0x1: {  	(tag) =	ssettag $0x0;
	lr =	simm.s32 $0x1  }
0x2: {  	[smem:$0x3F8D] =	sst lr;
	_ =	strace $0xD0000000  }
0x3: {  	_ = 	snop  }
0x4: {  	_ = 	snop  }
0x5: {  	_ = 	snop  }
0x6: {  	_ = 	snop  }
0x7: {  	_ = 	snop  }
__scs_overlays_trampoline_lowered:
0x8: {  	[smem:$0x3F9C] =	sst s0  }
0x9: {  	[smem:$0x3F9D] =	sst s1  }
0xa: {  	[smem:$0x3F9E] =	sst s2  }
0xb: {  	[smem:$0x3F9F] =	sst s3  }
0xc: {  	[smem:$0x3FA0] =	sst s4  }
0xd: {  	[smem:$0x3FA1] =	sst s5  }
0xe: {  	[smem:$0x3FA2] =	sst s6  }
0xf: {  	[smem:$0x3FA3] =	sst s7  }
0x10: {  	[smem:$0x3FA4] =	sst s8  }
0x11: {  	[smem:$0x3FA5] =	sst s9;
	s0 =	simm.s32 @!p0 $0x0  }
0x12: {  	s1 =	sld [smem:$0x3F8B];
	s0 =	simm.s32 @p0 $0x1  }
0x13: {  	[smem:$0x3FA6] =	sst s0;
	s0 =	simm.s32 @!p1 $0x0  }
0x14: {  	s2 =	sld [smem:$0x3F8A];
	s0 =	simm.s32 @p1 $0x1  }
0x15: {  	[smem:$0x3FA7] =	sst s0;
	s0 =	simm.s32 @!p2 $0x0  }
0x16: {  	s3 =	sld [smem:$0x3FDB];
	s0 =	simm.s32 @p2 $0x1  }
0x17: {  	s4 =	simm.s32 $0x1BF5;
	[smem:$0x3FA9] =	sst s0  }
0x18: {  	s0 =	sld [smem:$0x3F8C];
	_ =	swait.ge [sflag:s4], $0x0  }
0x19: {  	s7 =	sld [smem:$0x3F8D]  }
0x1a: {  	s8 =	sadd.s32 $0xFFFFE003, lr  }
0x1b: {  	s9 =	sadd.s32 $0xFFFFFEF7, lr;
	s5 =	simm.s32 $0xFFFFFFFF;
	p2 =	slt.u32 s8, $0xFFFFF086  }
0x1c: {  	p1 =	slt.u32 s9, $0xF7A;
	s5 =	simm.s32 @!p2 $0x0  }
0x1d: {  	s5 =	simm.s32 @p1 $0x1;
	p0 =	seq.s32 s7, s2  }
0x1e: {  	s7 =	smul.u32 @!p0 $0xF7A, s2;
	p2 =	seq.s32 @!p0 s5, $0x0  }
0x1f: {  	s9 =	smul.u32 $0xF7A, s1;
	s8 =	simm.s32 @!p0 $0x1BF5;
	p2 =	por !p2, p0  }
0x20: {  	[sflag:s8] =	ssyncset.s32 @!p0 $0xFFFFF086;
	s6 =	sadd.s32 @!p0 s3, s7;
	s7 =	simm.s32 @!p0 $0x108  }
0x21: {  	s3 =	sadd.s32 s3, s9;
	s6 =	sadd.s32 @!p0 $0x88, s6;
	s7 =	simm.s32 @p2 $0x1082  }
0x22: {  	[simem:s7], [sflag:s8] =	dma.local @!p0 [hbm:s6], $0xF7A  }
0x23: {  	s9 =	sor.u32 $0xD0000000, s2;
	s6 =	simm.s32 $0x108;
	_ =	swait.ge @!p0 [sflag:s8], $0x0  }
0x24: {  	s3 =	sadd.s32 $0x88, s3;
	s6 =	simm.s32 @!p1 $0x1082;
	[sflag:s4] =	ssyncset.s32 $0xFFFFF086  }
0x25: {  	[simem:s6], [sflag:s4] =	dma.local [hbm:s3], $0xF7A  }
0x26: {  	[smem:$0x3F8D] =	sst s1;
	(tag) =	ssettag s2;
	_ =	strace s9  }
0x27: {  	s1 =	sld [smem:$0x3F9D]  }
0x28: {  	s2 =	sld [smem:$0x3F9E]  }
0x29: {  	s4 =	sld [smem:$0x3FA0]  }
0x2a: {  	p0 =	seq.s32 s5, $0x0;
	s5 =	sld [smem:$0x3FA1]  }
0x2b: {  	s6 =	sld [smem:$0x3FA2]  }
0x2c: {  	s7 =	sld [smem:$0x3FA3]  }
0x2d: {  	s3 =	simm.s32 $0x108;
	s8 =	sld [smem:$0x3FA4]  }
0x2e: {  	s3 =	simm.s32 @!p0 $0x1082;
	s9 =	sld [smem:$0x3FA5]  }
0x2f: {  	lr =	sadd.s32 s0, s3;
	s0 =	sld [smem:$0x3F9C]  }
0x30: {  	s3 =	sld [smem:$0x3F9F]  }
0x31: {  	[smem:$0x3FA8] =	sst s10  }
0x32: {  	s10 =	sld [smem:$0x3FA6];
	_ =	sdelay $0x3  }
0x33: {  	p0 =	seq.s32 s10, $0x1;
	s10 =	sld [smem:$0x3FA8];
	_ =	sdelay $0x3  }
0x34: {  	[smem:$0x3FA8] =	sst s10  }
0x35: {  	s10 =	sld [smem:$0x3FA7];
	_ =	sdelay $0x3  }
0x36: {  	p1 =	seq.s32 s10, $0x1;
	s10 =	sld [smem:$0x3FA8];
	_ =	sdelay $0x3  }
0x37: {  	[smem:$0x3FA8] =	sst s10  }
0x38: {  	s10 =	sld [smem:$0x3FA9]  }
0x39: {  	_ = 	snop;
	(pc) =	sbr.ind lr, $3  }
0x3a: {  	_ = 	snop  }
0x3b: {  	_ = 	snop  }
0x3c: {  	p2 =	seq.s32 s10, $0x1;
	s10 =	sld [smem:$0x3FA8]  }
0x3d: {  	_ =	shalt  }
0x3e: {  	_ =	shalt  }
0x3f: {  	_ =	shalt  }
0x40: {  	_ =	shalt  }
0x41: {  	_ =	shalt  }
0x42: {  	_ =	shalt  }
0x43: {  	_ =	shalt  }
0x44: {  	_ =	shalt  }
0x45: {  	_ =	shalt  }
0x46: {  	_ =	shalt  }
0x47: {  	_ =	shalt  }
0x48: {  	_ =	shalt  }
0x49: {  	_ =	shalt  }
0x4a: {  	_ =	shalt  }
0x4b: {  	_ =	shalt  }
0x4c: {  	_ =	shalt  }
0x4d: {  	_ =	shalt  }
0x4e: {  	_ =	shalt  }
0x4f: {  	_ =	shalt  }
0x50: {  	_ =	shalt  }
0x51: {  	_ =	shalt  }
0x52: {  	_ =	shalt  }
0x53: {  	_ =	shalt  }
0x54: {  	_ =	shalt  }
0x55: {  	_ =	shalt  }
0x56: {  	_ =	shalt  }
0x57: {  	_ =	shalt  }
0x58: {  	_ =	shalt  }
0x59: {  	_ =	shalt  }
0x5a: {  	_ =	shalt  }
0x5b: {  	_ =	shalt  }
0x5c: {  	_ =	shalt  }
0x5d: {  	_ =	shalt  }
0x5e: {  	_ =	shalt  }
0x5f: {  	_ =	shalt  }
0x60: {  	_ =	shalt  }
0x61: {  	_ =	shalt  }
0x62: {  	_ =	shalt  }
0x63: {  	_ =	shalt  }
0x64: {  	_ =	shalt  }
0x65: {  	_ =	shalt  }
0x66: {  	_ =	shalt  }
0x67: {  	_ =	shalt  }
0x68: {  	_ =	shalt  }
0x69: {  	_ =	shalt  }
0x6a: {  	_ =	shalt  }
0x6b: {  	_ =	shalt  }
0x6c: {  	_ =	shalt  }
0x6d: {  	_ =	shalt  }
0x6e: {  	_ =	shalt  }
0x6f: {  	_ =	shalt  }
0x70: {  	_ =	shalt  }
0x71: {  	_ =	shalt  }
0x72: {  	_ =	shalt  }
0x73: {  	_ =	shalt  }
0x74: {  	_ =	shalt  }
0x75: {  	_ =	shalt  }
0x76: {  	_ =	shalt  }
0x77: {  	_ =	shalt  }
0x78: {  	_ =	shalt  }
0x79: {  	_ =	shalt  }
0x7a: {  	_ =	shalt  }
0x7b: {  	_ =	shalt  }
0x7c: {  	_ =	shalt  }
0x7d: {  	_ =	shalt  }
0x7e: {  	_ =	shalt  }
0x7f: {  	_ =	shalt  }
0x80: {  	_ =	shalt  }
0x81: {  	_ =	shalt  }
0x82: {  	_ =	shalt  }
0x83: {  	_ =	shalt  }
0x84: {  	_ =	shalt  }
0x85: {  	_ =	shalt  }
0x86: {  	_ =	shalt  }
0x87: {  	_ =	shalt  }
.Lfunc_end0:
.L_simem_size_0:
called_computation.1_lowered:
.L_overlay_start_0:
0x88: {  	s2 =	sld [smem:$0x3FD9]  }
0x89: {  	s3 =	sld [smem:$0x3FFE];
	_ =	sdelay $0x1  }
0x8a: {  	s1 =	srdreg.scid  }
0x8b: {  	s0 =	sand.u32 $0x1, s1  }
0x8c: {  	s16 =	sshll.u32 s0, $0xA;
	s2 =	sadd.s32 s3, s2  }
0x8d: {  	s2 =	sadd.s32 s2, s16  }
0x8e: {  	[smem:$0x3FB4] =	sst s2  }
0x8f: {  	_ = 	snop  }
0x90: {  	(tm) =	ssettm $0x1  }
0x91: {  	s17 =	sld [smem:$0x3FFB];
	_ =	sdelay $0x3  }
0x92: {  	_ =	strace s17  }
0x93: {  	s2 =	sld [smem:$0x3FFC];
	_ =	sdelay $0x3  }
0x94: {  	_ =	strace s2  }
0x95: {  	s2 =	sld [smem:$0x3FFD];
	_ =	sdelay $0x3  }
0x96: {  	_ =	strace s2  }
0x97: {  	_ =	strace $0x8FFFFFFF  }
0x98: {  	s18 =	sld [smem:$0x3FDB];
	_ =	sdelay $0x1  }
0x99: {  	s19 =	simm.s32 $_scs_section_size  }
0x9a: {  	s4 =	simm.s32 $_size__tile_overlayer_lowered;
	s5 =	simm.s32 $_tile_overlayer_lowered  }
0x9b: {  	s22 =	simm.s32 $0x1BFF;
	s21 =	sshll.u32 s5, $0x1;
	s2 =	sadd.s32 s19, s18  }
0x9c: {  	s6 =	simm.s32 $0x0;
	s20 =	sshll.u32 s4, $0x1;
	s4 =	sadd.s32 s21, s2  }
0x9d: {  	[timem:s6], [sflag:s22] =	dma.local [hbm:s4], s20  }
0x9e: {  	_ =	swait.ge [sflag:s22], s20  }
0x9f: {  	s3 =	ssub.s32 $0x0, s20;
	[sflag:s22] =	ssyncset.done $0x0  }
0xa0: {  	[sflag:s22] =	ssyncadd.s32 s3;
	_ =	sdelay $0x1  }
0xa1: {  	s23 =	simm.s32 $0x1B8B  }
0xa2: {  	_ =	swait.ge [sflag:s23], $0x1  }
0xa3: {  	[sflag:s23] =	ssyncset.done $0x0  }
0xa4: {  	s25 =	simm.s32 $0x1B8E;
	s24 =	sld [smem:$0x3FFE];
	[sflag:s23] =	ssyncadd.s32 $0xFFFFFFFF  }
0xa5: {  	s26 =	simm.s32 $execute0_lowered;
	[smem:$0x3FD2] =	sst s25  }
0xa6: {  	s4 =	sshll.u32 s26, $0x1;
	_ =	strace $0x80000049;
	[dreg:$0x1] =	wrdreg $0xFFFFFFFF  }
0xa7: {  	s28 =	simm.s32 $_size_execute0_lowered;
	s2 =	sadd.s32 s2, s4;
	[dreg:$0x0] =	wrdreg $0x0  }
0xa8: {  	s4 =	sshll.u32 s28, $0x1;
	[dreg:$0x2] =	wrdreg s2  }
0xa9: {  	[dreg:$0x3] =	wrdreg s4  }
0xaa: {  	[dreg:$0x4] =	wrdreg $0xC0  }
0xab: {  	_ =	task [dreg:s6], $0x5FFFF  }
0xac: {  	[dreg:$0x1] =	wrdreg $0xFFFFFFFF  }
0xad: {  	[dreg:$0x0] =	wrdreg $0x60  }
0xae: {  	[dreg:$0x2] =	wrdreg s24  }
0xaf: {  	[dreg:$0x3] =	wrdreg $0xA4000  }
0xb0: {  	[dreg:$0x4] =	wrdreg $0x9  }
0xb1: {  	_ =	task.clear_ibuf [dreg:s6], $0x5FFFF;
	_ =	strace $0x90000049  }
0xb2: {  	s29 =	simm.s32 $0x9;
	_ =	strace $0x8000004B  }
0xb3: {  	_ =	swait.ge [sflag:s29], $0x1  }
0xb4: {  	[sflag:s29] =	ssyncadd.s32 $0xFFFFFFFF  }
0xb5: {  	_ =	strace $0x9000004B  }
0xb6: {  	_ =	sfence  }
0xb7: {  	s30 =	sld [smem:$0x0];
	_ =	sdelay $0x2  }
0xb8: {  	s31 =	sshll.u32 s1, $0xD;
	s1 =	sshrl.u32 s1, $0x2  }
0xb9: {  	s3 =	sand.u32 $0x4000, s31;
	s1 =	sadd.s32 s1, s30  }
0xba: {  	s0 =	sor.u32 s3, s0;
	s1 =	sshll.u32 s1, $0x11  }
0xbb: {  	s0 =	sor.u32 s1, s0  }
0xbc: {  	s0 =	sadd.s32 $0x8F2B, s0  }
0xbd: {  	[sflag:s0] =	ssyncadd.remote.s32 $0x1  }
0xbe: {  	_ =	sfence.sel $0xFFFF  }
0xbf: {  	[dreg:$0x0] =	wrdreg $0xFFFFFFFF;
	(pc) =	sbr.abs _section_cstart, $3  }
0xc0: {  	[dreg:$0x1] =	wrdreg $0xFFFFFFFF  }
0xc1: {  	_ =	task.clear_ibuf [dreg:s6], $0x2FFFF;
	_ =	strace $0x9FFFFFFF  }
0xc2: {  	(tm) =	ssettm $0x7FFFFFFF  }
0xc3: {  	_ =	shalt  }
tec
execute0_lowered:
.L_overlay_start_1:
0x0: {  	(tag) =	ssettag $0x1  }
0x1: {  	s0 =	rddreg [dreg:$0x0]  }
0x2: {  	s2 =	rddreg [dreg:$0x1];
	s3 =	simm.s32 $0x0;
	s15 =	stileid.u32  }
0x3: {  	s6 =	srdreg.scid;
	s28 =	simm.s32 $0x50;
	s29 =	simm.s32 $0x400  }
0x4: {  	s30 =	simm.s32 $0x2C00;
	s31 =	simm.s32 $0x100;
	[smem:$0x7FF] =	sst s3  }
0x5: {  	s1 =	smul.u32 $0x13800, s15;
	s4 =	sadd.s32 $0x67800, s0;
	s5 =	sadd.s32 $0xF600, s0  }
0x6: {  	s8 =	sand.u32 $0x1, s6;
	s6 =	sadd.s32 $0x5800, s0;
	s11 =	sshll.u32 s15, $0x1  }
0x7: {  	s12 =	smul.u32 $0x4E000, s15;
	s13 =	sadd.s32 $0xDCE00, s0;
	s16 =	sshll.u32 s15, $0x6  }
0x8: {  	s18 =	sadd.s32 $0x138000, s2;
	s22 =	smul.u32 $0x4E20, s15;
	p0 =	sne.s32 s15, $0xF  }
0x9: {  	_ =	strace $0x8000004A;
	s9 =	ssub.s32 $0x2, s8;
	s20 =	smul.u32 $0x138800, s8  }
0xa: {  	s11 =	sor.u32 s8, s11;
	[dreg:$0xf] =	wrdreg s18;
	s8 =	smul.u32 $0x2710, s8  }
0xb: {  	s7 =	sshrl.u32 s1, $0x3;
	s10 =	sshrl.u32 s9, $0x1;
	s12 =	sshrl.u32 s12, $0x2  }
0xc: {  	s14 =	smul.u32 $0x2710, s11;
	s7 =	sadd.s32 s7, s0;
	s10 =	ssub.s32 s9, s10  }
0xd: {  	s17 =	sadd.s32 s12, s2;
	s9 =	sor.u32 $0x1C04, s16;
	s0 =	sadd.s32 $0x67600, s0  }
0xe: {  	s1 =	sadd.s32 s1, s20;
	s11 =	sshrl.u32 s20, $0x3;
	[dreg:$0xd] =	wrdreg s17  }
0xf: {  	s7 =	sadd.s32 $0x40600, s7;
	s19 =	sshrl.u32 s14, $0x3;
	[dreg:$0x10] =	wrdreg s0  }
0x10: {  	s0 =	sadd.s32 s8, s22;
	[dreg:$0xe] =	wrdreg s7;
	s21 =	sadd.s32 s5, s19  }
0x11: {  	s1 =	sshrl.u32 s1, $0x3;
	s23 =	sadd.s32 s6, s19;
	[dreg:$0x11] =	wrdreg s21  }
0x12: {  	s24 =	sadd.s32 $0xA, s19;
	s1 =	sadd.s32 s13, s1;
	[dreg:$0x12] =	wrdreg s23  }
0x13: {  	s7 =	sadd.s32 $0x4D8, s19;
	s25 =	sadd.s32 s5, s24;
	[dreg:$0x17] =	wrdreg s1  }
0x14: {  	s8 =	sadd.s32 $0x190, s0;
	s12 =	sadd.s32 s6, s24;
	[dreg:$0x13] =	wrdreg s25  }
0x15: {  	s17 =	sadd.s32 $0xA0, s0;
	s26 =	sadd.s32 s5, s7;
	[dreg:$0x14] =	wrdreg s12  }
0x16: {  	s7 =	sadd.s32 s6, s7;
	s1 =	sadd.s32 s13, s11;
	[dreg:$0x15] =	wrdreg s26  }
0x17: {  	s13 =	sadd.s32 $0xF0, s0;
	s21 =	smax.u32 s10, $0x1;
	[dreg:$0x16] =	wrdreg s7  }
0x18: {  	s19 =	sshrl.u32 s17, $0x3;
	s23 =	simm.s32 $0x300;
	[dreg:$0x19] =	wrdreg s21  }
0x19: {  	s24 =	simm.s32 $0x380;
	s7 =	sshrl.u32 s8, $0x3;
	[dreg:$0x9] =	wrdreg s23  }
0x1a: {  	s14 =	sshrl.u32 s13, $0x3;
	s1 =	sadd.s32 $0x27000, s1;
	[dreg:$0xa] =	wrdreg s24  }
0x1b: {  	s20 =	sadd.s32 s19, s6;
	s22 =	sadd.s32 s19, s5;
	[dreg:$0x18] =	wrdreg s1  }
0x1c: {  	s21 =	sadd.s32 $0x140, s0;
	s25 =	simm.s32 $0x5400;
	[dreg:$0x7] =	wrdreg s20  }
0x1d: {  	s23 =	simm.s32 $0x200;
	s26 =	simm.s32 $0x7C00;
	[dreg:$0x8] =	wrdreg s22  }
0x1e: {  	s24 =	simm.s32 $0x80;
	s0 =	simm.s32 $0x180;
	[dreg:$0xb] =	wrdreg s25  }
0x1f: {  	s8 =	simm.s32 $0x0;
	s12 =	sadd.s32 s7, s6;
	[dreg:$0xc] =	wrdreg s26  }
0x20: {  	s7 =	sadd.s32 s7, s5;
	s16 =	sadd.s32 s14, s6;
	[dreg:$0x3] =	wrdreg s12  }
0x21: {  	s18 =	sadd.s32 s14, s5;
	s22 =	simm.s32 $0x4;
	[dreg:$0x4] =	wrdreg s7  }
0x22: {  	s25 =	simm.s32 $0x280;
	s26 =	simm.s32 $0x1;
	[dreg:$0x5] =	wrdreg s16  }
0x23: {  	s1 =	simm.s32 $0x2;
	[dreg:$0x6] =	wrdreg s18;
	s7 =	simm.s32 $0x3  }
.LBB2_1:
0x24: {  	s10 =	rddreg [dreg:$0xd]  }
0x25: {  	s11 =	rddreg [dreg:$0xe];
	s10 =	sshrl.u32 s10, $0x3  }
0x26: {  	[spmem:s10], [sflag:s9] =	dma.local [hbm:s11], $0x2700  }
0x27: {  	_ =	swait.ge [sflag:s22], $0x2700  }
0x28: {  	[sflag:s22] =	ssyncset.done $0x0;
	s11 =	rddreg [dreg:$0xf]  }
0x29: {  	s12 =	rddreg [dreg:$0x10];
	[sflag:s22] =	ssyncadd.s32 $0xFFFFD900;
	s11 =	sshrl.u32 @!p0 s11, $0x3  }
0x2a: {  	[spmem:s11], [sflag:s9] =	dma.local @!p0 [hbm:s12], $0x100  }
0x2b: {  	s12 =	simm.s32 @!p0 $0x4  }
0x2c: {  	_ =	swait.ge @!p0 [sflag:s12], $0x100  }
0x2d: {  	[sflag:s12] =	ssyncset.done @!p0 $0x0  }
0x2e: {  	[sflag:s12] =	ssyncadd.s32 @!p0 $0xFFFFFF00  }
0x2f: {  	[bflag:$0x0] =	sbarrier.arrive $0xFFFF  }
0x30: {  	s14 =	rddreg [dreg:$0x11]  }
0x31: {  	[tilespmem:s3], [sflag:$0x1] =	stream.linear.gather [hbm4b:s14+s3], $0x50, $0x38;
	[tilespmem:$0x1DC80] =	vst v63  }
0x32: {  	s15 =	rddreg [dreg:$0x12]  }
0x33: {  	[tilespmem:s23], [sflag:$0x1] =	stream.linear.gather [hbm4b:s15+s3], $0x50, $0x38;
	[tilespmem:$0x1DC80] =	vst v63  }
0x34: {  	s16 =	rddreg [dreg:$0x13]  }
0x35: {  	[tilespmem:s24], [sflag:$0x1] =	stream.linear.gather [hbm4b:s16+s3], $0x50, $0x38;
	[tilespmem:$0x1DC80] =	vst v63  }
0x36: {  	s17 =	rddreg [dreg:$0x14]  }
0x37: {  	[tilespmem:s25], [sflag:$0x1] =	stream.linear.gather [hbm4b:s17+s3], $0x50, $0x38;
	[tilespmem:$0x1DC80] =	vst v63  }
0x38: {  	_ =	swait.ge [sflag:s26], $0x50  }
0x39: {  	[sflag:s26] =	ssyncset.done $0x0  }
0x3a: {  	[sflag:s26] =	ssyncadd.s32 $0xFFFFFFB0  }
0x3b: {  	_ =	swait.ge [sflag:s26], $0x50  }
0x3c: {  	[sflag:s26] =	ssyncset.done $0x0  }
0x3d: {  	[sflag:s26] =	ssyncadd.s32 $0xFFFFFFB0  }
0x3e: {  	_ =	swait.ge [sflag:s26], $0x50  }
0x3f: {  	[sflag:s26] =	ssyncset.done $0x0  }
0x40: {  	[sflag:s26] =	ssyncadd.s32 $0xFFFFFFB0  }
0x41: {  	_ =	swait.ge [sflag:s26], $0x50  }
0x42: {  	[sflag:s26] =	ssyncset.done $0x0  }
0x43: {  	s18 =	rddreg [dreg:$0x8];
	[sflag:s26] =	ssyncadd.s32 $0xFFFFFFB0  }
0x44: {  	[tilespmem:s29], [sflag:$0x2] =	stream.indirect.gather [hbm4b:s4+s28], $0x80, s3, s28, $0xb8;
	[tilespmem:$0x1DC80] =	vst v63  }
0x45: {  	s13 =	rddreg [dreg:$0x6]  }
0x46: {  	[tilespmem:s30], [sflag:$0x2] =	stream.indirect.gather [hbm4b:s4+s28], $0x80, s24, s28, $0xb8;
	[tilespmem:$0x1DC80] =	vst v63  }
0x47: {  	s14 =	rddreg [dreg:$0x7];
	s12 =	sadd.s32 $0x0, s18  }
0x48: {  	[tilespmem:s31], [sflag:$0x1] =	stream.linear.gather [hbm4b:s12+s3], $0x50, $0x38;
	[tilespmem:$0x1DC80] =	vst v63  }
0x49: {  	s15 =	rddreg [dreg:$0x9];
	s19 =	sadd.s32 $0x0, s14  }
0x4a: {  	[tilespmem:s15], [sflag:$0x1] =	stream.linear.gather [hbm4b:s19+s3], $0x50, $0x38;
	[tilespmem:$0x1DC80] =	vst v63  }
0x4b: {  	s20 =	rddreg [dreg:$0x5];
	s16 =	sadd.s32 $0x0, s13  }
0x4c: {  	[tilespmem:s0], [sflag:$0x1] =	stream.linear.gather [hbm4b:s16+s3], $0x50, $0x38;
	[tilespmem:$0x1DC80] =	vst v63  }
0x4d: {  	s17 =	rddreg [dreg:$0xa];
	s18 =	sadd.s32 $0x0, s20  }
0x4e: {  	[tilespmem:s17], [sflag:$0x1] =	stream.linear.gather [hbm4b:s18+s3], $0x50, $0x38;
	[tilespmem:$0x1DC80] =	vst v63  }
0x4f: {  	_ =	swait.ge [sflag:s1], $0x2800  }
0x50: {  	[sflag:s1] =	ssyncset.done $0x0  }
0x51: {  	[sflag:s1] =	ssyncadd.s32 $0xFFFFD800  }
0x52: {  	_ =	swait.ge [sflag:s1], $0x2800  }
0x53: {  	[sflag:s1] =	ssyncset.done $0x0  }
0x54: {  	[sflag:s1] =	ssyncadd.s32 $0xFFFFD800  }
0x55: {  	[spmem:s2] =	stream.indirect.scatter.add.f32 [tilespmem:s29], [sflag:$0x3], $0x80, s23, s28, $0xb8;
	[tilespmem:$0x1DC80] =	vst v63  }
0x56: {  	_ = 	snop  }
0x57: {  	[spmem:s2] =	stream.indirect.scatter.add.f32 [tilespmem:s30], [sflag:$0x3], $0x80, s25, s28, $0xb8;
	[tilespmem:$0x1DC80] =	vst v63  }
0x58: {  	_ =	swait.ge [sflag:s26], $0x50  }
0x59: {  	[sflag:s26] =	ssyncset.done $0x0  }
0x5a: {  	[sflag:s26] =	ssyncadd.s32 $0xFFFFFFB0  }
0x5b: {  	_ =	swait.ge [sflag:s26], $0x50  }
0x5c: {  	[sflag:s26] =	ssyncset.done $0x0  }
0x5d: {  	[sflag:s26] =	ssyncadd.s32 $0xFFFFFFB0  }
0x5e: {  	_ =	swait.ge [sflag:s26], $0x50  }
0x5f: {  	[sflag:s26] =	ssyncset.done $0x0  }
0x60: {  	[sflag:s26] =	ssyncadd.s32 $0xFFFFFFB0  }
0x61: {  	_ =	swait.ge [sflag:s26], $0x50  }
0x62: {  	[sflag:s26] =	ssyncset.done $0x0  }
0x63: {  	s19 =	rddreg [dreg:$0xb];
	[sflag:s26] =	ssyncadd.s32 $0xFFFFFFB0  }
0x64: {  	[tilespmem:s19], [sflag:$0x2] =	stream.indirect.gather [hbm4b:s4+s28], $0x80, s31, s28, $0xb8;
	[tilespmem:$0x1DC80] =	vst v63  }
0x65: {  	s20 =	rddreg [dreg:$0xc]  }
0x66: {  	[tilespmem:s20], [sflag:$0x2] =	stream.indirect.gather [hbm4b:s4+s28], $0x80, s0, s28, $0xb8;
	[tilespmem:$0x1DC80] =	vst v63  }
0x67: {  	_ =	swait.ge [sflag:s7], $0x2800  }
0x68: {  	[sflag:s7] =	ssyncset.done $0x0  }
0x69: {  	[sflag:s7] =	ssyncadd.s32 $0xFFFFD800  }
0x6a: {  	_ =	swait.ge [sflag:s7], $0x2800  }
0x6b: {  	p1 =	por $0x0, $0x0;
	[sflag:s7] =	ssyncset.done $0x0  }
0x6c: {  	s12 =	simm.s32 @p1 $0x2;
	[sflag:s7] =	ssyncadd.s32 $0xFFFFD800  }
0x6d: {  	_ =	swait.ge @p1 [sflag:s12], $0x2800  }
0x6e: {  	[sflag:s12] =	ssyncset.done @p1 $0x0  }
0x6f: {  	[sflag:s12] =	ssyncadd.s32 @p1 $0xFFFFD800  }
0x70: {  	_ =	swait.ge @p1 [sflag:s12], $0x2800  }
0x71: {  	s13 =	simm.s32 @p1 $0x5400;
	[sflag:s12] =	ssyncset.done @p1 $0x0  }
0x72: {  	s14 =	simm.s32 @p1 $0x300;
	[sflag:s12] =	ssyncadd.s32 @p1 $0xFFFFD800;
	s12 =	simm.s32 @p1 $0x50  }
0x73: {  	[spmem:s2] =	stream.indirect.scatter.add.f32 @p1 [tilespmem:s13], [sflag:$0x3], $0x80, s14, s12, $0xb8;
	[tilespmem:$0x1DC80] =	vst v63  }
0x74: {  	s15 =	simm.s32 @p1 $0x7C00;
	s13 =	sshrl.u32 @!p1 s21, $0x3;
	s14 =	simm.s32 @p1 $0x380  }
0x75: {  	[spmem:s2] =	stream.indirect.scatter.add.f32 @p1 [tilespmem:s15], [sflag:$0x3], $0x80, s14, s12, $0xb8;
	[tilespmem:$0x1DC80] =	vst v63  }
0x76: {  	s12 =	sadd.s32 @!p1 s5, s13;
	s14 =	simm.s32 @!p1 $0x0  }
0x77: {  	[tilespmem:s14], [sflag:$0x1] =	stream.linear.gather @!p1 [hbm4b:s12+s14], $0x50, $0x38;
	[tilespmem:$0x1DC80] =	vst v63  }
0x78: {  	s15 =	rddreg [dreg:$0x4];
	s12 =	sadd.s32 @!p1 s6, s13;
	s13 =	simm.s32 @!p1 $0x200  }
0x79: {  	[tilespmem:s13], [sflag:$0x1] =	stream.linear.gather @!p1 [hbm4b:s12+s14], $0x50, $0x38;
	[tilespmem:$0x1DC80] =	vst v63  }
0x7a: {  	s16 =	rddreg [dreg:$0x3];
	s12 =	sadd.s32 @!p1 $0x0, s15;
	s13 =	simm.s32 @!p1 $0x80  }
0x7b: {  	[tilespmem:s13], [sflag:$0x1] =	stream.linear.gather @!p1 [hbm4b:s12+s14], $0x50, $0x38;
	[tilespmem:$0x1DC80] =	vst v63  }
0x7c: {  	s15 =	simm.s32 @!p1 $0x280;
	s12 =	sadd.s32 @!p1 $0x0, s16;
	s16 =	simm.s32 @!p1 $0x2  }
0x7d: {  	[tilespmem:s15], [sflag:$0x1] =	stream.linear.gather @!p1 [hbm4b:s12+s14], $0x50, $0x38;
	[tilespmem:$0x1DC80] =	vst v63  }
0x7e: {  	_ =	swait.ge @!p1 [sflag:s16], $0x2800  }
0x7f: {  	[sflag:s16] =	ssyncset.done @!p1 $0x0  }
0x80: {  	[sflag:s16] =	ssyncadd.s32 @!p1 $0xFFFFD800  }
0x81: {  	_ =	swait.ge @!p1 [sflag:s16], $0x2800  }
0x82: {  	s12 =	simm.s32 @!p1 $0x5400;
	[sflag:s16] =	ssyncset.done @!p1 $0x0  }
0x83: {  	s15 =	simm.s32 @!p1 $0x50;
	[sflag:s16] =	ssyncadd.s32 @!p1 $0xFFFFD800;
	s16 =	simm.s32 @!p1 $0x300  }
0x84: {  	[spmem:s2] =	stream.indirect.scatter.add.f32 @!p1 [tilespmem:s12], [sflag:$0x3], $0x80, s16, s15, $0xb8;
	[tilespmem:$0x1DC80] =	vst v63  }
0x85: {  	s12 =	simm.s32 @!p1 $0x380;
	s16 =	simm.s32 @!p1 $0x7C00  }
0x86: {  	[spmem:s2] =	stream.indirect.scatter.add.f32 @!p1 [tilespmem:s16], [sflag:$0x3], $0x80, s12, s15, $0xb8;
	[tilespmem:$0x1DC80] =	vst v63  }
0x87: {  	s12 =	simm.s32 @!p1 $0x1  }
0x88: {  	_ =	swait.ge @!p1 [sflag:s12], $0x50  }
0x89: {  	[sflag:s12] =	ssyncset.done @!p1 $0x0  }
0x8a: {  	[sflag:s12] =	ssyncadd.s32 @!p1 $0xFFFFFFB0  }
0x8b: {  	_ =	swait.ge @!p1 [sflag:s12], $0x50  }
0x8c: {  	[sflag:s12] =	ssyncset.done @!p1 $0x0  }
0x8d: {  	[sflag:s12] =	ssyncadd.s32 @!p1 $0xFFFFFFB0  }
0x8e: {  	_ =	swait.ge @!p1 [sflag:s12], $0x50  }
0x8f: {  	[sflag:s12] =	ssyncset.done @!p1 $0x0  }
0x90: {  	[sflag:s12] =	ssyncadd.s32 @!p1 $0xFFFFFFB0  }
0x91: {  	_ =	swait.ge @!p1 [sflag:s12], $0x50  }
0x92: {  	[sflag:s12] =	ssyncset.done @!p1 $0x0  }
0x93: {  	[sflag:s12] =	ssyncadd.s32 @!p1 $0xFFFFFFB0;
	s12 =	simm.s32 @!p1 $0x400  }
0x94: {  	[tilespmem:s12], [sflag:$0x2] =	stream.indirect.gather @!p1 [hbm4b:s4+s15], $0x80, s14, s15, $0xb8;
	[tilespmem:$0x1DC80] =	vst v63  }
0x95: {  	s12 =	simm.s32 @!p1 $0x2C00  }
0x96: {  	[tilespmem:s12], [sflag:$0x2] =	stream.indirect.gather @!p1 [hbm4b:s4+s15], $0x80, s13, s15, $0xb8;
	[tilespmem:$0x1DC80] =	vst v63  }
0x97: {  	_ =	swait.ge [sflag:s7], $0x2800  }
0x98: {  	[sflag:s7] =	ssyncset.done $0x0  }
0x99: {  	[sflag:s7] =	ssyncadd.s32 $0xFFFFD800  }
0x9a: {  	s14 =	simm.s32 $0x50;
	s12 =	simm.s32 $0x28;
	_ =	swait.ge [sflag:s7], $0x2800  }
0x9b: {  	s13 =	sadd.s32 $0x140, s21;
	s16 =	rddreg [dreg:$0x8];
	[sflag:s7] =	ssyncset.done $0x0  }
.LBB2_2:
0x9c: {  	s17 =	rddreg [dreg:$0x6]  }
0x9d: {  	[sflag:s7] =	ssyncadd.s32 $0xFFFFD800;
	s18 =	rddreg [dreg:$0x7];
	s16 =	sadd.s32 s12, s16  }
0x9e: {  	[tilespmem:s31], [sflag:$0x1] =	stream.linear.gather [hbm4b:s16+s3], $0x50, $0x38;
	[tilespmem:$0x1DC80] =	vst v63  }
0x9f: {  	s19 =	rddreg [dreg:$0x9];
	s20 =	sadd.s32 s12, s18  }
0xa0: {  	[tilespmem:s19], [sflag:$0x1] =	stream.linear.gather [hbm4b:s20+s3], $0x50, $0x38;
	[tilespmem:$0x1DC80] =	vst v63  }
0xa1: {  	s18 =	rddreg [dreg:$0x5];
	s19 =	sadd.s32 s12, s17  }
0xa2: {  	[tilespmem:s0], [sflag:$0x1] =	stream.linear.gather [hbm4b:s19+s3], $0x50, $0x38;
	[tilespmem:$0x1DC80] =	vst v63  }
0xa3: {  	s18 =	sadd.s32 s12, s18;
	s20 =	rddreg [dreg:$0xa]  }
0xa4: {  	[tilespmem:s20], [sflag:$0x1] =	stream.linear.gather [hbm4b:s18+s3], $0x50, $0x38;
	[tilespmem:$0x1DC80] =	vst v63  }
0xa5: {  	_ =	swait.ge [sflag:s1], $0x2800  }
0xa6: {  	[sflag:s1] =	ssyncset.done $0x0  }
0xa7: {  	[sflag:s1] =	ssyncadd.s32 $0xFFFFD800  }
0xa8: {  	_ =	swait.ge [sflag:s1], $0x2800  }
0xa9: {  	[sflag:s1] =	ssyncset.done $0x0  }
0xaa: {  	[sflag:s1] =	ssyncadd.s32 $0xFFFFD800  }
0xab: {  	[spmem:s2] =	stream.indirect.scatter.add.f32 [tilespmem:s29], [sflag:$0x3], $0x80, s23, s28, $0xb8;
	[tilespmem:$0x1DC80] =	vst v63  }
0xac: {  	_ = 	snop  }
0xad: {  	[spmem:s2] =	stream.indirect.scatter.add.f32 [tilespmem:s30], [sflag:$0x3], $0x80, s25, s28, $0xb8;
	[tilespmem:$0x1DC80] =	vst v63  }
0xae: {  	_ =	swait.ge [sflag:s26], $0x50  }
0xaf: {  	[sflag:s26] =	ssyncset.done $0x0  }
0xb0: {  	[sflag:s26] =	ssyncadd.s32 $0xFFFFFFB0  }
0xb1: {  	_ =	swait.ge [sflag:s26], $0x50  }
0xb2: {  	[sflag:s26] =	ssyncset.done $0x0  }
0xb3: {  	[sflag:s26] =	ssyncadd.s32 $0xFFFFFFB0  }
0xb4: {  	_ =	swait.ge [sflag:s26], $0x50  }
0xb5: {  	[sflag:s26] =	ssyncset.done $0x0  }
0xb6: {  	[sflag:s26] =	ssyncadd.s32 $0xFFFFFFB0  }
0xb7: {  	_ =	swait.ge [sflag:s26], $0x50  }
0xb8: {  	[sflag:s26] =	ssyncset.done $0x0  }
0xb9: {  	s19 =	rddreg [dreg:$0xb];
	[sflag:s26] =	ssyncadd.s32 $0xFFFFFFB0  }
0xba: {  	[tilespmem:s19], [sflag:$0x2] =	stream.indirect.gather [hbm4b:s4+s28], $0x80, s31, s28, $0xb8;
	[tilespmem:$0x1DC80] =	vst v63  }
0xbb: {  	s20 =	rddreg [dreg:$0xc]  }
0xbc: {  	[tilespmem:s20], [sflag:$0x2] =	stream.indirect.gather [hbm4b:s4+s28], $0x80, s0, s28, $0xb8;
	[tilespmem:$0x1DC80] =	vst v63  }
0xbd: {  	_ =	swait.ge [sflag:s7], $0x2800  }
0xbe: {  	[sflag:s7] =	ssyncset.done $0x0  }
0xbf: {  	[sflag:s7] =	ssyncadd.s32 $0xFFFFD800  }
0xc0: {  	_ =	swait.ge [sflag:s7], $0x2800  }
0xc1: {  	p2 =	seq.s32 s12, $0x4B0;
	[sflag:s7] =	ssyncset.done $0x0  }
0xc2: {  	s16 =	simm.s32 @p2 $0x2;
	[sflag:s7] =	ssyncadd.s32 $0xFFFFD800  }
0xc3: {  	_ =	swait.ge @p2 [sflag:s16], $0x2800  }
0xc4: {  	[sflag:s16] =	ssyncset.done @p2 $0x0  }
0xc5: {  	[sflag:s16] =	ssyncadd.s32 @p2 $0xFFFFD800  }
0xc6: {  	_ =	swait.ge @p2 [sflag:s16], $0x2800  }
0xc7: {  	s19 =	simm.s32 @p2 $0x5400;
	[sflag:s16] =	ssyncset.done @p2 $0x0  }
0xc8: {  	s20 =	simm.s32 @p2 $0x300;
	[sflag:s16] =	ssyncadd.s32 @p2 $0xFFFFD800;
	s16 =	simm.s32 @p2 $0x50  }
0xc9: {  	[spmem:s2] =	stream.indirect.scatter.add.f32 @p2 [tilespmem:s19], [sflag:$0x3], $0x80, s20, s16, $0xb8;
	[tilespmem:$0x1DC80] =	vst v63  }
0xca: {  	s17 =	sshrl.u32 @!p2 s13, $0x3;
	s19 =	simm.s32 @p2 $0x380;
	s20 =	simm.s32 @p2 $0x7C00  }
0xcb: {  	[spmem:s2] =	stream.indirect.scatter.add.f32 @p2 [tilespmem:s20], [sflag:$0x3], $0x80, s19, s16, $0xb8;
	[tilespmem:$0x1DC80] =	vst v63  }
0xcc: {  	s18 =	sadd.s32 @!p2 s5, s17;
	s16 =	simm.s32 @!p2 $0x0  }
0xcd: {  	[tilespmem:s16], [sflag:$0x1] =	stream.linear.gather @!p2 [hbm4b:s18+s16], $0x50, $0x38;
	[tilespmem:$0x1DC80] =	vst v63  }
0xce: {  	s17 =	sadd.s32 @!p2 s6, s17;
	s19 =	rddreg [dreg:$0x4];
	s18 =	simm.s32 @!p2 $0x200  }
0xcf: {  	[tilespmem:s18], [sflag:$0x1] =	stream.linear.gather @!p2 [hbm4b:s17+s16], $0x50, $0x38;
	[tilespmem:$0x1DC80] =	vst v63  }
0xd0: {  	s20 =	rddreg [dreg:$0x3];
	s18 =	sadd.s32 @!p2 s12, s19;
	s17 =	simm.s32 @!p2 $0x80  }
0xd1: {  	[tilespmem:s17], [sflag:$0x1] =	stream.linear.gather @!p2 [hbm4b:s18+s16], $0x50, $0x38;
	[tilespmem:$0x1DC80] =	vst v63  }
0xd2: {  	s12 =	sadd.s32 @!p2 s12, s20;
	s19 =	simm.s32 @!p2 $0x2;
	s18 =	simm.s32 @!p2 $0x280  }
0xd3: {  	[tilespmem:s18], [sflag:$0x1] =	stream.linear.gather @!p2 [hbm4b:s12+s16], $0x50, $0x38;
	[tilespmem:$0x1DC80] =	vst v63  }
0xd4: {  	_ =	swait.ge @!p2 [sflag:s19], $0x2800  }
0xd5: {  	[sflag:s19] =	ssyncset.done @!p2 $0x0  }
0xd6: {  	[sflag:s19] =	ssyncadd.s32 @!p2 $0xFFFFD800  }
0xd7: {  	s15 =	smov.u32 s14;
	_ =	swait.ge @!p2 [sflag:s19], $0x2800  }
0xd8: {  	s12 =	smov.u32 s15;
	s15 =	simm.s32 @!p2 $0x5400;
	[sflag:s19] =	ssyncset.done @!p2 $0x0  }
0xd9: {  	s18 =	simm.s32 @!p2 $0x50;
	[sflag:s19] =	ssyncadd.s32 @!p2 $0xFFFFD800;
	s19 =	simm.s32 @!p2 $0x300  }
0xda: {  	[spmem:s2] =	stream.indirect.scatter.add.f32 @!p2 [tilespmem:s15], [sflag:$0x3], $0x80, s19, s18, $0xb8;
	[tilespmem:$0x1DC80] =	vst v63  }
0xdb: {  	s20 =	simm.s32 @!p2 $0x1;
	s15 =	simm.s32 @!p2 $0x380;
	s19 =	simm.s32 @!p2 $0x7C00  }
0xdc: {  	[spmem:s2] =	stream.indirect.scatter.add.f32 @!p2 [tilespmem:s19], [sflag:$0x3], $0x80, s15, s18, $0xb8;
	[tilespmem:$0x1DC80] =	vst v63  }
0xdd: {  	_ =	swait.ge @!p2 [sflag:s20], $0x50  }
0xde: {  	[sflag:s20] =	ssyncset.done @!p2 $0x0  }
0xdf: {  	[sflag:s20] =	ssyncadd.s32 @!p2 $0xFFFFFFB0  }
0xe0: {  	_ =	swait.ge @!p2 [sflag:s20], $0x50  }
0xe1: {  	[sflag:s20] =	ssyncset.done @!p2 $0x0  }
0xe2: {  	[sflag:s20] =	ssyncadd.s32 @!p2 $0xFFFFFFB0  }
0xe3: {  	_ =	swait.ge @!p2 [sflag:s20], $0x50  }
0xe4: {  	[sflag:s20] =	ssyncset.done @!p2 $0x0  }
0xe5: {  	[sflag:s20] =	ssyncadd.s32 @!p2 $0xFFFFFFB0  }
0xe6: {  	_ =	swait.ge @!p2 [sflag:s20], $0x50  }
0xe7: {  	[sflag:s20] =	ssyncset.done @!p2 $0x0  }
0xe8: {  	s14 =	sadd.s32 $0x28, s14;
	s15 =	simm.s32 @!p2 $0x400;
	[sflag:s20] =	ssyncadd.s32 @!p2 $0xFFFFFFB0  }
0xe9: {  	[tilespmem:s15], [sflag:$0x2] =	stream.indirect.gather @!p2 [hbm4b:s4+s18], $0x80, s16, s18, $0xb8;
	[tilespmem:$0x1DC80] =	vst v63  }
0xea: {  	p1 =	sne.s32 s14, $0x4D8;
	s15 =	simm.s32 @!p2 $0x2C00  }
0xeb: {  	[tilespmem:s15], [sflag:$0x2] =	stream.indirect.gather @!p2 [hbm4b:s4+s18], $0x80, s17, s18, $0xb8;
	[tilespmem:$0x1DC80] =	vst v63  }
.Ltmp0:
0xec: {  	_ =	swait.ge [sflag:s7], $0x2800;
	(pc) =	sbr.rel @p1 .LBB2_2-.Ltmp0, $4  }
0xed: {  	[sflag:s7] =	ssyncset.done $0x0  }
0xee: {  	[sflag:s7] =	ssyncadd.s32 $0xFFFFD800  }
0xef: {  	_ =	swait.ge [sflag:s7], $0x2800  }
0xf0: {  	s13 =	sadd.s32 $0x140, s13;
	s16 =	rddreg [dreg:$0x8];
	[sflag:s7] =	ssyncset.done $0x0  }
0xf1: {  	s14 =	rddreg [dreg:$0x7]  }
0xf2: {  	[sflag:s7] =	ssyncadd.s32 $0xFFFFD800;
	s15 =	sadd.s32 s12, s16;
	s17 =	rddreg [dreg:$0x9]  }
0xf3: {  	[tilespmem:s31], [sflag:$0x1] =	stream.linear.gather [hbm4b:s15+s3], $0x50, $0x38;
	[tilespmem:$0x1DC80] =	vst v63  }
0xf4: {  	s18 =	rddreg [dreg:$0x6];
	s14 =	sadd.s32 s12, s14  }
0xf5: {  	[tilespmem:s17], [sflag:$0x1] =	stream.linear.gather [hbm4b:s14+s3], $0x50, $0x38;
	[tilespmem:$0x1DC80] =	vst v63  }
0xf6: {  	s19 =	rddreg [dreg:$0x5];
	s15 =	sadd.s32 s12, s18  }
0xf7: {  	[tilespmem:s0], [sflag:$0x1] =	stream.linear.gather [hbm4b:s15+s3], $0x50, $0x38;
	[tilespmem:$0x1DC80] =	vst v63  }
0xf8: {  	s20 =	rddreg [dreg:$0xa];
	s14 =	sadd.s32 s12, s19  }
0xf9: {  	[tilespmem:s20], [sflag:$0x1] =	stream.linear.gather [hbm4b:s14+s3], $0x50, $0x38;
	[tilespmem:$0x1DC80] =	vst v63  }
0xfa: {  	_ =	swait.ge [sflag:s1], $0x2800  }
0xfb: {  	[sflag:s1] =	ssyncset.done $0x0  }
0xfc: {  	[sflag:s1] =	ssyncadd.s32 $0xFFFFD800  }
0xfd: {  	_ =	swait.ge [sflag:s1], $0x2800  }
0xfe: {  	[sflag:s1] =	ssyncset.done $0x0  }
0xff: {  	[sflag:s1] =	ssyncadd.s32 $0xFFFFD800  }
0x100: {  	[spmem:s2] =	stream.indirect.scatter.add.f32 [tilespmem:s29], [sflag:$0x3], $0x80, s23, s28, $0xb8;
	[tilespmem:$0x1DC80] =	vst v63  }
0x101: {  	_ = 	snop  }
0x102: {  	[spmem:s2] =	stream.indirect.scatter.add.f32 [tilespmem:s30], [sflag:$0x3], $0x80, s25, s28, $0xb8;
	[tilespmem:$0x1DC80] =	vst v63  }
0x103: {  	_ =	swait.ge [sflag:s26], $0x50  }
0x104: {  	[sflag:s26] =	ssyncset.done $0x0  }
0x105: {  	[sflag:s26] =	ssyncadd.s32 $0xFFFFFFB0  }
0x106: {  	_ =	swait.ge [sflag:s26], $0x50  }
0x107: {  	[sflag:s26] =	ssyncset.done $0x0  }
0x108: {  	[sflag:s26] =	ssyncadd.s32 $0xFFFFFFB0  }
0x109: {  	_ =	swait.ge [sflag:s26], $0x50  }
0x10a: {  	[sflag:s26] =	ssyncset.done $0x0  }
0x10b: {  	[sflag:s26] =	ssyncadd.s32 $0xFFFFFFB0  }
0x10c: {  	_ =	swait.ge [sflag:s26], $0x50  }
0x10d: {  	[sflag:s26] =	ssyncset.done $0x0  }
0x10e: {  	s15 =	rddreg [dreg:$0xb];
	[sflag:s26] =	ssyncadd.s32 $0xFFFFFFB0  }
0x10f: {  	[tilespmem:s15], [sflag:$0x2] =	stream.indirect.gather [hbm4b:s4+s28], $0x80, s31, s28, $0xb8;
	[tilespmem:$0x1DC80] =	vst v63  }
0x110: {  	s16 =	rddreg [dreg:$0xc]  }
0x111: {  	[tilespmem:s16], [sflag:$0x2] =	stream.indirect.gather [hbm4b:s4+s28], $0x80, s0, s28, $0xb8;
	[tilespmem:$0x1DC80] =	vst v63  }
0x112: {  	_ =	swait.ge [sflag:s7], $0x2800  }
0x113: {  	[sflag:s7] =	ssyncset.done $0x0  }
0x114: {  	[sflag:s7] =	ssyncadd.s32 $0xFFFFD800  }
0x115: {  	_ =	swait.ge [sflag:s7], $0x2800  }
0x116: {  	p1 =	seq.s32 s12, $0x4B0;
	[sflag:s7] =	ssyncset.done $0x0  }
0x117: {  	s14 =	simm.s32 @p1 $0x2;
	[sflag:s7] =	ssyncadd.s32 $0xFFFFD800  }
0x118: {  	_ =	swait.ge @p1 [sflag:s14], $0x2800  }
0x119: {  	[sflag:s14] =	ssyncset.done @p1 $0x0  }
0x11a: {  	[sflag:s14] =	ssyncadd.s32 @p1 $0xFFFFD800  }
0x11b: {  	_ =	swait.ge @p1 [sflag:s14], $0x2800  }
0x11c: {  	s15 =	simm.s32 @p1 $0x5400;
	[sflag:s14] =	ssyncset.done @p1 $0x0  }
0x11d: {  	s16 =	simm.s32 @p1 $0x300;
	[sflag:s14] =	ssyncadd.s32 @p1 $0xFFFFD800;
	s14 =	simm.s32 @p1 $0x50  }
0x11e: {  	[spmem:s2] =	stream.indirect.scatter.add.f32 @p1 [tilespmem:s15], [sflag:$0x3], $0x80, s16, s14, $0xb8;
	[tilespmem:$0x1DC80] =	vst v63  }
0x11f: {  	s13 =	sshrl.u32 @!p1 s13, $0x3;
	s15 =	simm.s32 @p1 $0x380;
	s16 =	simm.s32 @p1 $0x7C00  }
0x120: {  	[spmem:s2] =	stream.indirect.scatter.add.f32 @p1 [tilespmem:s16], [sflag:$0x3], $0x80, s15, s14, $0xb8;
	[tilespmem:$0x1DC80] =	vst v63  }
0x121: {  	s14 =	sadd.s32 @!p1 s5, s13;
	s15 =	simm.s32 @!p1 $0x0  }
0x122: {  	[tilespmem:s15], [sflag:$0x1] =	stream.linear.gather @!p1 [hbm4b:s14+s15], $0x50, $0x38;
	[tilespmem:$0x1DC80] =	vst v63  }
0x123: {  	s13 =	sadd.s32 @!p1 s6, s13;
	s16 =	simm.s32 @!p1 $0x200;
	s14 =	rddreg [dreg:$0x4]  }
0x124: {  	[tilespmem:s16], [sflag:$0x1] =	stream.linear.gather @!p1 [hbm4b:s13+s15], $0x50, $0x38;
	[tilespmem:$0x1DC80] =	vst v63  }
0x125: {  	s14 =	sadd.s32 @!p1 s12, s14;
	s13 =	rddreg [dreg:$0x3];
	s16 =	simm.s32 @!p1 $0x80  }
0x126: {  	[tilespmem:s16], [sflag:$0x1] =	stream.linear.gather @!p1 [hbm4b:s14+s15], $0x50, $0x38;
	[tilespmem:$0x1DC80] =	vst v63  }
0x127: {  	s12 =	sadd.s32 @!p1 s12, s13;
	s13 =	simm.s32 @!p1 $0x280;
	s14 =	simm.s32 @!p1 $0x2  }
0x128: {  	[tilespmem:s13], [sflag:$0x1] =	stream.linear.gather @!p1 [hbm4b:s12+s15], $0x50, $0x38;
	[tilespmem:$0x1DC80] =	vst v63  }
0x129: {  	_ =	swait.ge @!p1 [sflag:s14], $0x2800  }
0x12a: {  	[sflag:s14] =	ssyncset.done @!p1 $0x0  }
0x12b: {  	[sflag:s14] =	ssyncadd.s32 @!p1 $0xFFFFD800  }
0x12c: {  	_ =	swait.ge @!p1 [sflag:s14], $0x2800  }
0x12d: {  	s12 =	simm.s32 @!p1 $0x5400;
	[sflag:s14] =	ssyncset.done @!p1 $0x0  }
0x12e: {  	s13 =	simm.s32 @!p1 $0x50;
	[sflag:s14] =	ssyncadd.s32 @!p1 $0xFFFFD800;
	s14 =	simm.s32 @!p1 $0x300  }
0x12f: {  	[spmem:s2] =	stream.indirect.scatter.add.f32 @!p1 [tilespmem:s12], [sflag:$0x3], $0x80, s14, s13, $0xb8;
	[tilespmem:$0x1DC80] =	vst v63  }
0x130: {  	s12 =	simm.s32 @!p1 $0x380;
	s14 =	simm.s32 @!p1 $0x7C00  }
0x131: {  	[spmem:s2] =	stream.indirect.scatter.add.f32 @!p1 [tilespmem:s14], [sflag:$0x3], $0x80, s12, s13, $0xb8;
	[tilespmem:$0x1DC80] =	vst v63  }
0x132: {  	s12 =	simm.s32 @!p1 $0x1  }
0x133: {  	_ =	swait.ge @!p1 [sflag:s12], $0x50  }
0x134: {  	[sflag:s12] =	ssyncset.done @!p1 $0x0  }
0x135: {  	[sflag:s12] =	ssyncadd.s32 @!p1 $0xFFFFFFB0  }
0x136: {  	_ =	swait.ge @!p1 [sflag:s12], $0x50  }
0x137: {  	[sflag:s12] =	ssyncset.done @!p1 $0x0  }
0x138: {  	[sflag:s12] =	ssyncadd.s32 @!p1 $0xFFFFFFB0  }
0x139: {  	_ =	swait.ge @!p1 [sflag:s12], $0x50  }
0x13a: {  	[sflag:s12] =	ssyncset.done @!p1 $0x0  }
0x13b: {  	[sflag:s12] =	ssyncadd.s32 @!p1 $0xFFFFFFB0  }
0x13c: {  	_ =	swait.ge @!p1 [sflag:s12], $0x50  }
0x13d: {  	[sflag:s12] =	ssyncset.done @!p1 $0x0  }
0x13e: {  	[sflag:s12] =	ssyncadd.s32 @!p1 $0xFFFFFFB0;
	s12 =	simm.s32 @!p1 $0x400  }
0x13f: {  	[tilespmem:s12], [sflag:$0x2] =	stream.indirect.gather @!p1 [hbm4b:s4+s13], $0x80, s15, s13, $0xb8;
	[tilespmem:$0x1DC80] =	vst v63  }
0x140: {  	s12 =	simm.s32 @!p1 $0x2C00  }
0x141: {  	[tilespmem:s12], [sflag:$0x2] =	stream.indirect.gather @!p1 [hbm4b:s4+s13], $0x80, s16, s13, $0xb8;
	[tilespmem:$0x1DC80] =	vst v63  }
0x142: {  	_ =	swait.ge [sflag:s7], $0x2800  }
0x143: {  	[sflag:s7] =	ssyncset.done $0x0  }
0x144: {  	[sflag:s7] =	ssyncadd.s32 $0xFFFFD800  }
0x145: {  	_ =	swait.ge [sflag:s7], $0x2800  }
0x146: {  	[sflag:s7] =	ssyncset.done $0x0  }
0x147: {  	s17 =	rddreg [dreg:$0x15];
	[sflag:s7] =	ssyncadd.s32 $0xFFFFD800  }
0x148: {  	[tilespmem:s3], [sflag:$0x4] =	stream.linear.gather [hbm4b:s17+s3], $0x50, $0x38;
	[tilespmem:$0x1DC80] =	vst v63  }
0x149: {  	_ =	swait.ge [sflag:s22], $0x50  }
0x14a: {  	[sflag:s22] =	ssyncset.done $0x0  }
0x14b: {  	s18 =	rddreg [dreg:$0x16];
	[sflag:s22] =	ssyncadd.s32 $0xFFFFFFB0  }
0x14c: {  	[tilespmem:s23], [sflag:$0x4] =	stream.linear.gather [hbm4b:s18+s3], $0x50, $0x38;
	[tilespmem:$0x1DC80] =	vst v63  }
0x14d: {  	_ =	swait.ge [sflag:s22], $0x50  }
0x14e: {  	[sflag:s22] =	ssyncset.done $0x0  }
0x14f: {  	[sflag:s22] =	ssyncadd.s32 $0xFFFFFFB0  }
0x150: {  	[tilespmem:s29], [sflag:$0x2] =	stream.indirect.gather [hbm4b:s4+s28], $0x80, s3, s28, $0xb8;
	[tilespmem:$0x1DC80] =	vst v63  }
0x151: {  	_ =	swait.ge [sflag:s1], $0x2800  }
0x152: {  	[sflag:s1] =	ssyncset.done $0x0  }
0x153: {  	[sflag:s1] =	ssyncadd.s32 $0xFFFFD800  }
0x154: {  	[spmem:s2] =	stream.indirect.scatter.add.f32 [tilespmem:s29], [sflag:$0x4], $0x80, s23, s28, $0xb8;
	[tilespmem:$0x1DC80] =	vst v63  }
0x155: {  	_ =	swait.ge [sflag:s22], $0x2800  }
0x156: {  	[sflag:s22] =	ssyncset.done $0x0  }
0x157: {  	[sflag:s22] =	ssyncadd.s32 $0xFFFFD800  }
0x158: {  	[bflag:$0x0] =	sbarrier.arrive $0xFFFF  }
0x159: {  	s19 =	rddreg [dreg:$0x17]  }
0x15a: {  	[hbm:s19], [sflag:s9] =	dma.local [spmem:s10], $0x2700  }
0x15b: {  	_ =	swait.ge [sflag:s22], $0x2700  }
0x15c: {  	[sflag:s22] =	ssyncset.done $0x0  }
0x15d: {  	s10 =	rddreg [dreg:$0x18];
	[sflag:s22] =	ssyncadd.s32 $0xFFFFD900  }
0x15e: {  	[hbm:s10], [sflag:s9] =	dma.local @!p0 [spmem:s11], $0x100  }
0x15f: {  	s10 =	simm.s32 @!p0 $0x4  }
0x160: {  	_ =	swait.ge @!p0 [sflag:s10], $0x100  }
0x161: {  	s8 =	sadd.s32 $0x1, s8;
	s20 =	rddreg [dreg:$0x19]  }
0x162: {  	p1 =	sne.s32 s8, s20  }
.Ltmp1:
0x163: {  	_ = 	snop;
	(pc) =	sbr.rel @p1 .LBB2_1-.Ltmp1, $3  }
0x164: {  	_ =	sdelay $0x1  }
0x165: {  	[sflag:s10] =	ssyncset.done @!p0 $0x0  }
0x166: {  	[sflag:s10] =	ssyncadd.s32 @!p0 $0xFFFFFF00  }
0x167: {  	_ =	sfence.sel $0x180000  }
0x168: {  	[bflag:$0x0] =	sbarrier.arrive $0xFFFF  }
0x169: {  	_ =	strace $0x9000004A  }
0x16a: {  	s0 =	stileid.u32;
	[bflag:$0x2] =	sbarrier.arrive $0xFFFF  }
0x16b: {  	p0 =	sne.s32 s0, $0x0;
	s0 =	rddreg [dreg:$0x2]  }
0x16c: {  	s0 =	sadd.s32 @!p0 $0x100000, s0  }
0x16d: {  	[sflag:s0] =	ssyncadd.tile.s32 @!p0 $0x1;
	_ =	shalt  }
.Lfunc_end2:
_tile_overlayer_lowered:
.L_overlay_start_2:
0x16e: {  	(tag) =	ssettag $0x2  }
0x16f: {  	s0 =	rddreg [dreg:$0x0];
	s2 =	stileid.u32  }
0x170: {  	s1 =	rddreg [dreg:$0x1];
	p0 =	sne.s32 s2, $0x0  }
0x171: {  	s3 =	rddreg [dreg:$0x2];
	[bflag:$0x3] =	sbarrier.arrive $0xFFFF;
	s2 =	simm.s32 @!p0 $0x1C04  }
0x172: {  	[timem:s3], [sflag:s2] =	dma.local @!p0 [hbm:s0], s1  }
0x173: {  	s0 =	simm.s32 @!p0 $0x4  }
0x174: {  	_ =	swait.ge @!p0 [sflag:s0], s1  }
0x175: {  	s1 =	ssub.s32 @!p0 $0x0, s1;
	[sflag:s0] =	ssyncset.done @!p0 $0x0  }
0x176: {  	[sflag:s0] =	ssyncadd.s32 @!p0 s1  }
0x177: {  	[bflag:$0x3] =	sbarrier.arrive $0xFFFF  }
0x178: {  	_ =	shalt  }

// kernel: kernel.15.cloned.1.call-start
scs
__scs_entry_jumppad:
0x0: {  	(pc) =	sbr.rel $0x88, $3  }
0x1: {  	(tag) =	ssettag $0x0;
	lr =	simm.s32 $0x1  }
0x2: {  	[smem:$0x3F8D] =	sst lr;
	_ =	strace $0xD0000000  }
0x3: {  	_ = 	snop  }
0x4: {  	_ = 	snop  }
0x5: {  	_ = 	snop  }
0x6: {  	_ = 	snop  }
0x7: {  	_ = 	snop  }
__scs_overlays_trampoline_lowered:
0x8: {  	[smem:$0x3F9C] =	sst s0  }
0x9: {  	[smem:$0x3F9D] =	sst s1  }
0xa: {  	[smem:$0x3F9E] =	sst s2  }
0xb: {  	[smem:$0x3F9F] =	sst s3  }
0xc: {  	[smem:$0x3FA0] =	sst s4  }
0xd: {  	[smem:$0x3FA1] =	sst s5  }
0xe: {  	[smem:$0x3FA2] =	sst s6  }
0xf: {  	[smem:$0x3FA3] =	sst s7  }
0x10: {  	[smem:$0x3FA4] =	sst s8  }
0x11: {  	[smem:$0x3FA5] =	sst s9;
	s0 =	simm.s32 @!p0 $0x0  }
0x12: {  	s1 =	sld [smem:$0x3F8B];
	s0 =	simm.s32 @p0 $0x1  }
0x13: {  	[smem:$0x3FA6] =	sst s0;
	s0 =	simm.s32 @!p1 $0x0  }
0x14: {  	s2 =	sld [smem:$0x3F8A];
	s0 =	simm.s32 @p1 $0x1  }
0x15: {  	[smem:$0x3FA7] =	sst s0;
	s0 =	simm.s32 @!p2 $0x0  }
0x16: {  	s3 =	sld [smem:$0x3FDB];
	s0 =	simm.s32 @p2 $0x1  }
0x17: {  	s4 =	simm.s32 $0x1BF5;
	[smem:$0x3FA9] =	sst s0  }
0x18: {  	s0 =	sld [smem:$0x3F8C];
	_ =	swait.ge [sflag:s4], $0x0  }
0x19: {  	s7 =	sld [smem:$0x3F8D]  }
0x1a: {  	s8 =	sadd.s32 $0xFFFFE003, lr  }
0x1b: {  	s9 =	sadd.s32 $0xFFFFFEF7, lr;
	s5 =	simm.s32 $0xFFFFFFFF;
	p2 =	slt.u32 s8, $0xFFFFF086  }
0x1c: {  	p1 =	slt.u32 s9, $0xF7A;
	s5 =	simm.s32 @!p2 $0x0  }
0x1d: {  	s5 =	simm.s32 @p1 $0x1;
	p0 =	seq.s32 s7, s2  }
0x1e: {  	s7 =	smul.u32 @!p0 $0xF7A, s2;
	p2 =	seq.s32 @!p0 s5, $0x0  }
0x1f: {  	s9 =	smul.u32 $0xF7A, s1;
	s8 =	simm.s32 @!p0 $0x1BF5;
	p2 =	por !p2, p0  }
0x20: {  	[sflag:s8] =	ssyncset.s32 @!p0 $0xFFFFF086;
	s6 =	sadd.s32 @!p0 s3, s7;
	s7 =	simm.s32 @!p0 $0x108  }
0x21: {  	s3 =	sadd.s32 s3, s9;
	s6 =	sadd.s32 @!p0 $0x88, s6;
	s7 =	simm.s32 @p2 $0x1082  }
0x22: {  	[simem:s7], [sflag:s8] =	dma.local @!p0 [hbm:s6], $0xF7A  }
0x23: {  	s9 =	sor.u32 $0xD0000000, s2;
	s6 =	simm.s32 $0x108;
	_ =	swait.ge @!p0 [sflag:s8], $0x0  }
0x24: {  	s3 =	sadd.s32 $0x88, s3;
	s6 =	simm.s32 @!p1 $0x1082;
	[sflag:s4] =	ssyncset.s32 $0xFFFFF086  }
0x25: {  	[simem:s6], [sflag:s4] =	dma.local [hbm:s3], $0xF7A  }
0x26: {  	[smem:$0x3F8D] =	sst s1;
	(tag) =	ssettag s2;
	_ =	strace s9  }
0x27: {  	s1 =	sld [smem:$0x3F9D]  }
0x28: {  	s2 =	sld [smem:$0x3F9E]  }
0x29: {  	s4 =	sld [smem:$0x3FA0]  }
0x2a: {  	p0 =	seq.s32 s5, $0x0;
	s5 =	sld [smem:$0x3FA1]  }
0x2b: {  	s6 =	sld [smem:$0x3FA2]  }
0x2c: {  	s7 =	sld [smem:$0x3FA3]  }
0x2d: {  	s3 =	simm.s32 $0x108;
	s8 =	sld [smem:$0x3FA4]  }
0x2e: {  	s3 =	simm.s32 @!p0 $0x1082;
	s9 =	sld [smem:$0x3FA5]  }
0x2f: {  	lr =	sadd.s32 s0, s3;
	s0 =	sld [smem:$0x3F9C]  }
0x30: {  	s3 =	sld [smem:$0x3F9F]  }
0x31: {  	[smem:$0x3FA8] =	sst s10  }
0x32: {  	s10 =	sld [smem:$0x3FA6];
	_ =	sdelay $0x3  }
0x33: {  	p0 =	seq.s32 s10, $0x1;
	s10 =	sld [smem:$0x3FA8];
	_ =	sdelay $0x3  }
0x34: {  	[smem:$0x3FA8] =	sst s10  }
0x35: {  	s10 =	sld [smem:$0x3FA7];
	_ =	sdelay $0x3  }
0x36: {  	p1 =	seq.s32 s10, $0x1;
	s10 =	sld [smem:$0x3FA8];
	_ =	sdelay $0x3  }
0x37: {  	[smem:$0x3FA8] =	sst s10  }
0x38: {  	s10 =	sld [smem:$0x3FA9]  }
0x39: {  	_ = 	snop;
	(pc) =	sbr.ind lr, $3  }
0x3a: {  	_ = 	snop  }
0x3b: {  	_ = 	snop  }
0x3c: {  	p2 =	seq.s32 s10, $0x1;
	s10 =	sld [smem:$0x3FA8]  }
0x3d: {  	_ =	shalt  }
0x3e: {  	_ =	shalt  }
0x3f: {  	_ =	shalt  }
0x40: {  	_ =	shalt  }
0x41: {  	_ =	shalt  }
0x42: {  	_ =	shalt  }
0x43: {  	_ =	shalt  }
0x44: {  	_ =	shalt  }
0x45: {  	_ =	shalt  }
0x46: {  	_ =	shalt  }
0x47: {  	_ =	shalt  }
0x48: {  	_ =	shalt  }
0x49: {  	_ =	shalt  }
0x4a: {  	_ =	shalt  }
0x4b: {  	_ =	shalt  }
0x4c: {  	_ =	shalt  }
0x4d: {  	_ =	shalt  }
0x4e: {  	_ =	shalt  }
0x4f: {  	_ =	shalt  }
0x50: {  	_ =	shalt  }
0x51: {  	_ =	shalt  }
0x52: {  	_ =	shalt  }
0x53: {  	_ =	shalt  }
0x54: {  	_ =	shalt  }
0x55: {  	_ =	shalt  }
0x56: {  	_ =	shalt  }
0x57: {  	_ =	shalt  }
0x58: {  	_ =	shalt  }
0x59: {  	_ =	shalt  }
0x5a: {  	_ =	shalt  }
0x5b: {  	_ =	shalt  }
0x5c: {  	_ =	shalt  }
0x5d: {  	_ =	shalt  }
0x5e: {  	_ =	shalt  }
0x5f: {  	_ =	shalt  }
0x60: {  	_ =	shalt  }
0x61: {  	_ =	shalt  }
0x62: {  	_ =	shalt  }
0x63: {  	_ =	shalt  }
0x64: {  	_ =	shalt  }
0x65: {  	_ =	shalt  }
0x66: {  	_ =	shalt  }
0x67: {  	_ =	shalt  }
0x68: {  	_ =	shalt  }
0x69: {  	_ =	shalt  }
0x6a: {  	_ =	shalt  }
0x6b: {  	_ =	shalt  }
0x6c: {  	_ =	shalt  }
0x6d: {  	_ =	shalt  }
0x6e: {  	_ =	shalt  }
0x6f: {  	_ =	shalt  }
0x70: {  	_ =	shalt  }
0x71: {  	_ =	shalt  }
0x72: {  	_ =	shalt  }
0x73: {  	_ =	shalt  }
0x74: {  	_ =	shalt  }
0x75: {  	_ =	shalt  }
0x76: {  	_ =	shalt  }
0x77: {  	_ =	shalt  }
0x78: {  	_ =	shalt  }
0x79: {  	_ =	shalt  }
0x7a: {  	_ =	shalt  }
0x7b: {  	_ =	shalt  }
0x7c: {  	_ =	shalt  }
0x7d: {  	_ =	shalt  }
0x7e: {  	_ =	shalt  }
0x7f: {  	_ =	shalt  }
0x80: {  	_ =	shalt  }
0x81: {  	_ =	shalt  }
0x82: {  	_ =	shalt  }
0x83: {  	_ =	shalt  }
0x84: {  	_ =	shalt  }
0x85: {  	_ =	shalt  }
0x86: {  	_ =	shalt  }
0x87: {  	_ =	shalt  }
.Lfunc_end0:
.L_simem_size_0:
called_computation.2_lowered:
.L_overlay_start_0:
0x88: {  	s2 =	sld [smem:$0x3FD9]  }
0x89: {  	s3 =	sld [smem:$0x3FFE];
	_ =	sdelay $0x1  }
0x8a: {  	s1 =	srdreg.scid  }
0x8b: {  	s0 =	sand.u32 $0x1, s1  }
0x8c: {  	s16 =	sshll.u32 s0, $0xA;
	s2 =	sadd.s32 s3, s2  }
0x8d: {  	s2 =	sadd.s32 s2, s16  }
0x8e: {  	[smem:$0x3FB4] =	sst s2  }
0x8f: {  	_ = 	snop  }
0x90: {  	(tm) =	ssettm $0x1  }
0x91: {  	s17 =	sld [smem:$0x3FFB];
	_ =	sdelay $0x3  }
0x92: {  	_ =	strace s17  }
0x93: {  	s2 =	sld [smem:$0x3FFC];
	_ =	sdelay $0x3  }
0x94: {  	_ =	strace s2  }
0x95: {  	s2 =	sld [smem:$0x3FFD];
	_ =	sdelay $0x3  }
0x96: {  	_ =	strace s2  }
0x97: {  	_ =	strace $0x8FFFFFFF  }
0x98: {  	s18 =	sld [smem:$0x3FDB];
	_ =	sdelay $0x1  }
0x99: {  	s19 =	simm.s32 $_scs_section_size  }
0x9a: {  	s4 =	simm.s32 $_size__tile_overlayer_lowered;
	s5 =	simm.s32 $_tile_overlayer_lowered  }
0x9b: {  	s22 =	simm.s32 $0x1BFF;
	s21 =	sshll.u32 s5, $0x1;
	s2 =	sadd.s32 s19, s18  }
0x9c: {  	s6 =	simm.s32 $0x0;
	s20 =	sshll.u32 s4, $0x1;
	s4 =	sadd.s32 s21, s2  }
0x9d: {  	[timem:s6], [sflag:s22] =	dma.local [hbm:s4], s20  }
0x9e: {  	_ =	swait.ge [sflag:s22], s20  }
0x9f: {  	s3 =	ssub.s32 $0x0, s20;
	[sflag:s22] =	ssyncset.done $0x0  }
0xa0: {  	[sflag:s22] =	ssyncadd.s32 s3;
	_ =	sdelay $0x1  }
0xa1: {  	s23 =	simm.s32 $0x1B8B  }
0xa2: {  	_ =	swait.ge [sflag:s23], $0x1  }
0xa3: {  	[sflag:s23] =	ssyncset.done $0x0  }
0xa4: {  	s25 =	simm.s32 $0x1B8E;
	s24 =	sld [smem:$0x3FFE];
	[sflag:s23] =	ssyncadd.s32 $0xFFFFFFFF  }
0xa5: {  	s26 =	simm.s32 $execute0_lowered;
	[smem:$0x3FD2] =	sst s25  }
0xa6: {  	s4 =	sshll.u32 s26, $0x1;
	_ =	strace $0x8000004C;
	[dreg:$0x1] =	wrdreg $0xFFFFFFFF  }
0xa7: {  	s28 =	simm.s32 $_size_execute0_lowered;
	s2 =	sadd.s32 s2, s4;
	[dreg:$0x0] =	wrdreg $0x0  }
0xa8: {  	s4 =	sshll.u32 s28, $0x1;
	[dreg:$0x2] =	wrdreg s2  }
0xa9: {  	[dreg:$0x3] =	wrdreg s4  }
0xaa: {  	[dreg:$0x4] =	wrdreg $0xC0  }
0xab: {  	_ =	task [dreg:s6], $0x5FFFF  }
0xac: {  	[dreg:$0x1] =	wrdreg $0xFFFFFFFF  }
0xad: {  	[dreg:$0x0] =	wrdreg $0x60  }
0xae: {  	[dreg:$0x2] =	wrdreg s24  }
0xaf: {  	[dreg:$0x3] =	wrdreg $0xA4000  }
0xb0: {  	[dreg:$0x4] =	wrdreg $0x9  }
0xb1: {  	_ =	task.clear_ibuf [dreg:s6], $0x5FFFF;
	_ =	strace $0x9000004C  }
0xb2: {  	s29 =	simm.s32 $0x9;
	_ =	strace $0x8000004E  }
0xb3: {  	_ =	swait.ge [sflag:s29], $0x1  }
0xb4: {  	[sflag:s29] =	ssyncadd.s32 $0xFFFFFFFF  }
0xb5: {  	_ =	strace $0x9000004E  }
0xb6: {  	_ =	sfence  }
0xb7: {  	s30 =	sld [smem:$0x0];
	_ =	sdelay $0x2  }
0xb8: {  	s31 =	sshll.u32 s1, $0xD;
	s1 =	sshrl.u32 s1, $0x2  }
0xb9: {  	s3 =	sand.u32 $0x4000, s31;
	s1 =	sadd.s32 s1, s30  }
0xba: {  	s0 =	sor.u32 s3, s0;
	s1 =	sshll.u32 s1, $0x11  }
0xbb: {  	s0 =	sor.u32 s1, s0  }
0xbc: {  	s0 =	sadd.s32 $0x8F2B, s0  }
0xbd: {  	[sflag:s0] =	ssyncadd.remote.s32 $0x1  }
0xbe: {  	_ =	sfence.sel $0xFFFF  }
0xbf: {  	[dreg:$0x0] =	wrdreg $0xFFFFFFFF;
	(pc) =	sbr.abs _section_cstart, $3  }
0xc0: {  	[dreg:$0x1] =	wrdreg $0xFFFFFFFF  }
0xc1: {  	_ =	task.clear_ibuf [dreg:s6], $0x2FFFF;
	_ =	strace $0x9FFFFFFF  }
0xc2: {  	(tm) =	ssettm $0x7FFFFFFF  }
0xc3: {  	_ =	shalt  }
tec
execute0_lowered:
.L_overlay_start_1:
0x0: {  	(tag) =	ssettag $0x1  }
0x1: {  	s0 =	rddreg [dreg:$0x0]  }
0x2: {  	s2 =	rddreg [dreg:$0x1];
	s3 =	simm.s32 $0x0;
	s15 =	stileid.u32  }
0x3: {  	s6 =	srdreg.scid;
	s28 =	simm.s32 $0x50;
	s29 =	simm.s32 $0x400  }
0x4: {  	s30 =	simm.s32 $0x2C00;
	s31 =	simm.s32 $0x100;
	[smem:$0x7FF] =	sst s3  }
0x5: {  	s1 =	smul.u32 $0x13800, s15;
	s4 =	sadd.s32 $0x67800, s0;
	s5 =	sadd.s32 $0xF600, s0  }
0x6: {  	s8 =	sand.u32 $0x1, s6;
	s6 =	sadd.s32 $0x5800, s0;
	s11 =	sshll.u32 s15, $0x1  }
0x7: {  	s12 =	smul.u32 $0x4E000, s15;
	s13 =	sadd.s32 $0xDCE00, s0;
	s16 =	sshll.u32 s15, $0x6  }
0x8: {  	s18 =	sadd.s32 $0x138000, s2;
	s22 =	smul.u32 $0x4E20, s15;
	p0 =	sne.s32 s15, $0xF  }
0x9: {  	_ =	strace $0x8000004D;
	s9 =	ssub.s32 $0x2, s8;
	s20 =	smul.u32 $0x138800, s8  }
0xa: {  	s11 =	sor.u32 s8, s11;
	[dreg:$0xf] =	wrdreg s18;
	s8 =	smul.u32 $0x2710, s8  }
0xb: {  	s7 =	sshrl.u32 s1, $0x3;
	s10 =	sshrl.u32 s9, $0x1;
	s12 =	sshrl.u32 s12, $0x2  }
0xc: {  	s14 =	smul.u32 $0x2710, s11;
	s7 =	sadd.s32 s7, s0;
	s10 =	ssub.s32 s9, s10  }
0xd: {  	s17 =	sadd.s32 s12, s2;
	s9 =	sor.u32 $0x1C04, s16;
	s0 =	sadd.s32 $0x67600, s0  }
0xe: {  	s1 =	sadd.s32 s1, s20;
	s11 =	sshrl.u32 s20, $0x3;
	[dreg:$0xd] =	wrdreg s17  }
0xf: {  	s7 =	sadd.s32 $0x40600, s7;
	s19 =	sshrl.u32 s14, $0x3;
	[dreg:$0x10] =	wrdreg s0  }
0x10: {  	s0 =	sadd.s32 s8, s22;
	[dreg:$0xe] =	wrdreg s7;
	s21 =	sadd.s32 s5, s19  }
0x11: {  	s1 =	sshrl.u32 s1, $0x3;
	s23 =	sadd.s32 s6, s19;
	[dreg:$0x11] =	wrdreg s21  }
0x12: {  	s24 =	sadd.s32 $0xA, s19;
	s1 =	sadd.s32 s13, s1;
	[dreg:$0x12] =	wrdreg s23  }
0x13: {  	s7 =	sadd.s32 $0x4D8, s19;
	s25 =	sadd.s32 s5, s24;
	[dreg:$0x17] =	wrdreg s1  }
0x14: {  	s8 =	sadd.s32 $0x190, s0;
	s12 =	sadd.s32 s6, s24;
	[dreg:$0x13] =	wrdreg s25  }
0x15: {  	s17 =	sadd.s32 $0xA0, s0;
	s26 =	sadd.s32 s5, s7;
	[dreg:$0x14] =	wrdreg s12  }
0x16: {  	s7 =	sadd.s32 s6, s7;
	s1 =	sadd.s32 s13, s11;
	[dreg:$0x15] =	wrdreg s26  }
0x17: {  	s13 =	sadd.s32 $0xF0, s0;
	s21 =	smax.u32 s10, $0x1;
	[dreg:$0x16] =	wrdreg s7  }
0x18: {  	s19 =	sshrl.u32 s17, $0x3;
	s23 =	simm.s32 $0x300;
	[dreg:$0x19] =	wrdreg s21  }
0x19: {  	s24 =	simm.s32 $0x380;
	s7 =	sshrl.u32 s8, $0x3;
	[dreg:$0x9] =	wrdreg s23  }
0x1a: {  	s14 =	sshrl.u32 s13, $0x3;
	s1 =	sadd.s32 $0x27000, s1;
	[dreg:$0xa] =	wrdreg s24  }
0x1b: {  	s20 =	sadd.s32 s19, s6;
	s22 =	sadd.s32 s19, s5;
	[dreg:$0x18] =	wrdreg s1  }
0x1c: {  	s21 =	sadd.s32 $0x140, s0;
	s25 =	simm.s32 $0x5400;
	[dreg:$0x7] =	wrdreg s20  }
0x1d: {  	s23 =	simm.s32 $0x200;
	s26 =	simm.s32 $0x7C00;
	[dreg:$0x8] =	wrdreg s22  }
0x1e: {  	s24 =	simm.s32 $0x80;
	s0 =	simm.s32 $0x180;
	[dreg:$0xb] =	wrdreg s25  }
0x1f: {  	s8 =	simm.s32 $0x0;
	s12 =	sadd.s32 s7, s6;
	[dreg:$0xc] =	wrdreg s26  }
0x20: {  	s7 =	sadd.s32 s7, s5;
	s16 =	sadd.s32 s14, s6;
	[dreg:$0x3] =	wrdreg s12  }
0x21: {  	s18 =	sadd.s32 s14, s5;
	s22 =	simm.s32 $0x4;
	[dreg:$0x4] =	wrdreg s7  }
0x22: {  	s25 =	simm.s32 $0x280;
	s26 =	simm.s32 $0x1;
	[dreg:$0x5] =	wrdreg s16  }
0x23: {  	s1 =	simm.s32 $0x2;
	[dreg:$0x6] =	wrdreg s18;
	s7 =	simm.s32 $0x3  }
.LBB2_1:
0x24: {  	s10 =	rddreg [dreg:$0xd]  }
0x25: {  	s11 =	rddreg [dreg:$0xe];
	s10 =	sshrl.u32 s10, $0x3  }
0x26: {  	[spmem:s10], [sflag:s9] =	dma.local [hbm:s11], $0x2700  }
0x27: {  	_ =	swait.ge [sflag:s22], $0x2700  }
0x28: {  	[sflag:s22] =	ssyncset.done $0x0;
	s11 =	rddreg [dreg:$0xf]  }
0x29: {  	s12 =	rddreg [dreg:$0x10];
	[sflag:s22] =	ssyncadd.s32 $0xFFFFD900;
	s11 =	sshrl.u32 @!p0 s11, $0x3  }
0x2a: {  	[spmem:s11], [sflag:s9] =	dma.local @!p0 [hbm:s12], $0x100  }
0x2b: {  	s12 =	simm.s32 @!p0 $0x4  }
0x2c: {  	_ =	swait.ge @!p0 [sflag:s12], $0x100  }
0x2d: {  	[sflag:s12] =	ssyncset.done @!p0 $0x0  }
0x2e: {  	[sflag:s12] =	ssyncadd.s32 @!p0 $0xFFFFFF00  }
0x2f: {  	[bflag:$0x0] =	sbarrier.arrive $0xFFFF  }
0x30: {  	s14 =	rddreg [dreg:$0x11]  }
0x31: {  	[tilespmem:s3], [sflag:$0x1] =	stream.linear.gather [hbm4b:s14+s3], $0x50, $0x38;
	[tilespmem:$0x1DC80] =	vst v63  }
0x32: {  	s15 =	rddreg [dreg:$0x12]  }
0x33: {  	[tilespmem:s23], [sflag:$0x1] =	stream.linear.gather [hbm4b:s15+s3], $0x50, $0x38;
	[tilespmem:$0x1DC80] =	vst v63  }
0x34: {  	s16 =	rddreg [dreg:$0x13]  }
0x35: {  	[tilespmem:s24], [sflag:$0x1] =	stream.linear.gather [hbm4b:s16+s3], $0x50, $0x38;
	[tilespmem:$0x1DC80] =	vst v63  }
0x36: {  	s17 =	rddreg [dreg:$0x14]  }
0x37: {  	[tilespmem:s25], [sflag:$0x1] =	stream.linear.gather [hbm4b:s17+s3], $0x50, $0x38;
	[tilespmem:$0x1DC80] =	vst v63  }
0x38: {  	_ =	swait.ge [sflag:s26], $0x50  }
0x39: {  	[sflag:s26] =	ssyncset.done $0x0  }
0x3a: {  	[sflag:s26] =	ssyncadd.s32 $0xFFFFFFB0  }
0x3b: {  	_ =	swait.ge [sflag:s26], $0x50  }
0x3c: {  	[sflag:s26] =	ssyncset.done $0x0  }
0x3d: {  	[sflag:s26] =	ssyncadd.s32 $0xFFFFFFB0  }
0x3e: {  	_ =	swait.ge [sflag:s26], $0x50  }
0x3f: {  	[sflag:s26] =	ssyncset.done $0x0  }
0x40: {  	[sflag:s26] =	ssyncadd.s32 $0xFFFFFFB0  }
0x41: {  	_ =	swait.ge [sflag:s26], $0x50  }
0x42: {  	[sflag:s26] =	ssyncset.done $0x0  }
0x43: {  	s18 =	rddreg [dreg:$0x8];
	[sflag:s26] =	ssyncadd.s32 $0xFFFFFFB0  }
0x44: {  	[tilespmem:s29], [sflag:$0x2] =	stream.indirect.gather [hbm4b:s4+s28], $0x80, s3, s28, $0xb8;
	[tilespmem:$0x1DC80] =	vst v63  }
0x45: {  	s13 =	rddreg [dreg:$0x6]  }
0x46: {  	[tilespmem:s30], [sflag:$0x2] =	stream.indirect.gather [hbm4b:s4+s28], $0x80, s24, s28, $0xb8;
	[tilespmem:$0x1DC80] =	vst v63  }
0x47: {  	s14 =	rddreg [dreg:$0x7];
	s12 =	sadd.s32 $0x0, s18  }
0x48: {  	[tilespmem:s31], [sflag:$0x1] =	stream.linear.gather [hbm4b:s12+s3], $0x50, $0x38;
	[tilespmem:$0x1DC80] =	vst v63  }
0x49: {  	s15 =	rddreg [dreg:$0x9];
	s19 =	sadd.s32 $0x0, s14  }
0x4a: {  	[tilespmem:s15], [sflag:$0x1] =	stream.linear.gather [hbm4b:s19+s3], $0x50, $0x38;
	[tilespmem:$0x1DC80] =	vst v63  }
0x4b: {  	s20 =	rddreg [dreg:$0x5];
	s16 =	sadd.s32 $0x0, s13  }
0x4c: {  	[tilespmem:s0], [sflag:$0x1] =	stream.linear.gather [hbm4b:s16+s3], $0x50, $0x38;
	[tilespmem:$0x1DC80] =	vst v63  }
0x4d: {  	s17 =	rddreg [dreg:$0xa];
	s18 =	sadd.s32 $0x0, s20  }
0x4e: {  	[tilespmem:s17], [sflag:$0x1] =	stream.linear.gather [hbm4b:s18+s3], $0x50, $0x38;
	[tilespmem:$0x1DC80] =	vst v63  }
0x4f: {  	_ =	swait.ge [sflag:s1], $0x2800  }
0x50: {  	[sflag:s1] =	ssyncset.done $0x0  }
0x51: {  	[sflag:s1] =	ssyncadd.s32 $0xFFFFD800  }
0x52: {  	_ =	swait.ge [sflag:s1], $0x2800  }
0x53: {  	[sflag:s1] =	ssyncset.done $0x0  }
0x54: {  	[sflag:s1] =	ssyncadd.s32 $0xFFFFD800  }
0x55: {  	[spmem:s2] =	stream.indirect.scatter.add.f32 [tilespmem:s29], [sflag:$0x3], $0x80, s23, s28, $0xb8;
	[tilespmem:$0x1DC80] =	vst v63  }
0x56: {  	_ = 	snop  }
0x57: {  	[spmem:s2] =	stream.indirect.scatter.add.f32 [tilespmem:s30], [sflag:$0x3], $0x80, s25, s28, $0xb8;
	[tilespmem:$0x1DC80] =	vst v63  }
0x58: {  	_ =	swait.ge [sflag:s26], $0x50  }
0x59: {  	[sflag:s26] =	ssyncset.done $0x0  }
0x5a: {  	[sflag:s26] =	ssyncadd.s32 $0xFFFFFFB0  }
0x5b: {  	_ =	swait.ge [sflag:s26], $0x50  }
0x5c: {  	[sflag:s26] =	ssyncset.done $0x0  }
0x5d: {  	[sflag:s26] =	ssyncadd.s32 $0xFFFFFFB0  }
0x5e: {  	_ =	swait.ge [sflag:s26], $0x50  }
0x5f: {  	[sflag:s26] =	ssyncset.done $0x0  }
0x60: {  	[sflag:s26] =	ssyncadd.s32 $0xFFFFFFB0  }
0x61: {  	_ =	swait.ge [sflag:s26], $0x50  }
0x62: {  	[sflag:s26] =	ssyncset.done $0x0  }
0x63: {  	s19 =	rddreg [dreg:$0xb];
	[sflag:s26] =	ssyncadd.s32 $0xFFFFFFB0  }
0x64: {  	[tilespmem:s19], [sflag:$0x2] =	stream.indirect.gather [hbm4b:s4+s28], $0x80, s31, s28, $0xb8;
	[tilespmem:$0x1DC80] =	vst v63  }
0x65: {  	s20 =	rddreg [dreg:$0xc]  }
0x66: {  	[tilespmem:s20], [sflag:$0x2] =	stream.indirect.gather [hbm4b:s4+s28], $0x80, s0, s28, $0xb8;
	[tilespmem:$0x1DC80] =	vst v63  }
0x67: {  	_ =	swait.ge [sflag:s7], $0x2800  }
0x68: {  	[sflag:s7] =	ssyncset.done $0x0  }
0x69: {  	[sflag:s7] =	ssyncadd.s32 $0xFFFFD800  }
0x6a: {  	_ =	swait.ge [sflag:s7], $0x2800  }
0x6b: {  	p1 =	por $0x0, $0x0;
	[sflag:s7] =	ssyncset.done $0x0  }
0x6c: {  	s12 =	simm.s32 @p1 $0x2;
	[sflag:s7] =	ssyncadd.s32 $0xFFFFD800  }
0x6d: {  	_ =	swait.ge @p1 [sflag:s12], $0x2800  }
0x6e: {  	[sflag:s12] =	ssyncset.done @p1 $0x0  }
0x6f: {  	[sflag:s12] =	ssyncadd.s32 @p1 $0xFFFFD800  }
0x70: {  	_ =	swait.ge @p1 [sflag:s12], $0x2800  }
0x71: {  	s13 =	simm.s32 @p1 $0x5400;
	[sflag:s12] =	ssyncset.done @p1 $0x0  }
0x72: {  	s14 =	simm.s32 @p1 $0x300;
	[sflag:s12] =	ssyncadd.s32 @p1 $0xFFFFD800;
	s12 =	simm.s32 @p1 $0x50  }
0x73: {  	[spmem:s2] =	stream.indirect.scatter.add.f32 @p1 [tilespmem:s13], [sflag:$0x3], $0x80, s14, s12, $0xb8;
	[tilespmem:$0x1DC80] =	vst v63  }
0x74: {  	s15 =	simm.s32 @p1 $0x7C00;
	s13 =	sshrl.u32 @!p1 s21, $0x3;
	s14 =	simm.s32 @p1 $0x380  }
0x75: {  	[spmem:s2] =	stream.indirect.scatter.add.f32 @p1 [tilespmem:s15], [sflag:$0x3], $0x80, s14, s12, $0xb8;
	[tilespmem:$0x1DC80] =	vst v63  }
0x76: {  	s12 =	sadd.s32 @!p1 s5, s13;
	s14 =	simm.s32 @!p1 $0x0  }
0x77: {  	[tilespmem:s14], [sflag:$0x1] =	stream.linear.gather @!p1 [hbm4b:s12+s14], $0x50, $0x38;
	[tilespmem:$0x1DC80] =	vst v63  }
0x78: {  	s15 =	rddreg [dreg:$0x4];
	s12 =	sadd.s32 @!p1 s6, s13;
	s13 =	simm.s32 @!p1 $0x200  }
0x79: {  	[tilespmem:s13], [sflag:$0x1] =	stream.linear.gather @!p1 [hbm4b:s12+s14], $0x50, $0x38;
	[tilespmem:$0x1DC80] =	vst v63  }
0x7a: {  	s16 =	rddreg [dreg:$0x3];
	s12 =	sadd.s32 @!p1 $0x0, s15;
	s13 =	simm.s32 @!p1 $0x80  }
0x7b: {  	[tilespmem:s13], [sflag:$0x1] =	stream.linear.gather @!p1 [hbm4b:s12+s14], $0x50, $0x38;
	[tilespmem:$0x1DC80] =	vst v63  }
0x7c: {  	s15 =	simm.s32 @!p1 $0x280;
	s12 =	sadd.s32 @!p1 $0x0, s16;
	s16 =	simm.s32 @!p1 $0x2  }
0x7d: {  	[tilespmem:s15], [sflag:$0x1] =	stream.linear.gather @!p1 [hbm4b:s12+s14], $0x50, $0x38;
	[tilespmem:$0x1DC80] =	vst v63  }
0x7e: {  	_ =	swait.ge @!p1 [sflag:s16], $0x2800  }
0x7f: {  	[sflag:s16] =	ssyncset.done @!p1 $0x0  }
0x80: {  	[sflag:s16] =	ssyncadd.s32 @!p1 $0xFFFFD800  }
0x81: {  	_ =	swait.ge @!p1 [sflag:s16], $0x2800  }
0x82: {  	s12 =	simm.s32 @!p1 $0x5400;
	[sflag:s16] =	ssyncset.done @!p1 $0x0  }
0x83: {  	s15 =	simm.s32 @!p1 $0x50;
	[sflag:s16] =	ssyncadd.s32 @!p1 $0xFFFFD800;
	s16 =	simm.s32 @!p1 $0x300  }
0x84: {  	[spmem:s2] =	stream.indirect.scatter.add.f32 @!p1 [tilespmem:s12], [sflag:$0x3], $0x80, s16, s15, $0xb8;
	[tilespmem:$0x1DC80] =	vst v63  }
0x85: {  	s12 =	simm.s32 @!p1 $0x380;
	s16 =	simm.s32 @!p1 $0x7C00  }
0x86: {  	[spmem:s2] =	stream.indirect.scatter.add.f32 @!p1 [tilespmem:s16], [sflag:$0x3], $0x80, s12, s15, $0xb8;
	[tilespmem:$0x1DC80] =	vst v63  }
0x87: {  	s12 =	simm.s32 @!p1 $0x1  }
0x88: {  	_ =	swait.ge @!p1 [sflag:s12], $0x50  }
0x89: {  	[sflag:s12] =	ssyncset.done @!p1 $0x0  }
0x8a: {  	[sflag:s12] =	ssyncadd.s32 @!p1 $0xFFFFFFB0  }
0x8b: {  	_ =	swait.ge @!p1 [sflag:s12], $0x50  }
0x8c: {  	[sflag:s12] =	ssyncset.done @!p1 $0x0  }
0x8d: {  	[sflag:s12] =	ssyncadd.s32 @!p1 $0xFFFFFFB0  }
0x8e: {  	_ =	swait.ge @!p1 [sflag:s12], $0x50  }
0x8f: {  	[sflag:s12] =	ssyncset.done @!p1 $0x0  }
0x90: {  	[sflag:s12] =	ssyncadd.s32 @!p1 $0xFFFFFFB0  }
0x91: {  	_ =	swait.ge @!p1 [sflag:s12], $0x50  }
0x92: {  	[sflag:s12] =	ssyncset.done @!p1 $0x0  }
0x93: {  	[sflag:s12] =	ssyncadd.s32 @!p1 $0xFFFFFFB0;
	s12 =	simm.s32 @!p1 $0x400  }
0x94: {  	[tilespmem:s12], [sflag:$0x2] =	stream.indirect.gather @!p1 [hbm4b:s4+s15], $0x80, s14, s15, $0xb8;
	[tilespmem:$0x1DC80] =	vst v63  }
0x95: {  	s12 =	simm.s32 @!p1 $0x2C00  }
0x96: {  	[tilespmem:s12], [sflag:$0x2] =	stream.indirect.gather @!p1 [hbm4b:s4+s15], $0x80, s13, s15, $0xb8;
	[tilespmem:$0x1DC80] =	vst v63  }
0x97: {  	_ =	swait.ge [sflag:s7], $0x2800  }
0x98: {  	[sflag:s7] =	ssyncset.done $0x0  }
0x99: {  	[sflag:s7] =	ssyncadd.s32 $0xFFFFD800  }
0x9a: {  	s14 =	simm.s32 $0x50;
	s12 =	simm.s32 $0x28;
	_ =	swait.ge [sflag:s7], $0x2800  }
0x9b: {  	s13 =	sadd.s32 $0x140, s21;
	s16 =	rddreg [dreg:$0x8];
	[sflag:s7] =	ssyncset.done $0x0  }
.LBB2_2:
0x9c: {  	s17 =	rddreg [dreg:$0x6]  }
0x9d: {  	[sflag:s7] =	ssyncadd.s32 $0xFFFFD800;
	s18 =	rddreg [dreg:$0x7];
	s16 =	sadd.s32 s12, s16  }
0x9e: {  	[tilespmem:s31], [sflag:$0x1] =	stream.linear.gather [hbm4b:s16+s3], $0x50, $0x38;
	[tilespmem:$0x1DC80] =	vst v63  }
0x9f: {  	s19 =	rddreg [dreg:$0x9];
	s20 =	sadd.s32 s12, s18  }
0xa0: {  	[tilespmem:s19], [sflag:$0x1] =	stream.linear.gather [hbm4b:s20+s3], $0x50, $0x38;
	[tilespmem:$0x1DC80] =	vst v63  }
0xa1: {  	s18 =	rddreg [dreg:$0x5];
	s19 =	sadd.s32 s12, s17  }
0xa2: {  	[tilespmem:s0], [sflag:$0x1] =	stream.linear.gather [hbm4b:s19+s3], $0x50, $0x38;
	[tilespmem:$0x1DC80] =	vst v63  }
0xa3: {  	s18 =	sadd.s32 s12, s18;
	s20 =	rddreg [dreg:$0xa]  }
0xa4: {  	[tilespmem:s20], [sflag:$0x1] =	stream.linear.gather [hbm4b:s18+s3], $0x50, $0x38;
	[tilespmem:$0x1DC80] =	vst v63  }
0xa5: {  	_ =	swait.ge [sflag:s1], $0x2800  }
0xa6: {  	[sflag:s1] =	ssyncset.done $0x0  }
0xa7: {  	[sflag:s1] =	ssyncadd.s32 $0xFFFFD800  }
0xa8: {  	_ =	swait.ge [sflag:s1], $0x2800  }
0xa9: {  	[sflag:s1] =	ssyncset.done $0x0  }
0xaa: {  	[sflag:s1] =	ssyncadd.s32 $0xFFFFD800  }
0xab: {  	[spmem:s2] =	stream.indirect.scatter.add.f32 [tilespmem:s29], [sflag:$0x3], $0x80, s23, s28, $0xb8;
	[tilespmem:$0x1DC80] =	vst v63  }
0xac: {  	_ = 	snop  }
0xad: {  	[spmem:s2] =	stream.indirect.scatter.add.f32 [tilespmem:s30], [sflag:$0x3], $0x80, s25, s28, $0xb8;
	[tilespmem:$0x1DC80] =	vst v63  }
0xae: {  	_ =	swait.ge [sflag:s26], $0x50  }
0xaf: {  	[sflag:s26] =	ssyncset.done $0x0  }
0xb0: {  	[sflag:s26] =	ssyncadd.s32 $0xFFFFFFB0  }
0xb1: {  	_ =	swait.ge [sflag:s26], $0x50  }
0xb2: {  	[sflag:s26] =	ssyncset.done $0x0  }
0xb3: {  	[sflag:s26] =	ssyncadd.s32 $0xFFFFFFB0  }
0xb4: {  	_ =	swait.ge [sflag:s26], $0x50  }
0xb5: {  	[sflag:s26] =	ssyncset.done $0x0  }
0xb6: {  	[sflag:s26] =	ssyncadd.s32 $0xFFFFFFB0  }
0xb7: {  	_ =	swait.ge [sflag:s26], $0x50  }
0xb8: {  	[sflag:s26] =	ssyncset.done $0x0  }
0xb9: {  	s19 =	rddreg [dreg:$0xb];
	[sflag:s26] =	ssyncadd.s32 $0xFFFFFFB0  }
0xba: {  	[tilespmem:s19], [sflag:$0x2] =	stream.indirect.gather [hbm4b:s4+s28], $0x80, s31, s28, $0xb8;
	[tilespmem:$0x1DC80] =	vst v63  }
0xbb: {  	s20 =	rddreg [dreg:$0xc]  }
0xbc: {  	[tilespmem:s20], [sflag:$0x2] =	stream.indirect.gather [hbm4b:s4+s28], $0x80, s0, s28, $0xb8;
	[tilespmem:$0x1DC80] =	vst v63  }
0xbd: {  	_ =	swait.ge [sflag:s7], $0x2800  }
0xbe: {  	[sflag:s7] =	ssyncset.done $0x0  }
0xbf: {  	[sflag:s7] =	ssyncadd.s32 $0xFFFFD800  }
0xc0: {  	_ =	swait.ge [sflag:s7], $0x2800  }
0xc1: {  	p2 =	seq.s32 s12, $0x4B0;
	[sflag:s7] =	ssyncset.done $0x0  }
0xc2: {  	s16 =	simm.s32 @p2 $0x2;
	[sflag:s7] =	ssyncadd.s32 $0xFFFFD800  }
0xc3: {  	_ =	swait.ge @p2 [sflag:s16], $0x2800  }
0xc4: {  	[sflag:s16] =	ssyncset.done @p2 $0x0  }
0xc5: {  	[sflag:s16] =	ssyncadd.s32 @p2 $0xFFFFD800  }
0xc6: {  	_ =	swait.ge @p2 [sflag:s16], $0x2800  }
0xc7: {  	s19 =	simm.s32 @p2 $0x5400;
	[sflag:s16] =	ssyncset.done @p2 $0x0  }
0xc8: {  	s20 =	simm.s32 @p2 $0x300;
	[sflag:s16] =	ssyncadd.s32 @p2 $0xFFFFD800;
	s16 =	simm.s32 @p2 $0x50  }
0xc9: {  	[spmem:s2] =	stream.indirect.scatter.add.f32 @p2 [tilespmem:s19], [sflag:$0x3], $0x80, s20, s16, $0xb8;
	[tilespmem:$0x1DC80] =	vst v63  }
0xca: {  	s17 =	sshrl.u32 @!p2 s13, $0x3;
	s19 =	simm.s32 @p2 $0x380;
	s20 =	simm.s32 @p2 $0x7C00  }
0xcb: {  	[spmem:s2] =	stream.indirect.scatter.add.f32 @p2 [tilespmem:s20], [sflag:$0x3], $0x80, s19, s16, $0xb8;
	[tilespmem:$0x1DC80] =	vst v63  }
0xcc: {  	s18 =	sadd.s32 @!p2 s5, s17;
	s16 =	simm.s32 @!p2 $0x0  }
0xcd: {  	[tilespmem:s16], [sflag:$0x1] =	stream.linear.gather @!p2 [hbm4b:s18+s16], $0x50, $0x38;
	[tilespmem:$0x1DC80] =	vst v63  }
0xce: {  	s17 =	sadd.s32 @!p2 s6, s17;
	s19 =	rddreg [dreg:$0x4];
	s18 =	simm.s32 @!p2 $0x200  }
0xcf: {  	[tilespmem:s18], [sflag:$0x1] =	stream.linear.gather @!p2 [hbm4b:s17+s16], $0x50, $0x38;
	[tilespmem:$0x1DC80] =	vst v63  }
0xd0: {  	s20 =	rddreg [dreg:$0x3];
	s18 =	sadd.s32 @!p2 s12, s19;
	s17 =	simm.s32 @!p2 $0x80  }
0xd1: {  	[tilespmem:s17], [sflag:$0x1] =	stream.linear.gather @!p2 [hbm4b:s18+s16], $0x50, $0x38;
	[tilespmem:$0x1DC80] =	vst v63  }
0xd2: {  	s12 =	sadd.s32 @!p2 s12, s20;
	s19 =	simm.s32 @!p2 $0x2;
	s18 =	simm.s32 @!p2 $0x280  }
0xd3: {  	[tilespmem:s18], [sflag:$0x1] =	stream.linear.gather @!p2 [hbm4b:s12+s16], $0x50, $0x38;
	[tilespmem:$0x1DC80] =	vst v63  }
0xd4: {  	_ =	swait.ge @!p2 [sflag:s19], $0x2800  }
0xd5: {  	[sflag:s19] =	ssyncset.done @!p2 $0x0  }
0xd6: {  	[sflag:s19] =	ssyncadd.s32 @!p2 $0xFFFFD800  }
0xd7: {  	s15 =	smov.u32 s14;
	_ =	swait.ge @!p2 [sflag:s19], $0x2800  }
0xd8: {  	s12 =	smov.u32 s15;
	s15 =	simm.s32 @!p2 $0x5400;
	[sflag:s19] =	ssyncset.done @!p2 $0x0  }
0xd9: {  	s18 =	simm.s32 @!p2 $0x50;
	[sflag:s19] =	ssyncadd.s32 @!p2 $0xFFFFD800;
	s19 =	simm.s32 @!p2 $0x300  }
0xda: {  	[spmem:s2] =	stream.indirect.scatter.add.f32 @!p2 [tilespmem:s15], [sflag:$0x3], $0x80, s19, s18, $0xb8;
	[tilespmem:$0x1DC80] =	vst v63  }
0xdb: {  	s20 =	simm.s32 @!p2 $0x1;
	s15 =	simm.s32 @!p2 $0x380;
	s19 =	simm.s32 @!p2 $0x7C00  }
0xdc: {  	[spmem:s2] =	stream.indirect.scatter.add.f32 @!p2 [tilespmem:s19], [sflag:$0x3], $0x80, s15, s18, $0xb8;
	[tilespmem:$0x1DC80] =	vst v63  }
0xdd: {  	_ =	swait.ge @!p2 [sflag:s20], $0x50  }
0xde: {  	[sflag:s20] =	ssyncset.done @!p2 $0x0  }
0xdf: {  	[sflag:s20] =	ssyncadd.s32 @!p2 $0xFFFFFFB0  }
0xe0: {  	_ =	swait.ge @!p2 [sflag:s20], $0x50  }
0xe1: {  	[sflag:s20] =	ssyncset.done @!p2 $0x0  }
0xe2: {  	[sflag:s20] =	ssyncadd.s32 @!p2 $0xFFFFFFB0  }
0xe3: {  	_ =	swait.ge @!p2 [sflag:s20], $0x50  }
0xe4: {  	[sflag:s20] =	ssyncset.done @!p2 $0x0  }
0xe5: {  	[sflag:s20] =	ssyncadd.s32 @!p2 $0xFFFFFFB0  }
0xe6: {  	_ =	swait.ge @!p2 [sflag:s20], $0x50  }
0xe7: {  	[sflag:s20] =	ssyncset.done @!p2 $0x0  }
0xe8: {  	s14 =	sadd.s32 $0x28, s14;
	s15 =	simm.s32 @!p2 $0x400;
	[sflag:s20] =	ssyncadd.s32 @!p2 $0xFFFFFFB0  }
0xe9: {  	[tilespmem:s15], [sflag:$0x2] =	stream.indirect.gather @!p2 [hbm4b:s4+s18], $0x80, s16, s18, $0xb8;
	[tilespmem:$0x1DC80] =	vst v63  }
0xea: {  	p1 =	sne.s32 s14, $0x4D8;
	s15 =	simm.s32 @!p2 $0x2C00  }
0xeb: {  	[tilespmem:s15], [sflag:$0x2] =	stream.indirect.gather @!p2 [hbm4b:s4+s18], $0x80, s17, s18, $0xb8;
	[tilespmem:$0x1DC80] =	vst v63  }
.Ltmp0:
0xec: {  	_ =	swait.ge [sflag:s7], $0x2800;
	(pc) =	sbr.rel @p1 .LBB2_2-.Ltmp0, $4  }
0xed: {  	[sflag:s7] =	ssyncset.done $0x0  }
0xee: {  	[sflag:s7] =	ssyncadd.s32 $0xFFFFD800  }
0xef: {  	_ =	swait.ge [sflag:s7], $0x2800  }
0xf0: {  	s13 =	sadd.s32 $0x140, s13;
	s16 =	rddreg [dreg:$0x8];
	[sflag:s7] =	ssyncset.done $0x0  }
0xf1: {  	s14 =	rddreg [dreg:$0x7]  }
0xf2: {  	[sflag:s7] =	ssyncadd.s32 $0xFFFFD800;
	s15 =	sadd.s32 s12, s16;
	s17 =	rddreg [dreg:$0x9]  }
0xf3: {  	[tilespmem:s31], [sflag:$0x1] =	stream.linear.gather [hbm4b:s15+s3], $0x50, $0x38;
	[tilespmem:$0x1DC80] =	vst v63  }
0xf4: {  	s18 =	rddreg [dreg:$0x6];
	s14 =	sadd.s32 s12, s14  }
0xf5: {  	[tilespmem:s17], [sflag:$0x1] =	stream.linear.gather [hbm4b:s14+s3], $0x50, $0x38;
	[tilespmem:$0x1DC80] =	vst v63  }
0xf6: {  	s19 =	rddreg [dreg:$0x5];
	s15 =	sadd.s32 s12, s18  }
0xf7: {  	[tilespmem:s0], [sflag:$0x1] =	stream.linear.gather [hbm4b:s15+s3], $0x50, $0x38;
	[tilespmem:$0x1DC80] =	vst v63  }
0xf8: {  	s20 =	rddreg [dreg:$0xa];
	s14 =	sadd.s32 s12, s19  }
0xf9: {  	[tilespmem:s20], [sflag:$0x1] =	stream.linear.gather [hbm4b:s14+s3], $0x50, $0x38;
	[tilespmem:$0x1DC80] =	vst v63  }
0xfa: {  	_ =	swait.ge [sflag:s1], $0x2800  }
0xfb: {  	[sflag:s1] =	ssyncset.done $0x0  }
0xfc: {  	[sflag:s1] =	ssyncadd.s32 $0xFFFFD800  }
0xfd: {  	_ =	swait.ge [sflag:s1], $0x2800  }
0xfe: {  	[sflag:s1] =	ssyncset.done $0x0  }
0xff: {  	[sflag:s1] =	ssyncadd.s32 $0xFFFFD800  }
0x100: {  	[spmem:s2] =	stream.indirect.scatter.add.f32 [tilespmem:s29], [sflag:$0x3], $0x80, s23, s28, $0xb8;
	[tilespmem:$0x1DC80] =	vst v63  }
0x101: {  	_ = 	snop  }
0x102: {  	[spmem:s2] =	stream.indirect.scatter.add.f32 [tilespmem:s30], [sflag:$0x3], $0x80, s25, s28, $0xb8;
	[tilespmem:$0x1DC80] =	vst v63  }
0x103: {  	_ =	swait.ge [sflag:s26], $0x50  }
0x104: {  	[sflag:s26] =	ssyncset.done $0x0  }
0x105: {  	[sflag:s26] =	ssyncadd.s32 $0xFFFFFFB0  }
0x106: {  	_ =	swait.ge [sflag:s26], $0x50  }
0x107: {  	[sflag:s26] =	ssyncset.done $0x0  }
0x108: {  	[sflag:s26] =	ssyncadd.s32 $0xFFFFFFB0  }
0x109: {  	_ =	swait.ge [sflag:s26], $0x50  }
0x10a: {  	[sflag:s26] =	ssyncset.done $0x0  }
0x10b: {  	[sflag:s26] =	ssyncadd.s32 $0xFFFFFFB0  }
0x10c: {  	_ =	swait.ge [sflag:s26], $0x50  }
0x10d: {  	[sflag:s26] =	ssyncset.done $0x0  }
0x10e: {  	s15 =	rddreg [dreg:$0xb];
	[sflag:s26] =	ssyncadd.s32 $0xFFFFFFB0  }
0x10f: {  	[tilespmem:s15], [sflag:$0x2] =	stream.indirect.gather [hbm4b:s4+s28], $0x80, s31, s28, $0xb8;
	[tilespmem:$0x1DC80] =	vst v63  }
0x110: {  	s16 =	rddreg [dreg:$0xc]  }
0x111: {  	[tilespmem:s16], [sflag:$0x2] =	stream.indirect.gather [hbm4b:s4+s28], $0x80, s0, s28, $0xb8;
	[tilespmem:$0x1DC80] =	vst v63  }
0x112: {  	_ =	swait.ge [sflag:s7], $0x2800  }
0x113: {  	[sflag:s7] =	ssyncset.done $0x0  }
0x114: {  	[sflag:s7] =	ssyncadd.s32 $0xFFFFD800  }
0x115: {  	_ =	swait.ge [sflag:s7], $0x2800  }
0x116: {  	p1 =	seq.s32 s12, $0x4B0;
	[sflag:s7] =	ssyncset.done $0x0  }
0x117: {  	s14 =	simm.s32 @p1 $0x2;
	[sflag:s7] =	ssyncadd.s32 $0xFFFFD800  }
0x118: {  	_ =	swait.ge @p1 [sflag:s14], $0x2800  }
0x119: {  	[sflag:s14] =	ssyncset.done @p1 $0x0  }
0x11a: {  	[sflag:s14] =	ssyncadd.s32 @p1 $0xFFFFD800  }
0x11b: {  	_ =	swait.ge @p1 [sflag:s14], $0x2800  }
0x11c: {  	s15 =	simm.s32 @p1 $0x5400;
	[sflag:s14] =	ssyncset.done @p1 $0x0  }
0x11d: {  	s16 =	simm.s32 @p1 $0x300;
	[sflag:s14] =	ssyncadd.s32 @p1 $0xFFFFD800;
	s14 =	simm.s32 @p1 $0x50  }
0x11e: {  	[spmem:s2] =	stream.indirect.scatter.add.f32 @p1 [tilespmem:s15], [sflag:$0x3], $0x80, s16, s14, $0xb8;
	[tilespmem:$0x1DC80] =	vst v63  }
0x11f: {  	s13 =	sshrl.u32 @!p1 s13, $0x3;
	s15 =	simm.s32 @p1 $0x380;
	s16 =	simm.s32 @p1 $0x7C00  }
0x120: {  	[spmem:s2] =	stream.indirect.scatter.add.f32 @p1 [tilespmem:s16], [sflag:$0x3], $0x80, s15, s14, $0xb8;
	[tilespmem:$0x1DC80] =	vst v63  }
0x121: {  	s14 =	sadd.s32 @!p1 s5, s13;
	s15 =	simm.s32 @!p1 $0x0  }
0x122: {  	[tilespmem:s15], [sflag:$0x1] =	stream.linear.gather @!p1 [hbm4b:s14+s15], $0x50, $0x38;
	[tilespmem:$0x1DC80] =	vst v63  }
0x123: {  	s13 =	sadd.s32 @!p1 s6, s13;
	s16 =	simm.s32 @!p1 $0x200;
	s14 =	rddreg [dreg:$0x4]  }
0x124: {  	[tilespmem:s16], [sflag:$0x1] =	stream.linear.gather @!p1 [hbm4b:s13+s15], $0x50, $0x38;
	[tilespmem:$0x1DC80] =	vst v63  }
0x125: {  	s14 =	sadd.s32 @!p1 s12, s14;
	s13 =	rddreg [dreg:$0x3];
	s16 =	simm.s32 @!p1 $0x80  }
0x126: {  	[tilespmem:s16], [sflag:$0x1] =	stream.linear.gather @!p1 [hbm4b:s14+s15], $0x50, $0x38;
	[tilespmem:$0x1DC80] =	vst v63  }
0x127: {  	s12 =	sadd.s32 @!p1 s12, s13;
	s13 =	simm.s32 @!p1 $0x280;
	s14 =	simm.s32 @!p1 $0x2  }
0x128: {  	[tilespmem:s13], [sflag:$0x1] =	stream.linear.gather @!p1 [hbm4b:s12+s15], $0x50, $0x38;
	[tilespmem:$0x1DC80] =	vst v63  }
0x129: {  	_ =	swait.ge @!p1 [sflag:s14], $0x2800  }
0x12a: {  	[sflag:s14] =	ssyncset.done @!p1 $0x0  }
0x12b: {  	[sflag:s14] =	ssyncadd.s32 @!p1 $0xFFFFD800  }
0x12c: {  	_ =	swait.ge @!p1 [sflag:s14], $0x2800  }
0x12d: {  	s12 =	simm.s32 @!p1 $0x5400;
	[sflag:s14] =	ssyncset.done @!p1 $0x0  }
0x12e: {  	s13 =	simm.s32 @!p1 $0x50;
	[sflag:s14] =	ssyncadd.s32 @!p1 $0xFFFFD800;
	s14 =	simm.s32 @!p1 $0x300  }
0x12f: {  	[spmem:s2] =	stream.indirect.scatter.add.f32 @!p1 [tilespmem:s12], [sflag:$0x3], $0x80, s14, s13, $0xb8;
	[tilespmem:$0x1DC80] =	vst v63  }
0x130: {  	s12 =	simm.s32 @!p1 $0x380;
	s14 =	simm.s32 @!p1 $0x7C00  }
0x131: {  	[spmem:s2] =	stream.indirect.scatter.add.f32 @!p1 [tilespmem:s14], [sflag:$0x3], $0x80, s12, s13, $0xb8;
	[tilespmem:$0x1DC80] =	vst v63  }
0x132: {  	s12 =	simm.s32 @!p1 $0x1  }
0x133: {  	_ =	swait.ge @!p1 [sflag:s12], $0x50  }
0x134: {  	[sflag:s12] =	ssyncset.done @!p1 $0x0  }
0x135: {  	[sflag:s12] =	ssyncadd.s32 @!p1 $0xFFFFFFB0  }
0x136: {  	_ =	swait.ge @!p1 [sflag:s12], $0x50  }
0x137: {  	[sflag:s12] =	ssyncset.done @!p1 $0x0  }
0x138: {  	[sflag:s12] =	ssyncadd.s32 @!p1 $0xFFFFFFB0  }
0x139: {  	_ =	swait.ge @!p1 [sflag:s12], $0x50  }
0x13a: {  	[sflag:s12] =	ssyncset.done @!p1 $0x0  }
0x13b: {  	[sflag:s12] =	ssyncadd.s32 @!p1 $0xFFFFFFB0  }
0x13c: {  	_ =	swait.ge @!p1 [sflag:s12], $0x50  }
0x13d: {  	[sflag:s12] =	ssyncset.done @!p1 $0x0  }
0x13e: {  	[sflag:s12] =	ssyncadd.s32 @!p1 $0xFFFFFFB0;
	s12 =	simm.s32 @!p1 $0x400  }
0x13f: {  	[tilespmem:s12], [sflag:$0x2] =	stream.indirect.gather @!p1 [hbm4b:s4+s13], $0x80, s15, s13, $0xb8;
	[tilespmem:$0x1DC80] =	vst v63  }
0x140: {  	s12 =	simm.s32 @!p1 $0x2C00  }
0x141: {  	[tilespmem:s12], [sflag:$0x2] =	stream.indirect.gather @!p1 [hbm4b:s4+s13], $0x80, s16, s13, $0xb8;
	[tilespmem:$0x1DC80] =	vst v63  }
0x142: {  	_ =	swait.ge [sflag:s7], $0x2800  }
0x143: {  	[sflag:s7] =	ssyncset.done $0x0  }
0x144: {  	[sflag:s7] =	ssyncadd.s32 $0xFFFFD800  }
0x145: {  	_ =	swait.ge [sflag:s7], $0x2800  }
0x146: {  	[sflag:s7] =	ssyncset.done $0x0  }
0x147: {  	s17 =	rddreg [dreg:$0x15];
	[sflag:s7] =	ssyncadd.s32 $0xFFFFD800  }
0x148: {  	[tilespmem:s3], [sflag:$0x4] =	stream.linear.gather [hbm4b:s17+s3], $0x50, $0x38;
	[tilespmem:$0x1DC80] =	vst v63  }
0x149: {  	_ =	swait.ge [sflag:s22], $0x50  }
0x14a: {  	[sflag:s22] =	ssyncset.done $0x0  }
0x14b: {  	s18 =	rddreg [dreg:$0x16];
	[sflag:s22] =	ssyncadd.s32 $0xFFFFFFB0  }
0x14c: {  	[tilespmem:s23], [sflag:$0x4] =	stream.linear.gather [hbm4b:s18+s3], $0x50, $0x38;
	[tilespmem:$0x1DC80] =	vst v63  }
0x14d: {  	_ =	swait.ge [sflag:s22], $0x50  }
0x14e: {  	[sflag:s22] =	ssyncset.done $0x0  }
0x14f: {  	[sflag:s22] =	ssyncadd.s32 $0xFFFFFFB0  }
0x150: {  	[tilespmem:s29], [sflag:$0x2] =	stream.indirect.gather [hbm4b:s4+s28], $0x80, s3, s28, $0xb8;
	[tilespmem:$0x1DC80] =	vst v63  }
0x151: {  	_ =	swait.ge [sflag:s1], $0x2800  }
0x152: {  	[sflag:s1] =	ssyncset.done $0x0  }
0x153: {  	[sflag:s1] =	ssyncadd.s32 $0xFFFFD800  }
0x154: {  	[spmem:s2] =	stream.indirect.scatter.add.f32 [tilespmem:s29], [sflag:$0x4], $0x80, s23, s28, $0xb8;
	[tilespmem:$0x1DC80] =	vst v63  }
0x155: {  	_ =	swait.ge [sflag:s22], $0x2800  }
0x156: {  	[sflag:s22] =	ssyncset.done $0x0  }
0x157: {  	[sflag:s22] =	ssyncadd.s32 $0xFFFFD800  }
0x158: {  	[bflag:$0x0] =	sbarrier.arrive $0xFFFF  }
0x159: {  	s19 =	rddreg [dreg:$0x17]  }
0x15a: {  	[hbm:s19], [sflag:s9] =	dma.local [spmem:s10], $0x2700  }
0x15b: {  	_ =	swait.ge [sflag:s22], $0x2700  }
0x15c: {  	[sflag:s22] =	ssyncset.done $0x0  }
0x15d: {  	s10 =	rddreg [dreg:$0x18];
	[sflag:s22] =	ssyncadd.s32 $0xFFFFD900  }
0x15e: {  	[hbm:s10], [sflag:s9] =	dma.local @!p0 [spmem:s11], $0x100  }
0x15f: {  	s10 =	simm.s32 @!p0 $0x4  }
0x160: {  	_ =	swait.ge @!p0 [sflag:s10], $0x100  }
0x161: {  	s8 =	sadd.s32 $0x1, s8;
	s20 =	rddreg [dreg:$0x19]  }
0x162: {  	p1 =	sne.s32 s8, s20  }
.Ltmp1:
0x163: {  	_ = 	snop;
	(pc) =	sbr.rel @p1 .LBB2_1-.Ltmp1, $3  }
0x164: {  	_ =	sdelay $0x1  }
0x165: {  	[sflag:s10] =	ssyncset.done @!p0 $0x0  }
0x166: {  	[sflag:s10] =	ssyncadd.s32 @!p0 $0xFFFFFF00  }
0x167: {  	_ =	sfence.sel $0x180000  }
0x168: {  	[bflag:$0x0] =	sbarrier.arrive $0xFFFF  }
0x169: {  	_ =	strace $0x9000004D  }
0x16a: {  	s0 =	stileid.u32;
	[bflag:$0x2] =	sbarrier.arrive $0xFFFF  }
0x16b: {  	p0 =	sne.s32 s0, $0x0;
	s0 =	rddreg [dreg:$0x2]  }
0x16c: {  	s0 =	sadd.s32 @!p0 $0x100000, s0  }
0x16d: {  	[sflag:s0] =	ssyncadd.tile.s32 @!p0 $0x1;
	_ =	shalt  }
.Lfunc_end2:
_tile_overlayer_lowered:
.L_overlay_start_2:
0x16e: {  	(tag) =	ssettag $0x2  }
0x16f: {  	s0 =	rddreg [dreg:$0x0];
	s2 =	stileid.u32  }
0x170: {  	s1 =	rddreg [dreg:$0x1];
	p0 =	sne.s32 s2, $0x0  }
0x171: {  	s3 =	rddreg [dreg:$0x2];
	[bflag:$0x3] =	sbarrier.arrive $0xFFFF;
	s2 =	simm.s32 @!p0 $0x1C04  }
0x172: {  	[timem:s3], [sflag:s2] =	dma.local @!p0 [hbm:s0], s1  }
0x173: {  	s0 =	simm.s32 @!p0 $0x4  }
0x174: {  	_ =	swait.ge @!p0 [sflag:s0], s1  }
0x175: {  	s1 =	ssub.s32 @!p0 $0x0, s1;
	[sflag:s0] =	ssyncset.done @!p0 $0x0  }
0x176: {  	[sflag:s0] =	ssyncadd.s32 @!p0 s1  }
0x177: {  	[bflag:$0x3] =	sbarrier.arrive $0xFFFF  }
0x178: {  	_ =	shalt  }

// kernel: kernel.9.cloned.1.call-start
scs
__scs_entry_jumppad:
0x0: {  	(pc) =	sbr.rel $0x88, $3  }
0x1: {  	(tag) =	ssettag $0x0;
	lr =	simm.s32 $0x1  }
0x2: {  	[smem:$0x3F8D] =	sst lr;
	_ =	strace $0xD0000000  }
0x3: {  	_ = 	snop  }
0x4: {  	_ = 	snop  }
0x5: {  	_ = 	snop  }
0x6: {  	_ = 	snop  }
0x7: {  	_ = 	snop  }
__scs_overlays_trampoline_lowered:
0x8: {  	[smem:$0x3F9C] =	sst s0  }
0x9: {  	[smem:$0x3F9D] =	sst s1  }
0xa: {  	[smem:$0x3F9E] =	sst s2  }
0xb: {  	[smem:$0x3F9F] =	sst s3  }
0xc: {  	[smem:$0x3FA0] =	sst s4  }
0xd: {  	[smem:$0x3FA1] =	sst s5  }
0xe: {  	[smem:$0x3FA2] =	sst s6  }
0xf: {  	[smem:$0x3FA3] =	sst s7  }
0x10: {  	[smem:$0x3FA4] =	sst s8  }
0x11: {  	[smem:$0x3FA5] =	sst s9;
	s0 =	simm.s32 @!p0 $0x0  }
0x12: {  	s1 =	sld [smem:$0x3F8B];
	s0 =	simm.s32 @p0 $0x1  }
0x13: {  	[smem:$0x3FA6] =	sst s0;
	s0 =	simm.s32 @!p1 $0x0  }
0x14: {  	s2 =	sld [smem:$0x3F8A];
	s0 =	simm.s32 @p1 $0x1  }
0x15: {  	[smem:$0x3FA7] =	sst s0;
	s0 =	simm.s32 @!p2 $0x0  }
0x16: {  	s3 =	sld [smem:$0x3FDB];
	s0 =	simm.s32 @p2 $0x1  }
0x17: {  	s4 =	simm.s32 $0x1BF5;
	[smem:$0x3FA9] =	sst s0  }
0x18: {  	s0 =	sld [smem:$0x3F8C];
	_ =	swait.ge [sflag:s4], $0x0  }
0x19: {  	s7 =	sld [smem:$0x3F8D]  }
0x1a: {  	s8 =	sadd.s32 $0xFFFFE003, lr  }
0x1b: {  	s9 =	sadd.s32 $0xFFFFFEF7, lr;
	s5 =	simm.s32 $0xFFFFFFFF;
	p2 =	slt.u32 s8, $0xFFFFF086  }
0x1c: {  	p1 =	slt.u32 s9, $0xF7A;
	s5 =	simm.s32 @!p2 $0x0  }
0x1d: {  	s5 =	simm.s32 @p1 $0x1;
	p0 =	seq.s32 s7, s2  }
0x1e: {  	s7 =	smul.u32 @!p0 $0xF7A, s2;
	p2 =	seq.s32 @!p0 s5, $0x0  }
0x1f: {  	s9 =	smul.u32 $0xF7A, s1;
	s8 =	simm.s32 @!p0 $0x1BF5;
	p2 =	por !p2, p0  }
0x20: {  	[sflag:s8] =	ssyncset.s32 @!p0 $0xFFFFF086;
	s6 =	sadd.s32 @!p0 s3, s7;
	s7 =	simm.s32 @!p0 $0x108  }
0x21: {  	s3 =	sadd.s32 s3, s9;
	s6 =	sadd.s32 @!p0 $0x88, s6;
	s7 =	simm.s32 @p2 $0x1082  }
0x22: {  	[simem:s7], [sflag:s8] =	dma.local @!p0 [hbm:s6], $0xF7A  }
0x23: {  	s9 =	sor.u32 $0xD0000000, s2;
	s6 =	simm.s32 $0x108;
	_ =	swait.ge @!p0 [sflag:s8], $0x0  }
0x24: {  	s3 =	sadd.s32 $0x88, s3;
	s6 =	simm.s32 @!p1 $0x1082;
	[sflag:s4] =	ssyncset.s32 $0xFFFFF086  }
0x25: {  	[simem:s6], [sflag:s4] =	dma.local [hbm:s3], $0xF7A  }
0x26: {  	[smem:$0x3F8D] =	sst s1;
	(tag) =	ssettag s2;
	_ =	strace s9  }
0x27: {  	s1 =	sld [smem:$0x3F9D]  }
0x28: {  	s2 =	sld [smem:$0x3F9E]  }
0x29: {  	s4 =	sld [smem:$0x3FA0]  }
0x2a: {  	p0 =	seq.s32 s5, $0x0;
	s5 =	sld [smem:$0x3FA1]  }
0x2b: {  	s6 =	sld [smem:$0x3FA2]  }
0x2c: {  	s7 =	sld [smem:$0x3FA3]  }
0x2d: {  	s3 =	simm.s32 $0x108;
	s8 =	sld [smem:$0x3FA4]  }
0x2e: {  	s3 =	simm.s32 @!p0 $0x1082;
	s9 =	sld [smem:$0x3FA5]  }
0x2f: {  	lr =	sadd.s32 s0, s3;
	s0 =	sld [smem:$0x3F9C]  }
0x30: {  	s3 =	sld [smem:$0x3F9F]  }
0x31: {  	[smem:$0x3FA8] =	sst s10  }
0x32: {  	s10 =	sld [smem:$0x3FA6];
	_ =	sdelay $0x3  }
0x33: {  	p0 =	seq.s32 s10, $0x1;
	s10 =	sld [smem:$0x3FA8];
	_ =	sdelay $0x3  }
0x34: {  	[smem:$0x3FA8] =	sst s10  }
0x35: {  	s10 =	sld [smem:$0x3FA7];
	_ =	sdelay $0x3  }
0x36: {  	p1 =	seq.s32 s10, $0x1;
	s10 =	sld [smem:$0x3FA8];
	_ =	sdelay $0x3  }
0x37: {  	[smem:$0x3FA8] =	sst s10  }
0x38: {  	s10 =	sld [smem:$0x3FA9]  }
0x39: {  	_ = 	snop;
	(pc) =	sbr.ind lr, $3  }
0x3a: {  	_ = 	snop  }
0x3b: {  	_ = 	snop  }
0x3c: {  	p2 =	seq.s32 s10, $0x1;
	s10 =	sld [smem:$0x3FA8]  }
0x3d: {  	_ =	shalt  }
0x3e: {  	_ =	shalt  }
0x3f: {  	_ =	shalt  }
0x40: {  	_ =	shalt  }
0x41: {  	_ =	shalt  }
0x42: {  	_ =	shalt  }
0x43: {  	_ =	shalt  }
0x44: {  	_ =	shalt  }
0x45: {  	_ =	shalt  }
0x46: {  	_ =	shalt  }
0x47: {  	_ =	shalt  }
0x48: {  	_ =	shalt  }
0x49: {  	_ =	shalt  }
0x4a: {  	_ =	shalt  }
0x4b: {  	_ =	shalt  }
0x4c: {  	_ =	shalt  }
0x4d: {  	_ =	shalt  }
0x4e: {  	_ =	shalt  }
0x4f: {  	_ =	shalt  }
0x50: {  	_ =	shalt  }
0x51: {  	_ =	shalt  }
0x52: {  	_ =	shalt  }
0x53: {  	_ =	shalt  }
0x54: {  	_ =	shalt  }
0x55: {  	_ =	shalt  }
0x56: {  	_ =	shalt  }
0x57: {  	_ =	shalt  }
0x58: {  	_ =	shalt  }
0x59: {  	_ =	shalt  }
0x5a: {  	_ =	shalt  }
0x5b: {  	_ =	shalt  }
0x5c: {  	_ =	shalt  }
0x5d: {  	_ =	shalt  }
0x5e: {  	_ =	shalt  }
0x5f: {  	_ =	shalt  }
0x60: {  	_ =	shalt  }
0x61: {  	_ =	shalt  }
0x62: {  	_ =	shalt  }
0x63: {  	_ =	shalt  }
0x64: {  	_ =	shalt  }
0x65: {  	_ =	shalt  }
0x66: {  	_ =	shalt  }
0x67: {  	_ =	shalt  }
0x68: {  	_ =	shalt  }
0x69: {  	_ =	shalt  }
0x6a: {  	_ =	shalt  }
0x6b: {  	_ =	shalt  }
0x6c: {  	_ =	shalt  }
0x6d: {  	_ =	shalt  }
0x6e: {  	_ =	shalt  }
0x6f: {  	_ =	shalt  }
0x70: {  	_ =	shalt  }
0x71: {  	_ =	shalt  }
0x72: {  	_ =	shalt  }
0x73: {  	_ =	shalt  }
0x74: {  	_ =	shalt  }
0x75: {  	_ =	shalt  }
0x76: {  	_ =	shalt  }
0x77: {  	_ =	shalt  }
0x78: {  	_ =	shalt  }
0x79: {  	_ =	shalt  }
0x7a: {  	_ =	shalt  }
0x7b: {  	_ =	shalt  }
0x7c: {  	_ =	shalt  }
0x7d: {  	_ =	shalt  }
0x7e: {  	_ =	shalt  }
0x7f: {  	_ =	shalt  }
0x80: {  	_ =	shalt  }
0x81: {  	_ =	shalt  }
0x82: {  	_ =	shalt  }
0x83: {  	_ =	shalt  }
0x84: {  	_ =	shalt  }
0x85: {  	_ =	shalt  }
0x86: {  	_ =	shalt  }
0x87: {  	_ =	shalt  }
.Lfunc_end0:
.L_simem_size_0:
called_computation_lowered:
.L_overlay_start_0:
0x88: {  	s2 =	sld [smem:$0x3FD9]  }
0x89: {  	s3 =	sld [smem:$0x3FFE];
	_ =	sdelay $0x1  }
0x8a: {  	s1 =	srdreg.scid  }
0x8b: {  	s0 =	sand.u32 $0x1, s1  }
0x8c: {  	s14 =	sshll.u32 s0, $0xA;
	s2 =	sadd.s32 s3, s2  }
0x8d: {  	s2 =	sadd.s32 s2, s14  }
0x8e: {  	[smem:$0x3FB4] =	sst s2  }
0x8f: {  	_ = 	snop  }
0x90: {  	s2 =	sld [smem:$0x3FD0];
	_ =	sdelay $0x2  }
0x91: {  	s15 =	simm.s32 $0xA;
	s4 =	simm.s32 $0x10  }
0x92: {  	[smem:s4], [sflag:s15] =	dma.local [hbm:s2], $0x1  }
0x93: {  	_ =	swait.eq [sflag:s15], $0x1  }
0x94: {  	[sflag:s15] =	ssyncset.done $0x0  }
0x95: {  	s16 =	sld [smem:$0x10];
	[sflag:s15] =	ssyncadd.s32 $0xFFFFFFFF  }
0x96: {  	s17 =	sld [smem:$0x11];
	(tm) =	ssettm $0x1  }
0x97: {  	s18 =	sld [smem:$0x3FFB];
	_ =	sdelay $0x3  }
0x98: {  	_ =	strace s18  }
0x99: {  	s4 =	sld [smem:$0x3FFC];
	_ =	sdelay $0x3  }
0x9a: {  	_ =	strace s4  }
0x9b: {  	s4 =	sld [smem:$0x3FFD];
	_ =	sdelay $0x3  }
0x9c: {  	_ =	strace s4  }
0x9d: {  	_ =	strace $0x8FFFFFFF  }
0x9e: {  	s19 =	sld [smem:$0x3FDB];
	_ =	sdelay $0x1  }
0x9f: {  	s5 =	simm.s32 $_scs_section_size  }
0xa0: {  	s6 =	simm.s32 $_size__tile_overlayer_lowered;
	s7 =	simm.s32 $_tile_overlayer_lowered  }
0xa1: {  	s22 =	simm.s32 $0x1BFF;
	s21 =	sshll.u32 s7, $0x1;
	s4 =	sadd.s32 s5, s19  }
0xa2: {  	s8 =	simm.s32 $0x0;
	s20 =	sshll.u32 s6, $0x1;
	s6 =	sadd.s32 s21, s4  }
0xa3: {  	[timem:s8], [sflag:s22] =	dma.local [hbm:s6], s20  }
0xa4: {  	_ =	swait.ge [sflag:s22], s20  }
0xa5: {  	s5 =	ssub.s32 $0x0, s20;
	[sflag:s22] =	ssyncset.done $0x0  }
0xa6: {  	[sflag:s22] =	ssyncadd.s32 s5;
	_ =	sdelay $0x1  }
0xa7: {  	s23 =	simm.s32 $0x1B8B  }
0xa8: {  	_ =	swait.ge [sflag:s23], $0x1  }
0xa9: {  	[sflag:s23] =	ssyncset.done $0x0  }
0xaa: {  	s25 =	simm.s32 $0x1B8E;
	s24 =	sld [smem:$0x3FFE];
	[sflag:s23] =	ssyncadd.s32 $0xFFFFFFFF  }
0xab: {  	s26 =	simm.s32 $execute0_lowered;
	[smem:$0x3FD2] =	sst s25  }
0xac: {  	s6 =	sshll.u32 s26, $0x1;
	_ =	strace $0x80000046;
	[dreg:$0x1] =	wrdreg $0xFFFFFFFF  }
0xad: {  	s28 =	simm.s32 $_size_execute0_lowered;
	s4 =	sadd.s32 s4, s6;
	[dreg:$0x0] =	wrdreg $0x0  }
0xae: {  	s6 =	sshll.u32 s28, $0x1;
	[dreg:$0x2] =	wrdreg s4  }
0xaf: {  	[dreg:$0x3] =	wrdreg s6  }
0xb0: {  	[dreg:$0x4] =	wrdreg $0xC0  }
0xb1: {  	_ =	task [dreg:s8], $0x5FFFF  }
0xb2: {  	[dreg:$0x1] =	wrdreg $0xFFFFFFFF  }
0xb3: {  	[dreg:$0x0] =	wrdreg $0x60  }
0xb4: {  	[dreg:$0x2] =	wrdreg s24  }
0xb5: {  	[dreg:$0x3] =	wrdreg s16  }
0xb6: {  	[dreg:$0x4] =	wrdreg s17  }
0xb7: {  	[dreg:$0x5] =	wrdreg $0xA4800  }
0xb8: {  	[dreg:$0x6] =	wrdreg $0x1DD000  }
0xb9: {  	[dreg:$0x7] =	wrdreg $0x9  }
0xba: {  	_ =	task.clear_ibuf [dreg:s8], $0x8FFFF;
	_ =	strace $0x90000046  }
0xbb: {  	s29 =	simm.s32 $0x9;
	_ =	strace $0x80000048  }
0xbc: {  	_ =	swait.ge [sflag:s29], $0x1  }
0xbd: {  	[sflag:s29] =	ssyncadd.s32 $0xFFFFFFFF  }
0xbe: {  	_ =	strace $0x90000048  }
0xbf: {  	_ =	sfence  }
0xc0: {  	s30 =	sld [smem:$0x0];
	_ =	sdelay $0x2  }
0xc1: {  	s31 =	sshll.u32 s1, $0xD;
	s1 =	sshrl.u32 s1, $0x2  }
0xc2: {  	s3 =	sand.u32 $0x4000, s31;
	s1 =	sadd.s32 s1, s30  }
0xc3: {  	s0 =	sor.u32 s3, s0;
	s1 =	sshll.u32 s1, $0x11  }
0xc4: {  	s0 =	sor.u32 s1, s0  }
0xc5: {  	s0 =	sadd.s32 $0x8F2B, s0  }
0xc6: {  	[sflag:s0] =	ssyncadd.remote.s32 $0x1  }
0xc7: {  	_ =	sfence.sel $0xFFFF  }
0xc8: {  	[dreg:$0x0] =	wrdreg $0xFFFFFFFF;
	(pc) =	sbr.abs _section_cstart, $3  }
0xc9: {  	[dreg:$0x1] =	wrdreg $0xFFFFFFFF  }
0xca: {  	_ =	task.clear_ibuf [dreg:s8], $0x2FFFF;
	_ =	strace $0x9FFFFFFF  }
0xcb: {  	(tm) =	ssettm $0x7FFFFFFF  }
tec
execute0_lowered:
.L_overlay_start_1:
0x0: {  	(tag) =	ssettag $0x1  }
0x1: {  	s8 =	rddreg [dreg:$0x0]  }
0x2: {  	s9 =	rddreg [dreg:$0x1]  }
0x3: {  	s0 =	rddreg [dreg:$0x2]  }
0x4: {  	s1 =	rddreg [dreg:$0x3]  }
0x5: {  	s3 =	rddreg [dreg:$0x4]  }
0x6: {  	s4 =	simm.s32 $0x0;
	s19 =	stileid.u32;
	s2 =	srdreg.scid  }
0x7: {  	s28 =	simm.s32 $0x5;
	[smem:$0x7FF] =	sst s4;
	s10 =	smul.u32 $0x13800, s19  }
0x8: {  	s5 =	sadd.s32 $0x19400, s8;
	s6 =	sadd.s32 $0xF600, s8;
	s12 =	sand.u32 $0x1, s2  }
0x9: {  	s7 =	sadd.s32 $0x5800, s8;
	s14 =	smul.u32 $0x4E000, s19;
	s15 =	sadd.s32 $0x67800, s8  }
0xa: {  	s18 =	sshll.u32 s19, $0x1;
	s21 =	smul.u32 $0x4E20, s19;
	s23 =	sshll.u32 s19, $0x6  }
0xb: {  	_ =	strace $0x80000047;
	s11 =	ssub.s32 $0x2, s12;
	[dreg:$0x10] =	wrdreg s15  }
0xc: {  	s15 =	sadd.s32 $0x67A00, s8;
	s24 =	smul.u32 $0x2710, s12;
	s16 =	sshrl.u32 s10, $0x3  }
0xd: {  	s17 =	sshrl.u32 s11, $0x1;
	s14 =	sshrl.u32 s14, $0x2;
	s13 =	sadd.s32 s16, s8  }
0xe: {  	s2 =	ssub.s32 s11, s17;
	s16 =	smul.u32 $0x280, s19;
	s17 =	sor.u32 s12, s18  }
0xf: {  	s20 =	sadd.s32 s14, s1;
	s11 =	sor.u32 $0x1C05, s23;
	s18 =	smul.u32 $0x138800, s12  }
0x10: {  	s8 =	sadd.s32 $0x67600, s8;
	s23 =	smul.u32 $0x500, s19;
	[dreg:$0x11] =	wrdreg s20  }
0x11: {  	s12 =	sshll.u32 s12, $0x7;
	s22 =	sadd.s32 $0x40600, s13;
	[dreg:$0x13] =	wrdreg s8  }
0x12: {  	s25 =	smul.u32 $0x2710, s17;
	s13 =	sadd.s32 s24, s21;
	[dreg:$0x12] =	wrdreg s22  }
0x13: {  	s26 =	sshrl.u32 s16, $0x3;
	s31 =	sadd.s32 s16, s3;
	s14 =	sadd.s32 $0x190, s13  }
0x14: {  	s10 =	sadd.s32 s10, s18;
	s21 =	sshrl.u32 s18, $0x3;
	s12 =	sor.u32 s12, s23  }
0x15: {  	[dreg:$0x14] =	wrdreg s31;
	s9 =	sadd.s32 s9, s26;
	s8 =	sshrl.u32 s25, $0x3  }
0x16: {  	s10 =	sshrl.u32 s10, $0x3;
	[dreg:$0x15] =	wrdreg s9;
	s16 =	sadd.s32 s6, s8  }
0x17: {  	s12 =	sshrl.u32 s12, $0x3;
	s10 =	sadd.s32 s15, s10;
	[dreg:$0x16] =	wrdreg s16  }
0x18: {  	s9 =	sshrl.u32 s14, $0x3;
	s26 =	sadd.s32 s7, s8;
	[dreg:$0x17] =	wrdreg s10  }
0x19: {  	s14 =	sadd.s32 s15, s21;
	s15 =	simm.s32 $0x300;
	[dreg:$0x18] =	wrdreg s26  }
0x1a: {  	s29 =	simm.s32 $0xA400;
	s0 =	sadd.s32 s0, s12;
	[dreg:$0xc] =	wrdreg s15  }
0x1b: {  	s30 =	simm.s32 $0x200;
	s17 =	sadd.s32 s9, s7;
	[dreg:$0x19] =	wrdreg s0  }
0x1c: {  	p0 =	sne.s32 s19, $0xF;
	s9 =	sadd.s32 s9, s6;
	[dreg:$0x6] =	wrdreg s17  }
0x1d: {  	s31 =	sadd.s32 $0xA, s8;
	s16 =	simm.s32 $0x380;
	[dreg:$0x7] =	wrdreg s9  }
0x1e: {  	s20 =	sadd.s32 $0xF0, s13;
	s18 =	sadd.s32 s6, s31;
	[dreg:$0xd] =	wrdreg s16  }
0x1f: {  	s8 =	sadd.s32 $0x4D8, s8;
	s21 =	sadd.s32 s7, s31;
	[dreg:$0x1a] =	wrdreg s18  }
0x20: {  	s10 =	sshrl.u32 s20, $0x3;
	s20 =	simm.s32 $0x7C00;
	[dreg:$0x1b] =	wrdreg s21  }
0x21: {  	s24 =	sadd.s32 $0xA0, s13;
	s23 =	sadd.s32 s7, s8;
	[dreg:$0xf] =	wrdreg s20  }
0x22: {  	s12 =	simm.s32 $0x100;
	s26 =	sadd.s32 $0x140, s13;
	[dreg:$0x1d] =	wrdreg s23  }
0x23: {  	s31 =	sadd.s32 $0x138000, s1;
	s0 =	simm.s32 $0x280;
	[smem:$0x7FC] =	sst s26  }
0x24: {  	s13 =	simm.s32 $0x180;
	s22 =	sadd.s32 s10, s7;
	[smem:$0x7FD] =	sst s31  }
0x25: {  	s15 =	simm.s32 $0x3;
	s10 =	sadd.s32 s10, s6;
	[dreg:$0x8] =	wrdreg s22  }
0x26: {  	s9 =	sshrl.u32 s24, $0x3;
	s17 =	simm.s32 $0x5400;
	[dreg:$0x9] =	wrdreg s10  }
0x27: {  	s24 =	sadd.s32 $0x27000, s14;
	s14 =	simm.s32 $0x2;
	[dreg:$0xe] =	wrdreg s17  }
0x28: {  	s16 =	simm.s32 $0x4;
	s25 =	sadd.s32 s9, s7;
	[dreg:$0x1e] =	wrdreg s24  }
0x29: {  	s9 =	sadd.s32 s9, s6;
	s22 =	sadd.s32 s6, s8;
	[dreg:$0xa] =	wrdreg s25  }
0x2a: {  	s8 =	simm.s32 $0x50;
	s10 =	simm.s32 $0x2C00;
	[dreg:$0xb] =	wrdreg s9  }
0x2b: {  	s17 =	simm.s32 $0x0;
	[dreg:$0x1c] =	wrdreg s22;
	s25 =	smax.u32 s2, $0x1  }
0x2c: {  	s2 =	simm.s32 $0x1;
	s9 =	simm.s32 $0x400;
	[dreg:$0x1f] =	wrdreg s25  }
.LBB2_1:
0x2d: {  	s18 =	rddreg [dreg:$0x11]  }
0x2e: {  	s23 =	rddreg [dreg:$0x12];
	s19 =	sshrl.u32 s18, $0x3  }
0x2f: {  	[smem:$0x7F9] =	sst s19  }
0x30: {  	[spmem:s19], [sflag:s11] =	dma.local [hbm:s23], $0x2700  }
0x31: {  	_ =	swait.ge [sflag:s28], $0x2700  }
0x32: {  	s18 =	sld [smem:$0x7FD];
	_ =	sdelay $0x2  }
0x33: {  	[sflag:s28] =	ssyncset.done $0x0;
	s19 =	sshrl.u32 @!p0 s18, $0x3;
	s18 =	rddreg [dreg:$0x13]  }
0x34: {  	s20 =	simm.s32 @!p0 $0x5;
	[sflag:s28] =	ssyncadd.s32 $0xFFFFD900;
	[smem:$0x7FA] =	sst s19  }
0x35: {  	[spmem:s19], [sflag:s11] =	dma.local @!p0 [hbm:s18], $0x100  }
0x36: {  	_ =	swait.ge @!p0 [sflag:s20], $0x100  }
0x37: {  	s24 =	rddreg [dreg:$0x14]  }
0x38: {  	[sflag:s20] =	ssyncset.done @!p0 $0x0;
	s26 =	rddreg [dreg:$0x15];
	s25 =	sshrl.u32 s24, $0x3  }
0x39: {  	[sflag:s20] =	ssyncadd.s32 @!p0 $0xFFFFFF00;
	[smem:$0x7FB] =	sst s25  }
0x3a: {  	[spmem:s25], [sflag:s11] =	dma.local [hbm:s26], $0x50  }
0x3b: {  	_ =	swait.ge [sflag:s28], $0x50  }
0x3c: {  	[sflag:s28] =	ssyncset.done $0x0  }
0x3d: {  	s20 =	rddreg [dreg:$0x10];
	[sflag:s28] =	ssyncadd.s32 $0xFFFFFFB0  }
0x3e: {  	[tilespmem:s29], [sflag:$0x5] =	stream.linear.gather [hbm4b:s20+s4], $0x80, $0x38;
	[tilespmem:$0x1DF80] =	vst v63  }
0x3f: {  	_ =	swait.ge [sflag:s28], $0x80  }
0x40: {  	[sflag:s28] =	ssyncset.done $0x0  }
0x41: {  	[sflag:s28] =	ssyncadd.s32 $0xFFFFFF80  }
0x42: {  	[bflag:$0x0] =	sbarrier.arrive $0xFFFF  }
0x43: {  	s21 =	rddreg [dreg:$0x16]  }
0x44: {  	[tilespmem:s4], [sflag:$0x1] =	stream.linear.gather [hbm4b:s21+s4], $0x50, $0x38;
	[tilespmem:$0x1DF80] =	vst v63  }
0x45: {  	s22 =	rddreg [dreg:$0x18]  }
0x46: {  	[tilespmem:s30], [sflag:$0x1] =	stream.linear.gather [hbm4b:s22+s4], $0x50, $0x38;
	[tilespmem:$0x1DF80] =	vst v63  }
0x47: {  	s24 =	simm.s32 $0x80;
	s23 =	rddreg [dreg:$0x1a]  }
0x48: {  	[tilespmem:s24], [sflag:$0x1] =	stream.linear.gather [hbm4b:s23+s4], $0x50, $0x38;
	[tilespmem:$0x1DF80] =	vst v63  }
0x49: {  	s25 =	rddreg [dreg:$0x1b]  }
0x4a: {  	[tilespmem:s0], [sflag:$0x1] =	stream.linear.gather [hbm4b:s25+s4], $0x50, $0x38;
	[tilespmem:$0x1DF80] =	vst v63  }
0x4b: {  	_ =	swait.ge [sflag:s2], $0x50  }
0x4c: {  	[sflag:s2] =	ssyncset.done $0x0  }
0x4d: {  	[sflag:s2] =	ssyncadd.s32 $0xFFFFFFB0  }
0x4e: {  	_ =	swait.ge [sflag:s2], $0x50  }
0x4f: {  	[sflag:s2] =	ssyncset.done $0x0  }
0x50: {  	[sflag:s2] =	ssyncadd.s32 $0xFFFFFFB0  }
0x51: {  	_ =	swait.ge [sflag:s2], $0x50  }
0x52: {  	[sflag:s2] =	ssyncset.done $0x0  }
0x53: {  	[sflag:s2] =	ssyncadd.s32 $0xFFFFFFB0  }
0x54: {  	_ =	swait.ge [sflag:s2], $0x50  }
0x55: {  	[sflag:s2] =	ssyncset.done $0x0  }
0x56: {  	s21 =	rddreg [dreg:$0xb];
	[sflag:s2] =	ssyncadd.s32 $0xFFFFFFB0  }
0x57: {  	[tilespmem:s9], [sflag:$0x2] =	stream.indirect.gather [hbm4b:s5+s8], $0x80, s4, s8, $0xb8;
	[tilespmem:$0x1DF80] =	vst v63  }
0x58: {  	s22 =	rddreg [dreg:$0x9]  }
0x59: {  	[tilespmem:s10], [sflag:$0x2] =	stream.indirect.gather [hbm4b:s5+s8], $0x80, s24, s8, $0xb8;
	[tilespmem:$0x1DF80] =	vst v63  }
0x5a: {  	s23 =	rddreg [dreg:$0xa];
	s21 =	sadd.s32 $0x0, s21  }
0x5b: {  	[tilespmem:s12], [sflag:$0x1] =	stream.linear.gather [hbm4b:s21+s4], $0x50, $0x38;
	[tilespmem:$0x1DF80] =	vst v63  }
0x5c: {  	s26 =	sadd.s32 $0x0, s23;
	s24 =	rddreg [dreg:$0xc]  }
0x5d: {  	[tilespmem:s24], [sflag:$0x1] =	stream.linear.gather [hbm4b:s26+s4], $0x50, $0x38;
	[tilespmem:$0x1DF80] =	vst v63  }
0x5e: {  	s18 =	rddreg [dreg:$0x8];
	s19 =	sadd.s32 $0x0, s22  }
0x5f: {  	[tilespmem:s13], [sflag:$0x1] =	stream.linear.gather [hbm4b:s19+s4], $0x50, $0x38;
	[tilespmem:$0x1DF80] =	vst v63  }
0x60: {  	s20 =	rddreg [dreg:$0xd];
	s24 =	sadd.s32 $0x0, s18  }
0x61: {  	[tilespmem:s20], [sflag:$0x1] =	stream.linear.gather [hbm4b:s24+s4], $0x50, $0x38;
	[tilespmem:$0x1DF80] =	vst v63  }
0x62: {  	_ =	swait.ge [sflag:s14], $0x2800  }
0x63: {  	[sflag:s14] =	ssyncset.done $0x0  }
0x64: {  	[sflag:s14] =	ssyncadd.s32 $0xFFFFD800  }
0x65: {  	_ =	swait.ge [sflag:s14], $0x2800  }
0x66: {  	[sflag:s14] =	ssyncset.done $0x0  }
0x67: {  	[sflag:s14] =	ssyncadd.s32 $0xFFFFD800  }
0x68: {  	[spmem:s1] =	stream.indirect.scatter.add.f32 [tilespmem:s9], [sflag:$0x3], $0x80, s30, s8, $0xb8;
	[tilespmem:$0x1DF80] =	vst v63  }
0x69: {  	_ = 	snop  }
0x6a: {  	[spmem:s3] =	stream.indirect.scatter.add.f32 [tilespmem:s29], [sflag:$0x4], $0x1, s30, s8, $0xb8;
	[tilespmem:$0x1DF80] =	vst v63  }
0x6b: {  	_ = 	snop  }
0x6c: {  	[spmem:s1] =	stream.indirect.scatter.add.f32 [tilespmem:s10], [sflag:$0x3], $0x80, s0, s8, $0xb8;
	[tilespmem:$0x1DF80] =	vst v63  }
0x6d: {  	_ = 	snop  }
0x6e: {  	[spmem:s3] =	stream.indirect.scatter.add.f32 [tilespmem:s29], [sflag:$0x4], $0x1, s0, s8, $0xb8;
	[tilespmem:$0x1DF80] =	vst v63  }
0x6f: {  	_ =	swait.ge [sflag:s2], $0x50  }
0x70: {  	[sflag:s2] =	ssyncset.done $0x0  }
0x71: {  	[sflag:s2] =	ssyncadd.s32 $0xFFFFFFB0  }
0x72: {  	_ =	swait.ge [sflag:s2], $0x50  }
0x73: {  	[sflag:s2] =	ssyncset.done $0x0  }
0x74: {  	[sflag:s2] =	ssyncadd.s32 $0xFFFFFFB0  }
0x75: {  	_ =	swait.ge [sflag:s2], $0x50  }
0x76: {  	[sflag:s2] =	ssyncset.done $0x0  }
0x77: {  	[sflag:s2] =	ssyncadd.s32 $0xFFFFFFB0  }
0x78: {  	_ =	swait.ge [sflag:s2], $0x50  }
0x79: {  	[sflag:s2] =	ssyncset.done $0x0  }
0x7a: {  	s25 =	rddreg [dreg:$0xe];
	[sflag:s2] =	ssyncadd.s32 $0xFFFFFFB0  }
0x7b: {  	[tilespmem:s25], [sflag:$0x2] =	stream.indirect.gather [hbm4b:s5+s8], $0x80, s12, s8, $0xb8;
	[tilespmem:$0x1DF80] =	vst v63  }
0x7c: {  	s26 =	rddreg [dreg:$0xf]  }
0x7d: {  	[tilespmem:s26], [sflag:$0x2] =	stream.indirect.gather [hbm4b:s5+s8], $0x80, s13, s8, $0xb8;
	[tilespmem:$0x1DF80] =	vst v63  }
0x7e: {  	_ =	swait.ge [sflag:s15], $0x2800  }
0x7f: {  	[sflag:s15] =	ssyncset.done $0x0  }
0x80: {  	[sflag:s15] =	ssyncadd.s32 $0xFFFFD800  }
0x81: {  	_ =	swait.ge [sflag:s16], $0x50  }
0x82: {  	[sflag:s16] =	ssyncset.done $0x0  }
0x83: {  	[sflag:s16] =	ssyncadd.s32 $0xFFFFFFB0  }
0x84: {  	_ =	swait.ge [sflag:s15], $0x2800  }
0x85: {  	[sflag:s15] =	ssyncset.done $0x0  }
0x86: {  	[sflag:s15] =	ssyncadd.s32 $0xFFFFD800  }
0x87: {  	_ =	swait.ge [sflag:s16], $0x50  }
0x88: {  	p1 =	por $0x0, $0x0;
	[sflag:s16] =	ssyncset.done $0x0  }
0x89: {  	s21 =	simm.s32 @p1 $0x2;
	[sflag:s16] =	ssyncadd.s32 $0xFFFFFFB0  }
0x8a: {  	_ =	swait.ge @p1 [sflag:s21], $0x2800  }
0x8b: {  	[sflag:s21] =	ssyncset.done @p1 $0x0  }
0x8c: {  	[sflag:s21] =	ssyncadd.s32 @p1 $0xFFFFD800  }
0x8d: {  	_ =	swait.ge @p1 [sflag:s21], $0x2800  }
0x8e: {  	s22 =	simm.s32 @p1 $0x5400;
	[sflag:s21] =	ssyncset.done @p1 $0x0  }
0x8f: {  	s23 =	simm.s32 @p1 $0x300;
	[sflag:s21] =	ssyncadd.s32 @p1 $0xFFFFD800;
	s21 =	simm.s32 @p1 $0x50  }
0x90: {  	[spmem:s1] =	stream.indirect.scatter.add.f32 @p1 [tilespmem:s22], [sflag:$0x3], $0x80, s23, s21, $0xb8;
	[tilespmem:$0x1DF80] =	vst v63  }
0x91: {  	s18 =	sld [smem:$0x7FC];
	s22 =	simm.s32 @p1 $0xA400  }
0x92: {  	[spmem:s3] =	stream.indirect.scatter.add.f32 @p1 [tilespmem:s22], [sflag:$0x4], $0x1, s23, s21, $0xb8;
	[tilespmem:$0x1DF80] =	vst v63  }
0x93: {  	s24 =	simm.s32 @p1 $0x7C00;
	s23 =	simm.s32 @p1 $0x380  }
0x94: {  	[spmem:s1] =	stream.indirect.scatter.add.f32 @p1 [tilespmem:s24], [sflag:$0x3], $0x80, s23, s21, $0xb8;
	[tilespmem:$0x1DF80] =	vst v63  }
0x95: {  	s24 =	sshrl.u32 @!p1 s18, $0x3  }
0x96: {  	[spmem:s3] =	stream.indirect.scatter.add.f32 @p1 [tilespmem:s22], [sflag:$0x4], $0x1, s23, s21, $0xb8;
	[tilespmem:$0x1DF80] =	vst v63  }
0x97: {  	s21 =	sadd.s32 @!p1 s6, s24;
	s22 =	simm.s32 @!p1 $0x0  }
0x98: {  	[tilespmem:s22], [sflag:$0x1] =	stream.linear.gather @!p1 [hbm4b:s21+s22], $0x50, $0x38;
	[tilespmem:$0x1DF80] =	vst v63  }
0x99: {  	s23 =	rddreg [dreg:$0x7];
	s21 =	sadd.s32 @!p1 s7, s24;
	s24 =	simm.s32 @!p1 $0x200  }
0x9a: {  	[tilespmem:s24], [sflag:$0x1] =	stream.linear.gather @!p1 [hbm4b:s21+s22], $0x50, $0x38;
	[tilespmem:$0x1DF80] =	vst v63  }
0x9b: {  	s26 =	rddreg [dreg:$0x6];
	s21 =	sadd.s32 @!p1 $0x0, s23;
	s23 =	simm.s32 @!p1 $0x80  }
0x9c: {  	[tilespmem:s23], [sflag:$0x1] =	stream.linear.gather @!p1 [hbm4b:s21+s22], $0x50, $0x38;
	[tilespmem:$0x1DF80] =	vst v63  }
0x9d: {  	s24 =	simm.s32 @!p1 $0x280;
	s21 =	sadd.s32 @!p1 $0x0, s26;
	s26 =	simm.s32 @!p1 $0x2  }
0x9e: {  	[tilespmem:s24], [sflag:$0x1] =	stream.linear.gather @!p1 [hbm4b:s21+s22], $0x50, $0x38;
	[tilespmem:$0x1DF80] =	vst v63  }
0x9f: {  	_ =	swait.ge @!p1 [sflag:s26], $0x2800  }
0xa0: {  	[sflag:s26] =	ssyncset.done @!p1 $0x0  }
0xa1: {  	[sflag:s26] =	ssyncadd.s32 @!p1 $0xFFFFD800  }
0xa2: {  	_ =	swait.ge @!p1 [sflag:s26], $0x2800  }
0xa3: {  	s21 =	simm.s32 @!p1 $0x5400;
	[sflag:s26] =	ssyncset.done @!p1 $0x0  }
0xa4: {  	s24 =	simm.s32 @!p1 $0x50;
	[sflag:s26] =	ssyncadd.s32 @!p1 $0xFFFFD800;
	s26 =	simm.s32 @!p1 $0x300  }
0xa5: {  	[spmem:s1] =	stream.indirect.scatter.add.f32 @!p1 [tilespmem:s21], [sflag:$0x3], $0x80, s26, s24, $0xb8;
	[tilespmem:$0x1DF80] =	vst v63  }
0xa6: {  	s21 =	simm.s32 @!p1 $0xA400  }
0xa7: {  	[spmem:s3] =	stream.indirect.scatter.add.f32 @!p1 [tilespmem:s21], [sflag:$0x4], $0x1, s26, s24, $0xb8;
	[tilespmem:$0x1DF80] =	vst v63  }
0xa8: {  	s31 =	simm.s32 @!p1 $0x7C00;
	s26 =	simm.s32 @!p1 $0x380  }
0xa9: {  	[spmem:s1] =	stream.indirect.scatter.add.f32 @!p1 [tilespmem:s31], [sflag:$0x3], $0x80, s26, s24, $0xb8;
	[tilespmem:$0x1DF80] =	vst v63  }
0xaa: {  	_ = 	snop  }
0xab: {  	[spmem:s3] =	stream.indirect.scatter.add.f32 @!p1 [tilespmem:s21], [sflag:$0x4], $0x1, s26, s24, $0xb8;
	[tilespmem:$0x1DF80] =	vst v63  }
0xac: {  	s21 =	simm.s32 @!p1 $0x1  }
0xad: {  	_ =	swait.ge @!p1 [sflag:s21], $0x50  }
0xae: {  	[sflag:s21] =	ssyncset.done @!p1 $0x0  }
0xaf: {  	[sflag:s21] =	ssyncadd.s32 @!p1 $0xFFFFFFB0  }
0xb0: {  	_ =	swait.ge @!p1 [sflag:s21], $0x50  }
0xb1: {  	[sflag:s21] =	ssyncset.done @!p1 $0x0  }
0xb2: {  	[sflag:s21] =	ssyncadd.s32 @!p1 $0xFFFFFFB0  }
0xb3: {  	_ =	swait.ge @!p1 [sflag:s21], $0x50  }
0xb4: {  	[sflag:s21] =	ssyncset.done @!p1 $0x0  }
0xb5: {  	[sflag:s21] =	ssyncadd.s32 @!p1 $0xFFFFFFB0  }
0xb6: {  	_ =	swait.ge @!p1 [sflag:s21], $0x50  }
0xb7: {  	[sflag:s21] =	ssyncset.done @!p1 $0x0  }
0xb8: {  	[sflag:s21] =	ssyncadd.s32 @!p1 $0xFFFFFFB0;
	s21 =	simm.s32 @!p1 $0x400  }
0xb9: {  	[tilespmem:s21], [sflag:$0x2] =	stream.indirect.gather @!p1 [hbm4b:s5+s24], $0x80, s22, s24, $0xb8;
	[tilespmem:$0x1DF80] =	vst v63  }
0xba: {  	s21 =	simm.s32 @!p1 $0x2C00  }
0xbb: {  	[tilespmem:s21], [sflag:$0x2] =	stream.indirect.gather @!p1 [hbm4b:s5+s24], $0x80, s23, s24, $0xb8;
	[tilespmem:$0x1DF80] =	vst v63  }
0xbc: {  	_ =	swait.ge [sflag:s15], $0x2800  }
0xbd: {  	[sflag:s15] =	ssyncset.done $0x0  }
0xbe: {  	[sflag:s15] =	ssyncadd.s32 $0xFFFFD800  }
0xbf: {  	_ =	swait.ge [sflag:s16], $0x50  }
0xc0: {  	[sflag:s16] =	ssyncset.done $0x0  }
0xc1: {  	[sflag:s16] =	ssyncadd.s32 $0xFFFFFFB0  }
0xc2: {  	_ =	swait.ge [sflag:s15], $0x2800  }
0xc3: {  	[sflag:s15] =	ssyncset.done $0x0  }
0xc4: {  	[sflag:s15] =	ssyncadd.s32 $0xFFFFD800  }
0xc5: {  	s31 =	sadd.s32 $0x140, s18;
	s22 =	simm.s32 $0x50;
	_ =	swait.ge [sflag:s16], $0x50  }
0xc6: {  	s21 =	simm.s32 $0x28;
	s24 =	rddreg [dreg:$0xb];
	[sflag:s16] =	ssyncset.done $0x0  }
.LBB2_2:
0xc7: {  	s26 =	rddreg [dreg:$0x9]  }
0xc8: {  	[sflag:s16] =	ssyncadd.s32 $0xFFFFFFB0;
	s25 =	rddreg [dreg:$0xa];
	s24 =	sadd.s32 s21, s24  }
0xc9: {  	[tilespmem:s12], [sflag:$0x1] =	stream.linear.gather [hbm4b:s24+s4], $0x50, $0x38;
	[tilespmem:$0x1DF80] =	vst v63  }
0xca: {  	s18 =	rddreg [dreg:$0xc];
	s19 =	sadd.s32 s21, s25  }
0xcb: {  	[tilespmem:s18], [sflag:$0x1] =	stream.linear.gather [hbm4b:s19+s4], $0x50, $0x38;
	[tilespmem:$0x1DF80] =	vst v63  }
0xcc: {  	s20 =	rddreg [dreg:$0x8];
	s26 =	sadd.s32 s21, s26  }
0xcd: {  	[tilespmem:s13], [sflag:$0x1] =	stream.linear.gather [hbm4b:s26+s4], $0x50, $0x38;
	[tilespmem:$0x1DF80] =	vst v63  }
0xce: {  	s20 =	sadd.s32 s21, s20;
	s19 =	rddreg [dreg:$0xd]  }
0xcf: {  	[tilespmem:s19], [sflag:$0x1] =	stream.linear.gather [hbm4b:s20+s4], $0x50, $0x38;
	[tilespmem:$0x1DF80] =	vst v63  }
0xd0: {  	_ =	swait.ge [sflag:s14], $0x2800  }
0xd1: {  	[sflag:s14] =	ssyncset.done $0x0  }
0xd2: {  	[sflag:s14] =	ssyncadd.s32 $0xFFFFD800  }
0xd3: {  	_ =	swait.ge [sflag:s14], $0x2800  }
0xd4: {  	[sflag:s14] =	ssyncset.done $0x0  }
0xd5: {  	[sflag:s14] =	ssyncadd.s32 $0xFFFFD800  }
0xd6: {  	[spmem:s1] =	stream.indirect.scatter.add.f32 [tilespmem:s9], [sflag:$0x3], $0x80, s30, s8, $0xb8;
	[tilespmem:$0x1DF80] =	vst v63  }
0xd7: {  	_ = 	snop  }
0xd8: {  	[spmem:s3] =	stream.indirect.scatter.add.f32 [tilespmem:s29], [sflag:$0x4], $0x1, s30, s8, $0xb8;
	[tilespmem:$0x1DF80] =	vst v63  }
0xd9: {  	_ = 	snop  }
0xda: {  	[spmem:s1] =	stream.indirect.scatter.add.f32 [tilespmem:s10], [sflag:$0x3], $0x80, s0, s8, $0xb8;
	[tilespmem:$0x1DF80] =	vst v63  }
0xdb: {  	_ = 	snop  }
0xdc: {  	[spmem:s3] =	stream.indirect.scatter.add.f32 [tilespmem:s29], [sflag:$0x4], $0x1, s0, s8, $0xb8;
	[tilespmem:$0x1DF80] =	vst v63  }
0xdd: {  	_ =	swait.ge [sflag:s2], $0x50  }
0xde: {  	[sflag:s2] =	ssyncset.done $0x0  }
0xdf: {  	[sflag:s2] =	ssyncadd.s32 $0xFFFFFFB0  }
0xe0: {  	_ =	swait.ge [sflag:s2], $0x50  }
0xe1: {  	[sflag:s2] =	ssyncset.done $0x0  }
0xe2: {  	[sflag:s2] =	ssyncadd.s32 $0xFFFFFFB0  }
0xe3: {  	_ =	swait.ge [sflag:s2], $0x50  }
0xe4: {  	[sflag:s2] =	ssyncset.done $0x0  }
0xe5: {  	[sflag:s2] =	ssyncadd.s32 $0xFFFFFFB0  }
0xe6: {  	_ =	swait.ge [sflag:s2], $0x50  }
0xe7: {  	[sflag:s2] =	ssyncset.done $0x0  }
0xe8: {  	s25 =	rddreg [dreg:$0xe];
	[sflag:s2] =	ssyncadd.s32 $0xFFFFFFB0  }
0xe9: {  	[tilespmem:s25], [sflag:$0x2] =	stream.indirect.gather [hbm4b:s5+s8], $0x80, s12, s8, $0xb8;
	[tilespmem:$0x1DF80] =	vst v63  }
0xea: {  	s26 =	rddreg [dreg:$0xf]  }
0xeb: {  	[tilespmem:s26], [sflag:$0x2] =	stream.indirect.gather [hbm4b:s5+s8], $0x80, s13, s8, $0xb8;
	[tilespmem:$0x1DF80] =	vst v63  }
0xec: {  	_ =	swait.ge [sflag:s15], $0x2800  }
0xed: {  	[sflag:s15] =	ssyncset.done $0x0  }
0xee: {  	[sflag:s15] =	ssyncadd.s32 $0xFFFFD800  }
0xef: {  	_ =	swait.ge [sflag:s16], $0x50  }
0xf0: {  	[sflag:s16] =	ssyncset.done $0x0  }
0xf1: {  	[sflag:s16] =	ssyncadd.s32 $0xFFFFFFB0  }
0xf2: {  	_ =	swait.ge [sflag:s15], $0x2800  }
0xf3: {  	[sflag:s15] =	ssyncset.done $0x0  }
0xf4: {  	[sflag:s15] =	ssyncadd.s32 $0xFFFFD800  }
0xf5: {  	_ =	swait.ge [sflag:s16], $0x50  }
0xf6: {  	p2 =	seq.s32 s21, $0x4B0;
	[sflag:s16] =	ssyncset.done $0x0  }
0xf7: {  	s18 =	simm.s32 @p2 $0x2;
	[sflag:s16] =	ssyncadd.s32 $0xFFFFFFB0  }
0xf8: {  	_ =	swait.ge @p2 [sflag:s18], $0x2800  }
0xf9: {  	[sflag:s18] =	ssyncset.done @p2 $0x0  }
0xfa: {  	[sflag:s18] =	ssyncadd.s32 @p2 $0xFFFFD800  }
0xfb: {  	s24 =	sshrl.u32 @!p2 s31, $0x3;
	s19 =	simm.s32 @p2 $0x300;
	_ =	swait.ge @p2 [sflag:s18], $0x2800  }
0xfc: {  	s25 =	sadd.s32 @!p2 s6, s24;
	s26 =	sadd.s32 @!p2 s7, s24;
	[sflag:s18] =	ssyncset.done @p2 $0x0  }
0xfd: {  	s24 =	simm.s32 @p2 $0x5400;
	[sflag:s18] =	ssyncadd.s32 @p2 $0xFFFFD800;
	s18 =	simm.s32 @p2 $0x50  }
0xfe: {  	[spmem:s1] =	stream.indirect.scatter.add.f32 @p2 [tilespmem:s24], [sflag:$0x3], $0x80, s19, s18, $0xb8;
	[tilespmem:$0x1DF80] =	vst v63  }
0xff: {  	s24 =	simm.s32 @p2 $0xA400  }
0x100: {  	[spmem:s3] =	stream.indirect.scatter.add.f32 @p2 [tilespmem:s24], [sflag:$0x4], $0x1, s19, s18, $0xb8;
	[tilespmem:$0x1DF80] =	vst v63  }
0x101: {  	s20 =	simm.s32 @p2 $0x7C00;
	s19 =	simm.s32 @p2 $0x380  }
0x102: {  	[spmem:s1] =	stream.indirect.scatter.add.f32 @p2 [tilespmem:s20], [sflag:$0x3], $0x80, s19, s18, $0xb8;
	[tilespmem:$0x1DF80] =	vst v63  }
0x103: {  	_ = 	snop  }
0x104: {  	[spmem:s3] =	stream.indirect.scatter.add.f32 @p2 [tilespmem:s24], [sflag:$0x4], $0x1, s19, s18, $0xb8;
	[tilespmem:$0x1DF80] =	vst v63  }
0x105: {  	s24 =	simm.s32 @!p2 $0x0  }
0x106: {  	[tilespmem:s24], [sflag:$0x1] =	stream.linear.gather @!p2 [hbm4b:s25+s24], $0x50, $0x38;
	[tilespmem:$0x1DF80] =	vst v63  }
0x107: {  	s18 =	rddreg [dreg:$0x7];
	s19 =	simm.s32 @!p2 $0x200  }
0x108: {  	[tilespmem:s19], [sflag:$0x1] =	stream.linear.gather @!p2 [hbm4b:s26+s24], $0x50, $0x38;
	[tilespmem:$0x1DF80] =	vst v63  }
0x109: {  	s20 =	rddreg [dreg:$0x6];
	s18 =	sadd.s32 @!p2 s21, s18;
	s26 =	simm.s32 @!p2 $0x80  }
0x10a: {  	[tilespmem:s26], [sflag:$0x1] =	stream.linear.gather @!p2 [hbm4b:s18+s24], $0x50, $0x38;
	[tilespmem:$0x1DF80] =	vst v63  }
0x10b: {  	s19 =	simm.s32 @!p2 $0x280;
	s18 =	sadd.s32 @!p2 s21, s20;
	s20 =	simm.s32 @!p2 $0x2  }
0x10c: {  	[tilespmem:s19], [sflag:$0x1] =	stream.linear.gather @!p2 [hbm4b:s18+s24], $0x50, $0x38;
	[tilespmem:$0x1DF80] =	vst v63  }
0x10d: {  	_ =	swait.ge @!p2 [sflag:s20], $0x2800  }
0x10e: {  	[sflag:s20] =	ssyncset.done @!p2 $0x0  }
0x10f: {  	[sflag:s20] =	ssyncadd.s32 @!p2 $0xFFFFD800  }
0x110: {  	_ =	swait.ge @!p2 [sflag:s20], $0x2800  }
0x111: {  	s18 =	simm.s32 @!p2 $0x5400;
	[sflag:s20] =	ssyncset.done @!p2 $0x0  }
0x112: {  	s19 =	simm.s32 @!p2 $0x50;
	[sflag:s20] =	ssyncadd.s32 @!p2 $0xFFFFD800;
	s20 =	simm.s32 @!p2 $0x300  }
0x113: {  	[spmem:s1] =	stream.indirect.scatter.add.f32 @!p2 [tilespmem:s18], [sflag:$0x3], $0x80, s20, s19, $0xb8;
	[tilespmem:$0x1DF80] =	vst v63  }
0x114: {  	s23 =	smov.u32 s22;
	s18 =	simm.s32 @!p2 $0xA400  }
0x115: {  	[spmem:s3] =	stream.indirect.scatter.add.f32 @!p2 [tilespmem:s18], [sflag:$0x4], $0x1, s20, s19, $0xb8;
	[tilespmem:$0x1DF80] =	vst v63  }
0x116: {  	s21 =	smov.u32 s23;
	s23 =	simm.s32 @!p2 $0x7C00;
	s20 =	simm.s32 @!p2 $0x380  }
0x117: {  	[spmem:s1] =	stream.indirect.scatter.add.f32 @!p2 [tilespmem:s23], [sflag:$0x3], $0x80, s20, s19, $0xb8;
	[tilespmem:$0x1DF80] =	vst v63  }
0x118: {  	s23 =	simm.s32 @!p2 $0x1  }
0x119: {  	[spmem:s3] =	stream.indirect.scatter.add.f32 @!p2 [tilespmem:s18], [sflag:$0x4], $0x1, s20, s19, $0xb8;
	[tilespmem:$0x1DF80] =	vst v63  }
0x11a: {  	_ =	swait.ge @!p2 [sflag:s23], $0x50  }
0x11b: {  	[sflag:s23] =	ssyncset.done @!p2 $0x0  }
0x11c: {  	[sflag:s23] =	ssyncadd.s32 @!p2 $0xFFFFFFB0  }
0x11d: {  	_ =	swait.ge @!p2 [sflag:s23], $0x50  }
0x11e: {  	[sflag:s23] =	ssyncset.done @!p2 $0x0  }
0x11f: {  	[sflag:s23] =	ssyncadd.s32 @!p2 $0xFFFFFFB0  }
0x120: {  	_ =	swait.ge @!p2 [sflag:s23], $0x50  }
0x121: {  	[sflag:s23] =	ssyncset.done @!p2 $0x0  }
0x122: {  	[sflag:s23] =	ssyncadd.s32 @!p2 $0xFFFFFFB0  }
0x123: {  	_ =	swait.ge @!p2 [sflag:s23], $0x50  }
0x124: {  	[sflag:s23] =	ssyncset.done @!p2 $0x0  }
0x125: {  	s18 =	simm.s32 @!p2 $0x400;
	[sflag:s23] =	ssyncadd.s32 @!p2 $0xFFFFFFB0  }
0x126: {  	[tilespmem:s18], [sflag:$0x2] =	stream.indirect.gather @!p2 [hbm4b:s5+s19], $0x80, s24, s19, $0xb8;
	[tilespmem:$0x1DF80] =	vst v63  }
0x127: {  	s18 =	simm.s32 @!p2 $0x2C00  }
0x128: {  	[tilespmem:s18], [sflag:$0x2] =	stream.indirect.gather @!p2 [hbm4b:s5+s19], $0x80, s26, s19, $0xb8;
	[tilespmem:$0x1DF80] =	vst v63  }
0x129: {  	_ =	swait.ge [sflag:s15], $0x2800  }
0x12a: {  	[sflag:s15] =	ssyncset.done $0x0  }
0x12b: {  	[sflag:s15] =	ssyncadd.s32 $0xFFFFD800  }
0x12c: {  	_ =	swait.ge [sflag:s16], $0x50  }
0x12d: {  	s22 =	sadd.s32 $0x28, s22;
	[sflag:s16] =	ssyncset.done $0x0  }
0x12e: {  	p1 =	sne.s32 s22, $0x4D8;
	[sflag:s16] =	ssyncadd.s32 $0xFFFFFFB0  }
.Ltmp0:
0x12f: {  	_ =	swait.ge [sflag:s15], $0x2800;
	(pc) =	sbr.rel @p1 .LBB2_2-.Ltmp0, $4  }
0x130: {  	[sflag:s15] =	ssyncset.done $0x0  }
0x131: {  	[sflag:s15] =	ssyncadd.s32 $0xFFFFD800  }
0x132: {  	_ =	swait.ge [sflag:s16], $0x50  }
0x133: {  	s31 =	sadd.s32 $0x140, s31;
	s24 =	rddreg [dreg:$0xb];
	[sflag:s16] =	ssyncset.done $0x0  }
0x134: {  	s18 =	rddreg [dreg:$0x9]  }
0x135: {  	s19 =	rddreg [dreg:$0xa];
	[sflag:s16] =	ssyncadd.s32 $0xFFFFFFB0;
	s20 =	sadd.s32 s21, s24  }
0x136: {  	[tilespmem:s12], [sflag:$0x1] =	stream.linear.gather [hbm4b:s20+s4], $0x50, $0x38;
	[tilespmem:$0x1DF80] =	vst v63  }
0x137: {  	s22 =	rddreg [dreg:$0xc];
	s19 =	sadd.s32 s21, s19  }
0x138: {  	[tilespmem:s22], [sflag:$0x1] =	stream.linear.gather [hbm4b:s19+s4], $0x50, $0x38;
	[tilespmem:$0x1DF80] =	vst v63  }
0x139: {  	s26 =	rddreg [dreg:$0x8];
	s18 =	sadd.s32 s21, s18  }
0x13a: {  	[tilespmem:s13], [sflag:$0x1] =	stream.linear.gather [hbm4b:s18+s4], $0x50, $0x38;
	[tilespmem:$0x1DF80] =	vst v63  }
0x13b: {  	s23 =	rddreg [dreg:$0xd];
	s24 =	sadd.s32 s21, s26  }
0x13c: {  	[tilespmem:s23], [sflag:$0x1] =	stream.linear.gather [hbm4b:s24+s4], $0x50, $0x38;
	[tilespmem:$0x1DF80] =	vst v63  }
0x13d: {  	_ =	swait.ge [sflag:s14], $0x2800  }
0x13e: {  	[sflag:s14] =	ssyncset.done $0x0  }
0x13f: {  	[sflag:s14] =	ssyncadd.s32 $0xFFFFD800  }
0x140: {  	_ =	swait.ge [sflag:s14], $0x2800  }
0x141: {  	[sflag:s14] =	ssyncset.done $0x0  }
0x142: {  	[sflag:s14] =	ssyncadd.s32 $0xFFFFD800  }
0x143: {  	[spmem:s1] =	stream.indirect.scatter.add.f32 [tilespmem:s9], [sflag:$0x3], $0x80, s30, s8, $0xb8;
	[tilespmem:$0x1DF80] =	vst v63  }
0x144: {  	_ = 	snop  }
0x145: {  	[spmem:s3] =	stream.indirect.scatter.add.f32 [tilespmem:s29], [sflag:$0x4], $0x1, s30, s8, $0xb8;
	[tilespmem:$0x1DF80] =	vst v63  }
0x146: {  	_ = 	snop  }
0x147: {  	[spmem:s1] =	stream.indirect.scatter.add.f32 [tilespmem:s10], [sflag:$0x3], $0x80, s0, s8, $0xb8;
	[tilespmem:$0x1DF80] =	vst v63  }
0x148: {  	_ = 	snop  }
0x149: {  	[spmem:s3] =	stream.indirect.scatter.add.f32 [tilespmem:s29], [sflag:$0x4], $0x1, s0, s8, $0xb8;
	[tilespmem:$0x1DF80] =	vst v63  }
0x14a: {  	_ =	swait.ge [sflag:s2], $0x50  }
0x14b: {  	[sflag:s2] =	ssyncset.done $0x0  }
0x14c: {  	[sflag:s2] =	ssyncadd.s32 $0xFFFFFFB0  }
0x14d: {  	_ =	swait.ge [sflag:s2], $0x50  }
0x14e: {  	[sflag:s2] =	ssyncset.done $0x0  }
0x14f: {  	[sflag:s2] =	ssyncadd.s32 $0xFFFFFFB0  }
0x150: {  	_ =	swait.ge [sflag:s2], $0x50  }
0x151: {  	[sflag:s2] =	ssyncset.done $0x0  }
0x152: {  	[sflag:s2] =	ssyncadd.s32 $0xFFFFFFB0  }
0x153: {  	_ =	swait.ge [sflag:s2], $0x50  }
0x154: {  	[sflag:s2] =	ssyncset.done $0x0  }
0x155: {  	s25 =	rddreg [dreg:$0xe];
	[sflag:s2] =	ssyncadd.s32 $0xFFFFFFB0  }
0x156: {  	[tilespmem:s25], [sflag:$0x2] =	stream.indirect.gather [hbm4b:s5+s8], $0x80, s12, s8, $0xb8;
	[tilespmem:$0x1DF80] =	vst v63  }
0x157: {  	s26 =	rddreg [dreg:$0xf]  }
0x158: {  	[tilespmem:s26], [sflag:$0x2] =	stream.indirect.gather [hbm4b:s5+s8], $0x80, s13, s8, $0xb8;
	[tilespmem:$0x1DF80] =	vst v63  }
0x159: {  	_ =	swait.ge [sflag:s15], $0x2800  }
0x15a: {  	[sflag:s15] =	ssyncset.done $0x0  }
0x15b: {  	[sflag:s15] =	ssyncadd.s32 $0xFFFFD800  }
0x15c: {  	_ =	swait.ge [sflag:s16], $0x50  }
0x15d: {  	[sflag:s16] =	ssyncset.done $0x0  }
0x15e: {  	[sflag:s16] =	ssyncadd.s32 $0xFFFFFFB0  }
0x15f: {  	_ =	swait.ge [sflag:s15], $0x2800  }
0x160: {  	[sflag:s15] =	ssyncset.done $0x0  }
0x161: {  	[sflag:s15] =	ssyncadd.s32 $0xFFFFD800  }
0x162: {  	_ =	swait.ge [sflag:s16], $0x50  }
0x163: {  	p1 =	seq.s32 s21, $0x4B0;
	[sflag:s16] =	ssyncset.done $0x0  }
0x164: {  	s18 =	simm.s32 @p1 $0x2;
	[sflag:s16] =	ssyncadd.s32 $0xFFFFFFB0  }
0x165: {  	_ =	swait.ge @p1 [sflag:s18], $0x2800  }
0x166: {  	[sflag:s18] =	ssyncset.done @p1 $0x0  }
0x167: {  	[sflag:s18] =	ssyncadd.s32 @p1 $0xFFFFD800  }
0x168: {  	_ =	swait.ge @p1 [sflag:s18], $0x2800  }
0x169: {  	s20 =	simm.s32 @p1 $0x300;
	[sflag:s18] =	ssyncset.done @p1 $0x0  }
0x16a: {  	s19 =	simm.s32 @p1 $0x5400;
	[sflag:s18] =	ssyncadd.s32 @p1 $0xFFFFD800;
	s18 =	simm.s32 @p1 $0x50  }
0x16b: {  	[spmem:s1] =	stream.indirect.scatter.add.f32 @p1 [tilespmem:s19], [sflag:$0x3], $0x80, s20, s18, $0xb8;
	[tilespmem:$0x1DF80] =	vst v63  }
0x16c: {  	s19 =	simm.s32 @p1 $0xA400  }
0x16d: {  	[spmem:s3] =	stream.indirect.scatter.add.f32 @p1 [tilespmem:s19], [sflag:$0x4], $0x1, s20, s18, $0xb8;
	[tilespmem:$0x1DF80] =	vst v63  }
0x16e: {  	s22 =	simm.s32 @p1 $0x7C00;
	s20 =	simm.s32 @p1 $0x380  }
0x16f: {  	[spmem:s1] =	stream.indirect.scatter.add.f32 @p1 [tilespmem:s22], [sflag:$0x3], $0x80, s20, s18, $0xb8;
	[tilespmem:$0x1DF80] =	vst v63  }
0x170: {  	s22 =	sshrl.u32 @!p1 s31, $0x3  }
0x171: {  	[spmem:s3] =	stream.indirect.scatter.add.f32 @p1 [tilespmem:s19], [sflag:$0x4], $0x1, s20, s18, $0xb8;
	[tilespmem:$0x1DF80] =	vst v63  }
0x172: {  	s18 =	sadd.s32 @!p1 s6, s22;
	s19 =	simm.s32 @!p1 $0x0  }
0x173: {  	[tilespmem:s19], [sflag:$0x1] =	stream.linear.gather @!p1 [hbm4b:s18+s19], $0x50, $0x38;
	[tilespmem:$0x1DF80] =	vst v63  }
0x174: {  	s20 =	rddreg [dreg:$0x7];
	s18 =	sadd.s32 @!p1 s7, s22;
	s22 =	simm.s32 @!p1 $0x200  }
0x175: {  	[tilespmem:s22], [sflag:$0x1] =	stream.linear.gather @!p1 [hbm4b:s18+s19], $0x50, $0x38;
	[tilespmem:$0x1DF80] =	vst v63  }
0x176: {  	s23 =	rddreg [dreg:$0x6];
	s18 =	sadd.s32 @!p1 s21, s20;
	s20 =	simm.s32 @!p1 $0x80  }
0x177: {  	[tilespmem:s20], [sflag:$0x1] =	stream.linear.gather @!p1 [hbm4b:s18+s19], $0x50, $0x38;
	[tilespmem:$0x1DF80] =	vst v63  }
0x178: {  	s22 =	simm.s32 @!p1 $0x2;
	s18 =	sadd.s32 @!p1 s21, s23;
	s21 =	simm.s32 @!p1 $0x280  }
0x179: {  	[tilespmem:s21], [sflag:$0x1] =	stream.linear.gather @!p1 [hbm4b:s18+s19], $0x50, $0x38;
	[tilespmem:$0x1DF80] =	vst v63  }
0x17a: {  	_ =	swait.ge @!p1 [sflag:s22], $0x2800  }
0x17b: {  	[sflag:s22] =	ssyncset.done @!p1 $0x0  }
0x17c: {  	[sflag:s22] =	ssyncadd.s32 @!p1 $0xFFFFD800  }
0x17d: {  	_ =	swait.ge @!p1 [sflag:s22], $0x2800  }
0x17e: {  	s18 =	simm.s32 @!p1 $0x5400;
	[sflag:s22] =	ssyncset.done @!p1 $0x0  }
0x17f: {  	s21 =	simm.s32 @!p1 $0x50;
	[sflag:s22] =	ssyncadd.s32 @!p1 $0xFFFFD800;
	s22 =	simm.s32 @!p1 $0x300  }
0x180: {  	[spmem:s1] =	stream.indirect.scatter.add.f32 @!p1 [tilespmem:s18], [sflag:$0x3], $0x80, s22, s21, $0xb8;
	[tilespmem:$0x1DF80] =	vst v63  }
0x181: {  	s18 =	simm.s32 @!p1 $0xA400  }
0x182: {  	[spmem:s3] =	stream.indirect.scatter.add.f32 @!p1 [tilespmem:s18], [sflag:$0x4], $0x1, s22, s21, $0xb8;
	[tilespmem:$0x1DF80] =	vst v63  }
0x183: {  	s23 =	simm.s32 @!p1 $0x7C00;
	s22 =	simm.s32 @!p1 $0x380  }
0x184: {  	[spmem:s1] =	stream.indirect.scatter.add.f32 @!p1 [tilespmem:s23], [sflag:$0x3], $0x80, s22, s21, $0xb8;
	[tilespmem:$0x1DF80] =	vst v63  }
0x185: {  	_ = 	snop  }
0x186: {  	[spmem:s3] =	stream.indirect.scatter.add.f32 @!p1 [tilespmem:s18], [sflag:$0x4], $0x1, s22, s21, $0xb8;
	[tilespmem:$0x1DF80] =	vst v63  }
0x187: {  	s18 =	simm.s32 @!p1 $0x1  }
0x188: {  	_ =	swait.ge @!p1 [sflag:s18], $0x50  }
0x189: {  	[sflag:s18] =	ssyncset.done @!p1 $0x0  }
0x18a: {  	[sflag:s18] =	ssyncadd.s32 @!p1 $0xFFFFFFB0  }
0x18b: {  	_ =	swait.ge @!p1 [sflag:s18], $0x50  }
0x18c: {  	[sflag:s18] =	ssyncset.done @!p1 $0x0  }
0x18d: {  	[sflag:s18] =	ssyncadd.s32 @!p1 $0xFFFFFFB0  }
0x18e: {  	_ =	swait.ge @!p1 [sflag:s18], $0x50  }
0x18f: {  	[sflag:s18] =	ssyncset.done @!p1 $0x0  }
0x190: {  	[sflag:s18] =	ssyncadd.s32 @!p1 $0xFFFFFFB0  }
0x191: {  	_ =	swait.ge @!p1 [sflag:s18], $0x50  }
0x192: {  	[sflag:s18] =	ssyncset.done @!p1 $0x0  }
0x193: {  	[sflag:s18] =	ssyncadd.s32 @!p1 $0xFFFFFFB0;
	s18 =	simm.s32 @!p1 $0x400  }
0x194: {  	[tilespmem:s18], [sflag:$0x2] =	stream.indirect.gather @!p1 [hbm4b:s5+s21], $0x80, s19, s21, $0xb8;
	[tilespmem:$0x1DF80] =	vst v63  }
0x195: {  	s18 =	simm.s32 @!p1 $0x2C00  }
0x196: {  	[tilespmem:s18], [sflag:$0x2] =	stream.indirect.gather @!p1 [hbm4b:s5+s21], $0x80, s20, s21, $0xb8;
	[tilespmem:$0x1DF80] =	vst v63  }
0x197: {  	_ =	swait.ge [sflag:s15], $0x2800  }
0x198: {  	[sflag:s15] =	ssyncset.done $0x0  }
0x199: {  	[sflag:s15] =	ssyncadd.s32 $0xFFFFD800  }
0x19a: {  	_ =	swait.ge [sflag:s16], $0x50  }
0x19b: {  	[sflag:s16] =	ssyncset.done $0x0  }
0x19c: {  	[sflag:s16] =	ssyncadd.s32 $0xFFFFFFB0  }
0x19d: {  	_ =	swait.ge [sflag:s15], $0x2800  }
0x19e: {  	[sflag:s15] =	ssyncset.done $0x0  }
0x19f: {  	[sflag:s15] =	ssyncadd.s32 $0xFFFFD800  }
0x1a0: {  	_ =	swait.ge [sflag:s16], $0x50  }
0x1a1: {  	[sflag:s16] =	ssyncset.done $0x0  }
0x1a2: {  	s19 =	rddreg [dreg:$0x1c];
	[sflag:s16] =	ssyncadd.s32 $0xFFFFFFB0  }
0x1a3: {  	[tilespmem:s4], [sflag:$0x5] =	stream.linear.gather [hbm4b:s19+s4], $0x50, $0x38;
	[tilespmem:$0x1DF80] =	vst v63  }
0x1a4: {  	_ =	swait.ge [sflag:s28], $0x50  }
0x1a5: {  	[sflag:s28] =	ssyncset.done $0x0  }
0x1a6: {  	s20 =	rddreg [dreg:$0x1d];
	[sflag:s28] =	ssyncadd.s32 $0xFFFFFFB0  }
0x1a7: {  	[tilespmem:s30], [sflag:$0x5] =	stream.linear.gather [hbm4b:s20+s4], $0x50, $0x38;
	[tilespmem:$0x1DF80] =	vst v63  }
0x1a8: {  	_ =	swait.ge [sflag:s28], $0x50  }
0x1a9: {  	[sflag:s28] =	ssyncset.done $0x0  }
0x1aa: {  	[sflag:s28] =	ssyncadd.s32 $0xFFFFFFB0  }
0x1ab: {  	[tilespmem:s9], [sflag:$0x2] =	stream.indirect.gather [hbm4b:s5+s8], $0x80, s4, s8, $0xb8;
	[tilespmem:$0x1DF80] =	vst v63  }
0x1ac: {  	_ =	swait.ge [sflag:s14], $0x2800  }
0x1ad: {  	[sflag:s14] =	ssyncset.done $0x0  }
0x1ae: {  	[sflag:s14] =	ssyncadd.s32 $0xFFFFD800  }
0x1af: {  	[spmem:s1] =	stream.indirect.scatter.add.f32 [tilespmem:s9], [sflag:$0x5], $0x80, s30, s8, $0xb8;
	[tilespmem:$0x1DF80] =	vst v63  }
0x1b0: {  	_ =	swait.ge [sflag:s28], $0x2800  }
0x1b1: {  	[sflag:s28] =	ssyncset.done $0x0  }
0x1b2: {  	[sflag:s28] =	ssyncadd.s32 $0xFFFFD800  }
0x1b3: {  	[spmem:s3] =	stream.indirect.scatter.add.f32 [tilespmem:s29], [sflag:$0x5], $0x1, s30, s8, $0xb8;
	[tilespmem:$0x1DF80] =	vst v63  }
0x1b4: {  	_ =	swait.ge [sflag:s28], $0x50  }
0x1b5: {  	[sflag:s28] =	ssyncset.done $0x0  }
0x1b6: {  	[sflag:s28] =	ssyncadd.s32 $0xFFFFFFB0  }
0x1b7: {  	[bflag:$0x0] =	sbarrier.arrive $0xFFFF  }
0x1b8: {  	s22 =	sld [smem:$0x7F9];
	_ =	sdelay $0x1  }
0x1b9: {  	s21 =	rddreg [dreg:$0x17]  }
0x1ba: {  	[hbm:s21], [sflag:s11] =	dma.local [spmem:s22], $0x2700  }
0x1bb: {  	_ =	swait.ge [sflag:s28], $0x2700  }
0x1bc: {  	s19 =	sld [smem:$0x7FA]  }
0x1bd: {  	[sflag:s28] =	ssyncset.done $0x0  }
0x1be: {  	s18 =	rddreg [dreg:$0x1e];
	[sflag:s28] =	ssyncadd.s32 $0xFFFFD900  }
0x1bf: {  	[hbm:s18], [sflag:s11] =	dma.local @!p0 [spmem:s19], $0x100  }
0x1c0: {  	s18 =	simm.s32 @!p0 $0x5  }
0x1c1: {  	_ =	swait.ge @!p0 [sflag:s18], $0x100  }
0x1c2: {  	s26 =	sld [smem:$0x7FB]  }
0x1c3: {  	s24 =	simm.s32 $0x20;
	[sflag:s18] =	ssyncset.done @!p0 $0x0  }
0x1c4: {  	s25 =	simm.s32 $0x10;
	s23 =	rddreg [dreg:$0x19];
	[sflag:s18] =	ssyncadd.s32 @!p0 $0xFFFFFF00  }
0x1c5: {  	[hbm:s23@s24], [sflag:s11] =	dma.strided [spmem:s26@s25], $0x50, s2, $0x10   }
0x1c6: {  	_ =	swait.ge [sflag:s28], $0x50  }
0x1c7: {  	s17 =	sadd.s32 $0x1, s17;
	s31 =	rddreg [dreg:$0x1f]  }
0x1c8: {  	p1 =	sne.s32 s17, s31  }
.Ltmp1:
0x1c9: {  	_ = 	snop;
	(pc) =	sbr.rel @p1 .LBB2_1-.Ltmp1, $3  }
0x1ca: {  	_ =	sdelay $0x1  }
0x1cb: {  	[sflag:s28] =	ssyncset.done $0x0  }
0x1cc: {  	[sflag:s28] =	ssyncadd.s32 $0xFFFFFFB0  }
0x1cd: {  	_ =	sfence.sel $0x180000  }
0x1ce: {  	[bflag:$0x0] =	sbarrier.arrive $0xFFFF  }
0x1cf: {  	_ =	strace $0x90000047  }
0x1d0: {  	s0 =	stileid.u32;
	[bflag:$0x2] =	sbarrier.arrive $0xFFFF  }
0x1d1: {  	p0 =	sne.s32 s0, $0x0;
	s0 =	rddreg [dreg:$0x5]  }
0x1d2: {  	s0 =	sadd.s32 @!p0 $0x100000, s0  }
0x1d3: {  	[sflag:s0] =	ssyncadd.tile.s32 @!p0 $0x1;
	_ =	shalt  }
.Lfunc_end2:
_tile_overlayer_lowered:
.L_overlay_start_2:
0x1d4: {  	(tag) =	ssettag $0x2  }
0x1d5: {  	s0 =	rddreg [dreg:$0x0];
	s2 =	stileid.u32  }
0x1d6: {  	s1 =	rddreg [dreg:$0x1];
	p0 =	sne.s32 s2, $0x0  }
0x1d7: {  	s3 =	rddreg [dreg:$0x2];
	[bflag:$0x3] =	sbarrier.arrive $0xFFFF;
	s2 =	simm.s32 @!p0 $0x1C05  }
0x1d8: {  	[timem:s3], [sflag:s2] =	dma.local @!p0 [hbm:s0], s1  }
0x1d9: {  	s0 =	simm.s32 @!p0 $0x5  }
0x1da: {  	_ =	swait.ge @!p0 [sflag:s0], s1  }
0x1db: {  	s1 =	ssub.s32 @!p0 $0x0, s1;
	[sflag:s0] =	ssyncset.done @!p0 $0x0  }
0x1dc: {  	[sflag:s0] =	ssyncadd.s32 @!p0 s1  }
0x1dd: {  	[bflag:$0x3] =	sbarrier.arrive $0xFFFF  }
0x1de: {  	_ =	shalt  }

</sc_bundles>
